<compile_context>
chip_gen: v7x
topology: tpu7x:2x2x1
jax: 0.10.2.dev20260603
libtpu: 0.0.44.dev20260713+nightly
codegen_flags: <defaults>
</compile_context>

<pallas_src>
import functools

import jax
import jax.numpy as jnp
from jax import lax
from jax.experimental import pallas as pl
from jax.experimental.pallas import tpu as pltpu
from jax.experimental.pallas import tpu_sc as plsc

F = 26
V = 100000
E = 16
B = 16384
NC = 2
NS = 16
NW = NC * NS
BPW = B // NW
CB = 64
NCH = BPW // CB
ROWS = F * CB
IDX_MINOR = 128
IDX_ROWS = ROWS // IDX_MINOR


def _worker_id():
  return lax.axis_index("s") * NC + lax.axis_index("c")


def _colsum(tbuf):
  riota = lax.iota(jnp.int32, 16)
  parts = []
  for e0 in range(0, 16, 4):
    p = plsc.load_gather(tbuf, [riota, jnp.full((16,), e0, jnp.int32)])
    for e in range(e0 + 1, e0 + 4):
      p = p + plsc.load_gather(tbuf, [riota, jnp.full((16,), e, jnp.int32)])
    parts.append(p)
  return (parts[0] + parts[1]) + (parts[2] + parts[3])


def _fire(tab_hbm, idx_ref, d, sem):
  pltpu.async_copy(tab_hbm.at[idx_ref], d, sem)


def _wait(tab_hbm, idx_ref, d, sem):
  pltpu.make_async_copy(tab_hbm.at[idx_ref], d, sem).wait()


def _worker_body(xp_hbm, tab_hbm, w_hbm, bv_hbm, out_hbm,
                 xv, idx0, idx1, d0, d1, wvv, bvv, tbuf, outb, sem0, sem1):
  wid = _worker_id()
  base = wid * BPW

  pltpu.sync_copy(xp_hbm.at[wid], xv)
  pltpu.sync_copy(w_hbm, wvv)
  pltpu.sync_copy(bv_hbm, bvv)

  bias = bvv[...]

  def build(idxd, c):
    @pl.loop(0, F)
    def _(f):
      for v in range(CB // 16):
        vec = xv[f, pl.ds(c * CB + v * 16, 16)] + f * V
        idxd[pl.ds(f * CB + v * 16, 16)] = vec

  def fire(idxd, d, sem):
    _fire(tab_hbm, idxd, d, sem)

  def wait(idxd, d, sem):
    _wait(tab_hbm, idxd, d, sem)

  def compute(d, c):
    for jblk in range(CB // 16):
      jb = jblk * 16
      zeros = jnp.zeros((16,), jnp.float32)
      init = (zeros,) * 16

      @pl.loop(0, F, init_carry=init, unroll=2)
      def accs(f, carry):
        wv = wvv[f]
        return tuple(carry[i] + d[f * CB + jb + i] * wv for i in range(16))

      for i in range(16):
        tbuf[i] = accs[i]
      ov = _colsum(tbuf) + bias
      outb[pl.ds(c * CB + jb, 16)] = ov

  build(idx0, 0)
  fire(idx0, d0, sem0)

  @pl.loop(0, NCH, step=2)
  def _main(c):
    wait(idx0, d0, sem0)
    build(idx1, c + 1)
    fire(idx1, d1, sem1)
    compute(d0, c)
    wait(idx1, d1, sem1)

    @pl.when(c + 2 < NCH)
    def _():
      build(idx0, c + 2)
      fire(idx0, d0, sem0)

    compute(d1, c + 1)

  pltpu.sync_copy(outb, out_hbm.at[pl.ds(base, BPW)])


@jax.jit
def _run(xp, tab, w, bv):
  mesh = plsc.VectorSubcoreMesh(
      core_axis_name="c", subcore_axis_name="s",
      num_cores=NC, num_subcores=NS)
  kern = pl.kernel(
      _worker_body,
      out_type=jax.ShapeDtypeStruct((B,), jnp.float32),
      mesh=mesh,
      scratch_types=[
          pltpu.VMEM((F, BPW), jnp.int32),
          pltpu.VMEM((ROWS,), jnp.int32),
          pltpu.VMEM((ROWS,), jnp.int32),
          pltpu.VMEM((ROWS, E), jnp.float32),
          pltpu.VMEM((ROWS, E), jnp.float32),
          pltpu.VMEM((F, E), jnp.float32),
          pltpu.VMEM((E,), jnp.float32),
          pltpu.VMEM((16, 16), jnp.float32),
          pltpu.VMEM((BPW,), jnp.float32),
          pltpu.SemaphoreType.DMA,
          pltpu.SemaphoreType.DMA,
      ],
      compiler_params=pltpu.CompilerParams(
          needs_layout_passes=False, use_tc_tiling_on_sc=False),
  )
  return kern(xp, tab, w, bv)


def kernel(x, tables, W, b):
  x = x.astype(jnp.int32)
  xp = x.reshape(NW, BPW, F).transpose(0, 2, 1)
  tab = tables.reshape(F * V, E)
  wv = W.reshape(F, E)
  bv = jnp.broadcast_to(b, (E,)).astype(jnp.float32)
  out = _run(xp, tab, wv, bv)
  return out.reshape(B, 1)

# --- scband reference (transcript-rebuilt; emitter-appended) ---
"""Pipeline reference for scband-linear-regression-47433618817525 (READ-ONLY COPY).

The authoritative reference and input builder live on the scoring server;
editing this copy changes nothing except your own understanding.
"""

import jax, jax.numpy as jnp
import numpy as np

N_FIELDS = 26
VOCAB = 100000
EMB = 16
BATCH = 16384
OUT_DIM = 1


def setup_inputs(seed: int = 0) -> dict:
    key = jax.random.key(seed)
    k1, k2, k3 = jax.random.split(key, 3)
    x = jax.random.randint(k1, (BATCH, N_FIELDS), 0, VOCAB)
    # 26 embedding tables, all [VOCAB, EMB]; stacked since shapes match
    tables = jax.random.normal(k2, (N_FIELDS, VOCAB, EMB), dtype=jnp.float32) * 0.02
    # torch Linear: weight [out_dim, in_features], bias [out_dim]
    W = jax.random.normal(k3, (OUT_DIM, N_FIELDS * EMB), dtype=jnp.float32) * 0.02
    b = jnp.zeros((OUT_DIM,), dtype=jnp.float32)
    return {"x": x, "tables": tables, "W": W, "b": b}


def reference(x, tables, W, b):
    # per-field embedding lookup: emb_i(x[:, i]) for each field i
    gathered = jax.vmap(lambda t, idx: jnp.take(t, idx, axis=0), in_axes=(0, 1))(tables, x)  # [F, B, E]
    m = jnp.transpose(gathered, (1, 0, 2)).reshape(x.shape[0], N_FIELDS * EMB)  # concat along dim 1
    return m @ W.T + b

if __name__ == "__main__":
    import jax
    _d = setup_inputs()
    print(jax.jit(kernel)(*tuple(_d.values())))

</pallas_src>

<mosaic_0001>
#map = affine_map<(d0, d1) -> (0, 0, 0)>
#map1 = affine_map<(d0, d1) -> (0, 0)>
#map2 = affine_map<(d0, d1) -> (0)>
module attributes {stable_mosaic.version = 14 : i64} {
  func.func @_worker_body(%arg0: i32, %arg1: i32, %arg2: memref<32x26x512xi32, #tpu.memory_space<hbm>>, %arg3: memref<2600000x16xf32, #tpu.memory_space<hbm>>, %arg4: memref<26x16xf32, #tpu.memory_space<hbm>>, %arg5: memref<16xf32, #tpu.memory_space<hbm>>, %arg6: memref<16384xf32, #tpu.memory_space<hbm>>, %arg7: memref<26x512xi32, #tpu.memory_space<vmem>>, %arg8: memref<1664xi32, #tpu.memory_space<vmem>>, %arg9: memref<1664xi32, #tpu.memory_space<vmem>>, %arg10: memref<1664x16xf32, #tpu.memory_space<vmem>>, %arg11: memref<1664x16xf32, #tpu.memory_space<vmem>>, %arg12: memref<26x16xf32, #tpu.memory_space<vmem>>, %arg13: memref<16xf32, #tpu.memory_space<vmem>>, %arg14: memref<16x16xf32, #tpu.memory_space<vmem>>, %arg15: memref<512xf32, #tpu.memory_space<vmem>>, %arg16: memref<!tpu.dma_semaphore, #tpu.memory_space<semaphore_mem>>, %arg17: memref<!tpu.dma_semaphore, #tpu.memory_space<semaphore_mem>>) attributes {dimension_semantics = [#tpu.dimension_semantics<core_parallel>, #tpu.dimension_semantics<subcore_parallel>], iteration_bounds = array<i64: 2, 16>, scalar_prefetch = 0 : i64, scratch_operands = 11 : i64, tpu.core_type = #tpu.core_type<sc_vector_subcore>, window_params = [{transform_indices = #map}, {transform_indices = #map1}, {transform_indices = #map1}, {transform_indices = #map2}, {transform_indices = #map2}]} {
    %mul3A = arith.constant 2 : i32
    %mul3A_0 = arith.muli %arg1, %mul3A : i32
    %add3A = arith.addi %mul3A_0, %arg0 : i32
    %mul3A_1 = arith.constant 512 : i32
    %mul3A_2 = arith.muli %add3A, %mul3A_1 : i32
    "tpu.region"() ({
      %run_scoped3A = tpu.sem_alloc : memref<!tpu.dma_semaphore, #tpu.memory_space<semaphore_mem>>
      %dma_start3A_15 = arith.constant 0 : i32
      %dma_start3A_16 = arith.constant 0 : i32
      %dma_start3A_17 = tpu.memref_slice %arg2[%add3A, %dma_start3A_15, %dma_start3A_16] : memref<32x26x512xi32, #tpu.memory_space<hbm>> -> memref<1x26x512xi32, #tpu.memory_space<hbm>>
      %dma_start3A_18 = tpu.memref_squeeze %dma_start3A_17 : memref<1x26x512xi32, #tpu.memory_space<hbm>> -> memref<26x512xi32, #tpu.memory_space<hbm>>
      %dma_start3A_19 = arith.constant 0 : i32
      %dma_start3A_20 = arith.constant 0 : i32
      %dma_start3A_21 = tpu.memref_slice %arg2[%add3A, %dma_start3A_19, %dma_start3A_20] : memref<32x26x512xi32, #tpu.memory_space<hbm>> -> memref<1x26x512xi32, #tpu.memory_space<hbm>>
      %dma_start3A_22 = tpu.memref_squeeze %dma_start3A_21 : memref<1x26x512xi32, #tpu.memory_space<hbm>> -> memref<26x512xi32, #tpu.memory_space<hbm>>
      tpu.enqueue_dma source(%dma_start3A_22 : memref<26x512xi32, #tpu.memory_space<hbm>>) target(%arg7 : memref<26x512xi32, #tpu.memory_space<vmem>>) target_semaphore(%run_scoped3A : memref<!tpu.dma_semaphore, #tpu.memory_space<semaphore_mem>>)
      %dma_wait3A = arith.constant 0 : i32
      %dma_wait3A_23 = arith.constant 0 : i32
      %dma_wait3A_24 = tpu.memref_slice %arg2[%add3A, %dma_wait3A, %dma_wait3A_23] : memref<32x26x512xi32, #tpu.memory_space<hbm>> -> memref<1x26x512xi32, #tpu.memory_space<hbm>>
      %dma_wait3A_25 = tpu.memref_squeeze %dma_wait3A_24 : memref<1x26x512xi32, #tpu.memory_space<hbm>> -> memref<26x512xi32, #tpu.memory_space<hbm>>
      %dma_wait3A_26 = arith.constant 0 : i32
      %dma_wait3A_27 = arith.constant 0 : i32
      %dma_wait3A_28 = tpu.memref_slice %arg2[%add3A, %dma_wait3A_26, %dma_wait3A_27] : memref<32x26x512xi32, #tpu.memory_space<hbm>> -> memref<1x26x512xi32, #tpu.memory_space<hbm>>
      %dma_wait3A_29 = tpu.memref_squeeze %dma_wait3A_28 : memref<1x26x512xi32, #tpu.memory_space<hbm>> -> memref<26x512xi32, #tpu.memory_space<hbm>>
      tpu.wait_dma2 semaphore(%run_scoped3A : memref<!tpu.dma_semaphore, #tpu.memory_space<semaphore_mem>>) src(%dma_wait3A_29 : memref<26x512xi32, #tpu.memory_space<hbm>>) dst(%arg7 : memref<26x512xi32, #tpu.memory_space<vmem>>)
      tpu.yield
    }) : () -> ()
    "tpu.region"() ({
      %run_scoped3A = tpu.sem_alloc : memref<!tpu.dma_semaphore, #tpu.memory_space<semaphore_mem>>
      tpu.enqueue_dma source(%arg4 : memref<26x16xf32, #tpu.memory_space<hbm>>) target(%arg12 : memref<26x16xf32, #tpu.memory_space<vmem>>) target_semaphore(%run_scoped3A : memref<!tpu.dma_semaphore, #tpu.memory_space<semaphore_mem>>)
      tpu.wait_dma2 semaphore(%run_scoped3A : memref<!tpu.dma_semaphore, #tpu.memory_space<semaphore_mem>>) src(%arg4 : memref<26x16xf32, #tpu.memory_space<hbm>>) dst(%arg12 : memref<26x16xf32, #tpu.memory_space<vmem>>)
      tpu.yield
    }) : () -> ()
    "tpu.region"() ({
      %run_scoped3A = tpu.sem_alloc : memref<!tpu.dma_semaphore, #tpu.memory_space<semaphore_mem>>
      tpu.enqueue_dma source(%arg5 : memref<16xf32, #tpu.memory_space<hbm>>) target(%arg13 : memref<16xf32, #tpu.memory_space<vmem>>) target_semaphore(%run_scoped3A : memref<!tpu.dma_semaphore, #tpu.memory_space<semaphore_mem>>)
      tpu.wait_dma2 semaphore(%run_scoped3A : memref<!tpu.dma_semaphore, #tpu.memory_space<semaphore_mem>>) src(%arg5 : memref<16xf32, #tpu.memory_space<hbm>>) dst(%arg13 : memref<16xf32, #tpu.memory_space<vmem>>)
      tpu.yield
    }) : () -> ()
    %get3A = arith.constant 0 : index
    %get3A_3 = tpu.vector_load %arg13[%get3A] {strides = array<i32>} : memref<16xf32, #tpu.memory_space<vmem>>, vector<16xf32>,
    %scan3A = arith.constant 0 : i32
    %scan3A_4 = arith.constant 26 : i32
    %scan3A_5 = arith.addi %scan3A, %scan3A_4 : i32
    %scan3A_6 = arith.constant 1 : i32
    scf.for %scan3A_15 = %scan3A to %scan3A_5 step %scan3A_6  : i32 {
      %mul3A_16 = arith.constant 1 : i32
      %mul3A_17 = arith.muli %scan3A_15, %mul3A_16 : i32
      %add3A_18 = arith.constant 0 : i32
      %add3A_19 = arith.addi %add3A_18, %mul3A_17 : i32
      %get3A_20 = arith.index_cast %add3A_19 : i32 to index
      %get3A_21 = arith.constant 0 : index
      %get3A_22 = tpu.vector_load %arg7[%get3A_20, %get3A_21] {strides = array<i32>} : memref<26x512xi32, #tpu.memory_space<vmem>>, vector<16xi32>,
      %mul3A_23 = arith.constant 100000 : i32
      %mul3A_24 = arith.muli %add3A_19, %mul3A_23 : i32
      %add3A_25 = vector.broadcast %mul3A_24 : i32 to vector<16xi32>
      %add3A_26 = arith.addi %get3A_22, %add3A_25 : vector<16xi32>
      %mul3A_27 = arith.constant 64 : i32
      %mul3A_28 = arith.muli %add3A_19, %mul3A_27 : i32
      %add3A_29 = arith.constant 0 : i32
      %add3A_30 = arith.addi %mul3A_28, %add3A_29 : i32
      %swap3A = arith.index_cast %add3A_30 : i32 to index
      %swap3A_31 = tpu.vector_load %arg8[%swap3A] {strides = array<i32>} : memref<1664xi32, #tpu.memory_space<vmem>>, vector<16xi32>,
      tpu.vector_store %arg8[%swap3A], %add3A_26 {strides = array<i32>} : memref<1664xi32, #tpu.memory_space<vmem>>, vector<16xi32>,
      %get3A_32 = arith.index_cast %add3A_19 : i32 to index
      %get3A_33 = arith.constant 16 : index
      %get3A_34 = tpu.vector_load %arg7[%get3A_32, %get3A_33] {strides = array<i32>} : memref<26x512xi32, #tpu.memory_space<vmem>>, vector<16xi32>,
      %mul3A_35 = arith.constant 100000 : i32
      %mul3A_36 = arith.muli %add3A_19, %mul3A_35 : i32
      %add3A_37 = vector.broadcast %mul3A_36 : i32 to vector<16xi32>
      %add3A_38 = arith.addi %get3A_34, %add3A_37 : vector<16xi32>
      %mul3A_39 = arith.constant 64 : i32
      %mul3A_40 = arith.muli %add3A_19, %mul3A_39 : i32
      %add3A_41 = arith.constant 16 : i32
      %add3A_42 = arith.addi %mul3A_40, %add3A_41 : i32
      %swap3A_43 = arith.index_cast %add3A_42 : i32 to index
      %swap3A_44 = tpu.vector_load %arg8[%swap3A_43] {strides = array<i32>} : memref<1664xi32, #tpu.memory_space<vmem>>, vector<16xi32>,
      tpu.vector_store %arg8[%swap3A_43], %add3A_38 {strides = array<i32>} : memref<1664xi32, #tpu.memory_space<vmem>>, vector<16xi32>,
      %get3A_45 = arith.index_cast %add3A_19 : i32 to index
      %get3A_46 = arith.constant 32 : index
      %get3A_47 = tpu.vector_load %arg7[%get3A_45, %get3A_46] {strides = array<i32>} : memref<26x512xi32, #tpu.memory_space<vmem>>, vector<16xi32>,
      %mul3A_48 = arith.constant 100000 : i32
      %mul3A_49 = arith.muli %add3A_19, %mul3A_48 : i32
      %add3A_50 = vector.broadcast %mul3A_49 : i32 to vector<16xi32>
      %add3A_51 = arith.addi %get3A_47, %add3A_50 : vector<16xi32>
      %mul3A_52 = arith.constant 64 : i32
      %mul3A_53 = arith.muli %add3A_19, %mul3A_52 : i32
      %add3A_54 = arith.constant 32 : i32
      %add3A_55 = arith.addi %mul3A_53, %add3A_54 : i32
      %swap3A_56 = arith.index_cast %add3A_55 : i32 to index
      %swap3A_57 = tpu.vector_load %arg8[%swap3A_56] {strides = array<i32>} : memref<1664xi32, #tpu.memory_space<vmem>>, vector<16xi32>,
      tpu.vector_store %arg8[%swap3A_56], %add3A_51 {strides = array<i32>} : memref<1664xi32, #tpu.memory_space<vmem>>, vector<16xi32>,
      %get3A_58 = arith.index_cast %add3A_19 : i32 to index
      %get3A_59 = arith.constant 48 : index
      %get3A_60 = tpu.vector_load %arg7[%get3A_58, %get3A_59] {strides = array<i32>} : memref<26x512xi32, #tpu.memory_space<vmem>>, vector<16xi32>,
      %mul3A_61 = arith.constant 100000 : i32
      %mul3A_62 = arith.muli %add3A_19, %mul3A_61 : i32
      %add3A_63 = vector.broadcast %mul3A_62 : i32 to vector<16xi32>
      %add3A_64 = arith.addi %get3A_60, %add3A_63 : vector<16xi32>
      %mul3A_65 = arith.constant 64 : i32
      %mul3A_66 = arith.muli %add3A_19, %mul3A_65 : i32
      %add3A_67 = arith.constant 48 : i32
      %add3A_68 = arith.addi %mul3A_66, %add3A_67 : i32
      %swap3A_69 = arith.index_cast %add3A_68 : i32 to index
      %swap3A_70 = tpu.vector_load %arg8[%swap3A_69] {strides = array<i32>} : memref<1664xi32, #tpu.memory_space<vmem>>, vector<16xi32>,
      tpu.vector_store %arg8[%swap3A_69], %add3A_64 {strides = array<i32>} : memref<1664xi32, #tpu.memory_space<vmem>>, vector<16xi32>,
    }
    %scan3A_7 = arith.constant 26 : i32
    %dma_start3A = arith.constant 0 : i32
    %dma_start3A_8 = arith.constant 0 : i32
    %dma_start3A_9 = tpu.memref_slice %arg3[%dma_start3A, %dma_start3A_8] : memref<2600000x16xf32, #tpu.memory_space<hbm>> -> memref<2600000x16xf32, #tpu.memory_space<hbm>>
    tpu.enqueue_indirect_dma source(%dma_start3A_9 : memref<2600000x16xf32, #tpu.memory_space<hbm>>) target(%arg10 : memref<1664x16xf32, #tpu.memory_space<vmem>>) offsets(%arg8 : memref<1664xi32, #tpu.memory_space<vmem>>) semaphore(%arg16 : memref<!tpu.dma_semaphore, #tpu.memory_space<semaphore_mem>>)
    %scan3A_10 = arith.constant 0 : i32
    %scan3A_11 = arith.constant 4 : i32
    %scan3A_12 = arith.addi %scan3A_10, %scan3A_11 : i32
    %scan3A_13 = arith.constant 1 : i32
    scf.for %scan3A_15 = %scan3A_10 to %scan3A_12 step %scan3A_13  : i32 {
      %mul3A_16 = arith.constant 2 : i32
      %mul3A_17 = arith.muli %scan3A_15, %mul3A_16 : i32
      %add3A_18 = arith.constant 0 : i32
      %add3A_19 = arith.addi %add3A_18, %mul3A_17 : i32
      %dma_wait3A = arith.constant 0 : i32
      %dma_wait3A_20 = arith.constant 0 : i32
      %dma_wait3A_21 = tpu.memref_slice %arg3[%dma_wait3A, %dma_wait3A_20] : memref<2600000x16xf32, #tpu.memory_space<hbm>> -> memref<2600000x16xf32, #tpu.memory_space<hbm>>
      tpu.wait_indirect_dma semaphore(%arg16 : memref<!tpu.dma_semaphore, #tpu.memory_space<semaphore_mem>>) src(%dma_wait3A_21 : memref<2600000x16xf32, #tpu.memory_space<hbm>>) dst(%arg10 : memref<1664x16xf32, #tpu.memory_space<vmem>>)
      %add3A_22 = arith.constant 1 : i32
      %add3A_23 = arith.addi %add3A_19, %add3A_22 : i32
      %scan3A_24 = arith.constant 0 : i32
      %scan3A_25 = arith.constant 26 : i32
      %scan3A_26 = arith.addi %scan3A_24, %scan3A_25 : i32
      %scan3A_27 = arith.constant 1 : i32
      scf.for %scan3A_1181 = %scan3A_24 to %scan3A_26 step %scan3A_27  : i32 {
        %mul3A_1182 = arith.constant 1 : i32
        %mul3A_1183 = arith.muli %scan3A_1181, %mul3A_1182 : i32
        %add3A_1184 = arith.constant 0 : i32
        %add3A_1185 = arith.addi %add3A_1184, %mul3A_1183 : i32
        %mul3A_1186 = arith.constant 64 : i32
        %mul3A_1187 = arith.muli %add3A_23, %mul3A_1186 : i32
        %add3A_1188 = arith.constant 0 : i32
        %add3A_1189 = arith.addi %mul3A_1187, %add3A_1188 : i32
        %get3A_1190 = arith.index_cast %add3A_1185 : i32 to index
        %get3A_1191 = arith.index_cast %add3A_1189 : i32 to index
        %get3A_1192 = tpu.vector_load %arg7[%get3A_1190, %get3A_1191] {strides = array<i32>} : memref<26x512xi32, #tpu.memory_space<vmem>>, vector<16xi32>,
        %mul3A_1193 = arith.constant 100000 : i32
        %mul3A_1194 = arith.muli %add3A_1185, %mul3A_1193 : i32
        %add3A_1195 = vector.broadcast %mul3A_1194 : i32 to vector<16xi32>
        %add3A_1196 = arith.addi %get3A_1192, %add3A_1195 : vector<16xi32>
        %mul3A_1197 = arith.constant 64 : i32
        %mul3A_1198 = arith.muli %add3A_1185, %mul3A_1197 : i32
        %add3A_1199 = arith.constant 0 : i32
        %add3A_1200 = arith.addi %mul3A_1198, %add3A_1199 : i32
        %swap3A_1201 = arith.index_cast %add3A_1200 : i32 to index
        %swap3A_1202 = tpu.vector_load %arg9[%swap3A_1201] {strides = array<i32>} : memref<1664xi32, #tpu.memory_space<vmem>>, vector<16xi32>,
        tpu.vector_store %arg9[%swap3A_1201], %add3A_1196 {strides = array<i32>} : memref<1664xi32, #tpu.memory_space<vmem>>, vector<16xi32>,
        %mul3A_1203 = arith.constant 64 : i32
        %mul3A_1204 = arith.muli %add3A_23, %mul3A_1203 : i32
        %add3A_1205 = arith.constant 16 : i32
        %add3A_1206 = arith.addi %mul3A_1204, %add3A_1205 : i32
        %get3A_1207 = arith.index_cast %add3A_1185 : i32 to index
        %get3A_1208 = arith.index_cast %add3A_1206 : i32 to index
        %get3A_1209 = tpu.vector_load %arg7[%get3A_1207, %get3A_1208] {strides = array<i32>} : memref<26x512xi32, #tpu.memory_space<vmem>>, vector<16xi32>,
        %mul3A_1210 = arith.constant 100000 : i32
        %mul3A_1211 = arith.muli %add3A_1185, %mul3A_1210 : i32
        %add3A_1212 = vector.broadcast %mul3A_1211 : i32 to vector<16xi32>
        %add3A_1213 = arith.addi %get3A_1209, %add3A_1212 : vector<16xi32>
        %mul3A_1214 = arith.constant 64 : i32
        %mul3A_1215 = arith.muli %add3A_1185, %mul3A_1214 : i32
        %add3A_1216 = arith.constant 16 : i32
        %add3A_1217 = arith.addi %mul3A_1215, %add3A_1216 : i32
        %swap3A_1218 = arith.index_cast %add3A_1217 : i32 to index
        %swap3A_1219 = tpu.vector_load %arg9[%swap3A_1218] {strides = array<i32>} : memref<1664xi32, #tpu.memory_space<vmem>>, vector<16xi32>,
        tpu.vector_store %arg9[%swap3A_1218], %add3A_1213 {strides = array<i32>} : memref<1664xi32, #tpu.memory_space<vmem>>, vector<16xi32>,
        %mul3A_1220 = arith.constant 64 : i32
        %mul3A_1221 = arith.muli %add3A_23, %mul3A_1220 : i32
        %add3A_1222 = arith.constant 32 : i32
        %add3A_1223 = arith.addi %mul3A_1221, %add3A_1222 : i32
        %get3A_1224 = arith.index_cast %add3A_1185 : i32 to index
        %get3A_1225 = arith.index_cast %add3A_1223 : i32 to index
        %get3A_1226 = tpu.vector_load %arg7[%get3A_1224, %get3A_1225] {strides = array<i32>} : memref<26x512xi32, #tpu.memory_space<vmem>>, vector<16xi32>,
        %mul3A_1227 = arith.constant 100000 : i32
        %mul3A_1228 = arith.muli %add3A_1185, %mul3A_1227 : i32
        %add3A_1229 = vector.broadcast %mul3A_1228 : i32 to vector<16xi32>
        %add3A_1230 = arith.addi %get3A_1226, %add3A_1229 : vector<16xi32>
        %mul3A_1231 = arith.constant 64 : i32
        %mul3A_1232 = arith.muli %add3A_1185, %mul3A_1231 : i32
        %add3A_1233 = arith.constant 32 : i32
        %add3A_1234 = arith.addi %mul3A_1232, %add3A_1233 : i32
        %swap3A_1235 = arith.index_cast %add3A_1234 : i32 to index
        %swap3A_1236 = tpu.vector_load %arg9[%swap3A_1235] {strides = array<i32>} : memref<1664xi32, #tpu.memory_space<vmem>>, vector<16xi32>,
        tpu.vector_store %arg9[%swap3A_1235], %add3A_1230 {strides = array<i32>} : memref<1664xi32, #tpu.memory_space<vmem>>, vector<16xi32>,
        %mul3A_1237 = arith.constant 64 : i32
        %mul3A_1238 = arith.muli %add3A_23, %mul3A_1237 : i32
        %add3A_1239 = arith.constant 48 : i32
        %add3A_1240 = arith.addi %mul3A_1238, %add3A_1239 : i32
        %get3A_1241 = arith.index_cast %add3A_1185 : i32 to index
        %get3A_1242 = arith.index_cast %add3A_1240 : i32 to index
        %get3A_1243 = tpu.vector_load %arg7[%get3A_1241, %get3A_1242] {strides = array<i32>} : memref<26x512xi32, #tpu.memory_space<vmem>>, vector<16xi32>,
        %mul3A_1244 = arith.constant 100000 : i32
        %mul3A_1245 = arith.muli %add3A_1185, %mul3A_1244 : i32
        %add3A_1246 = vector.broadcast %mul3A_1245 : i32 to vector<16xi32>
        %add3A_1247 = arith.addi %get3A_1243, %add3A_1246 : vector<16xi32>
        %mul3A_1248 = arith.constant 64 : i32
        %mul3A_1249 = arith.muli %add3A_1185, %mul3A_1248 : i32
        %add3A_1250 = arith.constant 48 : i32
        %add3A_1251 = arith.addi %mul3A_1249, %add3A_1250 : i32
        %swap3A_1252 = arith.index_cast %add3A_1251 : i32 to index
        %swap3A_1253 = tpu.vector_load %arg9[%swap3A_1252] {strides = array<i32>} : memref<1664xi32, #tpu.memory_space<vmem>>, vector<16xi32>,
        tpu.vector_store %arg9[%swap3A_1252], %add3A_1247 {strides = array<i32>} : memref<1664xi32, #tpu.memory_space<vmem>>, vector<16xi32>,
      }
      %scan3A_28 = arith.constant 26 : i32
      %dma_start3A_29 = arith.constant 0 : i32
      %dma_start3A_30 = arith.constant 0 : i32
      %dma_start3A_31 = tpu.memref_slice %arg3[%dma_start3A_29, %dma_start3A_30] : memref<2600000x16xf32, #tpu.memory_space<hbm>> -> memref<2600000x16xf32, #tpu.memory_space<hbm>>
      tpu.enqueue_indirect_dma source(%dma_start3A_31 : memref<2600000x16xf32, #tpu.memory_space<hbm>>) target(%arg11 : memref<1664x16xf32, #tpu.memory_space<vmem>>) offsets(%arg9 : memref<1664xi32, #tpu.memory_space<vmem>>) semaphore(%arg17 : memref<!tpu.dma_semaphore, #tpu.memory_space<semaphore_mem>>)
      %broadcast_in_dim3A = arith.constant 0.000000e+00 : f32
      %broadcast_in_dim3A_32 = vector.broadcast %broadcast_in_dim3A : f32 to vector<16xf32>
      %scan3A_33 = arith.constant 0 : i32
      %scan3A_34 = arith.constant 26 : i32
      %scan3A_35 = arith.addi %scan3A_33, %scan3A_34 : i32
      %scan3A_36 = arith.constant 2 : i32
      %scan3A_37:16 = scf.for %scan3A_1181 = %scan3A_33 to %scan3A_35 step %scan3A_36 iter_args(%scan3A_1182 = %broadcast_in_dim3A_32, %scan3A_1183 = %broadcast_in_dim3A_32, %scan3A_1184 = %broadcast_in_dim3A_32, %scan3A_1185 = %broadcast_in_dim3A_32, %scan3A_1186 = %broadcast_in_dim3A_32, %scan3A_1187 = %broadcast_in_dim3A_32, %scan3A_1188 = %broadcast_in_dim3A_32, %scan3A_1189 = %broadcast_in_dim3A_32, %scan3A_1190 = %broadcast_in_dim3A_32, %scan3A_1191 = %broadcast_in_dim3A_32, %scan3A_1192 = %broadcast_in_dim3A_32, %scan3A_1193 = %broadcast_in_dim3A_32, %scan3A_1194 = %broadcast_in_dim3A_32, %scan3A_1195 = %broadcast_in_dim3A_32, %scan3A_1196 = %broadcast_in_dim3A_32, %scan3A_1197 = %broadcast_in_dim3A_32) -> (vector<16xf32>, vector<16xf32>, vector<16xf32>, vector<16xf32>, vector<16xf32>, vector<16xf32>, vector<16xf32>, vector<16xf32>, vector<16xf32>, vector<16xf32>, vector<16xf32>, vector<16xf32>, vector<16xf32>, vector<16xf32>, vector<16xf32>, vector<16xf32>)  : i32 {
        %mul3A_1198 = arith.constant 1 : i32
        %mul3A_1199 = arith.muli %scan3A_1181, %mul3A_1198 : i32
        %add3A_1200 = arith.constant 0 : i32
        %add3A_1201 = arith.addi %add3A_1200, %mul3A_1199 : i32
        %get3A_1202 = arith.index_cast %add3A_1201 : i32 to index
        %get3A_1203 = arith.constant 0 : index
        %get3A_1204 = tpu.vector_load %arg12[%get3A_1202, %get3A_1203] {strides = array<i32>} : memref<26x16xf32, #tpu.memory_space<vmem>>, vector<16xf32>,
        %mul3A_1205 = arith.constant 64 : i32
        %mul3A_1206 = arith.muli %add3A_1201, %mul3A_1205 : i32
        %add3A_1207 = arith.constant 0 : i32
        %add3A_1208 = arith.addi %mul3A_1206, %add3A_1207 : i32
        %add3A_1209 = arith.constant 0 : i32
        %add3A_1210 = arith.addi %add3A_1208, %add3A_1209 : i32
        %get3A_1211 = arith.index_cast %add3A_1210 : i32 to index
        %get3A_1212 = arith.constant 0 : index
        %get3A_1213 = tpu.vector_load %arg10[%get3A_1211, %get3A_1212] {strides = array<i32>} : memref<1664x16xf32, #tpu.memory_space<vmem>>, vector<16xf32>,
        %mul3A_1214 = arith.mulf %get3A_1213, %get3A_1204 : vector<16xf32>
        %add3A_1215 = arith.addf %scan3A_1182, %mul3A_1214 : vector<16xf32>
        %mul3A_1216 = arith.constant 64 : i32
        %mul3A_1217 = arith.muli %add3A_1201, %mul3A_1216 : i32
        %add3A_1218 = arith.constant 0 : i32
        %add3A_1219 = arith.addi %mul3A_1217, %add3A_1218 : i32
        %add3A_1220 = arith.constant 1 : i32
        %add3A_1221 = arith.addi %add3A_1219, %add3A_1220 : i32
        %get3A_1222 = arith.index_cast %add3A_1221 : i32 to index
        %get3A_1223 = arith.constant 0 : index
        %get3A_1224 = tpu.vector_load %arg10[%get3A_1222, %get3A_1223] {strides = array<i32>} : memref<1664x16xf32, #tpu.memory_space<vmem>>, vector<16xf32>,
        %mul3A_1225 = arith.mulf %get3A_1224, %get3A_1204 : vector<16xf32>
        %add3A_1226 = arith.addf %scan3A_1183, %mul3A_1225 : vector<16xf32>
        %mul3A_1227 = arith.constant 64 : i32
        %mul3A_1228 = arith.muli %add3A_1201, %mul3A_1227 : i32
        %add3A_1229 = arith.constant 0 : i32
        %add3A_1230 = arith.addi %mul3A_1228, %add3A_1229 : i32
        %add3A_1231 = arith.constant 2 : i32
        %add3A_1232 = arith.addi %add3A_1230, %add3A_1231 : i32
        %get3A_1233 = arith.index_cast %add3A_1232 : i32 to index
        %get3A_1234 = arith.constant 0 : index
        %get3A_1235 = tpu.vector_load %arg10[%get3A_1233, %get3A_1234] {strides = array<i32>} : memref<1664x16xf32, #tpu.memory_space<vmem>>, vector<16xf32>,
        %mul3A_1236 = arith.mulf %get3A_1235, %get3A_1204 : vector<16xf32>
        %add3A_1237 = arith.addf %scan3A_1184, %mul3A_1236 : vector<16xf32>
        %mul3A_1238 = arith.constant 64 : i32
        %mul3A_1239 = arith.muli %add3A_1201, %mul3A_1238 : i32
        %add3A_1240 = arith.constant 0 : i32
        %add3A_1241 = arith.addi %mul3A_1239, %add3A_1240 : i32
        %add3A_1242 = arith.constant 3 : i32
        %add3A_1243 = arith.addi %add3A_1241, %add3A_1242 : i32
        %get3A_1244 = arith.index_cast %add3A_1243 : i32 to index
        %get3A_1245 = arith.constant 0 : index
        %get3A_1246 = tpu.vector_load %arg10[%get3A_1244, %get3A_1245] {strides = array<i32>} : memref<1664x16xf32, #tpu.memory_space<vmem>>, vector<16xf32>,
        %mul3A_1247 = arith.mulf %get3A_1246, %get3A_1204 : vector<16xf32>
        %add3A_1248 = arith.addf %scan3A_1185, %mul3A_1247 : vector<16xf32>
        %mul3A_1249 = arith.constant 64 : i32
        %mul3A_1250 = arith.muli %add3A_1201, %mul3A_1249 : i32
        %add3A_1251 = arith.constant 0 : i32
        %add3A_1252 = arith.addi %mul3A_1250, %add3A_1251 : i32
        %add3A_1253 = arith.constant 4 : i32
        %add3A_1254 = arith.addi %add3A_1252, %add3A_1253 : i32
        %get3A_1255 = arith.index_cast %add3A_1254 : i32 to index
        %get3A_1256 = arith.constant 0 : index
        %get3A_1257 = tpu.vector_load %arg10[%get3A_1255, %get3A_1256] {strides = array<i32>} : memref<1664x16xf32, #tpu.memory_space<vmem>>, vector<16xf32>,
        %mul3A_1258 = arith.mulf %get3A_1257, %get3A_1204 : vector<16xf32>
        %add3A_1259 = arith.addf %scan3A_1186, %mul3A_1258 : vector<16xf32>
        %mul3A_1260 = arith.constant 64 : i32
        %mul3A_1261 = arith.muli %add3A_1201, %mul3A_1260 : i32
        %add3A_1262 = arith.constant 0 : i32
        %add3A_1263 = arith.addi %mul3A_1261, %add3A_1262 : i32
        %add3A_1264 = arith.constant 5 : i32
        %add3A_1265 = arith.addi %add3A_1263, %add3A_1264 : i32
        %get3A_1266 = arith.index_cast %add3A_1265 : i32 to index
        %get3A_1267 = arith.constant 0 : index
        %get3A_1268 = tpu.vector_load %arg10[%get3A_1266, %get3A_1267] {strides = array<i32>} : memref<1664x16xf32, #tpu.memory_space<vmem>>, vector<16xf32>,
        %mul3A_1269 = arith.mulf %get3A_1268, %get3A_1204 : vector<16xf32>
        %add3A_1270 = arith.addf %scan3A_1187, %mul3A_1269 : vector<16xf32>
        %mul3A_1271 = arith.constant 64 : i32
        %mul3A_1272 = arith.muli %add3A_1201, %mul3A_1271 : i32
        %add3A_1273 = arith.constant 0 : i32
        %add3A_1274 = arith.addi %mul3A_1272, %add3A_1273 : i32
        %add3A_1275 = arith.constant 6 : i32
        %add3A_1276 = arith.addi %add3A_1274, %add3A_1275 : i32
        %get3A_1277 = arith.index_cast %add3A_1276 : i32 to index
        %get3A_1278 = arith.constant 0 : index
        %get3A_1279 = tpu.vector_load %arg10[%get3A_1277, %get3A_1278] {strides = array<i32>} : memref<1664x16xf32, #tpu.memory_space<vmem>>, vector<16xf32>,
        %mul3A_1280 = arith.mulf %get3A_1279, %get3A_1204 : vector<16xf32>
        %add3A_1281 = arith.addf %scan3A_1188, %mul3A_1280 : vector<16xf32>
        %mul3A_1282 = arith.constant 64 : i32
        %mul3A_1283 = arith.muli %add3A_1201, %mul3A_1282 : i32
        %add3A_1284 = arith.constant 0 : i32
        %add3A_1285 = arith.addi %mul3A_1283, %add3A_1284 : i32
        %add3A_1286 = arith.constant 7 : i32
        %add3A_1287 = arith.addi %add3A_1285, %add3A_1286 : i32
        %get3A_1288 = arith.index_cast %add3A_1287 : i32 to index
        %get3A_1289 = arith.constant 0 : index
        %get3A_1290 = tpu.vector_load %arg10[%get3A_1288, %get3A_1289] {strides = array<i32>} : memref<1664x16xf32, #tpu.memory_space<vmem>>, vector<16xf32>,
        %mul3A_1291 = arith.mulf %get3A_1290, %get3A_1204 : vector<16xf32>
        %add3A_1292 = arith.addf %scan3A_1189, %mul3A_1291 : vector<16xf32>
        %mul3A_1293 = arith.constant 64 : i32
        %mul3A_1294 = arith.muli %add3A_1201, %mul3A_1293 : i32
        %add3A_1295 = arith.constant 0 : i32
        %add3A_1296 = arith.addi %mul3A_1294, %add3A_1295 : i32
        %add3A_1297 = arith.constant 8 : i32
        %add3A_1298 = arith.addi %add3A_1296, %add3A_1297 : i32
        %get3A_1299 = arith.index_cast %add3A_1298 : i32 to index
        %get3A_1300 = arith.constant 0 : index
        %get3A_1301 = tpu.vector_load %arg10[%get3A_1299, %get3A_1300] {strides = array<i32>} : memref<1664x16xf32, #tpu.memory_space<vmem>>, vector<16xf32>,
        %mul3A_1302 = arith.mulf %get3A_1301, %get3A_1204 : vector<16xf32>
        %add3A_1303 = arith.addf %scan3A_1190, %mul3A_1302 : vector<16xf32>
        %mul3A_1304 = arith.constant 64 : i32
        %mul3A_1305 = arith.muli %add3A_1201, %mul3A_1304 : i32
        %add3A_1306 = arith.constant 0 : i32
        %add3A_1307 = arith.addi %mul3A_1305, %add3A_1306 : i32
        %add3A_1308 = arith.constant 9 : i32
        %add3A_1309 = arith.addi %add3A_1307, %add3A_1308 : i32
        %get3A_1310 = arith.index_cast %add3A_1309 : i32 to index
        %get3A_1311 = arith.constant 0 : index
        %get3A_1312 = tpu.vector_load %arg10[%get3A_1310, %get3A_1311] {strides = array<i32>} : memref<1664x16xf32, #tpu.memory_space<vmem>>, vector<16xf32>,
        %mul3A_1313 = arith.mulf %get3A_1312, %get3A_1204 : vector<16xf32>
        %add3A_1314 = arith.addf %scan3A_1191, %mul3A_1313 : vector<16xf32>
        %mul3A_1315 = arith.constant 64 : i32
        %mul3A_1316 = arith.muli %add3A_1201, %mul3A_1315 : i32
        %add3A_1317 = arith.constant 0 : i32
        %add3A_1318 = arith.addi %mul3A_1316, %add3A_1317 : i32
        %add3A_1319 = arith.constant 10 : i32
        %add3A_1320 = arith.addi %add3A_1318, %add3A_1319 : i32
        %get3A_1321 = arith.index_cast %add3A_1320 : i32 to index
        %get3A_1322 = arith.constant 0 : index
        %get3A_1323 = tpu.vector_load %arg10[%get3A_1321, %get3A_1322] {strides = array<i32>} : memref<1664x16xf32, #tpu.memory_space<vmem>>, vector<16xf32>,
        %mul3A_1324 = arith.mulf %get3A_1323, %get3A_1204 : vector<16xf32>
        %add3A_1325 = arith.addf %scan3A_1192, %mul3A_1324 : vector<16xf32>
        %mul3A_1326 = arith.constant 64 : i32
        %mul3A_1327 = arith.muli %add3A_1201, %mul3A_1326 : i32
        %add3A_1328 = arith.constant 0 : i32
        %add3A_1329 = arith.addi %mul3A_1327, %add3A_1328 : i32
        %add3A_1330 = arith.constant 11 : i32
        %add3A_1331 = arith.addi %add3A_1329, %add3A_1330 : i32
        %get3A_1332 = arith.index_cast %add3A_1331 : i32 to index
        %get3A_1333 = arith.constant 0 : index
        %get3A_1334 = tpu.vector_load %arg10[%get3A_1332, %get3A_1333] {strides = array<i32>} : memref<1664x16xf32, #tpu.memory_space<vmem>>, vector<16xf32>,
        %mul3A_1335 = arith.mulf %get3A_1334, %get3A_1204 : vector<16xf32>
        %add3A_1336 = arith.addf %scan3A_1193, %mul3A_1335 : vector<16xf32>
        %mul3A_1337 = arith.constant 64 : i32
        %mul3A_1338 = arith.muli %add3A_1201, %mul3A_1337 : i32
        %add3A_1339 = arith.constant 0 : i32
        %add3A_1340 = arith.addi %mul3A_1338, %add3A_1339 : i32
        %add3A_1341 = arith.constant 12 : i32
        %add3A_1342 = arith.addi %add3A_1340, %add3A_1341 : i32
        %get3A_1343 = arith.index_cast %add3A_1342 : i32 to index
        %get3A_1344 = arith.constant 0 : index
        %get3A_1345 = tpu.vector_load %arg10[%get3A_1343, %get3A_1344] {strides = array<i32>} : memref<1664x16xf32, #tpu.memory_space<vmem>>, vector<16xf32>,
        %mul3A_1346 = arith.mulf %get3A_1345, %get3A_1204 : vector<16xf32>
        %add3A_1347 = arith.addf %scan3A_1194, %mul3A_1346 : vector<16xf32>
        %mul3A_1348 = arith.constant 64 : i32
        %mul3A_1349 = arith.muli %add3A_1201, %mul3A_1348 : i32
        %add3A_1350 = arith.constant 0 : i32
        %add3A_1351 = arith.addi %mul3A_1349, %add3A_1350 : i32
        %add3A_1352 = arith.constant 13 : i32
        %add3A_1353 = arith.addi %add3A_1351, %add3A_1352 : i32
        %get3A_1354 = arith.index_cast %add3A_1353 : i32 to index
        %get3A_1355 = arith.constant 0 : index
        %get3A_1356 = tpu.vector_load %arg10[%get3A_1354, %get3A_1355] {strides = array<i32>} : memref<1664x16xf32, #tpu.memory_space<vmem>>, vector<16xf32>,
        %mul3A_1357 = arith.mulf %get3A_1356, %get3A_1204 : vector<16xf32>
        %add3A_1358 = arith.addf %scan3A_1195, %mul3A_1357 : vector<16xf32>
        %mul3A_1359 = arith.constant 64 : i32
        %mul3A_1360 = arith.muli %add3A_1201, %mul3A_1359 : i32
        %add3A_1361 = arith.constant 0 : i32
        %add3A_1362 = arith.addi %mul3A_1360, %add3A_1361 : i32
        %add3A_1363 = arith.constant 14 : i32
        %add3A_1364 = arith.addi %add3A_1362, %add3A_1363 : i32
        %get3A_1365 = arith.index_cast %add3A_1364 : i32 to index
        %get3A_1366 = arith.constant 0 : index
        %get3A_1367 = tpu.vector_load %arg10[%get3A_1365, %get3A_1366] {strides = array<i32>} : memref<1664x16xf32, #tpu.memory_space<vmem>>, vector<16xf32>,
        %mul3A_1368 = arith.mulf %get3A_1367, %get3A_1204 : vector<16xf32>
        %add3A_1369 = arith.addf %scan3A_1196, %mul3A_1368 : vector<16xf32>
        %mul3A_1370 = arith.constant 64 : i32
        %mul3A_1371 = arith.muli %add3A_1201, %mul3A_1370 : i32
        %add3A_1372 = arith.constant 0 : i32
        %add3A_1373 = arith.addi %mul3A_1371, %add3A_1372 : i32
        %add3A_1374 = arith.constant 15 : i32
        %add3A_1375 = arith.addi %add3A_1373, %add3A_1374 : i32
        %get3A_1376 = arith.index_cast %add3A_1375 : i32 to index
        %get3A_1377 = arith.constant 0 : index
        %get3A_1378 = tpu.vector_load %arg10[%get3A_1376, %get3A_1377] {strides = array<i32>} : memref<1664x16xf32, #tpu.memory_space<vmem>>, vector<16xf32>,
        %mul3A_1379 = arith.mulf %get3A_1378, %get3A_1204 : vector<16xf32>
        %add3A_1380 = arith.addf %scan3A_1197, %mul3A_1379 : vector<16xf32>
        %scan3A_1381 = arith.constant 1 : i32
        %scan3A_1382 = arith.addi %scan3A_1181, %scan3A_1381 : i32
        %mul3A_1383 = arith.constant 1 : i32
        %mul3A_1384 = arith.muli %scan3A_1382, %mul3A_1383 : i32
        %add3A_1385 = arith.constant 0 : i32
        %add3A_1386 = arith.addi %add3A_1385, %mul3A_1384 : i32
        %get3A_1387 = arith.index_cast %add3A_1386 : i32 to index
        %get3A_1388 = arith.constant 0 : index
        %get3A_1389 = tpu.vector_load %arg12[%get3A_1387, %get3A_1388] {strides = array<i32>} : memref<26x16xf32, #tpu.memory_space<vmem>>, vector<16xf32>,
        %mul3A_1390 = arith.constant 64 : i32
        %mul3A_1391 = arith.muli %add3A_1386, %mul3A_1390 : i32
        %add3A_1392 = arith.constant 0 : i32
        %add3A_1393 = arith.addi %mul3A_1391, %add3A_1392 : i32
        %add3A_1394 = arith.constant 0 : i32
        %add3A_1395 = arith.addi %add3A_1393, %add3A_1394 : i32
        %get3A_1396 = arith.index_cast %add3A_1395 : i32 to index
        %get3A_1397 = arith.constant 0 : index
        %get3A_1398 = tpu.vector_load %arg10[%get3A_1396, %get3A_1397] {strides = array<i32>} : memref<1664x16xf32, #tpu.memory_space<vmem>>, vector<16xf32>,
        %mul3A_1399 = arith.mulf %get3A_1398, %get3A_1389 : vector<16xf32>
        %add3A_1400 = arith.addf %add3A_1215, %mul3A_1399 : vector<16xf32>
        %mul3A_1401 = arith.constant 64 : i32
        %mul3A_1402 = arith.muli %add3A_1386, %mul3A_1401 : i32
        %add3A_1403 = arith.constant 0 : i32
        %add3A_1404 = arith.addi %mul3A_1402, %add3A_1403 : i32
        %add3A_1405 = arith.constant 1 : i32
        %add3A_1406 = arith.addi %add3A_1404, %add3A_1405 : i32
        %get3A_1407 = arith.index_cast %add3A_1406 : i32 to index
        %get3A_1408 = arith.constant 0 : index
        %get3A_1409 = tpu.vector_load %arg10[%get3A_1407, %get3A_1408] {strides = array<i32>} : memref<1664x16xf32, #tpu.memory_space<vmem>>, vector<16xf32>,
        %mul3A_1410 = arith.mulf %get3A_1409, %get3A_1389 : vector<16xf32>
        %add3A_1411 = arith.addf %add3A_1226, %mul3A_1410 : vector<16xf32>
        %mul3A_1412 = arith.constant 64 : i32
        %mul3A_1413 = arith.muli %add3A_1386, %mul3A_1412 : i32
        %add3A_1414 = arith.constant 0 : i32
        %add3A_1415 = arith.addi %mul3A_1413, %add3A_1414 : i32
        %add3A_1416 = arith.constant 2 : i32
        %add3A_1417 = arith.addi %add3A_1415, %add3A_1416 : i32
        %get3A_1418 = arith.index_cast %add3A_1417 : i32 to index
        %get3A_1419 = arith.constant 0 : index
        %get3A_1420 = tpu.vector_load %arg10[%get3A_1418, %get3A_1419] {strides = array<i32>} : memref<1664x16xf32, #tpu.memory_space<vmem>>, vector<16xf32>,
        %mul3A_1421 = arith.mulf %get3A_1420, %get3A_1389 : vector<16xf32>
        %add3A_1422 = arith.addf %add3A_1237, %mul3A_1421 : vector<16xf32>
        %mul3A_1423 = arith.constant 64 : i32
        %mul3A_1424 = arith.muli %add3A_1386, %mul3A_1423 : i32
        %add3A_1425 = arith.constant 0 : i32
        %add3A_1426 = arith.addi %mul3A_1424, %add3A_1425 : i32
        %add3A_1427 = arith.constant 3 : i32
        %add3A_1428 = arith.addi %add3A_1426, %add3A_1427 : i32
        %get3A_1429 = arith.index_cast %add3A_1428 : i32 to index
        %get3A_1430 = arith.constant 0 : index
        %get3A_1431 = tpu.vector_load %arg10[%get3A_1429, %get3A_1430] {strides = array<i32>} : memref<1664x16xf32, #tpu.memory_space<vmem>>, vector<16xf32>,
        %mul3A_1432 = arith.mulf %get3A_1431, %get3A_1389 : vector<16xf32>
        %add3A_1433 = arith.addf %add3A_1248, %mul3A_1432 : vector<16xf32>
        %mul3A_1434 = arith.constant 64 : i32
        %mul3A_1435 = arith.muli %add3A_1386, %mul3A_1434 : i32
        %add3A_1436 = arith.constant 0 : i32
        %add3A_1437 = arith.addi %mul3A_1435, %add3A_1436 : i32
        %add3A_1438 = arith.constant 4 : i32
        %add3A_1439 = arith.addi %add3A_1437, %add3A_1438 : i32
        %get3A_1440 = arith.index_cast %add3A_1439 : i32 to index
        %get3A_1441 = arith.constant 0 : index
        %get3A_1442 = tpu.vector_load %arg10[%get3A_1440, %get3A_1441] {strides = array<i32>} : memref<1664x16xf32, #tpu.memory_space<vmem>>, vector<16xf32>,
        %mul3A_1443 = arith.mulf %get3A_1442, %get3A_1389 : vector<16xf32>
        %add3A_1444 = arith.addf %add3A_1259, %mul3A_1443 : vector<16xf32>
        %mul3A_1445 = arith.constant 64 : i32
        %mul3A_1446 = arith.muli %add3A_1386, %mul3A_1445 : i32
        %add3A_1447 = arith.constant 0 : i32
        %add3A_1448 = arith.addi %mul3A_1446, %add3A_1447 : i32
        %add3A_1449 = arith.constant 5 : i32
        %add3A_1450 = arith.addi %add3A_1448, %add3A_1449 : i32
        %get3A_1451 = arith.index_cast %add3A_1450 : i32 to index
        %get3A_1452 = arith.constant 0 : index
        %get3A_1453 = tpu.vector_load %arg10[%get3A_1451, %get3A_1452] {strides = array<i32>} : memref<1664x16xf32, #tpu.memory_space<vmem>>, vector<16xf32>,
        %mul3A_1454 = arith.mulf %get3A_1453, %get3A_1389 : vector<16xf32>
        %add3A_1455 = arith.addf %add3A_1270, %mul3A_1454 : vector<16xf32>
        %mul3A_1456 = arith.constant 64 : i32
        %mul3A_1457 = arith.muli %add3A_1386, %mul3A_1456 : i32
        %add3A_1458 = arith.constant 0 : i32
        %add3A_1459 = arith.addi %mul3A_1457, %add3A_1458 : i32
        %add3A_1460 = arith.constant 6 : i32
        %add3A_1461 = arith.addi %add3A_1459, %add3A_1460 : i32
        %get3A_1462 = arith.index_cast %add3A_1461 : i32 to index
        %get3A_1463 = arith.constant 0 : index
        %get3A_1464 = tpu.vector_load %arg10[%get3A_1462, %get3A_1463] {strides = array<i32>} : memref<1664x16xf32, #tpu.memory_space<vmem>>, vector<16xf32>,
        %mul3A_1465 = arith.mulf %get3A_1464, %get3A_1389 : vector<16xf32>
        %add3A_1466 = arith.addf %add3A_1281, %mul3A_1465 : vector<16xf32>
        %mul3A_1467 = arith.constant 64 : i32
        %mul3A_1468 = arith.muli %add3A_1386, %mul3A_1467 : i32
        %add3A_1469 = arith.constant 0 : i32
        %add3A_1470 = arith.addi %mul3A_1468, %add3A_1469 : i32
        %add3A_1471 = arith.constant 7 : i32
        %add3A_1472 = arith.addi %add3A_1470, %add3A_1471 : i32
        %get3A_1473 = arith.index_cast %add3A_1472 : i32 to index
        %get3A_1474 = arith.constant 0 : index
        %get3A_1475 = tpu.vector_load %arg10[%get3A_1473, %get3A_1474] {strides = array<i32>} : memref<1664x16xf32, #tpu.memory_space<vmem>>, vector<16xf32>,
        %mul3A_1476 = arith.mulf %get3A_1475, %get3A_1389 : vector<16xf32>
        %add3A_1477 = arith.addf %add3A_1292, %mul3A_1476 : vector<16xf32>
        %mul3A_1478 = arith.constant 64 : i32
        %mul3A_1479 = arith.muli %add3A_1386, %mul3A_1478 : i32
        %add3A_1480 = arith.constant 0 : i32
        %add3A_1481 = arith.addi %mul3A_1479, %add3A_1480 : i32
        %add3A_1482 = arith.constant 8 : i32
        %add3A_1483 = arith.addi %add3A_1481, %add3A_1482 : i32
        %get3A_1484 = arith.index_cast %add3A_1483 : i32 to index
        %get3A_1485 = arith.constant 0 : index
        %get3A_1486 = tpu.vector_load %arg10[%get3A_1484, %get3A_1485] {strides = array<i32>} : memref<1664x16xf32, #tpu.memory_space<vmem>>, vector<16xf32>,
        %mul3A_1487 = arith.mulf %get3A_1486, %get3A_1389 : vector<16xf32>
        %add3A_1488 = arith.addf %add3A_1303, %mul3A_1487 : vector<16xf32>
        %mul3A_1489 = arith.constant 64 : i32
        %mul3A_1490 = arith.muli %add3A_1386, %mul3A_1489 : i32
        %add3A_1491 = arith.constant 0 : i32
        %add3A_1492 = arith.addi %mul3A_1490, %add3A_1491 : i32
        %add3A_1493 = arith.constant 9 : i32
        %add3A_1494 = arith.addi %add3A_1492, %add3A_1493 : i32
        %get3A_1495 = arith.index_cast %add3A_1494 : i32 to index
        %get3A_1496 = arith.constant 0 : index
        %get3A_1497 = tpu.vector_load %arg10[%get3A_1495, %get3A_1496] {strides = array<i32>} : memref<1664x16xf32, #tpu.memory_space<vmem>>, vector<16xf32>,
        %mul3A_1498 = arith.mulf %get3A_1497, %get3A_1389 : vector<16xf32>
        %add3A_1499 = arith.addf %add3A_1314, %mul3A_1498 : vector<16xf32>
        %mul3A_1500 = arith.constant 64 : i32
        %mul3A_1501 = arith.muli %add3A_1386, %mul3A_1500 : i32
        %add3A_1502 = arith.constant 0 : i32
        %add3A_1503 = arith.addi %mul3A_1501, %add3A_1502 : i32
        %add3A_1504 = arith.constant 10 : i32
        %add3A_1505 = arith.addi %add3A_1503, %add3A_1504 : i32
        %get3A_1506 = arith.index_cast %add3A_1505 : i32 to index
        %get3A_1507 = arith.constant 0 : index
        %get3A_1508 = tpu.vector_load %arg10[%get3A_1506, %get3A_1507] {strides = array<i32>} : memref<1664x16xf32, #tpu.memory_space<vmem>>, vector<16xf32>,
        %mul3A_1509 = arith.mulf %get3A_1508, %get3A_1389 : vector<16xf32>
        %add3A_1510 = arith.addf %add3A_1325, %mul3A_1509 : vector<16xf32>
        %mul3A_1511 = arith.constant 64 : i32
        %mul3A_1512 = arith.muli %add3A_1386, %mul3A_1511 : i32
        %add3A_1513 = arith.constant 0 : i32
        %add3A_1514 = arith.addi %mul3A_1512, %add3A_1513 : i32
        %add3A_1515 = arith.constant 11 : i32
        %add3A_1516 = arith.addi %add3A_1514, %add3A_1515 : i32
        %get3A_1517 = arith.index_cast %add3A_1516 : i32 to index
        %get3A_1518 = arith.constant 0 : index
        %get3A_1519 = tpu.vector_load %arg10[%get3A_1517, %get3A_1518] {strides = array<i32>} : memref<1664x16xf32, #tpu.memory_space<vmem>>, vector<16xf32>,
        %mul3A_1520 = arith.mulf %get3A_1519, %get3A_1389 : vector<16xf32>
        %add3A_1521 = arith.addf %add3A_1336, %mul3A_1520 : vector<16xf32>
        %mul3A_1522 = arith.constant 64 : i32
        %mul3A_1523 = arith.muli %add3A_1386, %mul3A_1522 : i32
        %add3A_1524 = arith.constant 0 : i32
        %add3A_1525 = arith.addi %mul3A_1523, %add3A_1524 : i32
        %add3A_1526 = arith.constant 12 : i32
        %add3A_1527 = arith.addi %add3A_1525, %add3A_1526 : i32
        %get3A_1528 = arith.index_cast %add3A_1527 : i32 to index
        %get3A_1529 = arith.constant 0 : index
        %get3A_1530 = tpu.vector_load %arg10[%get3A_1528, %get3A_1529] {strides = array<i32>} : memref<1664x16xf32, #tpu.memory_space<vmem>>, vector<16xf32>,
        %mul3A_1531 = arith.mulf %get3A_1530, %get3A_1389 : vector<16xf32>
        %add3A_1532 = arith.addf %add3A_1347, %mul3A_1531 : vector<16xf32>
        %mul3A_1533 = arith.constant 64 : i32
        %mul3A_1534 = arith.muli %add3A_1386, %mul3A_1533 : i32
        %add3A_1535 = arith.constant 0 : i32
        %add3A_1536 = arith.addi %mul3A_1534, %add3A_1535 : i32
        %add3A_1537 = arith.constant 13 : i32
        %add3A_1538 = arith.addi %add3A_1536, %add3A_1537 : i32
        %get3A_1539 = arith.index_cast %add3A_1538 : i32 to index
        %get3A_1540 = arith.constant 0 : index
        %get3A_1541 = tpu.vector_load %arg10[%get3A_1539, %get3A_1540] {strides = array<i32>} : memref<1664x16xf32, #tpu.memory_space<vmem>>, vector<16xf32>,
        %mul3A_1542 = arith.mulf %get3A_1541, %get3A_1389 : vector<16xf32>
        %add3A_1543 = arith.addf %add3A_1358, %mul3A_1542 : vector<16xf32>
        %mul3A_1544 = arith.constant 64 : i32
        %mul3A_1545 = arith.muli %add3A_1386, %mul3A_1544 : i32
        %add3A_1546 = arith.constant 0 : i32
        %add3A_1547 = arith.addi %mul3A_1545, %add3A_1546 : i32
        %add3A_1548 = arith.constant 14 : i32
        %add3A_1549 = arith.addi %add3A_1547, %add3A_1548 : i32
        %get3A_1550 = arith.index_cast %add3A_1549 : i32 to index
        %get3A_1551 = arith.constant 0 : index
        %get3A_1552 = tpu.vector_load %arg10[%get3A_1550, %get3A_1551] {strides = array<i32>} : memref<1664x16xf32, #tpu.memory_space<vmem>>, vector<16xf32>,
        %mul3A_1553 = arith.mulf %get3A_1552, %get3A_1389 : vector<16xf32>
        %add3A_1554 = arith.addf %add3A_1369, %mul3A_1553 : vector<16xf32>
        %mul3A_1555 = arith.constant 64 : i32
        %mul3A_1556 = arith.muli %add3A_1386, %mul3A_1555 : i32
        %add3A_1557 = arith.constant 0 : i32
        %add3A_1558 = arith.addi %mul3A_1556, %add3A_1557 : i32
        %add3A_1559 = arith.constant 15 : i32
        %add3A_1560 = arith.addi %add3A_1558, %add3A_1559 : i32
        %get3A_1561 = arith.index_cast %add3A_1560 : i32 to index
        %get3A_1562 = arith.constant 0 : index
        %get3A_1563 = tpu.vector_load %arg10[%get3A_1561, %get3A_1562] {strides = array<i32>} : memref<1664x16xf32, #tpu.memory_space<vmem>>, vector<16xf32>,
        %mul3A_1564 = arith.mulf %get3A_1563, %get3A_1389 : vector<16xf32>
        %add3A_1565 = arith.addf %add3A_1380, %mul3A_1564 : vector<16xf32>
        scf.yield %add3A_1400, %add3A_1411, %add3A_1422, %add3A_1433, %add3A_1444, %add3A_1455, %add3A_1466, %add3A_1477, %add3A_1488, %add3A_1499, %add3A_1510, %add3A_1521, %add3A_1532, %add3A_1543, %add3A_1554, %add3A_1565 : vector<16xf32>, vector<16xf32>, vector<16xf32>, vector<16xf32>, vector<16xf32>, vector<16xf32>, vector<16xf32>, vector<16xf32>, vector<16xf32>, vector<16xf32>, vector<16xf32>, vector<16xf32>, vector<16xf32>, vector<16xf32>, vector<16xf32>, vector<16xf32>
      }
      %scan3A_38 = arith.constant 26 : i32
      %swap3A = arith.constant 0 : i32
      %swap3A_39 = arith.index_cast %swap3A : i32 to index
      %swap3A_40 = arith.constant 0 : index
      %swap3A_41 = tpu.vector_load %arg14[%swap3A_39, %swap3A_40] {strides = array<i32>} : memref<16x16xf32, #tpu.memory_space<vmem>>, vector<16xf32>,
      tpu.vector_store %arg14[%swap3A_39, %swap3A_40], %scan3A_37#0 {strides = array<i32>} : memref<16x16xf32, #tpu.memory_space<vmem>>, vector<16xf32>,
      %swap3A_42 = arith.constant 1 : i32
      %swap3A_43 = arith.index_cast %swap3A_42 : i32 to index
      %swap3A_44 = arith.constant 0 : index
      %swap3A_45 = tpu.vector_load %arg14[%swap3A_43, %swap3A_44] {strides = array<i32>} : memref<16x16xf32, #tpu.memory_space<vmem>>, vector<16xf32>,
      tpu.vector_store %arg14[%swap3A_43, %swap3A_44], %scan3A_37#1 {strides = array<i32>} : memref<16x16xf32, #tpu.memory_space<vmem>>, vector<16xf32>,
      %swap3A_46 = arith.constant 2 : i32
      %swap3A_47 = arith.index_cast %swap3A_46 : i32 to index
      %swap3A_48 = arith.constant 0 : index
      %swap3A_49 = tpu.vector_load %arg14[%swap3A_47, %swap3A_48] {strides = array<i32>} : memref<16x16xf32, #tpu.memory_space<vmem>>, vector<16xf32>,
      tpu.vector_store %arg14[%swap3A_47, %swap3A_48], %scan3A_37#2 {strides = array<i32>} : memref<16x16xf32, #tpu.memory_space<vmem>>, vector<16xf32>,
      %swap3A_50 = arith.constant 3 : i32
      %swap3A_51 = arith.index_cast %swap3A_50 : i32 to index
      %swap3A_52 = arith.constant 0 : index
      %swap3A_53 = tpu.vector_load %arg14[%swap3A_51, %swap3A_52] {strides = array<i32>} : memref<16x16xf32, #tpu.memory_space<vmem>>, vector<16xf32>,
      tpu.vector_store %arg14[%swap3A_51, %swap3A_52], %scan3A_37#3 {strides = array<i32>} : memref<16x16xf32, #tpu.memory_space<vmem>>, vector<16xf32>,
      %swap3A_54 = arith.constant 4 : i32
      %swap3A_55 = arith.index_cast %swap3A_54 : i32 to index
      %swap3A_56 = arith.constant 0 : index
      %swap3A_57 = tpu.vector_load %arg14[%swap3A_55, %swap3A_56] {strides = array<i32>} : memref<16x16xf32, #tpu.memory_space<vmem>>, vector<16xf32>,
      tpu.vector_store %arg14[%swap3A_55, %swap3A_56], %scan3A_37#4 {strides = array<i32>} : memref<16x16xf32, #tpu.memory_space<vmem>>, vector<16xf32>,
      %swap3A_58 = arith.constant 5 : i32
      %swap3A_59 = arith.index_cast %swap3A_58 : i32 to index
      %swap3A_60 = arith.constant 0 : index
      %swap3A_61 = tpu.vector_load %arg14[%swap3A_59, %swap3A_60] {strides = array<i32>} : memref<16x16xf32, #tpu.memory_space<vmem>>, vector<16xf32>,
      tpu.vector_store %arg14[%swap3A_59, %swap3A_60], %scan3A_37#5 {strides = array<i32>} : memref<16x16xf32, #tpu.memory_space<vmem>>, vector<16xf32>,
      %swap3A_62 = arith.constant 6 : i32
      %swap3A_63 = arith.index_cast %swap3A_62 : i32 to index
      %swap3A_64 = arith.constant 0 : index
      %swap3A_65 = tpu.vector_load %arg14[%swap3A_63, %swap3A_64] {strides = array<i32>} : memref<16x16xf32, #tpu.memory_space<vmem>>, vector<16xf32>,
      tpu.vector_store %arg14[%swap3A_63, %swap3A_64], %scan3A_37#6 {strides = array<i32>} : memref<16x16xf32, #tpu.memory_space<vmem>>, vector<16xf32>,
      %swap3A_66 = arith.constant 7 : i32
      %swap3A_67 = arith.index_cast %swap3A_66 : i32 to index
      %swap3A_68 = arith.constant 0 : index
      %swap3A_69 = tpu.vector_load %arg14[%swap3A_67, %swap3A_68] {strides = array<i32>} : memref<16x16xf32, #tpu.memory_space<vmem>>, vector<16xf32>,
      tpu.vector_store %arg14[%swap3A_67, %swap3A_68], %scan3A_37#7 {strides = array<i32>} : memref<16x16xf32, #tpu.memory_space<vmem>>, vector<16xf32>,
      %swap3A_70 = arith.constant 8 : i32
      %swap3A_71 = arith.index_cast %swap3A_70 : i32 to index
      %swap3A_72 = arith.constant 0 : index
      %swap3A_73 = tpu.vector_load %arg14[%swap3A_71, %swap3A_72] {strides = array<i32>} : memref<16x16xf32, #tpu.memory_space<vmem>>, vector<16xf32>,
      tpu.vector_store %arg14[%swap3A_71, %swap3A_72], %scan3A_37#8 {strides = array<i32>} : memref<16x16xf32, #tpu.memory_space<vmem>>, vector<16xf32>,
      %swap3A_74 = arith.constant 9 : i32
      %swap3A_75 = arith.index_cast %swap3A_74 : i32 to index
      %swap3A_76 = arith.constant 0 : index
      %swap3A_77 = tpu.vector_load %arg14[%swap3A_75, %swap3A_76] {strides = array<i32>} : memref<16x16xf32, #tpu.memory_space<vmem>>, vector<16xf32>,
      tpu.vector_store %arg14[%swap3A_75, %swap3A_76], %scan3A_37#9 {strides = array<i32>} : memref<16x16xf32, #tpu.memory_space<vmem>>, vector<16xf32>,
      %swap3A_78 = arith.constant 10 : i32
      %swap3A_79 = arith.index_cast %swap3A_78 : i32 to index
      %swap3A_80 = arith.constant 0 : index
      %swap3A_81 = tpu.vector_load %arg14[%swap3A_79, %swap3A_80] {strides = array<i32>} : memref<16x16xf32, #tpu.memory_space<vmem>>, vector<16xf32>,
      tpu.vector_store %arg14[%swap3A_79, %swap3A_80], %scan3A_37#10 {strides = array<i32>} : memref<16x16xf32, #tpu.memory_space<vmem>>, vector<16xf32>,
      %swap3A_82 = arith.constant 11 : i32
      %swap3A_83 = arith.index_cast %swap3A_82 : i32 to index
      %swap3A_84 = arith.constant 0 : index
      %swap3A_85 = tpu.vector_load %arg14[%swap3A_83, %swap3A_84] {strides = array<i32>} : memref<16x16xf32, #tpu.memory_space<vmem>>, vector<16xf32>,
      tpu.vector_store %arg14[%swap3A_83, %swap3A_84], %scan3A_37#11 {strides = array<i32>} : memref<16x16xf32, #tpu.memory_space<vmem>>, vector<16xf32>,
      %swap3A_86 = arith.constant 12 : i32
      %swap3A_87 = arith.index_cast %swap3A_86 : i32 to index
      %swap3A_88 = arith.constant 0 : index
      %swap3A_89 = tpu.vector_load %arg14[%swap3A_87, %swap3A_88] {strides = array<i32>} : memref<16x16xf32, #tpu.memory_space<vmem>>, vector<16xf32>,
      tpu.vector_store %arg14[%swap3A_87, %swap3A_88], %scan3A_37#12 {strides = array<i32>} : memref<16x16xf32, #tpu.memory_space<vmem>>, vector<16xf32>,
      %swap3A_90 = arith.constant 13 : i32
      %swap3A_91 = arith.index_cast %swap3A_90 : i32 to index
      %swap3A_92 = arith.constant 0 : index
      %swap3A_93 = tpu.vector_load %arg14[%swap3A_91, %swap3A_92] {strides = array<i32>} : memref<16x16xf32, #tpu.memory_space<vmem>>, vector<16xf32>,
      tpu.vector_store %arg14[%swap3A_91, %swap3A_92], %scan3A_37#13 {strides = array<i32>} : memref<16x16xf32, #tpu.memory_space<vmem>>, vector<16xf32>,
      %swap3A_94 = arith.constant 14 : i32
      %swap3A_95 = arith.index_cast %swap3A_94 : i32 to index
      %swap3A_96 = arith.constant 0 : index
      %swap3A_97 = tpu.vector_load %arg14[%swap3A_95, %swap3A_96] {strides = array<i32>} : memref<16x16xf32, #tpu.memory_space<vmem>>, vector<16xf32>,
      tpu.vector_store %arg14[%swap3A_95, %swap3A_96], %scan3A_37#14 {strides = array<i32>} : memref<16x16xf32, #tpu.memory_space<vmem>>, vector<16xf32>,
      %swap3A_98 = arith.constant 15 : i32
      %swap3A_99 = arith.index_cast %swap3A_98 : i32 to index
      %swap3A_100 = arith.constant 0 : index
      %swap3A_101 = tpu.vector_load %arg14[%swap3A_99, %swap3A_100] {strides = array<i32>} : memref<16x16xf32, #tpu.memory_space<vmem>>, vector<16xf32>,
      tpu.vector_store %arg14[%swap3A_99, %swap3A_100], %scan3A_37#15 {strides = array<i32>} : memref<16x16xf32, #tpu.memory_space<vmem>>, vector<16xf32>,
      %iota3A = tpu.iota {dimensions = array<i32: 0>} : vector<16xi32>
      %broadcast_in_dim3A_102 = arith.constant 0 : i32
      %broadcast_in_dim3A_103 = vector.broadcast %broadcast_in_dim3A_102 : i32 to vector<16xi32>
      %gather3A = tpu.vector_load_idx %arg14[%iota3A, %broadcast_in_dim3A_103] : memref<16x16xf32, #tpu.memory_space<vmem>>[vector<16xi32>, vector<16xi32>], vector<16xf32>,
      %broadcast_in_dim3A_104 = arith.constant 1 : i32
      %broadcast_in_dim3A_105 = vector.broadcast %broadcast_in_dim3A_104 : i32 to vector<16xi32>
      %gather3A_106 = tpu.vector_load_idx %arg14[%iota3A, %broadcast_in_dim3A_105] : memref<16x16xf32, #tpu.memory_space<vmem>>[vector<16xi32>, vector<16xi32>], vector<16xf32>,
      %add3A_107 = arith.addf %gather3A, %gather3A_106 : vector<16xf32>
      %broadcast_in_dim3A_108 = arith.constant 2 : i32
      %broadcast_in_dim3A_109 = vector.broadcast %broadcast_in_dim3A_108 : i32 to vector<16xi32>
      %gather3A_110 = tpu.vector_load_idx %arg14[%iota3A, %broadcast_in_dim3A_109] : memref<16x16xf32, #tpu.memory_space<vmem>>[vector<16xi32>, vector<16xi32>], vector<16xf32>,
      %add3A_111 = arith.addf %add3A_107, %gather3A_110 : vector<16xf32>
      %broadcast_in_dim3A_112 = arith.constant 3 : i32
      %broadcast_in_dim3A_113 = vector.broadcast %broadcast_in_dim3A_112 : i32 to vector<16xi32>
      %gather3A_114 = tpu.vector_load_idx %arg14[%iota3A, %broadcast_in_dim3A_113] : memref<16x16xf32, #tpu.memory_space<vmem>>[vector<16xi32>, vector<16xi32>], vector<16xf32>,
      %add3A_115 = arith.addf %add3A_111, %gather3A_114 : vector<16xf32>
      %broadcast_in_dim3A_116 = arith.constant 4 : i32
      %broadcast_in_dim3A_117 = vector.broadcast %broadcast_in_dim3A_116 : i32 to vector<16xi32>
      %gather3A_118 = tpu.vector_load_idx %arg14[%iota3A, %broadcast_in_dim3A_117] : memref<16x16xf32, #tpu.memory_space<vmem>>[vector<16xi32>, vector<16xi32>], vector<16xf32>,
      %broadcast_in_dim3A_119 = arith.constant 5 : i32
      %broadcast_in_dim3A_120 = vector.broadcast %broadcast_in_dim3A_119 : i32 to vector<16xi32>
      %gather3A_121 = tpu.vector_load_idx %arg14[%iota3A, %broadcast_in_dim3A_120] : memref<16x16xf32, #tpu.memory_space<vmem>>[vector<16xi32>, vector<16xi32>], vector<16xf32>,
      %add3A_122 = arith.addf %gather3A_118, %gather3A_121 : vector<16xf32>
      %broadcast_in_dim3A_123 = arith.constant 6 : i32
      %broadcast_in_dim3A_124 = vector.broadcast %broadcast_in_dim3A_123 : i32 to vector<16xi32>
      %gather3A_125 = tpu.vector_load_idx %arg14[%iota3A, %broadcast_in_dim3A_124] : memref<16x16xf32, #tpu.memory_space<vmem>>[vector<16xi32>, vector<16xi32>], vector<16xf32>,
      %add3A_126 = arith.addf %add3A_122, %gather3A_125 : vector<16xf32>
      %broadcast_in_dim3A_127 = arith.constant 7 : i32
      %broadcast_in_dim3A_128 = vector.broadcast %broadcast_in_dim3A_127 : i32 to vector<16xi32>
      %gather3A_129 = tpu.vector_load_idx %arg14[%iota3A, %broadcast_in_dim3A_128] : memref<16x16xf32, #tpu.memory_space<vmem>>[vector<16xi32>, vector<16xi32>], vector<16xf32>,
      %add3A_130 = arith.addf %add3A_126, %gather3A_129 : vector<16xf32>
      %broadcast_in_dim3A_131 = arith.constant 8 : i32
      %broadcast_in_dim3A_132 = vector.broadcast %broadcast_in_dim3A_131 : i32 to vector<16xi32>
      %gather3A_133 = tpu.vector_load_idx %arg14[%iota3A, %broadcast_in_dim3A_132] : memref<16x16xf32, #tpu.memory_space<vmem>>[vector<16xi32>, vector<16xi32>], vector<16xf32>,
      %broadcast_in_dim3A_134 = arith.constant 9 : i32
      %broadcast_in_dim3A_135 = vector.broadcast %broadcast_in_dim3A_134 : i32 to vector<16xi32>
      %gather3A_136 = tpu.vector_load_idx %arg14[%iota3A, %broadcast_in_dim3A_135] : memref<16x16xf32, #tpu.memory_space<vmem>>[vector<16xi32>, vector<16xi32>], vector<16xf32>,
      %add3A_137 = arith.addf %gather3A_133, %gather3A_136 : vector<16xf32>
      %broadcast_in_dim3A_138 = arith.constant 10 : i32
      %broadcast_in_dim3A_139 = vector.broadcast %broadcast_in_dim3A_138 : i32 to vector<16xi32>
      %gather3A_140 = tpu.vector_load_idx %arg14[%iota3A, %broadcast_in_dim3A_139] : memref<16x16xf32, #tpu.memory_space<vmem>>[vector<16xi32>, vector<16xi32>], vector<16xf32>,
      %add3A_141 = arith.addf %add3A_137, %gather3A_140 : vector<16xf32>
      %broadcast_in_dim3A_142 = arith.constant 11 : i32
      %broadcast_in_dim3A_143 = vector.broadcast %broadcast_in_dim3A_142 : i32 to vector<16xi32>
      %gather3A_144 = tpu.vector_load_idx %arg14[%iota3A, %broadcast_in_dim3A_143] : memref<16x16xf32, #tpu.memory_space<vmem>>[vector<16xi32>, vector<16xi32>], vector<16xf32>,
      %add3A_145 = arith.addf %add3A_141, %gather3A_144 : vector<16xf32>
      %broadcast_in_dim3A_146 = arith.constant 12 : i32
      %broadcast_in_dim3A_147 = vector.broadcast %broadcast_in_dim3A_146 : i32 to vector<16xi32>
      %gather3A_148 = tpu.vector_load_idx %arg14[%iota3A, %broadcast_in_dim3A_147] : memref<16x16xf32, #tpu.memory_space<vmem>>[vector<16xi32>, vector<16xi32>], vector<16xf32>,
      %broadcast_in_dim3A_149 = arith.constant 13 : i32
      %broadcast_in_dim3A_150 = vector.broadcast %broadcast_in_dim3A_149 : i32 to vector<16xi32>
      %gather3A_151 = tpu.vector_load_idx %arg14[%iota3A, %broadcast_in_dim3A_150] : memref<16x16xf32, #tpu.memory_space<vmem>>[vector<16xi32>, vector<16xi32>], vector<16xf32>,
      %add3A_152 = arith.addf %gather3A_148, %gather3A_151 : vector<16xf32>
      %broadcast_in_dim3A_153 = arith.constant 14 : i32
      %broadcast_in_dim3A_154 = vector.broadcast %broadcast_in_dim3A_153 : i32 to vector<16xi32>
      %gather3A_155 = tpu.vector_load_idx %arg14[%iota3A, %broadcast_in_dim3A_154] : memref<16x16xf32, #tpu.memory_space<vmem>>[vector<16xi32>, vector<16xi32>], vector<16xf32>,
      %add3A_156 = arith.addf %add3A_152, %gather3A_155 : vector<16xf32>
      %broadcast_in_dim3A_157 = arith.constant 15 : i32
      %broadcast_in_dim3A_158 = vector.broadcast %broadcast_in_dim3A_157 : i32 to vector<16xi32>
      %gather3A_159 = tpu.vector_load_idx %arg14[%iota3A, %broadcast_in_dim3A_158] : memref<16x16xf32, #tpu.memory_space<vmem>>[vector<16xi32>, vector<16xi32>], vector<16xf32>,
      %add3A_160 = arith.addf %add3A_156, %gather3A_159 : vector<16xf32>
      %add3A_161 = arith.addf %add3A_115, %add3A_130 : vector<16xf32>
      %add3A_162 = arith.addf %add3A_145, %add3A_160 : vector<16xf32>
      %add3A_163 = arith.addf %add3A_161, %add3A_162 : vector<16xf32>
      %add3A_164 = arith.addf %add3A_163, %get3A_3 : vector<16xf32>
      %mul3A_165 = arith.constant 64 : i32
      %mul3A_166 = arith.muli %add3A_19, %mul3A_165 : i32
      %add3A_167 = arith.constant 0 : i32
      %add3A_168 = arith.addi %mul3A_166, %add3A_167 : i32
      %swap3A_169 = arith.index_cast %add3A_168 : i32 to index
      %swap3A_170 = tpu.vector_load %arg15[%swap3A_169] {strides = array<i32>} : memref<512xf32, #tpu.memory_space<vmem>>, vector<16xf32>,
      tpu.vector_store %arg15[%swap3A_169], %add3A_164 {strides = array<i32>} : memref<512xf32, #tpu.memory_space<vmem>>, vector<16xf32>,
      %broadcast_in_dim3A_171 = arith.constant 0.000000e+00 : f32
      %broadcast_in_dim3A_172 = vector.broadcast %broadcast_in_dim3A_171 : f32 to vector<16xf32>
      %scan3A_173 = arith.constant 0 : i32
      %scan3A_174 = arith.constant 26 : i32
      %scan3A_175 = arith.addi %scan3A_173, %scan3A_174 : i32
      %scan3A_176 = arith.constant 2 : i32
      %scan3A_177:16 = scf.for %scan3A_1181 = %scan3A_173 to %scan3A_175 step %scan3A_176 iter_args(%scan3A_1182 = %broadcast_in_dim3A_172, %scan3A_1183 = %broadcast_in_dim3A_172, %scan3A_1184 = %broadcast_in_dim3A_172, %scan3A_1185 = %broadcast_in_dim3A_172, %scan3A_1186 = %broadcast_in_dim3A_172, %scan3A_1187 = %broadcast_in_dim3A_172, %scan3A_1188 = %broadcast_in_dim3A_172, %scan3A_1189 = %broadcast_in_dim3A_172, %scan3A_1190 = %broadcast_in_dim3A_172, %scan3A_1191 = %broadcast_in_dim3A_172, %scan3A_1192 = %broadcast_in_dim3A_172, %scan3A_1193 = %broadcast_in_dim3A_172, %scan3A_1194 = %broadcast_in_dim3A_172, %scan3A_1195 = %broadcast_in_dim3A_172, %scan3A_1196 = %broadcast_in_dim3A_172, %scan3A_1197 = %broadcast_in_dim3A_172) -> (vector<16xf32>, vector<16xf32>, vector<16xf32>, vector<16xf32>, vector<16xf32>, vector<16xf32>, vector<16xf32>, vector<16xf32>, vector<16xf32>, vector<16xf32>, vector<16xf32>, vector<16xf32>, vector<16xf32>, vector<16xf32>, vector<16xf32>, vector<16xf32>)  : i32 {
        %mul3A_1198 = arith.constant 1 : i32
        %mul3A_1199 = arith.muli %scan3A_1181, %mul3A_1198 : i32
        %add3A_1200 = arith.constant 0 : i32
        %add3A_1201 = arith.addi %add3A_1200, %mul3A_1199 : i32
        %get3A_1202 = arith.index_cast %add3A_1201 : i32 to index
        %get3A_1203 = arith.constant 0 : index
        %get3A_1204 = tpu.vector_load %arg12[%get3A_1202, %get3A_1203] {strides = array<i32>} : memref<26x16xf32, #tpu.memory_space<vmem>>, vector<16xf32>,
        %mul3A_1205 = arith.constant 64 : i32
        %mul3A_1206 = arith.muli %add3A_1201, %mul3A_1205 : i32
        %add3A_1207 = arith.constant 16 : i32
        %add3A_1208 = arith.addi %mul3A_1206, %add3A_1207 : i32
        %add3A_1209 = arith.constant 0 : i32
        %add3A_1210 = arith.addi %add3A_1208, %add3A_1209 : i32
        %get3A_1211 = arith.index_cast %add3A_1210 : i32 to index
        %get3A_1212 = arith.constant 0 : index
        %get3A_1213 = tpu.vector_load %arg10[%get3A_1211, %get3A_1212] {strides = array<i32>} : memref<1664x16xf32, #tpu.memory_space<vmem>>, vector<16xf32>,
        %mul3A_1214 = arith.mulf %get3A_1213, %get3A_1204 : vector<16xf32>
        %add3A_1215 = arith.addf %scan3A_1182, %mul3A_1214 : vector<16xf32>
        %mul3A_1216 = arith.constant 64 : i32
        %mul3A_1217 = arith.muli %add3A_1201, %mul3A_1216 : i32
        %add3A_1218 = arith.constant 16 : i32
        %add3A_1219 = arith.addi %mul3A_1217, %add3A_1218 : i32
        %add3A_1220 = arith.constant 1 : i32
        %add3A_1221 = arith.addi %add3A_1219, %add3A_1220 : i32
        %get3A_1222 = arith.index_cast %add3A_1221 : i32 to index
        %get3A_1223 = arith.constant 0 : index
        %get3A_1224 = tpu.vector_load %arg10[%get3A_1222, %get3A_1223] {strides = array<i32>} : memref<1664x16xf32, #tpu.memory_space<vmem>>, vector<16xf32>,
        %mul3A_1225 = arith.mulf %get3A_1224, %get3A_1204 : vector<16xf32>
        %add3A_1226 = arith.addf %scan3A_1183, %mul3A_1225 : vector<16xf32>
        %mul3A_1227 = arith.constant 64 : i32
        %mul3A_1228 = arith.muli %add3A_1201, %mul3A_1227 : i32
        %add3A_1229 = arith.constant 16 : i32
        %add3A_1230 = arith.addi %mul3A_1228, %add3A_1229 : i32
        %add3A_1231 = arith.constant 2 : i32
        %add3A_1232 = arith.addi %add3A_1230, %add3A_1231 : i32
        %get3A_1233 = arith.index_cast %add3A_1232 : i32 to index
        %get3A_1234 = arith.constant 0 : index
        %get3A_1235 = tpu.vector_load %arg10[%get3A_1233, %get3A_1234] {strides = array<i32>} : memref<1664x16xf32, #tpu.memory_space<vmem>>, vector<16xf32>,
        %mul3A_1236 = arith.mulf %get3A_1235, %get3A_1204 : vector<16xf32>
        %add3A_1237 = arith.addf %scan3A_1184, %mul3A_1236 : vector<16xf32>
        %mul3A_1238 = arith.constant 64 : i32
        %mul3A_1239 = arith.muli %add3A_1201, %mul3A_1238 : i32
        %add3A_1240 = arith.constant 16 : i32
        %add3A_1241 = arith.addi %mul3A_1239, %add3A_1240 : i32
        %add3A_1242 = arith.constant 3 : i32
        %add3A_1243 = arith.addi %add3A_1241, %add3A_1242 : i32
        %get3A_1244 = arith.index_cast %add3A_1243 : i32 to index
        %get3A_1245 = arith.constant 0 : index
        %get3A_1246 = tpu.vector_load %arg10[%get3A_1244, %get3A_1245] {strides = array<i32>} : memref<1664x16xf32, #tpu.memory_space<vmem>>, vector<16xf32>,
        %mul3A_1247 = arith.mulf %get3A_1246, %get3A_1204 : vector<16xf32>
        %add3A_1248 = arith.addf %scan3A_1185, %mul3A_1247 : vector<16xf32>
        %mul3A_1249 = arith.constant 64 : i32
        %mul3A_1250 = arith.muli %add3A_1201, %mul3A_1249 : i32
        %add3A_1251 = arith.constant 16 : i32
        %add3A_1252 = arith.addi %mul3A_1250, %add3A_1251 : i32
        %add3A_1253 = arith.constant 4 : i32
        %add3A_1254 = arith.addi %add3A_1252, %add3A_1253 : i32
        %get3A_1255 = arith.index_cast %add3A_1254 : i32 to index
        %get3A_1256 = arith.constant 0 : index
        %get3A_1257 = tpu.vector_load %arg10[%get3A_1255, %get3A_1256] {strides = array<i32>} : memref<1664x16xf32, #tpu.memory_space<vmem>>, vector<16xf32>,
        %mul3A_1258 = arith.mulf %get3A_1257, %get3A_1204 : vector<16xf32>
        %add3A_1259 = arith.addf %scan3A_1186, %mul3A_1258 : vector<16xf32>
        %mul3A_1260 = arith.constant 64 : i32
        %mul3A_1261 = arith.muli %add3A_1201, %mul3A_1260 : i32
        %add3A_1262 = arith.constant 16 : i32
        %add3A_1263 = arith.addi %mul3A_1261, %add3A_1262 : i32
        %add3A_1264 = arith.constant 5 : i32
        %add3A_1265 = arith.addi %add3A_1263, %add3A_1264 : i32
        %get3A_1266 = arith.index_cast %add3A_1265 : i32 to index
        %get3A_1267 = arith.constant 0 : index
        %get3A_1268 = tpu.vector_load %arg10[%get3A_1266, %get3A_1267] {strides = array<i32>} : memref<1664x16xf32, #tpu.memory_space<vmem>>, vector<16xf32>,
        %mul3A_1269 = arith.mulf %get3A_1268, %get3A_1204 : vector<16xf32>
        %add3A_1270 = arith.addf %scan3A_1187, %mul3A_1269 : vector<16xf32>
        %mul3A_1271 = arith.constant 64 : i32
        %mul3A_1272 = arith.muli %add3A_1201, %mul3A_1271 : i32
        %add3A_1273 = arith.constant 16 : i32
        %add3A_1274 = arith.addi %mul3A_1272, %add3A_1273 : i32
        %add3A_1275 = arith.constant 6 : i32
        %add3A_1276 = arith.addi %add3A_1274, %add3A_1275 : i32
        %get3A_1277 = arith.index_cast %add3A_1276 : i32 to index
        %get3A_1278 = arith.constant 0 : index
        %get3A_1279 = tpu.vector_load %arg10[%get3A_1277, %get3A_1278] {strides = array<i32>} : memref<1664x16xf32, #tpu.memory_space<vmem>>, vector<16xf32>,
        %mul3A_1280 = arith.mulf %get3A_1279, %get3A_1204 : vector<16xf32>
        %add3A_1281 = arith.addf %scan3A_1188, %mul3A_1280 : vector<16xf32>
        %mul3A_1282 = arith.constant 64 : i32
        %mul3A_1283 = arith.muli %add3A_1201, %mul3A_1282 : i32
        %add3A_1284 = arith.constant 16 : i32
        %add3A_1285 = arith.addi %mul3A_1283, %add3A_1284 : i32
        %add3A_1286 = arith.constant 7 : i32
        %add3A_1287 = arith.addi %add3A_1285, %add3A_1286 : i32
        %get3A_1288 = arith.index_cast %add3A_1287 : i32 to index
        %get3A_1289 = arith.constant 0 : index
        %get3A_1290 = tpu.vector_load %arg10[%get3A_1288, %get3A_1289] {strides = array<i32>} : memref<1664x16xf32, #tpu.memory_space<vmem>>, vector<16xf32>,
        %mul3A_1291 = arith.mulf %get3A_1290, %get3A_1204 : vector<16xf32>
        %add3A_1292 = arith.addf %scan3A_1189, %mul3A_1291 : vector<16xf32>
        %mul3A_1293 = arith.constant 64 : i32
        %mul3A_1294 = arith.muli %add3A_1201, %mul3A_1293 : i32
        %add3A_1295 = arith.constant 16 : i32
        %add3A_1296 = arith.addi %mul3A_1294, %add3A_1295 : i32
        %add3A_1297 = arith.constant 8 : i32
        %add3A_1298 = arith.addi %add3A_1296, %add3A_1297 : i32
        %get3A_1299 = arith.index_cast %add3A_1298 : i32 to index
        %get3A_1300 = arith.constant 0 : index
        %get3A_1301 = tpu.vector_load %arg10[%get3A_1299, %get3A_1300] {strides = array<i32>} : memref<1664x16xf32, #tpu.memory_space<vmem>>, vector<16xf32>,
        %mul3A_1302 = arith.mulf %get3A_1301, %get3A_1204 : vector<16xf32>
        %add3A_1303 = arith.addf %scan3A_1190, %mul3A_1302 : vector<16xf32>
        %mul3A_1304 = arith.constant 64 : i32
        %mul3A_1305 = arith.muli %add3A_1201, %mul3A_1304 : i32
        %add3A_1306 = arith.constant 16 : i32
        %add3A_1307 = arith.addi %mul3A_1305, %add3A_1306 : i32
        %add3A_1308 = arith.constant 9 : i32
        %add3A_1309 = arith.addi %add3A_1307, %add3A_1308 : i32
        %get3A_1310 = arith.index_cast %add3A_1309 : i32 to index
        %get3A_1311 = arith.constant 0 : index
        %get3A_1312 = tpu.vector_load %arg10[%get3A_1310, %get3A_1311] {strides = array<i32>} : memref<1664x16xf32, #tpu.memory_space<vmem>>, vector<16xf32>,
        %mul3A_1313 = arith.mulf %get3A_1312, %get3A_1204 : vector<16xf32>
        %add3A_1314 = arith.addf %scan3A_1191, %mul3A_1313 : vector<16xf32>
        %mul3A_1315 = arith.constant 64 : i32
        %mul3A_1316 = arith.muli %add3A_1201, %mul3A_1315 : i32
        %add3A_1317 = arith.constant 16 : i32
        %add3A_1318 = arith.addi %mul3A_1316, %add3A_1317 : i32
        %add3A_1319 = arith.constant 10 : i32
        %add3A_1320 = arith.addi %add3A_1318, %add3A_1319 : i32
        %get3A_1321 = arith.index_cast %add3A_1320 : i32 to index
        %get3A_1322 = arith.constant 0 : index
        %get3A_1323 = tpu.vector_load %arg10[%get3A_1321, %get3A_1322] {strides = array<i32>} : memref<1664x16xf32, #tpu.memory_space<vmem>>, vector<16xf32>,
        %mul3A_1324 = arith.mulf %get3A_1323, %get3A_1204 : vector<16xf32>
        %add3A_1325 = arith.addf %scan3A_1192, %mul3A_1324 : vector<16xf32>
        %mul3A_1326 = arith.constant 64 : i32
        %mul3A_1327 = arith.muli %add3A_1201, %mul3A_1326 : i32
        %add3A_1328 = arith.constant 16 : i32
        %add3A_1329 = arith.addi %mul3A_1327, %add3A_1328 : i32
        %add3A_1330 = arith.constant 11 : i32
        %add3A_1331 = arith.addi %add3A_1329, %add3A_1330 : i32
        %get3A_1332 = arith.index_cast %add3A_1331 : i32 to index
        %get3A_1333 = arith.constant 0 : index
        %get3A_1334 = tpu.vector_load %arg10[%get3A_1332, %get3A_1333] {strides = array<i32>} : memref<1664x16xf32, #tpu.memory_space<vmem>>, vector<16xf32>,
        %mul3A_1335 = arith.mulf %get3A_1334, %get3A_1204 : vector<16xf32>
        %add3A_1336 = arith.addf %scan3A_1193, %mul3A_1335 : vector<16xf32>
        %mul3A_1337 = arith.constant 64 : i32
        %mul3A_1338 = arith.muli %add3A_1201, %mul3A_1337 : i32
        %add3A_1339 = arith.constant 16 : i32
        %add3A_1340 = arith.addi %mul3A_1338, %add3A_1339 : i32
        %add3A_1341 = arith.constant 12 : i32
        %add3A_1342 = arith.addi %add3A_1340, %add3A_1341 : i32
        %get3A_1343 = arith.index_cast %add3A_1342 : i32 to index
        %get3A_1344 = arith.constant 0 : index
        %get3A_1345 = tpu.vector_load %arg10[%get3A_1343, %get3A_1344] {strides = array<i32>} : memref<1664x16xf32, #tpu.memory_space<vmem>>, vector<16xf32>,
        %mul3A_1346 = arith.mulf %get3A_1345, %get3A_1204 : vector<16xf32>
        %add3A_1347 = arith.addf %scan3A_1194, %mul3A_1346 : vector<16xf32>
        %mul3A_1348 = arith.constant 64 : i32
        %mul3A_1349 = arith.muli %add3A_1201, %mul3A_1348 : i32
        %add3A_1350 = arith.constant 16 : i32
        %add3A_1351 = arith.addi %mul3A_1349, %add3A_1350 : i32
        %add3A_1352 = arith.constant 13 : i32
        %add3A_1353 = arith.addi %add3A_1351, %add3A_1352 : i32
        %get3A_1354 = arith.index_cast %add3A_1353 : i32 to index
        %get3A_1355 = arith.constant 0 : index
        %get3A_1356 = tpu.vector_load %arg10[%get3A_1354, %get3A_1355] {strides = array<i32>} : memref<1664x16xf32, #tpu.memory_space<vmem>>, vector<16xf32>,
        %mul3A_1357 = arith.mulf %get3A_1356, %get3A_1204 : vector<16xf32>
        %add3A_1358 = arith.addf %scan3A_1195, %mul3A_1357 : vector<16xf32>
        %mul3A_1359 = arith.constant 64 : i32
        %mul3A_1360 = arith.muli %add3A_1201, %mul3A_1359 : i32
        %add3A_1361 = arith.constant 16 : i32
        %add3A_1362 = arith.addi %mul3A_1360, %add3A_1361 : i32
        %add3A_1363 = arith.constant 14 : i32
        %add3A_1364 = arith.addi %add3A_1362, %add3A_1363 : i32
        %get3A_1365 = arith.index_cast %add3A_1364 : i32 to index
        %get3A_1366 = arith.constant 0 : index
        %get3A_1367 = tpu.vector_load %arg10[%get3A_1365, %get3A_1366] {strides = array<i32>} : memref<1664x16xf32, #tpu.memory_space<vmem>>, vector<16xf32>,
        %mul3A_1368 = arith.mulf %get3A_1367, %get3A_1204 : vector<16xf32>
        %add3A_1369 = arith.addf %scan3A_1196, %mul3A_1368 : vector<16xf32>
        %mul3A_1370 = arith.constant 64 : i32
        %mul3A_1371 = arith.muli %add3A_1201, %mul3A_1370 : i32
        %add3A_1372 = arith.constant 16 : i32
        %add3A_1373 = arith.addi %mul3A_1371, %add3A_1372 : i32
        %add3A_1374 = arith.constant 15 : i32
        %add3A_1375 = arith.addi %add3A_1373, %add3A_1374 : i32
        %get3A_1376 = arith.index_cast %add3A_1375 : i32 to index
        %get3A_1377 = arith.constant 0 : index
        %get3A_1378 = tpu.vector_load %arg10[%get3A_1376, %get3A_1377] {strides = array<i32>} : memref<1664x16xf32, #tpu.memory_space<vmem>>, vector<16xf32>,
        %mul3A_1379 = arith.mulf %get3A_1378, %get3A_1204 : vector<16xf32>
        %add3A_1380 = arith.addf %scan3A_1197, %mul3A_1379 : vector<16xf32>
        %scan3A_1381 = arith.constant 1 : i32
        %scan3A_1382 = arith.addi %scan3A_1181, %scan3A_1381 : i32
        %mul3A_1383 = arith.constant 1 : i32
        %mul3A_1384 = arith.muli %scan3A_1382, %mul3A_1383 : i32
        %add3A_1385 = arith.constant 0 : i32
        %add3A_1386 = arith.addi %add3A_1385, %mul3A_1384 : i32
        %get3A_1387 = arith.index_cast %add3A_1386 : i32 to index
        %get3A_1388 = arith.constant 0 : index
        %get3A_1389 = tpu.vector_load %arg12[%get3A_1387, %get3A_1388] {strides = array<i32>} : memref<26x16xf32, #tpu.memory_space<vmem>>, vector<16xf32>,
        %mul3A_1390 = arith.constant 64 : i32
        %mul3A_1391 = arith.muli %add3A_1386, %mul3A_1390 : i32
        %add3A_1392 = arith.constant 16 : i32
        %add3A_1393 = arith.addi %mul3A_1391, %add3A_1392 : i32
        %add3A_1394 = arith.constant 0 : i32
        %add3A_1395 = arith.addi %add3A_1393, %add3A_1394 : i32
        %get3A_1396 = arith.index_cast %add3A_1395 : i32 to index
        %get3A_1397 = arith.constant 0 : index
        %get3A_1398 = tpu.vector_load %arg10[%get3A_1396, %get3A_1397] {strides = array<i32>} : memref<1664x16xf32, #tpu.memory_space<vmem>>, vector<16xf32>,
        %mul3A_1399 = arith.mulf %get3A_1398, %get3A_1389 : vector<16xf32>
        %add3A_1400 = arith.addf %add3A_1215, %mul3A_1399 : vector<16xf32>
        %mul3A_1401 = arith.constant 64 : i32
        %mul3A_1402 = arith.muli %add3A_1386, %mul3A_1401 : i32
        %add3A_1403 = arith.constant 16 : i32
        %add3A_1404 = arith.addi %mul3A_1402, %add3A_1403 : i32
        %add3A_1405 = arith.constant 1 : i32
        %add3A_1406 = arith.addi %add3A_1404, %add3A_1405 : i32
        %get3A_1407 = arith.index_cast %add3A_1406 : i32 to index
        %get3A_1408 = arith.constant 0 : index
        %get3A_1409 = tpu.vector_load %arg10[%get3A_1407, %get3A_1408] {strides = array<i32>} : memref<1664x16xf32, #tpu.memory_space<vmem>>, vector<16xf32>,
        %mul3A_1410 = arith.mulf %get3A_1409, %get3A_1389 : vector<16xf32>
        %add3A_1411 = arith.addf %add3A_1226, %mul3A_1410 : vector<16xf32>
        %mul3A_1412 = arith.constant 64 : i32
        %mul3A_1413 = arith.muli %add3A_1386, %mul3A_1412 : i32
        %add3A_1414 = arith.constant 16 : i32
        %add3A_1415 = arith.addi %mul3A_1413, %add3A_1414 : i32
        %add3A_1416 = arith.constant 2 : i32
        %add3A_1417 = arith.addi %add3A_1415, %add3A_1416 : i32
        %get3A_1418 = arith.index_cast %add3A_1417 : i32 to index
        %get3A_1419 = arith.constant 0 : index
        %get3A_1420 = tpu.vector_load %arg10[%get3A_1418, %get3A_1419] {strides = array<i32>} : memref<1664x16xf32, #tpu.memory_space<vmem>>, vector<16xf32>,
        %mul3A_1421 = arith.mulf %get3A_1420, %get3A_1389 : vector<16xf32>
        %add3A_1422 = arith.addf %add3A_1237, %mul3A_1421 : vector<16xf32>
        %mul3A_1423 = arith.constant 64 : i32
        %mul3A_1424 = arith.muli %add3A_1386, %mul3A_1423 : i32
        %add3A_1425 = arith.constant 16 : i32
        %add3A_1426 = arith.addi %mul3A_1424, %add3A_1425 : i32
        %add3A_1427 = arith.constant 3 : i32
        %add3A_1428 = arith.addi %add3A_1426, %add3A_1427 : i32
        %get3A_1429 = arith.index_cast %add3A_1428 : i32 to index
        %get3A_1430 = arith.constant 0 : index
        %get3A_1431 = tpu.vector_load %arg10[%get3A_1429, %get3A_1430] {strides = array<i32>} : memref<1664x16xf32, #tpu.memory_space<vmem>>, vector<16xf32>,
        %mul3A_1432 = arith.mulf %get3A_1431, %get3A_1389 : vector<16xf32>
        %add3A_1433 = arith.addf %add3A_1248, %mul3A_1432 : vector<16xf32>
        %mul3A_1434 = arith.constant 64 : i32
        %mul3A_1435 = arith.muli %add3A_1386, %mul3A_1434 : i32
        %add3A_1436 = arith.constant 16 : i32
        %add3A_1437 = arith.addi %mul3A_1435, %add3A_1436 : i32
        %add3A_1438 = arith.constant 4 : i32
        %add3A_1439 = arith.addi %add3A_1437, %add3A_1438 : i32
        %get3A_1440 = arith.index_cast %add3A_1439 : i32 to index
        %get3A_1441 = arith.constant 0 : index
        %get3A_1442 = tpu.vector_load %arg10[%get3A_1440, %get3A_1441] {strides = array<i32>} : memref<1664x16xf32, #tpu.memory_space<vmem>>, vector<16xf32>,
        %mul3A_1443 = arith.mulf %get3A_1442, %get3A_1389 : vector<16xf32>
        %add3A_1444 = arith.addf %add3A_1259, %mul3A_1443 : vector<16xf32>
        %mul3A_1445 = arith.constant 64 : i32
        %mul3A_1446 = arith.muli %add3A_1386, %mul3A_1445 : i32
        %add3A_1447 = arith.constant 16 : i32
        %add3A_1448 = arith.addi %mul3A_1446, %add3A_1447 : i32
        %add3A_1449 = arith.constant 5 : i32
        %add3A_1450 = arith.addi %add3A_1448, %add3A_1449 : i32
        %get3A_1451 = arith.index_cast %add3A_1450 : i32 to index
        %get3A_1452 = arith.constant 0 : index
        %get3A_1453 = tpu.vector_load %arg10[%get3A_1451, %get3A_1452] {strides = array<i32>} : memref<1664x16xf32, #tpu.memory_space<vmem>>, vector<16xf32>,
        %mul3A_1454 = arith.mulf %get3A_1453, %get3A_1389 : vector<16xf32>
        %add3A_1455 = arith.addf %add3A_1270, %mul3A_1454 : vector<16xf32>
        %mul3A_1456 = arith.constant 64 : i32
        %mul3A_1457 = arith.muli %add3A_1386, %mul3A_1456 : i32
        %add3A_1458 = arith.constant 16 : i32
        %add3A_1459 = arith.addi %mul3A_1457, %add3A_1458 : i32
        %add3A_1460 = arith.constant 6 : i32
        %add3A_1461 = arith.addi %add3A_1459, %add3A_1460 : i32
        %get3A_1462 = arith.index_cast %add3A_1461 : i32 to index
        %get3A_1463 = arith.constant 0 : index
        %get3A_1464 = tpu.vector_load %arg10[%get3A_1462, %get3A_1463] {strides = array<i32>} : memref<1664x16xf32, #tpu.memory_space<vmem>>, vector<16xf32>,
        %mul3A_1465 = arith.mulf %get3A_1464, %get3A_1389 : vector<16xf32>
        %add3A_1466 = arith.addf %add3A_1281, %mul3A_1465 : vector<16xf32>
        %mul3A_1467 = arith.constant 64 : i32
        %mul3A_1468 = arith.muli %add3A_1386, %mul3A_1467 : i32
        %add3A_1469 = arith.constant 16 : i32
        %add3A_1470 = arith.addi %mul3A_1468, %add3A_1469 : i32
        %add3A_1471 = arith.constant 7 : i32
        %add3A_1472 = arith.addi %add3A_1470, %add3A_1471 : i32
        %get3A_1473 = arith.index_cast %add3A_1472 : i32 to index
        %get3A_1474 = arith.constant 0 : index
        %get3A_1475 = tpu.vector_load %arg10[%get3A_1473, %get3A_1474] {strides = array<i32>} : memref<1664x16xf32, #tpu.memory_space<vmem>>, vector<16xf32>,
        %mul3A_1476 = arith.mulf %get3A_1475, %get3A_1389 : vector<16xf32>
        %add3A_1477 = arith.addf %add3A_1292, %mul3A_1476 : vector<16xf32>
        %mul3A_1478 = arith.constant 64 : i32
        %mul3A_1479 = arith.muli %add3A_1386, %mul3A_1478 : i32
        %add3A_1480 = arith.constant 16 : i32
        %add3A_1481 = arith.addi %mul3A_1479, %add3A_1480 : i32
        %add3A_1482 = arith.constant 8 : i32
        %add3A_1483 = arith.addi %add3A_1481, %add3A_1482 : i32
        %get3A_1484 = arith.index_cast %add3A_1483 : i32 to index
        %get3A_1485 = arith.constant 0 : index
        %get3A_1486 = tpu.vector_load %arg10[%get3A_1484, %get3A_1485] {strides = array<i32>} : memref<1664x16xf32, #tpu.memory_space<vmem>>, vector<16xf32>,
        %mul3A_1487 = arith.mulf %get3A_1486, %get3A_1389 : vector<16xf32>
        %add3A_1488 = arith.addf %add3A_1303, %mul3A_1487 : vector<16xf32>
        %mul3A_1489 = arith.constant 64 : i32
        %mul3A_1490 = arith.muli %add3A_1386, %mul3A_1489 : i32
        %add3A_1491 = arith.constant 16 : i32
        %add3A_1492 = arith.addi %mul3A_1490, %add3A_1491 : i32
        %add3A_1493 = arith.constant 9 : i32
        %add3A_1494 = arith.addi %add3A_1492, %add3A_1493 : i32
        %get3A_1495 = arith.index_cast %add3A_1494 : i32 to index
        %get3A_1496 = arith.constant 0 : index
        %get3A_1497 = tpu.vector_load %arg10[%get3A_1495, %get3A_1496] {strides = array<i32>} : memref<1664x16xf32, #tpu.memory_space<vmem>>, vector<16xf32>,
        %mul3A_1498 = arith.mulf %get3A_1497, %get3A_1389 : vector<16xf32>
        %add3A_1499 = arith.addf %add3A_1314, %mul3A_1498 : vector<16xf32>
        %mul3A_1500 = arith.constant 64 : i32
        %mul3A_1501 = arith.muli %add3A_1386, %mul3A_1500 : i32
        %add3A_1502 = arith.constant 16 : i32
        %add3A_1503 = arith.addi %mul3A_1501, %add3A_1502 : i32
        %add3A_1504 = arith.constant 10 : i32
        %add3A_1505 = arith.addi %add3A_1503, %add3A_1504 : i32
        %get3A_1506 = arith.index_cast %add3A_1505 : i32 to index
        %get3A_1507 = arith.constant 0 : index
        %get3A_1508 = tpu.vector_load %arg10[%get3A_1506, %get3A_1507] {strides = array<i32>} : memref<1664x16xf32, #tpu.memory_space<vmem>>, vector<16xf32>,
        %mul3A_1509 = arith.mulf %get3A_1508, %get3A_1389 : vector<16xf32>
        %add3A_1510 = arith.addf %add3A_1325, %mul3A_1509 : vector<16xf32>
        %mul3A_1511 = arith.constant 64 : i32
        %mul3A_1512 = arith.muli %add3A_1386, %mul3A_1511 : i32
        %add3A_1513 = arith.constant 16 : i32
        %add3A_1514 = arith.addi %mul3A_1512, %add3A_1513 : i32
        %add3A_1515 = arith.constant 11 : i32
        %add3A_1516 = arith.addi %add3A_1514, %add3A_1515 : i32
        %get3A_1517 = arith.index_cast %add3A_1516 : i32 to index
        %get3A_1518 = arith.constant 0 : index
        %get3A_1519 = tpu.vector_load %arg10[%get3A_1517, %get3A_1518] {strides = array<i32>} : memref<1664x16xf32, #tpu.memory_space<vmem>>, vector<16xf32>,
        %mul3A_1520 = arith.mulf %get3A_1519, %get3A_1389 : vector<16xf32>
        %add3A_1521 = arith.addf %add3A_1336, %mul3A_1520 : vector<16xf32>
        %mul3A_1522 = arith.constant 64 : i32
        %mul3A_1523 = arith.muli %add3A_1386, %mul3A_1522 : i32
        %add3A_1524 = arith.constant 16 : i32
        %add3A_1525 = arith.addi %mul3A_1523, %add3A_1524 : i32
        %add3A_1526 = arith.constant 12 : i32
        %add3A_1527 = arith.addi %add3A_1525, %add3A_1526 : i32
        %get3A_1528 = arith.index_cast %add3A_1527 : i32 to index
        %get3A_1529 = arith.constant 0 : index
        %get3A_1530 = tpu.vector_load %arg10[%get3A_1528, %get3A_1529] {strides = array<i32>} : memref<1664x16xf32, #tpu.memory_space<vmem>>, vector<16xf32>,
        %mul3A_1531 = arith.mulf %get3A_1530, %get3A_1389 : vector<16xf32>
        %add3A_1532 = arith.addf %add3A_1347, %mul3A_1531 : vector<16xf32>
        %mul3A_1533 = arith.constant 64 : i32
        %mul3A_1534 = arith.muli %add3A_1386, %mul3A_1533 : i32
        %add3A_1535 = arith.constant 16 : i32
        %add3A_1536 = arith.addi %mul3A_1534, %add3A_1535 : i32
        %add3A_1537 = arith.constant 13 : i32
        %add3A_1538 = arith.addi %add3A_1536, %add3A_1537 : i32
        %get3A_1539 = arith.index_cast %add3A_1538 : i32 to index
        %get3A_1540 = arith.constant 0 : index
        %get3A_1541 = tpu.vector_load %arg10[%get3A_1539, %get3A_1540] {strides = array<i32>} : memref<1664x16xf32, #tpu.memory_space<vmem>>, vector<16xf32>,
        %mul3A_1542 = arith.mulf %get3A_1541, %get3A_1389 : vector<16xf32>
        %add3A_1543 = arith.addf %add3A_1358, %mul3A_1542 : vector<16xf32>
        %mul3A_1544 = arith.constant 64 : i32
        %mul3A_1545 = arith.muli %add3A_1386, %mul3A_1544 : i32
        %add3A_1546 = arith.constant 16 : i32
        %add3A_1547 = arith.addi %mul3A_1545, %add3A_1546 : i32
        %add3A_1548 = arith.constant 14 : i32
        %add3A_1549 = arith.addi %add3A_1547, %add3A_1548 : i32
        %get3A_1550 = arith.index_cast %add3A_1549 : i32 to index
        %get3A_1551 = arith.constant 0 : index
        %get3A_1552 = tpu.vector_load %arg10[%get3A_1550, %get3A_1551] {strides = array<i32>} : memref<1664x16xf32, #tpu.memory_space<vmem>>, vector<16xf32>,
        %mul3A_1553 = arith.mulf %get3A_1552, %get3A_1389 : vector<16xf32>
        %add3A_1554 = arith.addf %add3A_1369, %mul3A_1553 : vector<16xf32>
        %mul3A_1555 = arith.constant 64 : i32
        %mul3A_1556 = arith.muli %add3A_1386, %mul3A_1555 : i32
        %add3A_1557 = arith.constant 16 : i32
        %add3A_1558 = arith.addi %mul3A_1556, %add3A_1557 : i32
        %add3A_1559 = arith.constant 15 : i32
        %add3A_1560 = arith.addi %add3A_1558, %add3A_1559 : i32
        %get3A_1561 = arith.index_cast %add3A_1560 : i32 to index
        %get3A_1562 = arith.constant 0 : index
        %get3A_1563 = tpu.vector_load %arg10[%get3A_1561, %get3A_1562] {strides = array<i32>} : memref<1664x16xf32, #tpu.memory_space<vmem>>, vector<16xf32>,
        %mul3A_1564 = arith.mulf %get3A_1563, %get3A_1389 : vector<16xf32>
        %add3A_1565 = arith.addf %add3A_1380, %mul3A_1564 : vector<16xf32>
        scf.yield %add3A_1400, %add3A_1411, %add3A_1422, %add3A_1433, %add3A_1444, %add3A_1455, %add3A_1466, %add3A_1477, %add3A_1488, %add3A_1499, %add3A_1510, %add3A_1521, %add3A_1532, %add3A_1543, %add3A_1554, %add3A_1565 : vector<16xf32>, vector<16xf32>, vector<16xf32>, vector<16xf32>, vector<16xf32>, vector<16xf32>, vector<16xf32>, vector<16xf32>, vector<16xf32>, vector<16xf32>, vector<16xf32>, vector<16xf32>, vector<16xf32>, vector<16xf32>, vector<16xf32>, vector<16xf32>
      }
      %scan3A_178 = arith.constant 26 : i32
      %swap3A_179 = arith.constant 0 : i32
      %swap3A_180 = arith.index_cast %swap3A_179 : i32 to index
      %swap3A_181 = arith.constant 0 : index
      %swap3A_182 = tpu.vector_load %arg14[%swap3A_180, %swap3A_181] {strides = array<i32>} : memref<16x16xf32, #tpu.memory_space<vmem>>, vector<16xf32>,
      tpu.vector_store %arg14[%swap3A_180, %swap3A_181], %scan3A_177#0 {strides = array<i32>} : memref<16x16xf32, #tpu.memory_space<vmem>>, vector<16xf32>,
      %swap3A_183 = arith.constant 1 : i32
      %swap3A_184 = arith.index_cast %swap3A_183 : i32 to index
      %swap3A_185 = arith.constant 0 : index
      %swap3A_186 = tpu.vector_load %arg14[%swap3A_184, %swap3A_185] {strides = array<i32>} : memref<16x16xf32, #tpu.memory_space<vmem>>, vector<16xf32>,
      tpu.vector_store %arg14[%swap3A_184, %swap3A_185], %scan3A_177#1 {strides = array<i32>} : memref<16x16xf32, #tpu.memory_space<vmem>>, vector<16xf32>,
      %swap3A_187 = arith.constant 2 : i32
      %swap3A_188 = arith.index_cast %swap3A_187 : i32 to index
      %swap3A_189 = arith.constant 0 : index
      %swap3A_190 = tpu.vector_load %arg14[%swap3A_188, %swap3A_189] {strides = array<i32>} : memref<16x16xf32, #tpu.memory_space<vmem>>, vector<16xf32>,
      tpu.vector_store %arg14[%swap3A_188, %swap3A_189], %scan3A_177#2 {strides = array<i32>} : memref<16x16xf32, #tpu.memory_space<vmem>>, vector<16xf32>,
      %swap3A_191 = arith.constant 3 : i32
      %swap3A_192 = arith.index_cast %swap3A_191 : i32 to index
      %swap3A_193 = arith.constant 0 : index
      %swap3A_194 = tpu.vector_load %arg14[%swap3A_192, %swap3A_193] {strides = array<i32>} : memref<16x16xf32, #tpu.memory_space<vmem>>, vector<16xf32>,
      tpu.vector_store %arg14[%swap3A_192, %swap3A_193], %scan3A_177#3 {strides = array<i32>} : memref<16x16xf32, #tpu.memory_space<vmem>>, vector<16xf32>,
      %swap3A_195 = arith.constant 4 : i32
      %swap3A_196 = arith.index_cast %swap3A_195 : i32 to index
      %swap3A_197 = arith.constant 0 : index
      %swap3A_198 = tpu.vector_load %arg14[%swap3A_196, %swap3A_197] {strides = array<i32>} : memref<16x16xf32, #tpu.memory_space<vmem>>, vector<16xf32>,
      tpu.vector_store %arg14[%swap3A_196, %swap3A_197], %scan3A_177#4 {strides = array<i32>} : memref<16x16xf32, #tpu.memory_space<vmem>>, vector<16xf32>,
      %swap3A_199 = arith.constant 5 : i32
      %swap3A_200 = arith.index_cast %swap3A_199 : i32 to index
      %swap3A_201 = arith.constant 0 : index
      %swap3A_202 = tpu.vector_load %arg14[%swap3A_200, %swap3A_201] {strides = array<i32>} : memref<16x16xf32, #tpu.memory_space<vmem>>, vector<16xf32>,
      tpu.vector_store %arg14[%swap3A_200, %swap3A_201], %scan3A_177#5 {strides = array<i32>} : memref<16x16xf32, #tpu.memory_space<vmem>>, vector<16xf32>,
      %swap3A_203 = arith.constant 6 : i32
      %swap3A_204 = arith.index_cast %swap3A_203 : i32 to index
      %swap3A_205 = arith.constant 0 : index
      %swap3A_206 = tpu.vector_load %arg14[%swap3A_204, %swap3A_205] {strides = array<i32>} : memref<16x16xf32, #tpu.memory_space<vmem>>, vector<16xf32>,
      tpu.vector_store %arg14[%swap3A_204, %swap3A_205], %scan3A_177#6 {strides = array<i32>} : memref<16x16xf32, #tpu.memory_space<vmem>>, vector<16xf32>,
      %swap3A_207 = arith.constant 7 : i32
      %swap3A_208 = arith.index_cast %swap3A_207 : i32 to index
      %swap3A_209 = arith.constant 0 : index
      %swap3A_210 = tpu.vector_load %arg14[%swap3A_208, %swap3A_209] {strides = array<i32>} : memref<16x16xf32, #tpu.memory_space<vmem>>, vector<16xf32>,
      tpu.vector_store %arg14[%swap3A_208, %swap3A_209], %scan3A_177#7 {strides = array<i32>} : memref<16x16xf32, #tpu.memory_space<vmem>>, vector<16xf32>,
      %swap3A_211 = arith.constant 8 : i32
      %swap3A_212 = arith.index_cast %swap3A_211 : i32 to index
      %swap3A_213 = arith.constant 0 : index
      %swap3A_214 = tpu.vector_load %arg14[%swap3A_212, %swap3A_213] {strides = array<i32>} : memref<16x16xf32, #tpu.memory_space<vmem>>, vector<16xf32>,
      tpu.vector_store %arg14[%swap3A_212, %swap3A_213], %scan3A_177#8 {strides = array<i32>} : memref<16x16xf32, #tpu.memory_space<vmem>>, vector<16xf32>,
      %swap3A_215 = arith.constant 9 : i32
      %swap3A_216 = arith.index_cast %swap3A_215 : i32 to index
      %swap3A_217 = arith.constant 0 : index
      %swap3A_218 = tpu.vector_load %arg14[%swap3A_216, %swap3A_217] {strides = array<i32>} : memref<16x16xf32, #tpu.memory_space<vmem>>, vector<16xf32>,
      tpu.vector_store %arg14[%swap3A_216, %swap3A_217], %scan3A_177#9 {strides = array<i32>} : memref<16x16xf32, #tpu.memory_space<vmem>>, vector<16xf32>,
      %swap3A_219 = arith.constant 10 : i32
      %swap3A_220 = arith.index_cast %swap3A_219 : i32 to index
      %swap3A_221 = arith.constant 0 : index
      %swap3A_222 = tpu.vector_load %arg14[%swap3A_220, %swap3A_221] {strides = array<i32>} : memref<16x16xf32, #tpu.memory_space<vmem>>, vector<16xf32>,
      tpu.vector_store %arg14[%swap3A_220, %swap3A_221], %scan3A_177#10 {strides = array<i32>} : memref<16x16xf32, #tpu.memory_space<vmem>>, vector<16xf32>,
      %swap3A_223 = arith.constant 11 : i32
      %swap3A_224 = arith.index_cast %swap3A_223 : i32 to index
      %swap3A_225 = arith.constant 0 : index
      %swap3A_226 = tpu.vector_load %arg14[%swap3A_224, %swap3A_225] {strides = array<i32>} : memref<16x16xf32, #tpu.memory_space<vmem>>, vector<16xf32>,
      tpu.vector_store %arg14[%swap3A_224, %swap3A_225], %scan3A_177#11 {strides = array<i32>} : memref<16x16xf32, #tpu.memory_space<vmem>>, vector<16xf32>,
      %swap3A_227 = arith.constant 12 : i32
      %swap3A_228 = arith.index_cast %swap3A_227 : i32 to index
      %swap3A_229 = arith.constant 0 : index
      %swap3A_230 = tpu.vector_load %arg14[%swap3A_228, %swap3A_229] {strides = array<i32>} : memref<16x16xf32, #tpu.memory_space<vmem>>, vector<16xf32>,
      tpu.vector_store %arg14[%swap3A_228, %swap3A_229], %scan3A_177#12 {strides = array<i32>} : memref<16x16xf32, #tpu.memory_space<vmem>>, vector<16xf32>,
      %swap3A_231 = arith.constant 13 : i32
      %swap3A_232 = arith.index_cast %swap3A_231 : i32 to index
      %swap3A_233 = arith.constant 0 : index
      %swap3A_234 = tpu.vector_load %arg14[%swap3A_232, %swap3A_233] {strides = array<i32>} : memref<16x16xf32, #tpu.memory_space<vmem>>, vector<16xf32>,
      tpu.vector_store %arg14[%swap3A_232, %swap3A_233], %scan3A_177#13 {strides = array<i32>} : memref<16x16xf32, #tpu.memory_space<vmem>>, vector<16xf32>,
      %swap3A_235 = arith.constant 14 : i32
      %swap3A_236 = arith.index_cast %swap3A_235 : i32 to index
      %swap3A_237 = arith.constant 0 : index
      %swap3A_238 = tpu.vector_load %arg14[%swap3A_236, %swap3A_237] {strides = array<i32>} : memref<16x16xf32, #tpu.memory_space<vmem>>, vector<16xf32>,
      tpu.vector_store %arg14[%swap3A_236, %swap3A_237], %scan3A_177#14 {strides = array<i32>} : memref<16x16xf32, #tpu.memory_space<vmem>>, vector<16xf32>,
      %swap3A_239 = arith.constant 15 : i32
      %swap3A_240 = arith.index_cast %swap3A_239 : i32 to index
      %swap3A_241 = arith.constant 0 : index
      %swap3A_242 = tpu.vector_load %arg14[%swap3A_240, %swap3A_241] {strides = array<i32>} : memref<16x16xf32, #tpu.memory_space<vmem>>, vector<16xf32>,
      tpu.vector_store %arg14[%swap3A_240, %swap3A_241], %scan3A_177#15 {strides = array<i32>} : memref<16x16xf32, #tpu.memory_space<vmem>>, vector<16xf32>,
      %iota3A_243 = tpu.iota {dimensions = array<i32: 0>} : vector<16xi32>
      %broadcast_in_dim3A_244 = arith.constant 0 : i32
      %broadcast_in_dim3A_245 = vector.broadcast %broadcast_in_dim3A_244 : i32 to vector<16xi32>
      %gather3A_246 = tpu.vector_load_idx %arg14[%iota3A_243, %broadcast_in_dim3A_245] : memref<16x16xf32, #tpu.memory_space<vmem>>[vector<16xi32>, vector<16xi32>], vector<16xf32>,
      %broadcast_in_dim3A_247 = arith.constant 1 : i32
      %broadcast_in_dim3A_248 = vector.broadcast %broadcast_in_dim3A_247 : i32 to vector<16xi32>
      %gather3A_249 = tpu.vector_load_idx %arg14[%iota3A_243, %broadcast_in_dim3A_248] : memref<16x16xf32, #tpu.memory_space<vmem>>[vector<16xi32>, vector<16xi32>], vector<16xf32>,
      %add3A_250 = arith.addf %gather3A_246, %gather3A_249 : vector<16xf32>
      %broadcast_in_dim3A_251 = arith.constant 2 : i32
      %broadcast_in_dim3A_252 = vector.broadcast %broadcast_in_dim3A_251 : i32 to vector<16xi32>
      %gather3A_253 = tpu.vector_load_idx %arg14[%iota3A_243, %broadcast_in_dim3A_252] : memref<16x16xf32, #tpu.memory_space<vmem>>[vector<16xi32>, vector<16xi32>], vector<16xf32>,
      %add3A_254 = arith.addf %add3A_250, %gather3A_253 : vector<16xf32>
      %broadcast_in_dim3A_255 = arith.constant 3 : i32
      %broadcast_in_dim3A_256 = vector.broadcast %broadcast_in_dim3A_255 : i32 to vector<16xi32>
      %gather3A_257 = tpu.vector_load_idx %arg14[%iota3A_243, %broadcast_in_dim3A_256] : memref<16x16xf32, #tpu.memory_space<vmem>>[vector<16xi32>, vector<16xi32>], vector<16xf32>,
      %add3A_258 = arith.addf %add3A_254, %gather3A_257 : vector<16xf32>
      %broadcast_in_dim3A_259 = arith.constant 4 : i32
      %broadcast_in_dim3A_260 = vector.broadcast %broadcast_in_dim3A_259 : i32 to vector<16xi32>
      %gather3A_261 = tpu.vector_load_idx %arg14[%iota3A_243, %broadcast_in_dim3A_260] : memref<16x16xf32, #tpu.memory_space<vmem>>[vector<16xi32>, vector<16xi32>], vector<16xf32>,
      %broadcast_in_dim3A_262 = arith.constant 5 : i32
      %broadcast_in_dim3A_263 = vector.broadcast %broadcast_in_dim3A_262 : i32 to vector<16xi32>
      %gather3A_264 = tpu.vector_load_idx %arg14[%iota3A_243, %broadcast_in_dim3A_263] : memref<16x16xf32, #tpu.memory_space<vmem>>[vector<16xi32>, vector<16xi32>], vector<16xf32>,
      %add3A_265 = arith.addf %gather3A_261, %gather3A_264 : vector<16xf32>
      %broadcast_in_dim3A_266 = arith.constant 6 : i32
      %broadcast_in_dim3A_267 = vector.broadcast %broadcast_in_dim3A_266 : i32 to vector<16xi32>
      %gather3A_268 = tpu.vector_load_idx %arg14[%iota3A_243, %broadcast_in_dim3A_267] : memref<16x16xf32, #tpu.memory_space<vmem>>[vector<16xi32>, vector<16xi32>], vector<16xf32>,
      %add3A_269 = arith.addf %add3A_265, %gather3A_268 : vector<16xf32>
      %broadcast_in_dim3A_270 = arith.constant 7 : i32
      %broadcast_in_dim3A_271 = vector.broadcast %broadcast_in_dim3A_270 : i32 to vector<16xi32>
      %gather3A_272 = tpu.vector_load_idx %arg14[%iota3A_243, %broadcast_in_dim3A_271] : memref<16x16xf32, #tpu.memory_space<vmem>>[vector<16xi32>, vector<16xi32>], vector<16xf32>,
      %add3A_273 = arith.addf %add3A_269, %gather3A_272 : vector<16xf32>
      %broadcast_in_dim3A_274 = arith.constant 8 : i32
      %broadcast_in_dim3A_275 = vector.broadcast %broadcast_in_dim3A_274 : i32 to vector<16xi32>
      %gather3A_276 = tpu.vector_load_idx %arg14[%iota3A_243, %broadcast_in_dim3A_275] : memref<16x16xf32, #tpu.memory_space<vmem>>[vector<16xi32>, vector<16xi32>], vector<16xf32>,
      %broadcast_in_dim3A_277 = arith.constant 9 : i32
      %broadcast_in_dim3A_278 = vector.broadcast %broadcast_in_dim3A_277 : i32 to vector<16xi32>
      %gather3A_279 = tpu.vector_load_idx %arg14[%iota3A_243, %broadcast_in_dim3A_278] : memref<16x16xf32, #tpu.memory_space<vmem>>[vector<16xi32>, vector<16xi32>], vector<16xf32>,
      %add3A_280 = arith.addf %gather3A_276, %gather3A_279 : vector<16xf32>
      %broadcast_in_dim3A_281 = arith.constant 10 : i32
      %broadcast_in_dim3A_282 = vector.broadcast %broadcast_in_dim3A_281 : i32 to vector<16xi32>
      %gather3A_283 = tpu.vector_load_idx %arg14[%iota3A_243, %broadcast_in_dim3A_282] : memref<16x16xf32, #tpu.memory_space<vmem>>[vector<16xi32>, vector<16xi32>], vector<16xf32>,
      %add3A_284 = arith.addf %add3A_280, %gather3A_283 : vector<16xf32>
      %broadcast_in_dim3A_285 = arith.constant 11 : i32
      %broadcast_in_dim3A_286 = vector.broadcast %broadcast_in_dim3A_285 : i32 to vector<16xi32>
      %gather3A_287 = tpu.vector_load_idx %arg14[%iota3A_243, %broadcast_in_dim3A_286] : memref<16x16xf32, #tpu.memory_space<vmem>>[vector<16xi32>, vector<16xi32>], vector<16xf32>,
      %add3A_288 = arith.addf %add3A_284, %gather3A_287 : vector<16xf32>
      %broadcast_in_dim3A_289 = arith.constant 12 : i32
      %broadcast_in_dim3A_290 = vector.broadcast %broadcast_in_dim3A_289 : i32 to vector<16xi32>
      %gather3A_291 = tpu.vector_load_idx %arg14[%iota3A_243, %broadcast_in_dim3A_290] : memref<16x16xf32, #tpu.memory_space<vmem>>[vector<16xi32>, vector<16xi32>], vector<16xf32>,
      %broadcast_in_dim3A_292 = arith.constant 13 : i32
      %broadcast_in_dim3A_293 = vector.broadcast %broadcast_in_dim3A_292 : i32 to vector<16xi32>
      %gather3A_294 = tpu.vector_load_idx %arg14[%iota3A_243, %broadcast_in_dim3A_293] : memref<16x16xf32, #tpu.memory_space<vmem>>[vector<16xi32>, vector<16xi32>], vector<16xf32>,
      %add3A_295 = arith.addf %gather3A_291, %gather3A_294 : vector<16xf32>
      %broadcast_in_dim3A_296 = arith.constant 14 : i32
      %broadcast_in_dim3A_297 = vector.broadcast %broadcast_in_dim3A_296 : i32 to vector<16xi32>
      %gather3A_298 = tpu.vector_load_idx %arg14[%iota3A_243, %broadcast_in_dim3A_297] : memref<16x16xf32, #tpu.memory_space<vmem>>[vector<16xi32>, vector<16xi32>], vector<16xf32>,
      %add3A_299 = arith.addf %add3A_295, %gather3A_298 : vector<16xf32>
      %broadcast_in_dim3A_300 = arith.constant 15 : i32
      %broadcast_in_dim3A_301 = vector.broadcast %broadcast_in_dim3A_300 : i32 to vector<16xi32>
      %gather3A_302 = tpu.vector_load_idx %arg14[%iota3A_243, %broadcast_in_dim3A_301] : memref<16x16xf32, #tpu.memory_space<vmem>>[vector<16xi32>, vector<16xi32>], vector<16xf32>,
      %add3A_303 = arith.addf %add3A_299, %gather3A_302 : vector<16xf32>
      %add3A_304 = arith.addf %add3A_258, %add3A_273 : vector<16xf32>
      %add3A_305 = arith.addf %add3A_288, %add3A_303 : vector<16xf32>
      %add3A_306 = arith.addf %add3A_304, %add3A_305 : vector<16xf32>
      %add3A_307 = arith.addf %add3A_306, %get3A_3 : vector<16xf32>
      %mul3A_308 = arith.constant 64 : i32
      %mul3A_309 = arith.muli %add3A_19, %mul3A_308 : i32
      %add3A_310 = arith.constant 16 : i32
      %add3A_311 = arith.addi %mul3A_309, %add3A_310 : i32
      %swap3A_312 = arith.index_cast %add3A_311 : i32 to index
      %swap3A_313 = tpu.vector_load %arg15[%swap3A_312] {strides = array<i32>} : memref<512xf32, #tpu.memory_space<vmem>>, vector<16xf32>,
      tpu.vector_store %arg15[%swap3A_312], %add3A_307 {strides = array<i32>} : memref<512xf32, #tpu.memory_space<vmem>>, vector<16xf32>,
      %broadcast_in_dim3A_314 = arith.constant 0.000000e+00 : f32
      %broadcast_in_dim3A_315 = vector.broadcast %broadcast_in_dim3A_314 : f32 to vector<16xf32>
      %scan3A_316 = arith.constant 0 : i32
      %scan3A_317 = arith.constant 26 : i32
      %scan3A_318 = arith.addi %scan3A_316, %scan3A_317 : i32
      %scan3A_319 = arith.constant 2 : i32
      %scan3A_320:16 = scf.for %scan3A_1181 = %scan3A_316 to %scan3A_318 step %scan3A_319 iter_args(%scan3A_1182 = %broadcast_in_dim3A_315, %scan3A_1183 = %broadcast_in_dim3A_315, %scan3A_1184 = %broadcast_in_dim3A_315, %scan3A_1185 = %broadcast_in_dim3A_315, %scan3A_1186 = %broadcast_in_dim3A_315, %scan3A_1187 = %broadcast_in_dim3A_315, %scan3A_1188 = %broadcast_in_dim3A_315, %scan3A_1189 = %broadcast_in_dim3A_315, %scan3A_1190 = %broadcast_in_dim3A_315, %scan3A_1191 = %broadcast_in_dim3A_315, %scan3A_1192 = %broadcast_in_dim3A_315, %scan3A_1193 = %broadcast_in_dim3A_315, %scan3A_1194 = %broadcast_in_dim3A_315, %scan3A_1195 = %broadcast_in_dim3A_315, %scan3A_1196 = %broadcast_in_dim3A_315, %scan3A_1197 = %broadcast_in_dim3A_315) -> (vector<16xf32>, vector<16xf32>, vector<16xf32>, vector<16xf32>, vector<16xf32>, vector<16xf32>, vector<16xf32>, vector<16xf32>, vector<16xf32>, vector<16xf32>, vector<16xf32>, vector<16xf32>, vector<16xf32>, vector<16xf32>, vector<16xf32>, vector<16xf32>)  : i32 {
        %mul3A_1198 = arith.constant 1 : i32
        %mul3A_1199 = arith.muli %scan3A_1181, %mul3A_1198 : i32
        %add3A_1200 = arith.constant 0 : i32
        %add3A_1201 = arith.addi %add3A_1200, %mul3A_1199 : i32
        %get3A_1202 = arith.index_cast %add3A_1201 : i32 to index
        %get3A_1203 = arith.constant 0 : index
        %get3A_1204 = tpu.vector_load %arg12[%get3A_1202, %get3A_1203] {strides = array<i32>} : memref<26x16xf32, #tpu.memory_space<vmem>>, vector<16xf32>,
        %mul3A_1205 = arith.constant 64 : i32
        %mul3A_1206 = arith.muli %add3A_1201, %mul3A_1205 : i32
        %add3A_1207 = arith.constant 32 : i32
        %add3A_1208 = arith.addi %mul3A_1206, %add3A_1207 : i32
        %add3A_1209 = arith.constant 0 : i32
        %add3A_1210 = arith.addi %add3A_1208, %add3A_1209 : i32
        %get3A_1211 = arith.index_cast %add3A_1210 : i32 to index
        %get3A_1212 = arith.constant 0 : index
        %get3A_1213 = tpu.vector_load %arg10[%get3A_1211, %get3A_1212] {strides = array<i32>} : memref<1664x16xf32, #tpu.memory_space<vmem>>, vector<16xf32>,
        %mul3A_1214 = arith.mulf %get3A_1213, %get3A_1204 : vector<16xf32>
        %add3A_1215 = arith.addf %scan3A_1182, %mul3A_1214 : vector<16xf32>
        %mul3A_1216 = arith.constant 64 : i32
        %mul3A_1217 = arith.muli %add3A_1201, %mul3A_1216 : i32
        %add3A_1218 = arith.constant 32 : i32
        %add3A_1219 = arith.addi %mul3A_1217, %add3A_1218 : i32
        %add3A_1220 = arith.constant 1 : i32
        %add3A_1221 = arith.addi %add3A_1219, %add3A_1220 : i32
        %get3A_1222 = arith.index_cast %add3A_1221 : i32 to index
        %get3A_1223 = arith.constant 0 : index
        %get3A_1224 = tpu.vector_load %arg10[%get3A_1222, %get3A_1223] {strides = array<i32>} : memref<1664x16xf32, #tpu.memory_space<vmem>>, vector<16xf32>,
        %mul3A_1225 = arith.mulf %get3A_1224, %get3A_1204 : vector<16xf32>
        %add3A_1226 = arith.addf %scan3A_1183, %mul3A_1225 : vector<16xf32>
        %mul3A_1227 = arith.constant 64 : i32
        %mul3A_1228 = arith.muli %add3A_1201, %mul3A_1227 : i32
        %add3A_1229 = arith.constant 32 : i32
        %add3A_1230 = arith.addi %mul3A_1228, %add3A_1229 : i32
        %add3A_1231 = arith.constant 2 : i32
        %add3A_1232 = arith.addi %add3A_1230, %add3A_1231 : i32
        %get3A_1233 = arith.index_cast %add3A_1232 : i32 to index
        %get3A_1234 = arith.constant 0 : index
        %get3A_1235 = tpu.vector_load %arg10[%get3A_1233, %get3A_1234] {strides = array<i32>} : memref<1664x16xf32, #tpu.memory_space<vmem>>, vector<16xf32>,
        %mul3A_1236 = arith.mulf %get3A_1235, %get3A_1204 : vector<16xf32>
        %add3A_1237 = arith.addf %scan3A_1184, %mul3A_1236 : vector<16xf32>
        %mul3A_1238 = arith.constant 64 : i32
        %mul3A_1239 = arith.muli %add3A_1201, %mul3A_1238 : i32
        %add3A_1240 = arith.constant 32 : i32
        %add3A_1241 = arith.addi %mul3A_1239, %add3A_1240 : i32
        %add3A_1242 = arith.constant 3 : i32
        %add3A_1243 = arith.addi %add3A_1241, %add3A_1242 : i32
        %get3A_1244 = arith.index_cast %add3A_1243 : i32 to index
        %get3A_1245 = arith.constant 0 : index
        %get3A_1246 = tpu.vector_load %arg10[%get3A_1244, %get3A_1245] {strides = array<i32>} : memref<1664x16xf32, #tpu.memory_space<vmem>>, vector<16xf32>,
        %mul3A_1247 = arith.mulf %get3A_1246, %get3A_1204 : vector<16xf32>
        %add3A_1248 = arith.addf %scan3A_1185, %mul3A_1247 : vector<16xf32>
        %mul3A_1249 = arith.constant 64 : i32
        %mul3A_1250 = arith.muli %add3A_1201, %mul3A_1249 : i32
        %add3A_1251 = arith.constant 32 : i32
        %add3A_1252 = arith.addi %mul3A_1250, %add3A_1251 : i32
        %add3A_1253 = arith.constant 4 : i32
        %add3A_1254 = arith.addi %add3A_1252, %add3A_1253 : i32
        %get3A_1255 = arith.index_cast %add3A_1254 : i32 to index
        %get3A_1256 = arith.constant 0 : index
        %get3A_1257 = tpu.vector_load %arg10[%get3A_1255, %get3A_1256] {strides = array<i32>} : memref<1664x16xf32, #tpu.memory_space<vmem>>, vector<16xf32>,
        %mul3A_1258 = arith.mulf %get3A_1257, %get3A_1204 : vector<16xf32>
        %add3A_1259 = arith.addf %scan3A_1186, %mul3A_1258 : vector<16xf32>
        %mul3A_1260 = arith.constant 64 : i32
        %mul3A_1261 = arith.muli %add3A_1201, %mul3A_1260 : i32
        %add3A_1262 = arith.constant 32 : i32
        %add3A_1263 = arith.addi %mul3A_1261, %add3A_1262 : i32
        %add3A_1264 = arith.constant 5 : i32
        %add3A_1265 = arith.addi %add3A_1263, %add3A_1264 : i32
        %get3A_1266 = arith.index_cast %add3A_1265 : i32 to index
        %get3A_1267 = arith.constant 0 : index
        %get3A_1268 = tpu.vector_load %arg10[%get3A_1266, %get3A_1267] {strides = array<i32>} : memref<1664x16xf32, #tpu.memory_space<vmem>>, vector<16xf32>,
        %mul3A_1269 = arith.mulf %get3A_1268, %get3A_1204 : vector<16xf32>
        %add3A_1270 = arith.addf %scan3A_1187, %mul3A_1269 : vector<16xf32>
        %mul3A_1271 = arith.constant 64 : i32
        %mul3A_1272 = arith.muli %add3A_1201, %mul3A_1271 : i32
        %add3A_1273 = arith.constant 32 : i32
        %add3A_1274 = arith.addi %mul3A_1272, %add3A_1273 : i32
        %add3A_1275 = arith.constant 6 : i32
        %add3A_1276 = arith.addi %add3A_1274, %add3A_1275 : i32
        %get3A_1277 = arith.index_cast %add3A_1276 : i32 to index
        %get3A_1278 = arith.constant 0 : index
        %get3A_1279 = tpu.vector_load %arg10[%get3A_1277, %get3A_1278] {strides = array<i32>} : memref<1664x16xf32, #tpu.memory_space<vmem>>, vector<16xf32>,
        %mul3A_1280 = arith.mulf %get3A_1279, %get3A_1204 : vector<16xf32>
        %add3A_1281 = arith.addf %scan3A_1188, %mul3A_1280 : vector<16xf32>
        %mul3A_1282 = arith.constant 64 : i32
        %mul3A_1283 = arith.muli %add3A_1201, %mul3A_1282 : i32
        %add3A_1284 = arith.constant 32 : i32
        %add3A_1285 = arith.addi %mul3A_1283, %add3A_1284 : i32
        %add3A_1286 = arith.constant 7 : i32
        %add3A_1287 = arith.addi %add3A_1285, %add3A_1286 : i32
        %get3A_1288 = arith.index_cast %add3A_1287 : i32 to index
        %get3A_1289 = arith.constant 0 : index
        %get3A_1290 = tpu.vector_load %arg10[%get3A_1288, %get3A_1289] {strides = array<i32>} : memref<1664x16xf32, #tpu.memory_space<vmem>>, vector<16xf32>,
        %mul3A_1291 = arith.mulf %get3A_1290, %get3A_1204 : vector<16xf32>
        %add3A_1292 = arith.addf %scan3A_1189, %mul3A_1291 : vector<16xf32>
        %mul3A_1293 = arith.constant 64 : i32
        %mul3A_1294 = arith.muli %add3A_1201, %mul3A_1293 : i32
        %add3A_1295 = arith.constant 32 : i32
        %add3A_1296 = arith.addi %mul3A_1294, %add3A_1295 : i32
        %add3A_1297 = arith.constant 8 : i32
        %add3A_1298 = arith.addi %add3A_1296, %add3A_1297 : i32
        %get3A_1299 = arith.index_cast %add3A_1298 : i32 to index
        %get3A_1300 = arith.constant 0 : index
        %get3A_1301 = tpu.vector_load %arg10[%get3A_1299, %get3A_1300] {strides = array<i32>} : memref<1664x16xf32, #tpu.memory_space<vmem>>, vector<16xf32>,
        %mul3A_1302 = arith.mulf %get3A_1301, %get3A_1204 : vector<16xf32>
        %add3A_1303 = arith.addf %scan3A_1190, %mul3A_1302 : vector<16xf32>
        %mul3A_1304 = arith.constant 64 : i32
        %mul3A_1305 = arith.muli %add3A_1201, %mul3A_1304 : i32
        %add3A_1306 = arith.constant 32 : i32
        %add3A_1307 = arith.addi %mul3A_1305, %add3A_1306 : i32
        %add3A_1308 = arith.constant 9 : i32
        %add3A_1309 = arith.addi %add3A_1307, %add3A_1308 : i32
        %get3A_1310 = arith.index_cast %add3A_1309 : i32 to index
        %get3A_1311 = arith.constant 0 : index
        %get3A_1312 = tpu.vector_load %arg10[%get3A_1310, %get3A_1311] {strides = array<i32>} : memref<1664x16xf32, #tpu.memory_space<vmem>>, vector<16xf32>,
        %mul3A_1313 = arith.mulf %get3A_1312, %get3A_1204 : vector<16xf32>
        %add3A_1314 = arith.addf %scan3A_1191, %mul3A_1313 : vector<16xf32>
        %mul3A_1315 = arith.constant 64 : i32
        %mul3A_1316 = arith.muli %add3A_1201, %mul3A_1315 : i32
        %add3A_1317 = arith.constant 32 : i32
        %add3A_1318 = arith.addi %mul3A_1316, %add3A_1317 : i32
        %add3A_1319 = arith.constant 10 : i32
        %add3A_1320 = arith.addi %add3A_1318, %add3A_1319 : i32
        %get3A_1321 = arith.index_cast %add3A_1320 : i32 to index
        %get3A_1322 = arith.constant 0 : index
        %get3A_1323 = tpu.vector_load %arg10[%get3A_1321, %get3A_1322] {strides = array<i32>} : memref<1664x16xf32, #tpu.memory_space<vmem>>, vector<16xf32>,
        %mul3A_1324 = arith.mulf %get3A_1323, %get3A_1204 : vector<16xf32>
        %add3A_1325 = arith.addf %scan3A_1192, %mul3A_1324 : vector<16xf32>
        %mul3A_1326 = arith.constant 64 : i32
        %mul3A_1327 = arith.muli %add3A_1201, %mul3A_1326 : i32
        %add3A_1328 = arith.constant 32 : i32
        %add3A_1329 = arith.addi %mul3A_1327, %add3A_1328 : i32
        %add3A_1330 = arith.constant 11 : i32
        %add3A_1331 = arith.addi %add3A_1329, %add3A_1330 : i32
        %get3A_1332 = arith.index_cast %add3A_1331 : i32 to index
        %get3A_1333 = arith.constant 0 : index
        %get3A_1334 = tpu.vector_load %arg10[%get3A_1332, %get3A_1333] {strides = array<i32>} : memref<1664x16xf32, #tpu.memory_space<vmem>>, vector<16xf32>,
        %mul3A_1335 = arith.mulf %get3A_1334, %get3A_1204 : vector<16xf32>
        %add3A_1336 = arith.addf %scan3A_1193, %mul3A_1335 : vector<16xf32>
        %mul3A_1337 = arith.constant 64 : i32
        %mul3A_1338 = arith.muli %add3A_1201, %mul3A_1337 : i32
        %add3A_1339 = arith.constant 32 : i32
        %add3A_1340 = arith.addi %mul3A_1338, %add3A_1339 : i32
        %add3A_1341 = arith.constant 12 : i32
        %add3A_1342 = arith.addi %add3A_1340, %add3A_1341 : i32
        %get3A_1343 = arith.index_cast %add3A_1342 : i32 to index
        %get3A_1344 = arith.constant 0 : index
        %get3A_1345 = tpu.vector_load %arg10[%get3A_1343, %get3A_1344] {strides = array<i32>} : memref<1664x16xf32, #tpu.memory_space<vmem>>, vector<16xf32>,
        %mul3A_1346 = arith.mulf %get3A_1345, %get3A_1204 : vector<16xf32>
        %add3A_1347 = arith.addf %scan3A_1194, %mul3A_1346 : vector<16xf32>
        %mul3A_1348 = arith.constant 64 : i32
        %mul3A_1349 = arith.muli %add3A_1201, %mul3A_1348 : i32
        %add3A_1350 = arith.constant 32 : i32
        %add3A_1351 = arith.addi %mul3A_1349, %add3A_1350 : i32
        %add3A_1352 = arith.constant 13 : i32
        %add3A_1353 = arith.addi %add3A_1351, %add3A_1352 : i32
        %get3A_1354 = arith.index_cast %add3A_1353 : i32 to index
        %get3A_1355 = arith.constant 0 : index
        %get3A_1356 = tpu.vector_load %arg10[%get3A_1354, %get3A_1355] {strides = array<i32>} : memref<1664x16xf32, #tpu.memory_space<vmem>>, vector<16xf32>,
        %mul3A_1357 = arith.mulf %get3A_1356, %get3A_1204 : vector<16xf32>
        %add3A_1358 = arith.addf %scan3A_1195, %mul3A_1357 : vector<16xf32>
        %mul3A_1359 = arith.constant 64 : i32
        %mul3A_1360 = arith.muli %add3A_1201, %mul3A_1359 : i32
        %add3A_1361 = arith.constant 32 : i32
        %add3A_1362 = arith.addi %mul3A_1360, %add3A_1361 : i32
        %add3A_1363 = arith.constant 14 : i32
        %add3A_1364 = arith.addi %add3A_1362, %add3A_1363 : i32
        %get3A_1365 = arith.index_cast %add3A_1364 : i32 to index
        %get3A_1366 = arith.constant 0 : index
        %get3A_1367 = tpu.vector_load %arg10[%get3A_1365, %get3A_1366] {strides = array<i32>} : memref<1664x16xf32, #tpu.memory_space<vmem>>, vector<16xf32>,
        %mul3A_1368 = arith.mulf %get3A_1367, %get3A_1204 : vector<16xf32>
        %add3A_1369 = arith.addf %scan3A_1196, %mul3A_1368 : vector<16xf32>
        %mul3A_1370 = arith.constant 64 : i32
        %mul3A_1371 = arith.muli %add3A_1201, %mul3A_1370 : i32
        %add3A_1372 = arith.constant 32 : i32
        %add3A_1373 = arith.addi %mul3A_1371, %add3A_1372 : i32
        %add3A_1374 = arith.constant 15 : i32
        %add3A_1375 = arith.addi %add3A_1373, %add3A_1374 : i32
        %get3A_1376 = arith.index_cast %add3A_1375 : i32 to index
        %get3A_1377 = arith.constant 0 : index
        %get3A_1378 = tpu.vector_load %arg10[%get3A_1376, %get3A_1377] {strides = array<i32>} : memref<1664x16xf32, #tpu.memory_space<vmem>>, vector<16xf32>,
        %mul3A_1379 = arith.mulf %get3A_1378, %get3A_1204 : vector<16xf32>
        %add3A_1380 = arith.addf %scan3A_1197, %mul3A_1379 : vector<16xf32>
        %scan3A_1381 = arith.constant 1 : i32
        %scan3A_1382 = arith.addi %scan3A_1181, %scan3A_1381 : i32
        %mul3A_1383 = arith.constant 1 : i32
        %mul3A_1384 = arith.muli %scan3A_1382, %mul3A_1383 : i32
        %add3A_1385 = arith.constant 0 : i32
        %add3A_1386 = arith.addi %add3A_1385, %mul3A_1384 : i32
        %get3A_1387 = arith.index_cast %add3A_1386 : i32 to index
        %get3A_1388 = arith.constant 0 : index
        %get3A_1389 = tpu.vector_load %arg12[%get3A_1387, %get3A_1388] {strides = array<i32>} : memref<26x16xf32, #tpu.memory_space<vmem>>, vector<16xf32>,
        %mul3A_1390 = arith.constant 64 : i32
        %mul3A_1391 = arith.muli %add3A_1386, %mul3A_1390 : i32
        %add3A_1392 = arith.constant 32 : i32
        %add3A_1393 = arith.addi %mul3A_1391, %add3A_1392 : i32
        %add3A_1394 = arith.constant 0 : i32
        %add3A_1395 = arith.addi %add3A_1393, %add3A_1394 : i32
        %get3A_1396 = arith.index_cast %add3A_1395 : i32 to index
        %get3A_1397 = arith.constant 0 : index
        %get3A_1398 = tpu.vector_load %arg10[%get3A_1396, %get3A_1397] {strides = array<i32>} : memref<1664x16xf32, #tpu.memory_space<vmem>>, vector<16xf32>,
        %mul3A_1399 = arith.mulf %get3A_1398, %get3A_1389 : vector<16xf32>
        %add3A_1400 = arith.addf %add3A_1215, %mul3A_1399 : vector<16xf32>
        %mul3A_1401 = arith.constant 64 : i32
        %mul3A_1402 = arith.muli %add3A_1386, %mul3A_1401 : i32
        %add3A_1403 = arith.constant 32 : i32
        %add3A_1404 = arith.addi %mul3A_1402, %add3A_1403 : i32
        %add3A_1405 = arith.constant 1 : i32
        %add3A_1406 = arith.addi %add3A_1404, %add3A_1405 : i32
        %get3A_1407 = arith.index_cast %add3A_1406 : i32 to index
        %get3A_1408 = arith.constant 0 : index
        %get3A_1409 = tpu.vector_load %arg10[%get3A_1407, %get3A_1408] {strides = array<i32>} : memref<1664x16xf32, #tpu.memory_space<vmem>>, vector<16xf32>,
        %mul3A_1410 = arith.mulf %get3A_1409, %get3A_1389 : vector<16xf32>
        %add3A_1411 = arith.addf %add3A_1226, %mul3A_1410 : vector<16xf32>
        %mul3A_1412 = arith.constant 64 : i32
        %mul3A_1413 = arith.muli %add3A_1386, %mul3A_1412 : i32
        %add3A_1414 = arith.constant 32 : i32
        %add3A_1415 = arith.addi %mul3A_1413, %add3A_1414 : i32
        %add3A_1416 = arith.constant 2 : i32
        %add3A_1417 = arith.addi %add3A_1415, %add3A_1416 : i32
        %get3A_1418 = arith.index_cast %add3A_1417 : i32 to index
        %get3A_1419 = arith.constant 0 : index
        %get3A_1420 = tpu.vector_load %arg10[%get3A_1418, %get3A_1419] {strides = array<i32>} : memref<1664x16xf32, #tpu.memory_space<vmem>>, vector<16xf32>,
        %mul3A_1421 = arith.mulf %get3A_1420, %get3A_1389 : vector<16xf32>
        %add3A_1422 = arith.addf %add3A_1237, %mul3A_1421 : vector<16xf32>
        %mul3A_1423 = arith.constant 64 : i32
        %mul3A_1424 = arith.muli %add3A_1386, %mul3A_1423 : i32
        %add3A_1425 = arith.constant 32 : i32
        %add3A_1426 = arith.addi %mul3A_1424, %add3A_1425 : i32
        %add3A_1427 = arith.constant 3 : i32
        %add3A_1428 = arith.addi %add3A_1426, %add3A_1427 : i32
        %get3A_1429 = arith.index_cast %add3A_1428 : i32 to index
        %get3A_1430 = arith.constant 0 : index
        %get3A_1431 = tpu.vector_load %arg10[%get3A_1429, %get3A_1430] {strides = array<i32>} : memref<1664x16xf32, #tpu.memory_space<vmem>>, vector<16xf32>,
        %mul3A_1432 = arith.mulf %get3A_1431, %get3A_1389 : vector<16xf32>
        %add3A_1433 = arith.addf %add3A_1248, %mul3A_1432 : vector<16xf32>
        %mul3A_1434 = arith.constant 64 : i32
        %mul3A_1435 = arith.muli %add3A_1386, %mul3A_1434 : i32
        %add3A_1436 = arith.constant 32 : i32
        %add3A_1437 = arith.addi %mul3A_1435, %add3A_1436 : i32
        %add3A_1438 = arith.constant 4 : i32
        %add3A_1439 = arith.addi %add3A_1437, %add3A_1438 : i32
        %get3A_1440 = arith.index_cast %add3A_1439 : i32 to index
        %get3A_1441 = arith.constant 0 : index
        %get3A_1442 = tpu.vector_load %arg10[%get3A_1440, %get3A_1441] {strides = array<i32>} : memref<1664x16xf32, #tpu.memory_space<vmem>>, vector<16xf32>,
        %mul3A_1443 = arith.mulf %get3A_1442, %get3A_1389 : vector<16xf32>
        %add3A_1444 = arith.addf %add3A_1259, %mul3A_1443 : vector<16xf32>
        %mul3A_1445 = arith.constant 64 : i32
        %mul3A_1446 = arith.muli %add3A_1386, %mul3A_1445 : i32
        %add3A_1447 = arith.constant 32 : i32
        %add3A_1448 = arith.addi %mul3A_1446, %add3A_1447 : i32
        %add3A_1449 = arith.constant 5 : i32
        %add3A_1450 = arith.addi %add3A_1448, %add3A_1449 : i32
        %get3A_1451 = arith.index_cast %add3A_1450 : i32 to index
        %get3A_1452 = arith.constant 0 : index
        %get3A_1453 = tpu.vector_load %arg10[%get3A_1451, %get3A_1452] {strides = array<i32>} : memref<1664x16xf32, #tpu.memory_space<vmem>>, vector<16xf32>,
        %mul3A_1454 = arith.mulf %get3A_1453, %get3A_1389 : vector<16xf32>
        %add3A_1455 = arith.addf %add3A_1270, %mul3A_1454 : vector<16xf32>
        %mul3A_1456 = arith.constant 64 : i32
        %mul3A_1457 = arith.muli %add3A_1386, %mul3A_1456 : i32
        %add3A_1458 = arith.constant 32 : i32
        %add3A_1459 = arith.addi %mul3A_1457, %add3A_1458 : i32
        %add3A_1460 = arith.constant 6 : i32
        %add3A_1461 = arith.addi %add3A_1459, %add3A_1460 : i32
        %get3A_1462 = arith.index_cast %add3A_1461 : i32 to index
        %get3A_1463 = arith.constant 0 : index
        %get3A_1464 = tpu.vector_load %arg10[%get3A_1462, %get3A_1463] {strides = array<i32>} : memref<1664x16xf32, #tpu.memory_space<vmem>>, vector<16xf32>,
        %mul3A_1465 = arith.mulf %get3A_1464, %get3A_1389 : vector<16xf32>
        %add3A_1466 = arith.addf %add3A_1281, %mul3A_1465 : vector<16xf32>
        %mul3A_1467 = arith.constant 64 : i32
        %mul3A_1468 = arith.muli %add3A_1386, %mul3A_1467 : i32
        %add3A_1469 = arith.constant 32 : i32
        %add3A_1470 = arith.addi %mul3A_1468, %add3A_1469 : i32
        %add3A_1471 = arith.constant 7 : i32
        %add3A_1472 = arith.addi %add3A_1470, %add3A_1471 : i32
        %get3A_1473 = arith.index_cast %add3A_1472 : i32 to index
        %get3A_1474 = arith.constant 0 : index
        %get3A_1475 = tpu.vector_load %arg10[%get3A_1473, %get3A_1474] {strides = array<i32>} : memref<1664x16xf32, #tpu.memory_space<vmem>>, vector<16xf32>,
        %mul3A_1476 = arith.mulf %get3A_1475, %get3A_1389 : vector<16xf32>
        %add3A_1477 = arith.addf %add3A_1292, %mul3A_1476 : vector<16xf32>
        %mul3A_1478 = arith.constant 64 : i32
        %mul3A_1479 = arith.muli %add3A_1386, %mul3A_1478 : i32
        %add3A_1480 = arith.constant 32 : i32
        %add3A_1481 = arith.addi %mul3A_1479, %add3A_1480 : i32
        %add3A_1482 = arith.constant 8 : i32
        %add3A_1483 = arith.addi %add3A_1481, %add3A_1482 : i32
        %get3A_1484 = arith.index_cast %add3A_1483 : i32 to index
        %get3A_1485 = arith.constant 0 : index
        %get3A_1486 = tpu.vector_load %arg10[%get3A_1484, %get3A_1485] {strides = array<i32>} : memref<1664x16xf32, #tpu.memory_space<vmem>>, vector<16xf32>,
        %mul3A_1487 = arith.mulf %get3A_1486, %get3A_1389 : vector<16xf32>
        %add3A_1488 = arith.addf %add3A_1303, %mul3A_1487 : vector<16xf32>
        %mul3A_1489 = arith.constant 64 : i32
        %mul3A_1490 = arith.muli %add3A_1386, %mul3A_1489 : i32
        %add3A_1491 = arith.constant 32 : i32
        %add3A_1492 = arith.addi %mul3A_1490, %add3A_1491 : i32
        %add3A_1493 = arith.constant 9 : i32
        %add3A_1494 = arith.addi %add3A_1492, %add3A_1493 : i32
        %get3A_1495 = arith.index_cast %add3A_1494 : i32 to index
        %get3A_1496 = arith.constant 0 : index
        %get3A_1497 = tpu.vector_load %arg10[%get3A_1495, %get3A_1496] {strides = array<i32>} : memref<1664x16xf32, #tpu.memory_space<vmem>>, vector<16xf32>,
        %mul3A_1498 = arith.mulf %get3A_1497, %get3A_1389 : vector<16xf32>
        %add3A_1499 = arith.addf %add3A_1314, %mul3A_1498 : vector<16xf32>
        %mul3A_1500 = arith.constant 64 : i32
        %mul3A_1501 = arith.muli %add3A_1386, %mul3A_1500 : i32
        %add3A_1502 = arith.constant 32 : i32
        %add3A_1503 = arith.addi %mul3A_1501, %add3A_1502 : i32
        %add3A_1504 = arith.constant 10 : i32
        %add3A_1505 = arith.addi %add3A_1503, %add3A_1504 : i32
        %get3A_1506 = arith.index_cast %add3A_1505 : i32 to index
        %get3A_1507 = arith.constant 0 : index
        %get3A_1508 = tpu.vector_load %arg10[%get3A_1506, %get3A_1507] {strides = array<i32>} : memref<1664x16xf32, #tpu.memory_space<vmem>>, vector<16xf32>,
        %mul3A_1509 = arith.mulf %get3A_1508, %get3A_1389 : vector<16xf32>
        %add3A_1510 = arith.addf %add3A_1325, %mul3A_1509 : vector<16xf32>
        %mul3A_1511 = arith.constant 64 : i32
        %mul3A_1512 = arith.muli %add3A_1386, %mul3A_1511 : i32
        %add3A_1513 = arith.constant 32 : i32
        %add3A_1514 = arith.addi %mul3A_1512, %add3A_1513 : i32
        %add3A_1515 = arith.constant 11 : i32
        %add3A_1516 = arith.addi %add3A_1514, %add3A_1515 : i32
        %get3A_1517 = arith.index_cast %add3A_1516 : i32 to index
        %get3A_1518 = arith.constant 0 : index
        %get3A_1519 = tpu.vector_load %arg10[%get3A_1517, %get3A_1518] {strides = array<i32>} : memref<1664x16xf32, #tpu.memory_space<vmem>>, vector<16xf32>,
        %mul3A_1520 = arith.mulf %get3A_1519, %get3A_1389 : vector<16xf32>
        %add3A_1521 = arith.addf %add3A_1336, %mul3A_1520 : vector<16xf32>
        %mul3A_1522 = arith.constant 64 : i32
        %mul3A_1523 = arith.muli %add3A_1386, %mul3A_1522 : i32
        %add3A_1524 = arith.constant 32 : i32
        %add3A_1525 = arith.addi %mul3A_1523, %add3A_1524 : i32
        %add3A_1526 = arith.constant 12 : i32
        %add3A_1527 = arith.addi %add3A_1525, %add3A_1526 : i32
        %get3A_1528 = arith.index_cast %add3A_1527 : i32 to index
        %get3A_1529 = arith.constant 0 : index
        %get3A_1530 = tpu.vector_load %arg10[%get3A_1528, %get3A_1529] {strides = array<i32>} : memref<1664x16xf32, #tpu.memory_space<vmem>>, vector<16xf32>,
        %mul3A_1531 = arith.mulf %get3A_1530, %get3A_1389 : vector<16xf32>
        %add3A_1532 = arith.addf %add3A_1347, %mul3A_1531 : vector<16xf32>
        %mul3A_1533 = arith.constant 64 : i32
        %mul3A_1534 = arith.muli %add3A_1386, %mul3A_1533 : i32
        %add3A_1535 = arith.constant 32 : i32
        %add3A_1536 = arith.addi %mul3A_1534, %add3A_1535 : i32
        %add3A_1537 = arith.constant 13 : i32
        %add3A_1538 = arith.addi %add3A_1536, %add3A_1537 : i32
        %get3A_1539 = arith.index_cast %add3A_1538 : i32 to index
        %get3A_1540 = arith.constant 0 : index
        %get3A_1541 = tpu.vector_load %arg10[%get3A_1539, %get3A_1540] {strides = array<i32>} : memref<1664x16xf32, #tpu.memory_space<vmem>>, vector<16xf32>,
        %mul3A_1542 = arith.mulf %get3A_1541, %get3A_1389 : vector<16xf32>
        %add3A_1543 = arith.addf %add3A_1358, %mul3A_1542 : vector<16xf32>
        %mul3A_1544 = arith.constant 64 : i32
        %mul3A_1545 = arith.muli %add3A_1386, %mul3A_1544 : i32
        %add3A_1546 = arith.constant 32 : i32
        %add3A_1547 = arith.addi %mul3A_1545, %add3A_1546 : i32
        %add3A_1548 = arith.constant 14 : i32
        %add3A_1549 = arith.addi %add3A_1547, %add3A_1548 : i32
        %get3A_1550 = arith.index_cast %add3A_1549 : i32 to index
        %get3A_1551 = arith.constant 0 : index
        %get3A_1552 = tpu.vector_load %arg10[%get3A_1550, %get3A_1551] {strides = array<i32>} : memref<1664x16xf32, #tpu.memory_space<vmem>>, vector<16xf32>,
        %mul3A_1553 = arith.mulf %get3A_1552, %get3A_1389 : vector<16xf32>
        %add3A_1554 = arith.addf %add3A_1369, %mul3A_1553 : vector<16xf32>
        %mul3A_1555 = arith.constant 64 : i32
        %mul3A_1556 = arith.muli %add3A_1386, %mul3A_1555 : i32
        %add3A_1557 = arith.constant 32 : i32
        %add3A_1558 = arith.addi %mul3A_1556, %add3A_1557 : i32
        %add3A_1559 = arith.constant 15 : i32
        %add3A_1560 = arith.addi %add3A_1558, %add3A_1559 : i32
        %get3A_1561 = arith.index_cast %add3A_1560 : i32 to index
        %get3A_1562 = arith.constant 0 : index
        %get3A_1563 = tpu.vector_load %arg10[%get3A_1561, %get3A_1562] {strides = array<i32>} : memref<1664x16xf32, #tpu.memory_space<vmem>>, vector<16xf32>,
        %mul3A_1564 = arith.mulf %get3A_1563, %get3A_1389 : vector<16xf32>
        %add3A_1565 = arith.addf %add3A_1380, %mul3A_1564 : vector<16xf32>
        scf.yield %add3A_1400, %add3A_1411, %add3A_1422, %add3A_1433, %add3A_1444, %add3A_1455, %add3A_1466, %add3A_1477, %add3A_1488, %add3A_1499, %add3A_1510, %add3A_1521, %add3A_1532, %add3A_1543, %add3A_1554, %add3A_1565 : vector<16xf32>, vector<16xf32>, vector<16xf32>, vector<16xf32>, vector<16xf32>, vector<16xf32>, vector<16xf32>, vector<16xf32>, vector<16xf32>, vector<16xf32>, vector<16xf32>, vector<16xf32>, vector<16xf32>, vector<16xf32>, vector<16xf32>, vector<16xf32>
      }
      %scan3A_321 = arith.constant 26 : i32
      %swap3A_322 = arith.constant 0 : i32
      %swap3A_323 = arith.index_cast %swap3A_322 : i32 to index
      %swap3A_324 = arith.constant 0 : index
      %swap3A_325 = tpu.vector_load %arg14[%swap3A_323, %swap3A_324] {strides = array<i32>} : memref<16x16xf32, #tpu.memory_space<vmem>>, vector<16xf32>,
      tpu.vector_store %arg14[%swap3A_323, %swap3A_324], %scan3A_320#0 {strides = array<i32>} : memref<16x16xf32, #tpu.memory_space<vmem>>, vector<16xf32>,
      %swap3A_326 = arith.constant 1 : i32
      %swap3A_327 = arith.index_cast %swap3A_326 : i32 to index
      %swap3A_328 = arith.constant 0 : index
      %swap3A_329 = tpu.vector_load %arg14[%swap3A_327, %swap3A_328] {strides = array<i32>} : memref<16x16xf32, #tpu.memory_space<vmem>>, vector<16xf32>,
      tpu.vector_store %arg14[%swap3A_327, %swap3A_328], %scan3A_320#1 {strides = array<i32>} : memref<16x16xf32, #tpu.memory_space<vmem>>, vector<16xf32>,
      %swap3A_330 = arith.constant 2 : i32
      %swap3A_331 = arith.index_cast %swap3A_330 : i32 to index
      %swap3A_332 = arith.constant 0 : index
      %swap3A_333 = tpu.vector_load %arg14[%swap3A_331, %swap3A_332] {strides = array<i32>} : memref<16x16xf32, #tpu.memory_space<vmem>>, vector<16xf32>,
      tpu.vector_store %arg14[%swap3A_331, %swap3A_332], %scan3A_320#2 {strides = array<i32>} : memref<16x16xf32, #tpu.memory_space<vmem>>, vector<16xf32>,
      %swap3A_334 = arith.constant 3 : i32
      %swap3A_335 = arith.index_cast %swap3A_334 : i32 to index
      %swap3A_336 = arith.constant 0 : index
      %swap3A_337 = tpu.vector_load %arg14[%swap3A_335, %swap3A_336] {strides = array<i32>} : memref<16x16xf32, #tpu.memory_space<vmem>>, vector<16xf32>,
      tpu.vector_store %arg14[%swap3A_335, %swap3A_336], %scan3A_320#3 {strides = array<i32>} : memref<16x16xf32, #tpu.memory_space<vmem>>, vector<16xf32>,
      %swap3A_338 = arith.constant 4 : i32
      %swap3A_339 = arith.index_cast %swap3A_338 : i32 to index
      %swap3A_340 = arith.constant 0 : index
      %swap3A_341 = tpu.vector_load %arg14[%swap3A_339, %swap3A_340] {strides = array<i32>} : memref<16x16xf32, #tpu.memory_space<vmem>>, vector<16xf32>,
      tpu.vector_store %arg14[%swap3A_339, %swap3A_340], %scan3A_320#4 {strides = array<i32>} : memref<16x16xf32, #tpu.memory_space<vmem>>, vector<16xf32>,
      %swap3A_342 = arith.constant 5 : i32
      %swap3A_343 = arith.index_cast %swap3A_342 : i32 to index
      %swap3A_344 = arith.constant 0 : index
      %swap3A_345 = tpu.vector_load %arg14[%swap3A_343, %swap3A_344] {strides = array<i32>} : memref<16x16xf32, #tpu.memory_space<vmem>>, vector<16xf32>,
      tpu.vector_store %arg14[%swap3A_343, %swap3A_344], %scan3A_320#5 {strides = array<i32>} : memref<16x16xf32, #tpu.memory_space<vmem>>, vector<16xf32>,
      %swap3A_346 = arith.constant 6 : i32
      %swap3A_347 = arith.index_cast %swap3A_346 : i32 to index
      %swap3A_348 = arith.constant 0 : index
      %swap3A_349 = tpu.vector_load %arg14[%swap3A_347, %swap3A_348] {strides = array<i32>} : memref<16x16xf32, #tpu.memory_space<vmem>>, vector<16xf32>,
      tpu.vector_store %arg14[%swap3A_347, %swap3A_348], %scan3A_320#6 {strides = array<i32>} : memref<16x16xf32, #tpu.memory_space<vmem>>, vector<16xf32>,
      %swap3A_350 = arith.constant 7 : i32
      %swap3A_351 = arith.index_cast %swap3A_350 : i32 to index
      %swap3A_352 = arith.constant 0 : index
      %swap3A_353 = tpu.vector_load %arg14[%swap3A_351, %swap3A_352] {strides = array<i32>} : memref<16x16xf32, #tpu.memory_space<vmem>>, vector<16xf32>,
      tpu.vector_store %arg14[%swap3A_351, %swap3A_352], %scan3A_320#7 {strides = array<i32>} : memref<16x16xf32, #tpu.memory_space<vmem>>, vector<16xf32>,
      %swap3A_354 = arith.constant 8 : i32
      %swap3A_355 = arith.index_cast %swap3A_354 : i32 to index
      %swap3A_356 = arith.constant 0 : index
      %swap3A_357 = tpu.vector_load %arg14[%swap3A_355, %swap3A_356] {strides = array<i32>} : memref<16x16xf32, #tpu.memory_space<vmem>>, vector<16xf32>,
      tpu.vector_store %arg14[%swap3A_355, %swap3A_356], %scan3A_320#8 {strides = array<i32>} : memref<16x16xf32, #tpu.memory_space<vmem>>, vector<16xf32>,
      %swap3A_358 = arith.constant 9 : i32
      %swap3A_359 = arith.index_cast %swap3A_358 : i32 to index
      %swap3A_360 = arith.constant 0 : index
      %swap3A_361 = tpu.vector_load %arg14[%swap3A_359, %swap3A_360] {strides = array<i32>} : memref<16x16xf32, #tpu.memory_space<vmem>>, vector<16xf32>,
      tpu.vector_store %arg14[%swap3A_359, %swap3A_360], %scan3A_320#9 {strides = array<i32>} : memref<16x16xf32, #tpu.memory_space<vmem>>, vector<16xf32>,
      %swap3A_362 = arith.constant 10 : i32
      %swap3A_363 = arith.index_cast %swap3A_362 : i32 to index
      %swap3A_364 = arith.constant 0 : index
      %swap3A_365 = tpu.vector_load %arg14[%swap3A_363, %swap3A_364] {strides = array<i32>} : memref<16x16xf32, #tpu.memory_space<vmem>>, vector<16xf32>,
      tpu.vector_store %arg14[%swap3A_363, %swap3A_364], %scan3A_320#10 {strides = array<i32>} : memref<16x16xf32, #tpu.memory_space<vmem>>, vector<16xf32>,
      %swap3A_366 = arith.constant 11 : i32
      %swap3A_367 = arith.index_cast %swap3A_366 : i32 to index
      %swap3A_368 = arith.constant 0 : index
      %swap3A_369 = tpu.vector_load %arg14[%swap3A_367, %swap3A_368] {strides = array<i32>} : memref<16x16xf32, #tpu.memory_space<vmem>>, vector<16xf32>,
      tpu.vector_store %arg14[%swap3A_367, %swap3A_368], %scan3A_320#11 {strides = array<i32>} : memref<16x16xf32, #tpu.memory_space<vmem>>, vector<16xf32>,
      %swap3A_370 = arith.constant 12 : i32
      %swap3A_371 = arith.index_cast %swap3A_370 : i32 to index
      %swap3A_372 = arith.constant 0 : index
      %swap3A_373 = tpu.vector_load %arg14[%swap3A_371, %swap3A_372] {strides = array<i32>} : memref<16x16xf32, #tpu.memory_space<vmem>>, vector<16xf32>,
      tpu.vector_store %arg14[%swap3A_371, %swap3A_372], %scan3A_320#12 {strides = array<i32>} : memref<16x16xf32, #tpu.memory_space<vmem>>, vector<16xf32>,
      %swap3A_374 = arith.constant 13 : i32
      %swap3A_375 = arith.index_cast %swap3A_374 : i32 to index
      %swap3A_376 = arith.constant 0 : index
      %swap3A_377 = tpu.vector_load %arg14[%swap3A_375, %swap3A_376] {strides = array<i32>} : memref<16x16xf32, #tpu.memory_space<vmem>>, vector<16xf32>,
      tpu.vector_store %arg14[%swap3A_375, %swap3A_376], %scan3A_320#13 {strides = array<i32>} : memref<16x16xf32, #tpu.memory_space<vmem>>, vector<16xf32>,
      %swap3A_378 = arith.constant 14 : i32
      %swap3A_379 = arith.index_cast %swap3A_378 : i32 to index
      %swap3A_380 = arith.constant 0 : index
      %swap3A_381 = tpu.vector_load %arg14[%swap3A_379, %swap3A_380] {strides = array<i32>} : memref<16x16xf32, #tpu.memory_space<vmem>>, vector<16xf32>,
      tpu.vector_store %arg14[%swap3A_379, %swap3A_380], %scan3A_320#14 {strides = array<i32>} : memref<16x16xf32, #tpu.memory_space<vmem>>, vector<16xf32>,
      %swap3A_382 = arith.constant 15 : i32
      %swap3A_383 = arith.index_cast %swap3A_382 : i32 to index
      %swap3A_384 = arith.constant 0 : index
      %swap3A_385 = tpu.vector_load %arg14[%swap3A_383, %swap3A_384] {strides = array<i32>} : memref<16x16xf32, #tpu.memory_space<vmem>>, vector<16xf32>,
      tpu.vector_store %arg14[%swap3A_383, %swap3A_384], %scan3A_320#15 {strides = array<i32>} : memref<16x16xf32, #tpu.memory_space<vmem>>, vector<16xf32>,
      %iota3A_386 = tpu.iota {dimensions = array<i32: 0>} : vector<16xi32>
      %broadcast_in_dim3A_387 = arith.constant 0 : i32
      %broadcast_in_dim3A_388 = vector.broadcast %broadcast_in_dim3A_387 : i32 to vector<16xi32>
      %gather3A_389 = tpu.vector_load_idx %arg14[%iota3A_386, %broadcast_in_dim3A_388] : memref<16x16xf32, #tpu.memory_space<vmem>>[vector<16xi32>, vector<16xi32>], vector<16xf32>,
      %broadcast_in_dim3A_390 = arith.constant 1 : i32
      %broadcast_in_dim3A_391 = vector.broadcast %broadcast_in_dim3A_390 : i32 to vector<16xi32>
      %gather3A_392 = tpu.vector_load_idx %arg14[%iota3A_386, %broadcast_in_dim3A_391] : memref<16x16xf32, #tpu.memory_space<vmem>>[vector<16xi32>, vector<16xi32>], vector<16xf32>,
      %add3A_393 = arith.addf %gather3A_389, %gather3A_392 : vector<16xf32>
      %broadcast_in_dim3A_394 = arith.constant 2 : i32
      %broadcast_in_dim3A_395 = vector.broadcast %broadcast_in_dim3A_394 : i32 to vector<16xi32>
      %gather3A_396 = tpu.vector_load_idx %arg14[%iota3A_386, %broadcast_in_dim3A_395] : memref<16x16xf32, #tpu.memory_space<vmem>>[vector<16xi32>, vector<16xi32>], vector<16xf32>,
      %add3A_397 = arith.addf %add3A_393, %gather3A_396 : vector<16xf32>
      %broadcast_in_dim3A_398 = arith.constant 3 : i32
      %broadcast_in_dim3A_399 = vector.broadcast %broadcast_in_dim3A_398 : i32 to vector<16xi32>
      %gather3A_400 = tpu.vector_load_idx %arg14[%iota3A_386, %broadcast_in_dim3A_399] : memref<16x16xf32, #tpu.memory_space<vmem>>[vector<16xi32>, vector<16xi32>], vector<16xf32>,
      %add3A_401 = arith.addf %add3A_397, %gather3A_400 : vector<16xf32>
      %broadcast_in_dim3A_402 = arith.constant 4 : i32
      %broadcast_in_dim3A_403 = vector.broadcast %broadcast_in_dim3A_402 : i32 to vector<16xi32>
      %gather3A_404 = tpu.vector_load_idx %arg14[%iota3A_386, %broadcast_in_dim3A_403] : memref<16x16xf32, #tpu.memory_space<vmem>>[vector<16xi32>, vector<16xi32>], vector<16xf32>,
      %broadcast_in_dim3A_405 = arith.constant 5 : i32
      %broadcast_in_dim3A_406 = vector.broadcast %broadcast_in_dim3A_405 : i32 to vector<16xi32>
      %gather3A_407 = tpu.vector_load_idx %arg14[%iota3A_386, %broadcast_in_dim3A_406] : memref<16x16xf32, #tpu.memory_space<vmem>>[vector<16xi32>, vector<16xi32>], vector<16xf32>,
      %add3A_408 = arith.addf %gather3A_404, %gather3A_407 : vector<16xf32>
      %broadcast_in_dim3A_409 = arith.constant 6 : i32
      %broadcast_in_dim3A_410 = vector.broadcast %broadcast_in_dim3A_409 : i32 to vector<16xi32>
      %gather3A_411 = tpu.vector_load_idx %arg14[%iota3A_386, %broadcast_in_dim3A_410] : memref<16x16xf32, #tpu.memory_space<vmem>>[vector<16xi32>, vector<16xi32>], vector<16xf32>,
      %add3A_412 = arith.addf %add3A_408, %gather3A_411 : vector<16xf32>
      %broadcast_in_dim3A_413 = arith.constant 7 : i32
      %broadcast_in_dim3A_414 = vector.broadcast %broadcast_in_dim3A_413 : i32 to vector<16xi32>
      %gather3A_415 = tpu.vector_load_idx %arg14[%iota3A_386, %broadcast_in_dim3A_414] : memref<16x16xf32, #tpu.memory_space<vmem>>[vector<16xi32>, vector<16xi32>], vector<16xf32>,
      %add3A_416 = arith.addf %add3A_412, %gather3A_415 : vector<16xf32>
      %broadcast_in_dim3A_417 = arith.constant 8 : i32
      %broadcast_in_dim3A_418 = vector.broadcast %broadcast_in_dim3A_417 : i32 to vector<16xi32>
      %gather3A_419 = tpu.vector_load_idx %arg14[%iota3A_386, %broadcast_in_dim3A_418] : memref<16x16xf32, #tpu.memory_space<vmem>>[vector<16xi32>, vector<16xi32>], vector<16xf32>,
      %broadcast_in_dim3A_420 = arith.constant 9 : i32
      %broadcast_in_dim3A_421 = vector.broadcast %broadcast_in_dim3A_420 : i32 to vector<16xi32>
      %gather3A_422 = tpu.vector_load_idx %arg14[%iota3A_386, %broadcast_in_dim3A_421] : memref<16x16xf32, #tpu.memory_space<vmem>>[vector<16xi32>, vector<16xi32>], vector<16xf32>,
      %add3A_423 = arith.addf %gather3A_419, %gather3A_422 : vector<16xf32>
      %broadcast_in_dim3A_424 = arith.constant 10 : i32
      %broadcast_in_dim3A_425 = vector.broadcast %broadcast_in_dim3A_424 : i32 to vector<16xi32>
      %gather3A_426 = tpu.vector_load_idx %arg14[%iota3A_386, %broadcast_in_dim3A_425] : memref<16x16xf32, #tpu.memory_space<vmem>>[vector<16xi32>, vector<16xi32>], vector<16xf32>,
      %add3A_427 = arith.addf %add3A_423, %gather3A_426 : vector<16xf32>
      %broadcast_in_dim3A_428 = arith.constant 11 : i32
      %broadcast_in_dim3A_429 = vector.broadcast %broadcast_in_dim3A_428 : i32 to vector<16xi32>
      %gather3A_430 = tpu.vector_load_idx %arg14[%iota3A_386, %broadcast_in_dim3A_429] : memref<16x16xf32, #tpu.memory_space<vmem>>[vector<16xi32>, vector<16xi32>], vector<16xf32>,
      %add3A_431 = arith.addf %add3A_427, %gather3A_430 : vector<16xf32>
      %broadcast_in_dim3A_432 = arith.constant 12 : i32
      %broadcast_in_dim3A_433 = vector.broadcast %broadcast_in_dim3A_432 : i32 to vector<16xi32>
      %gather3A_434 = tpu.vector_load_idx %arg14[%iota3A_386, %broadcast_in_dim3A_433] : memref<16x16xf32, #tpu.memory_space<vmem>>[vector<16xi32>, vector<16xi32>], vector<16xf32>,
      %broadcast_in_dim3A_435 = arith.constant 13 : i32
      %broadcast_in_dim3A_436 = vector.broadcast %broadcast_in_dim3A_435 : i32 to vector<16xi32>
      %gather3A_437 = tpu.vector_load_idx %arg14[%iota3A_386, %broadcast_in_dim3A_436] : memref<16x16xf32, #tpu.memory_space<vmem>>[vector<16xi32>, vector<16xi32>], vector<16xf32>,
      %add3A_438 = arith.addf %gather3A_434, %gather3A_437 : vector<16xf32>
      %broadcast_in_dim3A_439 = arith.constant 14 : i32
      %broadcast_in_dim3A_440 = vector.broadcast %broadcast_in_dim3A_439 : i32 to vector<16xi32>
      %gather3A_441 = tpu.vector_load_idx %arg14[%iota3A_386, %broadcast_in_dim3A_440] : memref<16x16xf32, #tpu.memory_space<vmem>>[vector<16xi32>, vector<16xi32>], vector<16xf32>,
      %add3A_442 = arith.addf %add3A_438, %gather3A_441 : vector<16xf32>
      %broadcast_in_dim3A_443 = arith.constant 15 : i32
      %broadcast_in_dim3A_444 = vector.broadcast %broadcast_in_dim3A_443 : i32 to vector<16xi32>
      %gather3A_445 = tpu.vector_load_idx %arg14[%iota3A_386, %broadcast_in_dim3A_444] : memref<16x16xf32, #tpu.memory_space<vmem>>[vector<16xi32>, vector<16xi32>], vector<16xf32>,
      %add3A_446 = arith.addf %add3A_442, %gather3A_445 : vector<16xf32>
      %add3A_447 = arith.addf %add3A_401, %add3A_416 : vector<16xf32>
      %add3A_448 = arith.addf %add3A_431, %add3A_446 : vector<16xf32>
      %add3A_449 = arith.addf %add3A_447, %add3A_448 : vector<16xf32>
      %add3A_450 = arith.addf %add3A_449, %get3A_3 : vector<16xf32>
      %mul3A_451 = arith.constant 64 : i32
      %mul3A_452 = arith.muli %add3A_19, %mul3A_451 : i32
      %add3A_453 = arith.constant 32 : i32
      %add3A_454 = arith.addi %mul3A_452, %add3A_453 : i32
      %swap3A_455 = arith.index_cast %add3A_454 : i32 to index
      %swap3A_456 = tpu.vector_load %arg15[%swap3A_455] {strides = array<i32>} : memref<512xf32, #tpu.memory_space<vmem>>, vector<16xf32>,
      tpu.vector_store %arg15[%swap3A_455], %add3A_450 {strides = array<i32>} : memref<512xf32, #tpu.memory_space<vmem>>, vector<16xf32>,
      %broadcast_in_dim3A_457 = arith.constant 0.000000e+00 : f32
      %broadcast_in_dim3A_458 = vector.broadcast %broadcast_in_dim3A_457 : f32 to vector<16xf32>
      %scan3A_459 = arith.constant 0 : i32
      %scan3A_460 = arith.constant 26 : i32
      %scan3A_461 = arith.addi %scan3A_459, %scan3A_460 : i32
      %scan3A_462 = arith.constant 2 : i32
      %scan3A_463:16 = scf.for %scan3A_1181 = %scan3A_459 to %scan3A_461 step %scan3A_462 iter_args(%scan3A_1182 = %broadcast_in_dim3A_458, %scan3A_1183 = %broadcast_in_dim3A_458, %scan3A_1184 = %broadcast_in_dim3A_458, %scan3A_1185 = %broadcast_in_dim3A_458, %scan3A_1186 = %broadcast_in_dim3A_458, %scan3A_1187 = %broadcast_in_dim3A_458, %scan3A_1188 = %broadcast_in_dim3A_458, %scan3A_1189 = %broadcast_in_dim3A_458, %scan3A_1190 = %broadcast_in_dim3A_458, %scan3A_1191 = %broadcast_in_dim3A_458, %scan3A_1192 = %broadcast_in_dim3A_458, %scan3A_1193 = %broadcast_in_dim3A_458, %scan3A_1194 = %broadcast_in_dim3A_458, %scan3A_1195 = %broadcast_in_dim3A_458, %scan3A_1196 = %broadcast_in_dim3A_458, %scan3A_1197 = %broadcast_in_dim3A_458) -> (vector<16xf32>, vector<16xf32>, vector<16xf32>, vector<16xf32>, vector<16xf32>, vector<16xf32>, vector<16xf32>, vector<16xf32>, vector<16xf32>, vector<16xf32>, vector<16xf32>, vector<16xf32>, vector<16xf32>, vector<16xf32>, vector<16xf32>, vector<16xf32>)  : i32 {
        %mul3A_1198 = arith.constant 1 : i32
        %mul3A_1199 = arith.muli %scan3A_1181, %mul3A_1198 : i32
        %add3A_1200 = arith.constant 0 : i32
        %add3A_1201 = arith.addi %add3A_1200, %mul3A_1199 : i32
        %get3A_1202 = arith.index_cast %add3A_1201 : i32 to index
        %get3A_1203 = arith.constant 0 : index
        %get3A_1204 = tpu.vector_load %arg12[%get3A_1202, %get3A_1203] {strides = array<i32>} : memref<26x16xf32, #tpu.memory_space<vmem>>, vector<16xf32>,
        %mul3A_1205 = arith.constant 64 : i32
        %mul3A_1206 = arith.muli %add3A_1201, %mul3A_1205 : i32
        %add3A_1207 = arith.constant 48 : i32
        %add3A_1208 = arith.addi %mul3A_1206, %add3A_1207 : i32
        %add3A_1209 = arith.constant 0 : i32
        %add3A_1210 = arith.addi %add3A_1208, %add3A_1209 : i32
        %get3A_1211 = arith.index_cast %add3A_1210 : i32 to index
        %get3A_1212 = arith.constant 0 : index
        %get3A_1213 = tpu.vector_load %arg10[%get3A_1211, %get3A_1212] {strides = array<i32>} : memref<1664x16xf32, #tpu.memory_space<vmem>>, vector<16xf32>,
        %mul3A_1214 = arith.mulf %get3A_1213, %get3A_1204 : vector<16xf32>
        %add3A_1215 = arith.addf %scan3A_1182, %mul3A_1214 : vector<16xf32>
        %mul3A_1216 = arith.constant 64 : i32
        %mul3A_1217 = arith.muli %add3A_1201, %mul3A_1216 : i32
        %add3A_1218 = arith.constant 48 : i32
        %add3A_1219 = arith.addi %mul3A_1217, %add3A_1218 : i32
        %add3A_1220 = arith.constant 1 : i32
        %add3A_1221 = arith.addi %add3A_1219, %add3A_1220 : i32
        %get3A_1222 = arith.index_cast %add3A_1221 : i32 to index
        %get3A_1223 = arith.constant 0 : index
        %get3A_1224 = tpu.vector_load %arg10[%get3A_1222, %get3A_1223] {strides = array<i32>} : memref<1664x16xf32, #tpu.memory_space<vmem>>, vector<16xf32>,
        %mul3A_1225 = arith.mulf %get3A_1224, %get3A_1204 : vector<16xf32>
        %add3A_1226 = arith.addf %scan3A_1183, %mul3A_1225 : vector<16xf32>
        %mul3A_1227 = arith.constant 64 : i32
        %mul3A_1228 = arith.muli %add3A_1201, %mul3A_1227 : i32
        %add3A_1229 = arith.constant 48 : i32
        %add3A_1230 = arith.addi %mul3A_1228, %add3A_1229 : i32
        %add3A_1231 = arith.constant 2 : i32
        %add3A_1232 = arith.addi %add3A_1230, %add3A_1231 : i32
        %get3A_1233 = arith.index_cast %add3A_1232 : i32 to index
        %get3A_1234 = arith.constant 0 : index
        %get3A_1235 = tpu.vector_load %arg10[%get3A_1233, %get3A_1234] {strides = array<i32>} : memref<1664x16xf32, #tpu.memory_space<vmem>>, vector<16xf32>,
        %mul3A_1236 = arith.mulf %get3A_1235, %get3A_1204 : vector<16xf32>
        %add3A_1237 = arith.addf %scan3A_1184, %mul3A_1236 : vector<16xf32>
        %mul3A_1238 = arith.constant 64 : i32
        %mul3A_1239 = arith.muli %add3A_1201, %mul3A_1238 : i32
        %add3A_1240 = arith.constant 48 : i32
        %add3A_1241 = arith.addi %mul3A_1239, %add3A_1240 : i32
        %add3A_1242 = arith.constant 3 : i32
        %add3A_1243 = arith.addi %add3A_1241, %add3A_1242 : i32
        %get3A_1244 = arith.index_cast %add3A_1243 : i32 to index
        %get3A_1245 = arith.constant 0 : index
        %get3A_1246 = tpu.vector_load %arg10[%get3A_1244, %get3A_1245] {strides = array<i32>} : memref<1664x16xf32, #tpu.memory_space<vmem>>, vector<16xf32>,
        %mul3A_1247 = arith.mulf %get3A_1246, %get3A_1204 : vector<16xf32>
        %add3A_1248 = arith.addf %scan3A_1185, %mul3A_1247 : vector<16xf32>
        %mul3A_1249 = arith.constant 64 : i32
        %mul3A_1250 = arith.muli %add3A_1201, %mul3A_1249 : i32
        %add3A_1251 = arith.constant 48 : i32
        %add3A_1252 = arith.addi %mul3A_1250, %add3A_1251 : i32
        %add3A_1253 = arith.constant 4 : i32
        %add3A_1254 = arith.addi %add3A_1252, %add3A_1253 : i32
        %get3A_1255 = arith.index_cast %add3A_1254 : i32 to index
        %get3A_1256 = arith.constant 0 : index
        %get3A_1257 = tpu.vector_load %arg10[%get3A_1255, %get3A_1256] {strides = array<i32>} : memref<1664x16xf32, #tpu.memory_space<vmem>>, vector<16xf32>,
        %mul3A_1258 = arith.mulf %get3A_1257, %get3A_1204 : vector<16xf32>
        %add3A_1259 = arith.addf %scan3A_1186, %mul3A_1258 : vector<16xf32>
        %mul3A_1260 = arith.constant 64 : i32
        %mul3A_1261 = arith.muli %add3A_1201, %mul3A_1260 : i32
        %add3A_1262 = arith.constant 48 : i32
        %add3A_1263 = arith.addi %mul3A_1261, %add3A_1262 : i32
        %add3A_1264 = arith.constant 5 : i32
        %add3A_1265 = arith.addi %add3A_1263, %add3A_1264 : i32
        %get3A_1266 = arith.index_cast %add3A_1265 : i32 to index
        %get3A_1267 = arith.constant 0 : index
        %get3A_1268 = tpu.vector_load %arg10[%get3A_1266, %get3A_1267] {strides = array<i32>} : memref<1664x16xf32, #tpu.memory_space<vmem>>, vector<16xf32>,
        %mul3A_1269 = arith.mulf %get3A_1268, %get3A_1204 : vector<16xf32>
        %add3A_1270 = arith.addf %scan3A_1187, %mul3A_1269 : vector<16xf32>
        %mul3A_1271 = arith.constant 64 : i32
        %mul3A_1272 = arith.muli %add3A_1201, %mul3A_1271 : i32
        %add3A_1273 = arith.constant 48 : i32
        %add3A_1274 = arith.addi %mul3A_1272, %add3A_1273 : i32
        %add3A_1275 = arith.constant 6 : i32
        %add3A_1276 = arith.addi %add3A_1274, %add3A_1275 : i32
        %get3A_1277 = arith.index_cast %add3A_1276 : i32 to index
        %get3A_1278 = arith.constant 0 : index
        %get3A_1279 = tpu.vector_load %arg10[%get3A_1277, %get3A_1278] {strides = array<i32>} : memref<1664x16xf32, #tpu.memory_space<vmem>>, vector<16xf32>,
        %mul3A_1280 = arith.mulf %get3A_1279, %get3A_1204 : vector<16xf32>
        %add3A_1281 = arith.addf %scan3A_1188, %mul3A_1280 : vector<16xf32>
        %mul3A_1282 = arith.constant 64 : i32
        %mul3A_1283 = arith.muli %add3A_1201, %mul3A_1282 : i32
        %add3A_1284 = arith.constant 48 : i32
        %add3A_1285 = arith.addi %mul3A_1283, %add3A_1284 : i32
        %add3A_1286 = arith.constant 7 : i32
        %add3A_1287 = arith.addi %add3A_1285, %add3A_1286 : i32
        %get3A_1288 = arith.index_cast %add3A_1287 : i32 to index
        %get3A_1289 = arith.constant 0 : index
        %get3A_1290 = tpu.vector_load %arg10[%get3A_1288, %get3A_1289] {strides = array<i32>} : memref<1664x16xf32, #tpu.memory_space<vmem>>, vector<16xf32>,
        %mul3A_1291 = arith.mulf %get3A_1290, %get3A_1204 : vector<16xf32>
        %add3A_1292 = arith.addf %scan3A_1189, %mul3A_1291 : vector<16xf32>
        %mul3A_1293 = arith.constant 64 : i32
        %mul3A_1294 = arith.muli %add3A_1201, %mul3A_1293 : i32
        %add3A_1295 = arith.constant 48 : i32
        %add3A_1296 = arith.addi %mul3A_1294, %add3A_1295 : i32
        %add3A_1297 = arith.constant 8 : i32
        %add3A_1298 = arith.addi %add3A_1296, %add3A_1297 : i32
        %get3A_1299 = arith.index_cast %add3A_1298 : i32 to index
        %get3A_1300 = arith.constant 0 : index
        %get3A_1301 = tpu.vector_load %arg10[%get3A_1299, %get3A_1300] {strides = array<i32>} : memref<1664x16xf32, #tpu.memory_space<vmem>>, vector<16xf32>,
        %mul3A_1302 = arith.mulf %get3A_1301, %get3A_1204 : vector<16xf32>
        %add3A_1303 = arith.addf %scan3A_1190, %mul3A_1302 : vector<16xf32>
        %mul3A_1304 = arith.constant 64 : i32
        %mul3A_1305 = arith.muli %add3A_1201, %mul3A_1304 : i32
        %add3A_1306 = arith.constant 48 : i32
        %add3A_1307 = arith.addi %mul3A_1305, %add3A_1306 : i32
        %add3A_1308 = arith.constant 9 : i32
        %add3A_1309 = arith.addi %add3A_1307, %add3A_1308 : i32
        %get3A_1310 = arith.index_cast %add3A_1309 : i32 to index
        %get3A_1311 = arith.constant 0 : index
        %get3A_1312 = tpu.vector_load %arg10[%get3A_1310, %get3A_1311] {strides = array<i32>} : memref<1664x16xf32, #tpu.memory_space<vmem>>, vector<16xf32>,
        %mul3A_1313 = arith.mulf %get3A_1312, %get3A_1204 : vector<16xf32>
        %add3A_1314 = arith.addf %scan3A_1191, %mul3A_1313 : vector<16xf32>
        %mul3A_1315 = arith.constant 64 : i32
        %mul3A_1316 = arith.muli %add3A_1201, %mul3A_1315 : i32
        %add3A_1317 = arith.constant 48 : i32
        %add3A_1318 = arith.addi %mul3A_1316, %add3A_1317 : i32
        %add3A_1319 = arith.constant 10 : i32
        %add3A_1320 = arith.addi %add3A_1318, %add3A_1319 : i32
        %get3A_1321 = arith.index_cast %add3A_1320 : i32 to index
        %get3A_1322 = arith.constant 0 : index
        %get3A_1323 = tpu.vector_load %arg10[%get3A_1321, %get3A_1322] {strides = array<i32>} : memref<1664x16xf32, #tpu.memory_space<vmem>>, vector<16xf32>,
        %mul3A_1324 = arith.mulf %get3A_1323, %get3A_1204 : vector<16xf32>
        %add3A_1325 = arith.addf %scan3A_1192, %mul3A_1324 : vector<16xf32>
        %mul3A_1326 = arith.constant 64 : i32
        %mul3A_1327 = arith.muli %add3A_1201, %mul3A_1326 : i32
        %add3A_1328 = arith.constant 48 : i32
        %add3A_1329 = arith.addi %mul3A_1327, %add3A_1328 : i32
        %add3A_1330 = arith.constant 11 : i32
        %add3A_1331 = arith.addi %add3A_1329, %add3A_1330 : i32
        %get3A_1332 = arith.index_cast %add3A_1331 : i32 to index
        %get3A_1333 = arith.constant 0 : index
        %get3A_1334 = tpu.vector_load %arg10[%get3A_1332, %get3A_1333] {strides = array<i32>} : memref<1664x16xf32, #tpu.memory_space<vmem>>, vector<16xf32>,
        %mul3A_1335 = arith.mulf %get3A_1334, %get3A_1204 : vector<16xf32>
        %add3A_1336 = arith.addf %scan3A_1193, %mul3A_1335 : vector<16xf32>
        %mul3A_1337 = arith.constant 64 : i32
        %mul3A_1338 = arith.muli %add3A_1201, %mul3A_1337 : i32
        %add3A_1339 = arith.constant 48 : i32
        %add3A_1340 = arith.addi %mul3A_1338, %add3A_1339 : i32
        %add3A_1341 = arith.constant 12 : i32
        %add3A_1342 = arith.addi %add3A_1340, %add3A_1341 : i32
        %get3A_1343 = arith.index_cast %add3A_1342 : i32 to index
        %get3A_1344 = arith.constant 0 : index
        %get3A_1345 = tpu.vector_load %arg10[%get3A_1343, %get3A_1344] {strides = array<i32>} : memref<1664x16xf32, #tpu.memory_space<vmem>>, vector<16xf32>,
        %mul3A_1346 = arith.mulf %get3A_1345, %get3A_1204 : vector<16xf32>
        %add3A_1347 = arith.addf %scan3A_1194, %mul3A_1346 : vector<16xf32>
        %mul3A_1348 = arith.constant 64 : i32
        %mul3A_1349 = arith.muli %add3A_1201, %mul3A_1348 : i32
        %add3A_1350 = arith.constant 48 : i32
        %add3A_1351 = arith.addi %mul3A_1349, %add3A_1350 : i32
        %add3A_1352 = arith.constant 13 : i32
        %add3A_1353 = arith.addi %add3A_1351, %add3A_1352 : i32
        %get3A_1354 = arith.index_cast %add3A_1353 : i32 to index
        %get3A_1355 = arith.constant 0 : index
        %get3A_1356 = tpu.vector_load %arg10[%get3A_1354, %get3A_1355] {strides = array<i32>} : memref<1664x16xf32, #tpu.memory_space<vmem>>, vector<16xf32>,
        %mul3A_1357 = arith.mulf %get3A_1356, %get3A_1204 : vector<16xf32>
        %add3A_1358 = arith.addf %scan3A_1195, %mul3A_1357 : vector<16xf32>
        %mul3A_1359 = arith.constant 64 : i32
        %mul3A_1360 = arith.muli %add3A_1201, %mul3A_1359 : i32
        %add3A_1361 = arith.constant 48 : i32
        %add3A_1362 = arith.addi %mul3A_1360, %add3A_1361 : i32
        %add3A_1363 = arith.constant 14 : i32
        %add3A_1364 = arith.addi %add3A_1362, %add3A_1363 : i32
        %get3A_1365 = arith.index_cast %add3A_1364 : i32 to index
        %get3A_1366 = arith.constant 0 : index
        %get3A_1367 = tpu.vector_load %arg10[%get3A_1365, %get3A_1366] {strides = array<i32>} : memref<1664x16xf32, #tpu.memory_space<vmem>>, vector<16xf32>,
        %mul3A_1368 = arith.mulf %get3A_1367, %get3A_1204 : vector<16xf32>
        %add3A_1369 = arith.addf %scan3A_1196, %mul3A_1368 : vector<16xf32>
        %mul3A_1370 = arith.constant 64 : i32
        %mul3A_1371 = arith.muli %add3A_1201, %mul3A_1370 : i32
        %add3A_1372 = arith.constant 48 : i32
        %add3A_1373 = arith.addi %mul3A_1371, %add3A_1372 : i32
        %add3A_1374 = arith.constant 15 : i32
        %add3A_1375 = arith.addi %add3A_1373, %add3A_1374 : i32
        %get3A_1376 = arith.index_cast %add3A_1375 : i32 to index
        %get3A_1377 = arith.constant 0 : index
        %get3A_1378 = tpu.vector_load %arg10[%get3A_1376, %get3A_1377] {strides = array<i32>} : memref<1664x16xf32, #tpu.memory_space<vmem>>, vector<16xf32>,
        %mul3A_1379 = arith.mulf %get3A_1378, %get3A_1204 : vector<16xf32>
        %add3A_1380 = arith.addf %scan3A_1197, %mul3A_1379 : vector<16xf32>
        %scan3A_1381 = arith.constant 1 : i32
        %scan3A_1382 = arith.addi %scan3A_1181, %scan3A_1381 : i32
        %mul3A_1383 = arith.constant 1 : i32
        %mul3A_1384 = arith.muli %scan3A_1382, %mul3A_1383 : i32
        %add3A_1385 = arith.constant 0 : i32
        %add3A_1386 = arith.addi %add3A_1385, %mul3A_1384 : i32
        %get3A_1387 = arith.index_cast %add3A_1386 : i32 to index
        %get3A_1388 = arith.constant 0 : index
        %get3A_1389 = tpu.vector_load %arg12[%get3A_1387, %get3A_1388] {strides = array<i32>} : memref<26x16xf32, #tpu.memory_space<vmem>>, vector<16xf32>,
        %mul3A_1390 = arith.constant 64 : i32
        %mul3A_1391 = arith.muli %add3A_1386, %mul3A_1390 : i32
        %add3A_1392 = arith.constant 48 : i32
        %add3A_1393 = arith.addi %mul3A_1391, %add3A_1392 : i32
        %add3A_1394 = arith.constant 0 : i32
        %add3A_1395 = arith.addi %add3A_1393, %add3A_1394 : i32
        %get3A_1396 = arith.index_cast %add3A_1395 : i32 to index
        %get3A_1397 = arith.constant 0 : index
        %get3A_1398 = tpu.vector_load %arg10[%get3A_1396, %get3A_1397] {strides = array<i32>} : memref<1664x16xf32, #tpu.memory_space<vmem>>, vector<16xf32>,
        %mul3A_1399 = arith.mulf %get3A_1398, %get3A_1389 : vector<16xf32>
        %add3A_1400 = arith.addf %add3A_1215, %mul3A_1399 : vector<16xf32>
        %mul3A_1401 = arith.constant 64 : i32
        %mul3A_1402 = arith.muli %add3A_1386, %mul3A_1401 : i32
        %add3A_1403 = arith.constant 48 : i32
        %add3A_1404 = arith.addi %mul3A_1402, %add3A_1403 : i32
        %add3A_1405 = arith.constant 1 : i32
        %add3A_1406 = arith.addi %add3A_1404, %add3A_1405 : i32
        %get3A_1407 = arith.index_cast %add3A_1406 : i32 to index
        %get3A_1408 = arith.constant 0 : index
        %get3A_1409 = tpu.vector_load %arg10[%get3A_1407, %get3A_1408] {strides = array<i32>} : memref<1664x16xf32, #tpu.memory_space<vmem>>, vector<16xf32>,
        %mul3A_1410 = arith.mulf %get3A_1409, %get3A_1389 : vector<16xf32>
        %add3A_1411 = arith.addf %add3A_1226, %mul3A_1410 : vector<16xf32>
        %mul3A_1412 = arith.constant 64 : i32
        %mul3A_1413 = arith.muli %add3A_1386, %mul3A_1412 : i32
        %add3A_1414 = arith.constant 48 : i32
        %add3A_1415 = arith.addi %mul3A_1413, %add3A_1414 : i32
        %add3A_1416 = arith.constant 2 : i32
        %add3A_1417 = arith.addi %add3A_1415, %add3A_1416 : i32
        %get3A_1418 = arith.index_cast %add3A_1417 : i32 to index
        %get3A_1419 = arith.constant 0 : index
        %get3A_1420 = tpu.vector_load %arg10[%get3A_1418, %get3A_1419] {strides = array<i32>} : memref<1664x16xf32, #tpu.memory_space<vmem>>, vector<16xf32>,
        %mul3A_1421 = arith.mulf %get3A_1420, %get3A_1389 : vector<16xf32>
        %add3A_1422 = arith.addf %add3A_1237, %mul3A_1421 : vector<16xf32>
        %mul3A_1423 = arith.constant 64 : i32
        %mul3A_1424 = arith.muli %add3A_1386, %mul3A_1423 : i32
        %add3A_1425 = arith.constant 48 : i32
        %add3A_1426 = arith.addi %mul3A_1424, %add3A_1425 : i32
        %add3A_1427 = arith.constant 3 : i32
        %add3A_1428 = arith.addi %add3A_1426, %add3A_1427 : i32
        %get3A_1429 = arith.index_cast %add3A_1428 : i32 to index
        %get3A_1430 = arith.constant 0 : index
        %get3A_1431 = tpu.vector_load %arg10[%get3A_1429, %get3A_1430] {strides = array<i32>} : memref<1664x16xf32, #tpu.memory_space<vmem>>, vector<16xf32>,
        %mul3A_1432 = arith.mulf %get3A_1431, %get3A_1389 : vector<16xf32>
        %add3A_1433 = arith.addf %add3A_1248, %mul3A_1432 : vector<16xf32>
        %mul3A_1434 = arith.constant 64 : i32
        %mul3A_1435 = arith.muli %add3A_1386, %mul3A_1434 : i32
        %add3A_1436 = arith.constant 48 : i32
        %add3A_1437 = arith.addi %mul3A_1435, %add3A_1436 : i32
        %add3A_1438 = arith.constant 4 : i32
        %add3A_1439 = arith.addi %add3A_1437, %add3A_1438 : i32
        %get3A_1440 = arith.index_cast %add3A_1439 : i32 to index
        %get3A_1441 = arith.constant 0 : index
        %get3A_1442 = tpu.vector_load %arg10[%get3A_1440, %get3A_1441] {strides = array<i32>} : memref<1664x16xf32, #tpu.memory_space<vmem>>, vector<16xf32>,
        %mul3A_1443 = arith.mulf %get3A_1442, %get3A_1389 : vector<16xf32>
        %add3A_1444 = arith.addf %add3A_1259, %mul3A_1443 : vector<16xf32>
        %mul3A_1445 = arith.constant 64 : i32
        %mul3A_1446 = arith.muli %add3A_1386, %mul3A_1445 : i32
        %add3A_1447 = arith.constant 48 : i32
        %add3A_1448 = arith.addi %mul3A_1446, %add3A_1447 : i32
        %add3A_1449 = arith.constant 5 : i32
        %add3A_1450 = arith.addi %add3A_1448, %add3A_1449 : i32
        %get3A_1451 = arith.index_cast %add3A_1450 : i32 to index
        %get3A_1452 = arith.constant 0 : index
        %get3A_1453 = tpu.vector_load %arg10[%get3A_1451, %get3A_1452] {strides = array<i32>} : memref<1664x16xf32, #tpu.memory_space<vmem>>, vector<16xf32>,
        %mul3A_1454 = arith.mulf %get3A_1453, %get3A_1389 : vector<16xf32>
        %add3A_1455 = arith.addf %add3A_1270, %mul3A_1454 : vector<16xf32>
        %mul3A_1456 = arith.constant 64 : i32
        %mul3A_1457 = arith.muli %add3A_1386, %mul3A_1456 : i32
        %add3A_1458 = arith.constant 48 : i32
        %add3A_1459 = arith.addi %mul3A_1457, %add3A_1458 : i32
        %add3A_1460 = arith.constant 6 : i32
        %add3A_1461 = arith.addi %add3A_1459, %add3A_1460 : i32
        %get3A_1462 = arith.index_cast %add3A_1461 : i32 to index
        %get3A_1463 = arith.constant 0 : index
        %get3A_1464 = tpu.vector_load %arg10[%get3A_1462, %get3A_1463] {strides = array<i32>} : memref<1664x16xf32, #tpu.memory_space<vmem>>, vector<16xf32>,
        %mul3A_1465 = arith.mulf %get3A_1464, %get3A_1389 : vector<16xf32>
        %add3A_1466 = arith.addf %add3A_1281, %mul3A_1465 : vector<16xf32>
        %mul3A_1467 = arith.constant 64 : i32
        %mul3A_1468 = arith.muli %add3A_1386, %mul3A_1467 : i32
        %add3A_1469 = arith.constant 48 : i32
        %add3A_1470 = arith.addi %mul3A_1468, %add3A_1469 : i32
        %add3A_1471 = arith.constant 7 : i32
        %add3A_1472 = arith.addi %add3A_1470, %add3A_1471 : i32
        %get3A_1473 = arith.index_cast %add3A_1472 : i32 to index
        %get3A_1474 = arith.constant 0 : index
        %get3A_1475 = tpu.vector_load %arg10[%get3A_1473, %get3A_1474] {strides = array<i32>} : memref<1664x16xf32, #tpu.memory_space<vmem>>, vector<16xf32>,
        %mul3A_1476 = arith.mulf %get3A_1475, %get3A_1389 : vector<16xf32>
        %add3A_1477 = arith.addf %add3A_1292, %mul3A_1476 : vector<16xf32>
        %mul3A_1478 = arith.constant 64 : i32
        %mul3A_1479 = arith.muli %add3A_1386, %mul3A_1478 : i32
        %add3A_1480 = arith.constant 48 : i32
        %add3A_1481 = arith.addi %mul3A_1479, %add3A_1480 : i32
        %add3A_1482 = arith.constant 8 : i32
        %add3A_1483 = arith.addi %add3A_1481, %add3A_1482 : i32
        %get3A_1484 = arith.index_cast %add3A_1483 : i32 to index
        %get3A_1485 = arith.constant 0 : index
        %get3A_1486 = tpu.vector_load %arg10[%get3A_1484, %get3A_1485] {strides = array<i32>} : memref<1664x16xf32, #tpu.memory_space<vmem>>, vector<16xf32>,
        %mul3A_1487 = arith.mulf %get3A_1486, %get3A_1389 : vector<16xf32>
        %add3A_1488 = arith.addf %add3A_1303, %mul3A_1487 : vector<16xf32>
        %mul3A_1489 = arith.constant 64 : i32
        %mul3A_1490 = arith.muli %add3A_1386, %mul3A_1489 : i32
        %add3A_1491 = arith.constant 48 : i32
        %add3A_1492 = arith.addi %mul3A_1490, %add3A_1491 : i32
        %add3A_1493 = arith.constant 9 : i32
        %add3A_1494 = arith.addi %add3A_1492, %add3A_1493 : i32
        %get3A_1495 = arith.index_cast %add3A_1494 : i32 to index
        %get3A_1496 = arith.constant 0 : index
        %get3A_1497 = tpu.vector_load %arg10[%get3A_1495, %get3A_1496] {strides = array<i32>} : memref<1664x16xf32, #tpu.memory_space<vmem>>, vector<16xf32>,
        %mul3A_1498 = arith.mulf %get3A_1497, %get3A_1389 : vector<16xf32>
        %add3A_1499 = arith.addf %add3A_1314, %mul3A_1498 : vector<16xf32>
        %mul3A_1500 = arith.constant 64 : i32
        %mul3A_1501 = arith.muli %add3A_1386, %mul3A_1500 : i32
        %add3A_1502 = arith.constant 48 : i32
        %add3A_1503 = arith.addi %mul3A_1501, %add3A_1502 : i32
        %add3A_1504 = arith.constant 10 : i32
        %add3A_1505 = arith.addi %add3A_1503, %add3A_1504 : i32
        %get3A_1506 = arith.index_cast %add3A_1505 : i32 to index
        %get3A_1507 = arith.constant 0 : index
        %get3A_1508 = tpu.vector_load %arg10[%get3A_1506, %get3A_1507] {strides = array<i32>} : memref<1664x16xf32, #tpu.memory_space<vmem>>, vector<16xf32>,
        %mul3A_1509 = arith.mulf %get3A_1508, %get3A_1389 : vector<16xf32>
        %add3A_1510 = arith.addf %add3A_1325, %mul3A_1509 : vector<16xf32>
        %mul3A_1511 = arith.constant 64 : i32
        %mul3A_1512 = arith.muli %add3A_1386, %mul3A_1511 : i32
        %add3A_1513 = arith.constant 48 : i32
        %add3A_1514 = arith.addi %mul3A_1512, %add3A_1513 : i32
        %add3A_1515 = arith.constant 11 : i32
        %add3A_1516 = arith.addi %add3A_1514, %add3A_1515 : i32
        %get3A_1517 = arith.index_cast %add3A_1516 : i32 to index
        %get3A_1518 = arith.constant 0 : index
        %get3A_1519 = tpu.vector_load %arg10[%get3A_1517, %get3A_1518] {strides = array<i32>} : memref<1664x16xf32, #tpu.memory_space<vmem>>, vector<16xf32>,
        %mul3A_1520 = arith.mulf %get3A_1519, %get3A_1389 : vector<16xf32>
        %add3A_1521 = arith.addf %add3A_1336, %mul3A_1520 : vector<16xf32>
        %mul3A_1522 = arith.constant 64 : i32
        %mul3A_1523 = arith.muli %add3A_1386, %mul3A_1522 : i32
        %add3A_1524 = arith.constant 48 : i32
        %add3A_1525 = arith.addi %mul3A_1523, %add3A_1524 : i32
        %add3A_1526 = arith.constant 12 : i32
        %add3A_1527 = arith.addi %add3A_1525, %add3A_1526 : i32
        %get3A_1528 = arith.index_cast %add3A_1527 : i32 to index
        %get3A_1529 = arith.constant 0 : index
        %get3A_1530 = tpu.vector_load %arg10[%get3A_1528, %get3A_1529] {strides = array<i32>} : memref<1664x16xf32, #tpu.memory_space<vmem>>, vector<16xf32>,
        %mul3A_1531 = arith.mulf %get3A_1530, %get3A_1389 : vector<16xf32>
        %add3A_1532 = arith.addf %add3A_1347, %mul3A_1531 : vector<16xf32>
        %mul3A_1533 = arith.constant 64 : i32
        %mul3A_1534 = arith.muli %add3A_1386, %mul3A_1533 : i32
        %add3A_1535 = arith.constant 48 : i32
        %add3A_1536 = arith.addi %mul3A_1534, %add3A_1535 : i32
        %add3A_1537 = arith.constant 13 : i32
        %add3A_1538 = arith.addi %add3A_1536, %add3A_1537 : i32
        %get3A_1539 = arith.index_cast %add3A_1538 : i32 to index
        %get3A_1540 = arith.constant 0 : index
        %get3A_1541 = tpu.vector_load %arg10[%get3A_1539, %get3A_1540] {strides = array<i32>} : memref<1664x16xf32, #tpu.memory_space<vmem>>, vector<16xf32>,
        %mul3A_1542 = arith.mulf %get3A_1541, %get3A_1389 : vector<16xf32>
        %add3A_1543 = arith.addf %add3A_1358, %mul3A_1542 : vector<16xf32>
        %mul3A_1544 = arith.constant 64 : i32
        %mul3A_1545 = arith.muli %add3A_1386, %mul3A_1544 : i32
        %add3A_1546 = arith.constant 48 : i32
        %add3A_1547 = arith.addi %mul3A_1545, %add3A_1546 : i32
        %add3A_1548 = arith.constant 14 : i32
        %add3A_1549 = arith.addi %add3A_1547, %add3A_1548 : i32
        %get3A_1550 = arith.index_cast %add3A_1549 : i32 to index
        %get3A_1551 = arith.constant 0 : index
        %get3A_1552 = tpu.vector_load %arg10[%get3A_1550, %get3A_1551] {strides = array<i32>} : memref<1664x16xf32, #tpu.memory_space<vmem>>, vector<16xf32>,
        %mul3A_1553 = arith.mulf %get3A_1552, %get3A_1389 : vector<16xf32>
        %add3A_1554 = arith.addf %add3A_1369, %mul3A_1553 : vector<16xf32>
        %mul3A_1555 = arith.constant 64 : i32
        %mul3A_1556 = arith.muli %add3A_1386, %mul3A_1555 : i32
        %add3A_1557 = arith.constant 48 : i32
        %add3A_1558 = arith.addi %mul3A_1556, %add3A_1557 : i32
        %add3A_1559 = arith.constant 15 : i32
        %add3A_1560 = arith.addi %add3A_1558, %add3A_1559 : i32
        %get3A_1561 = arith.index_cast %add3A_1560 : i32 to index
        %get3A_1562 = arith.constant 0 : index
        %get3A_1563 = tpu.vector_load %arg10[%get3A_1561, %get3A_1562] {strides = array<i32>} : memref<1664x16xf32, #tpu.memory_space<vmem>>, vector<16xf32>,
        %mul3A_1564 = arith.mulf %get3A_1563, %get3A_1389 : vector<16xf32>
        %add3A_1565 = arith.addf %add3A_1380, %mul3A_1564 : vector<16xf32>
        scf.yield %add3A_1400, %add3A_1411, %add3A_1422, %add3A_1433, %add3A_1444, %add3A_1455, %add3A_1466, %add3A_1477, %add3A_1488, %add3A_1499, %add3A_1510, %add3A_1521, %add3A_1532, %add3A_1543, %add3A_1554, %add3A_1565 : vector<16xf32>, vector<16xf32>, vector<16xf32>, vector<16xf32>, vector<16xf32>, vector<16xf32>, vector<16xf32>, vector<16xf32>, vector<16xf32>, vector<16xf32>, vector<16xf32>, vector<16xf32>, vector<16xf32>, vector<16xf32>, vector<16xf32>, vector<16xf32>
      }
      %scan3A_464 = arith.constant 26 : i32
      %swap3A_465 = arith.constant 0 : i32
      %swap3A_466 = arith.index_cast %swap3A_465 : i32 to index
      %swap3A_467 = arith.constant 0 : index
      %swap3A_468 = tpu.vector_load %arg14[%swap3A_466, %swap3A_467] {strides = array<i32>} : memref<16x16xf32, #tpu.memory_space<vmem>>, vector<16xf32>,
      tpu.vector_store %arg14[%swap3A_466, %swap3A_467], %scan3A_463#0 {strides = array<i32>} : memref<16x16xf32, #tpu.memory_space<vmem>>, vector<16xf32>,
      %swap3A_469 = arith.constant 1 : i32
      %swap3A_470 = arith.index_cast %swap3A_469 : i32 to index
      %swap3A_471 = arith.constant 0 : index
      %swap3A_472 = tpu.vector_load %arg14[%swap3A_470, %swap3A_471] {strides = array<i32>} : memref<16x16xf32, #tpu.memory_space<vmem>>, vector<16xf32>,
      tpu.vector_store %arg14[%swap3A_470, %swap3A_471], %scan3A_463#1 {strides = array<i32>} : memref<16x16xf32, #tpu.memory_space<vmem>>, vector<16xf32>,
      %swap3A_473 = arith.constant 2 : i32
      %swap3A_474 = arith.index_cast %swap3A_473 : i32 to index
      %swap3A_475 = arith.constant 0 : index
      %swap3A_476 = tpu.vector_load %arg14[%swap3A_474, %swap3A_475] {strides = array<i32>} : memref<16x16xf32, #tpu.memory_space<vmem>>, vector<16xf32>,
      tpu.vector_store %arg14[%swap3A_474, %swap3A_475], %scan3A_463#2 {strides = array<i32>} : memref<16x16xf32, #tpu.memory_space<vmem>>, vector<16xf32>,
      %swap3A_477 = arith.constant 3 : i32
      %swap3A_478 = arith.index_cast %swap3A_477 : i32 to index
      %swap3A_479 = arith.constant 0 : index
      %swap3A_480 = tpu.vector_load %arg14[%swap3A_478, %swap3A_479] {strides = array<i32>} : memref<16x16xf32, #tpu.memory_space<vmem>>, vector<16xf32>,
      tpu.vector_store %arg14[%swap3A_478, %swap3A_479], %scan3A_463#3 {strides = array<i32>} : memref<16x16xf32, #tpu.memory_space<vmem>>, vector<16xf32>,
      %swap3A_481 = arith.constant 4 : i32
      %swap3A_482 = arith.index_cast %swap3A_481 : i32 to index
      %swap3A_483 = arith.constant 0 : index
      %swap3A_484 = tpu.vector_load %arg14[%swap3A_482, %swap3A_483] {strides = array<i32>} : memref<16x16xf32, #tpu.memory_space<vmem>>, vector<16xf32>,
      tpu.vector_store %arg14[%swap3A_482, %swap3A_483], %scan3A_463#4 {strides = array<i32>} : memref<16x16xf32, #tpu.memory_space<vmem>>, vector<16xf32>,
      %swap3A_485 = arith.constant 5 : i32
      %swap3A_486 = arith.index_cast %swap3A_485 : i32 to index
      %swap3A_487 = arith.constant 0 : index
      %swap3A_488 = tpu.vector_load %arg14[%swap3A_486, %swap3A_487] {strides = array<i32>} : memref<16x16xf32, #tpu.memory_space<vmem>>, vector<16xf32>,
      tpu.vector_store %arg14[%swap3A_486, %swap3A_487], %scan3A_463#5 {strides = array<i32>} : memref<16x16xf32, #tpu.memory_space<vmem>>, vector<16xf32>,
      %swap3A_489 = arith.constant 6 : i32
      %swap3A_490 = arith.index_cast %swap3A_489 : i32 to index
      %swap3A_491 = arith.constant 0 : index
      %swap3A_492 = tpu.vector_load %arg14[%swap3A_490, %swap3A_491] {strides = array<i32>} : memref<16x16xf32, #tpu.memory_space<vmem>>, vector<16xf32>,
      tpu.vector_store %arg14[%swap3A_490, %swap3A_491], %scan3A_463#6 {strides = array<i32>} : memref<16x16xf32, #tpu.memory_space<vmem>>, vector<16xf32>,
      %swap3A_493 = arith.constant 7 : i32
      %swap3A_494 = arith.index_cast %swap3A_493 : i32 to index
      %swap3A_495 = arith.constant 0 : index
      %swap3A_496 = tpu.vector_load %arg14[%swap3A_494, %swap3A_495] {strides = array<i32>} : memref<16x16xf32, #tpu.memory_space<vmem>>, vector<16xf32>,
      tpu.vector_store %arg14[%swap3A_494, %swap3A_495], %scan3A_463#7 {strides = array<i32>} : memref<16x16xf32, #tpu.memory_space<vmem>>, vector<16xf32>,
      %swap3A_497 = arith.constant 8 : i32
      %swap3A_498 = arith.index_cast %swap3A_497 : i32 to index
      %swap3A_499 = arith.constant 0 : index
      %swap3A_500 = tpu.vector_load %arg14[%swap3A_498, %swap3A_499] {strides = array<i32>} : memref<16x16xf32, #tpu.memory_space<vmem>>, vector<16xf32>,
      tpu.vector_store %arg14[%swap3A_498, %swap3A_499], %scan3A_463#8 {strides = array<i32>} : memref<16x16xf32, #tpu.memory_space<vmem>>, vector<16xf32>,
      %swap3A_501 = arith.constant 9 : i32
      %swap3A_502 = arith.index_cast %swap3A_501 : i32 to index
      %swap3A_503 = arith.constant 0 : index
      %swap3A_504 = tpu.vector_load %arg14[%swap3A_502, %swap3A_503] {strides = array<i32>} : memref<16x16xf32, #tpu.memory_space<vmem>>, vector<16xf32>,
      tpu.vector_store %arg14[%swap3A_502, %swap3A_503], %scan3A_463#9 {strides = array<i32>} : memref<16x16xf32, #tpu.memory_space<vmem>>, vector<16xf32>,
      %swap3A_505 = arith.constant 10 : i32
      %swap3A_506 = arith.index_cast %swap3A_505 : i32 to index
      %swap3A_507 = arith.constant 0 : index
      %swap3A_508 = tpu.vector_load %arg14[%swap3A_506, %swap3A_507] {strides = array<i32>} : memref<16x16xf32, #tpu.memory_space<vmem>>, vector<16xf32>,
      tpu.vector_store %arg14[%swap3A_506, %swap3A_507], %scan3A_463#10 {strides = array<i32>} : memref<16x16xf32, #tpu.memory_space<vmem>>, vector<16xf32>,
      %swap3A_509 = arith.constant 11 : i32
      %swap3A_510 = arith.index_cast %swap3A_509 : i32 to index
      %swap3A_511 = arith.constant 0 : index
      %swap3A_512 = tpu.vector_load %arg14[%swap3A_510, %swap3A_511] {strides = array<i32>} : memref<16x16xf32, #tpu.memory_space<vmem>>, vector<16xf32>,
      tpu.vector_store %arg14[%swap3A_510, %swap3A_511], %scan3A_463#11 {strides = array<i32>} : memref<16x16xf32, #tpu.memory_space<vmem>>, vector<16xf32>,
      %swap3A_513 = arith.constant 12 : i32
      %swap3A_514 = arith.index_cast %swap3A_513 : i32 to index
      %swap3A_515 = arith.constant 0 : index
      %swap3A_516 = tpu.vector_load %arg14[%swap3A_514, %swap3A_515] {strides = array<i32>} : memref<16x16xf32, #tpu.memory_space<vmem>>, vector<16xf32>,
      tpu.vector_store %arg14[%swap3A_514, %swap3A_515], %scan3A_463#12 {strides = array<i32>} : memref<16x16xf32, #tpu.memory_space<vmem>>, vector<16xf32>,
      %swap3A_517 = arith.constant 13 : i32
      %swap3A_518 = arith.index_cast %swap3A_517 : i32 to index
      %swap3A_519 = arith.constant 0 : index
      %swap3A_520 = tpu.vector_load %arg14[%swap3A_518, %swap3A_519] {strides = array<i32>} : memref<16x16xf32, #tpu.memory_space<vmem>>, vector<16xf32>,
      tpu.vector_store %arg14[%swap3A_518, %swap3A_519], %scan3A_463#13 {strides = array<i32>} : memref<16x16xf32, #tpu.memory_space<vmem>>, vector<16xf32>,
      %swap3A_521 = arith.constant 14 : i32
      %swap3A_522 = arith.index_cast %swap3A_521 : i32 to index
      %swap3A_523 = arith.constant 0 : index
      %swap3A_524 = tpu.vector_load %arg14[%swap3A_522, %swap3A_523] {strides = array<i32>} : memref<16x16xf32, #tpu.memory_space<vmem>>, vector<16xf32>,
      tpu.vector_store %arg14[%swap3A_522, %swap3A_523], %scan3A_463#14 {strides = array<i32>} : memref<16x16xf32, #tpu.memory_space<vmem>>, vector<16xf32>,
      %swap3A_525 = arith.constant 15 : i32
      %swap3A_526 = arith.index_cast %swap3A_525 : i32 to index
      %swap3A_527 = arith.constant 0 : index
      %swap3A_528 = tpu.vector_load %arg14[%swap3A_526, %swap3A_527] {strides = array<i32>} : memref<16x16xf32, #tpu.memory_space<vmem>>, vector<16xf32>,
      tpu.vector_store %arg14[%swap3A_526, %swap3A_527], %scan3A_463#15 {strides = array<i32>} : memref<16x16xf32, #tpu.memory_space<vmem>>, vector<16xf32>,
      %iota3A_529 = tpu.iota {dimensions = array<i32: 0>} : vector<16xi32>
      %broadcast_in_dim3A_530 = arith.constant 0 : i32
      %broadcast_in_dim3A_531 = vector.broadcast %broadcast_in_dim3A_530 : i32 to vector<16xi32>
      %gather3A_532 = tpu.vector_load_idx %arg14[%iota3A_529, %broadcast_in_dim3A_531] : memref<16x16xf32, #tpu.memory_space<vmem>>[vector<16xi32>, vector<16xi32>], vector<16xf32>,
      %broadcast_in_dim3A_533 = arith.constant 1 : i32
      %broadcast_in_dim3A_534 = vector.broadcast %broadcast_in_dim3A_533 : i32 to vector<16xi32>
      %gather3A_535 = tpu.vector_load_idx %arg14[%iota3A_529, %broadcast_in_dim3A_534] : memref<16x16xf32, #tpu.memory_space<vmem>>[vector<16xi32>, vector<16xi32>], vector<16xf32>,
      %add3A_536 = arith.addf %gather3A_532, %gather3A_535 : vector<16xf32>
      %broadcast_in_dim3A_537 = arith.constant 2 : i32
      %broadcast_in_dim3A_538 = vector.broadcast %broadcast_in_dim3A_537 : i32 to vector<16xi32>
      %gather3A_539 = tpu.vector_load_idx %arg14[%iota3A_529, %broadcast_in_dim3A_538] : memref<16x16xf32, #tpu.memory_space<vmem>>[vector<16xi32>, vector<16xi32>], vector<16xf32>,
      %add3A_540 = arith.addf %add3A_536, %gather3A_539 : vector<16xf32>
      %broadcast_in_dim3A_541 = arith.constant 3 : i32
      %broadcast_in_dim3A_542 = vector.broadcast %broadcast_in_dim3A_541 : i32 to vector<16xi32>
      %gather3A_543 = tpu.vector_load_idx %arg14[%iota3A_529, %broadcast_in_dim3A_542] : memref<16x16xf32, #tpu.memory_space<vmem>>[vector<16xi32>, vector<16xi32>], vector<16xf32>,
      %add3A_544 = arith.addf %add3A_540, %gather3A_543 : vector<16xf32>
      %broadcast_in_dim3A_545 = arith.constant 4 : i32
      %broadcast_in_dim3A_546 = vector.broadcast %broadcast_in_dim3A_545 : i32 to vector<16xi32>
      %gather3A_547 = tpu.vector_load_idx %arg14[%iota3A_529, %broadcast_in_dim3A_546] : memref<16x16xf32, #tpu.memory_space<vmem>>[vector<16xi32>, vector<16xi32>], vector<16xf32>,
      %broadcast_in_dim3A_548 = arith.constant 5 : i32
      %broadcast_in_dim3A_549 = vector.broadcast %broadcast_in_dim3A_548 : i32 to vector<16xi32>
      %gather3A_550 = tpu.vector_load_idx %arg14[%iota3A_529, %broadcast_in_dim3A_549] : memref<16x16xf32, #tpu.memory_space<vmem>>[vector<16xi32>, vector<16xi32>], vector<16xf32>,
      %add3A_551 = arith.addf %gather3A_547, %gather3A_550 : vector<16xf32>
      %broadcast_in_dim3A_552 = arith.constant 6 : i32
      %broadcast_in_dim3A_553 = vector.broadcast %broadcast_in_dim3A_552 : i32 to vector<16xi32>
      %gather3A_554 = tpu.vector_load_idx %arg14[%iota3A_529, %broadcast_in_dim3A_553] : memref<16x16xf32, #tpu.memory_space<vmem>>[vector<16xi32>, vector<16xi32>], vector<16xf32>,
      %add3A_555 = arith.addf %add3A_551, %gather3A_554 : vector<16xf32>
      %broadcast_in_dim3A_556 = arith.constant 7 : i32
      %broadcast_in_dim3A_557 = vector.broadcast %broadcast_in_dim3A_556 : i32 to vector<16xi32>
      %gather3A_558 = tpu.vector_load_idx %arg14[%iota3A_529, %broadcast_in_dim3A_557] : memref<16x16xf32, #tpu.memory_space<vmem>>[vector<16xi32>, vector<16xi32>], vector<16xf32>,
      %add3A_559 = arith.addf %add3A_555, %gather3A_558 : vector<16xf32>
      %broadcast_in_dim3A_560 = arith.constant 8 : i32
      %broadcast_in_dim3A_561 = vector.broadcast %broadcast_in_dim3A_560 : i32 to vector<16xi32>
      %gather3A_562 = tpu.vector_load_idx %arg14[%iota3A_529, %broadcast_in_dim3A_561] : memref<16x16xf32, #tpu.memory_space<vmem>>[vector<16xi32>, vector<16xi32>], vector<16xf32>,
      %broadcast_in_dim3A_563 = arith.constant 9 : i32
      %broadcast_in_dim3A_564 = vector.broadcast %broadcast_in_dim3A_563 : i32 to vector<16xi32>
      %gather3A_565 = tpu.vector_load_idx %arg14[%iota3A_529, %broadcast_in_dim3A_564] : memref<16x16xf32, #tpu.memory_space<vmem>>[vector<16xi32>, vector<16xi32>], vector<16xf32>,
      %add3A_566 = arith.addf %gather3A_562, %gather3A_565 : vector<16xf32>
      %broadcast_in_dim3A_567 = arith.constant 10 : i32
      %broadcast_in_dim3A_568 = vector.broadcast %broadcast_in_dim3A_567 : i32 to vector<16xi32>
      %gather3A_569 = tpu.vector_load_idx %arg14[%iota3A_529, %broadcast_in_dim3A_568] : memref<16x16xf32, #tpu.memory_space<vmem>>[vector<16xi32>, vector<16xi32>], vector<16xf32>,
      %add3A_570 = arith.addf %add3A_566, %gather3A_569 : vector<16xf32>
      %broadcast_in_dim3A_571 = arith.constant 11 : i32
      %broadcast_in_dim3A_572 = vector.broadcast %broadcast_in_dim3A_571 : i32 to vector<16xi32>
      %gather3A_573 = tpu.vector_load_idx %arg14[%iota3A_529, %broadcast_in_dim3A_572] : memref<16x16xf32, #tpu.memory_space<vmem>>[vector<16xi32>, vector<16xi32>], vector<16xf32>,
      %add3A_574 = arith.addf %add3A_570, %gather3A_573 : vector<16xf32>
      %broadcast_in_dim3A_575 = arith.constant 12 : i32
      %broadcast_in_dim3A_576 = vector.broadcast %broadcast_in_dim3A_575 : i32 to vector<16xi32>
      %gather3A_577 = tpu.vector_load_idx %arg14[%iota3A_529, %broadcast_in_dim3A_576] : memref<16x16xf32, #tpu.memory_space<vmem>>[vector<16xi32>, vector<16xi32>], vector<16xf32>,
      %broadcast_in_dim3A_578 = arith.constant 13 : i32
      %broadcast_in_dim3A_579 = vector.broadcast %broadcast_in_dim3A_578 : i32 to vector<16xi32>
      %gather3A_580 = tpu.vector_load_idx %arg14[%iota3A_529, %broadcast_in_dim3A_579] : memref<16x16xf32, #tpu.memory_space<vmem>>[vector<16xi32>, vector<16xi32>], vector<16xf32>,
      %add3A_581 = arith.addf %gather3A_577, %gather3A_580 : vector<16xf32>
      %broadcast_in_dim3A_582 = arith.constant 14 : i32
      %broadcast_in_dim3A_583 = vector.broadcast %broadcast_in_dim3A_582 : i32 to vector<16xi32>
      %gather3A_584 = tpu.vector_load_idx %arg14[%iota3A_529, %broadcast_in_dim3A_583] : memref<16x16xf32, #tpu.memory_space<vmem>>[vector<16xi32>, vector<16xi32>], vector<16xf32>,
      %add3A_585 = arith.addf %add3A_581, %gather3A_584 : vector<16xf32>
      %broadcast_in_dim3A_586 = arith.constant 15 : i32
      %broadcast_in_dim3A_587 = vector.broadcast %broadcast_in_dim3A_586 : i32 to vector<16xi32>
      %gather3A_588 = tpu.vector_load_idx %arg14[%iota3A_529, %broadcast_in_dim3A_587] : memref<16x16xf32, #tpu.memory_space<vmem>>[vector<16xi32>, vector<16xi32>], vector<16xf32>,
      %add3A_589 = arith.addf %add3A_585, %gather3A_588 : vector<16xf32>
      %add3A_590 = arith.addf %add3A_544, %add3A_559 : vector<16xf32>
      %add3A_591 = arith.addf %add3A_574, %add3A_589 : vector<16xf32>
      %add3A_592 = arith.addf %add3A_590, %add3A_591 : vector<16xf32>
      %add3A_593 = arith.addf %add3A_592, %get3A_3 : vector<16xf32>
      %mul3A_594 = arith.constant 64 : i32
      %mul3A_595 = arith.muli %add3A_19, %mul3A_594 : i32
      %add3A_596 = arith.constant 48 : i32
      %add3A_597 = arith.addi %mul3A_595, %add3A_596 : i32
      %swap3A_598 = arith.index_cast %add3A_597 : i32 to index
      %swap3A_599 = tpu.vector_load %arg15[%swap3A_598] {strides = array<i32>} : memref<512xf32, #tpu.memory_space<vmem>>, vector<16xf32>,
      tpu.vector_store %arg15[%swap3A_598], %add3A_593 {strides = array<i32>} : memref<512xf32, #tpu.memory_space<vmem>>, vector<16xf32>,
      %dma_wait3A_600 = arith.constant 0 : i32
      %dma_wait3A_601 = arith.constant 0 : i32
      %dma_wait3A_602 = tpu.memref_slice %arg3[%dma_wait3A_600, %dma_wait3A_601] : memref<2600000x16xf32, #tpu.memory_space<hbm>> -> memref<2600000x16xf32, #tpu.memory_space<hbm>>
      tpu.wait_indirect_dma semaphore(%arg17 : memref<!tpu.dma_semaphore, #tpu.memory_space<semaphore_mem>>) src(%dma_wait3A_602 : memref<2600000x16xf32, #tpu.memory_space<hbm>>) dst(%arg11 : memref<1664x16xf32, #tpu.memory_space<vmem>>)
      %add3A_603 = arith.constant 2 : i32
      %add3A_604 = arith.addi %add3A_19, %add3A_603 : i32
      %lt3A = arith.constant 8 : i32
      %lt3A_605 = arith.cmpi slt, %add3A_604, %lt3A : i32
      %convert_element_type3A = arith.extui %lt3A_605 : i1 to i32
      %cond3A = arith.constant 0 : i32
      %cond3A_606 = arith.cmpi ne, %convert_element_type3A, %cond3A : i32
      scf.if %cond3A_606 {
        %add3A_1181 = arith.constant 2 : i32
        %add3A_1182 = arith.addi %add3A_19, %add3A_1181 : i32
        %scan3A_1183 = arith.constant 0 : i32
        %scan3A_1184 = arith.constant 26 : i32
        %scan3A_1185 = arith.addi %scan3A_1183, %scan3A_1184 : i32
        %scan3A_1186 = arith.constant 1 : i32
        scf.for %scan3A_1191 = %scan3A_1183 to %scan3A_1185 step %scan3A_1186  : i32 {
          %mul3A_1192 = arith.constant 1 : i32
          %mul3A_1193 = arith.muli %scan3A_1191, %mul3A_1192 : i32
          %add3A_1194 = arith.constant 0 : i32
          %add3A_1195 = arith.addi %add3A_1194, %mul3A_1193 : i32
          %mul3A_1196 = arith.constant 64 : i32
          %mul3A_1197 = arith.muli %add3A_1182, %mul3A_1196 : i32
          %add3A_1198 = arith.constant 0 : i32
          %add3A_1199 = arith.addi %mul3A_1197, %add3A_1198 : i32
          %get3A_1200 = arith.index_cast %add3A_1195 : i32 to index
          %get3A_1201 = arith.index_cast %add3A_1199 : i32 to index
          %get3A_1202 = tpu.vector_load %arg7[%get3A_1200, %get3A_1201] {strides = array<i32>} : memref<26x512xi32, #tpu.memory_space<vmem>>, vector<16xi32>,
          %mul3A_1203 = arith.constant 100000 : i32
          %mul3A_1204 = arith.muli %add3A_1195, %mul3A_1203 : i32
          %add3A_1205 = vector.broadcast %mul3A_1204 : i32 to vector<16xi32>
          %add3A_1206 = arith.addi %get3A_1202, %add3A_1205 : vector<16xi32>
          %mul3A_1207 = arith.constant 64 : i32
          %mul3A_1208 = arith.muli %add3A_1195, %mul3A_1207 : i32
          %add3A_1209 = arith.constant 0 : i32
          %add3A_1210 = arith.addi %mul3A_1208, %add3A_1209 : i32
          %swap3A_1211 = arith.index_cast %add3A_1210 : i32 to index
          %swap3A_1212 = tpu.vector_load %arg8[%swap3A_1211] {strides = array<i32>} : memref<1664xi32, #tpu.memory_space<vmem>>, vector<16xi32>,
          tpu.vector_store %arg8[%swap3A_1211], %add3A_1206 {strides = array<i32>} : memref<1664xi32, #tpu.memory_space<vmem>>, vector<16xi32>,
          %mul3A_1213 = arith.constant 64 : i32
          %mul3A_1214 = arith.muli %add3A_1182, %mul3A_1213 : i32
          %add3A_1215 = arith.constant 16 : i32
          %add3A_1216 = arith.addi %mul3A_1214, %add3A_1215 : i32
          %get3A_1217 = arith.index_cast %add3A_1195 : i32 to index
          %get3A_1218 = arith.index_cast %add3A_1216 : i32 to index
          %get3A_1219 = tpu.vector_load %arg7[%get3A_1217, %get3A_1218] {strides = array<i32>} : memref<26x512xi32, #tpu.memory_space<vmem>>, vector<16xi32>,
          %mul3A_1220 = arith.constant 100000 : i32
          %mul3A_1221 = arith.muli %add3A_1195, %mul3A_1220 : i32
          %add3A_1222 = vector.broadcast %mul3A_1221 : i32 to vector<16xi32>
          %add3A_1223 = arith.addi %get3A_1219, %add3A_1222 : vector<16xi32>
          %mul3A_1224 = arith.constant 64 : i32
          %mul3A_1225 = arith.muli %add3A_1195, %mul3A_1224 : i32
          %add3A_1226 = arith.constant 16 : i32
          %add3A_1227 = arith.addi %mul3A_1225, %add3A_1226 : i32
          %swap3A_1228 = arith.index_cast %add3A_1227 : i32 to index
          %swap3A_1229 = tpu.vector_load %arg8[%swap3A_1228] {strides = array<i32>} : memref<1664xi32, #tpu.memory_space<vmem>>, vector<16xi32>,
          tpu.vector_store %arg8[%swap3A_1228], %add3A_1223 {strides = array<i32>} : memref<1664xi32, #tpu.memory_space<vmem>>, vector<16xi32>,
          %mul3A_1230 = arith.constant 64 : i32
          %mul3A_1231 = arith.muli %add3A_1182, %mul3A_1230 : i32
          %add3A_1232 = arith.constant 32 : i32
          %add3A_1233 = arith.addi %mul3A_1231, %add3A_1232 : i32
          %get3A_1234 = arith.index_cast %add3A_1195 : i32 to index
          %get3A_1235 = arith.index_cast %add3A_1233 : i32 to index
          %get3A_1236 = tpu.vector_load %arg7[%get3A_1234, %get3A_1235] {strides = array<i32>} : memref<26x512xi32, #tpu.memory_space<vmem>>, vector<16xi32>,
          %mul3A_1237 = arith.constant 100000 : i32
          %mul3A_1238 = arith.muli %add3A_1195, %mul3A_1237 : i32
          %add3A_1239 = vector.broadcast %mul3A_1238 : i32 to vector<16xi32>
          %add3A_1240 = arith.addi %get3A_1236, %add3A_1239 : vector<16xi32>
          %mul3A_1241 = arith.constant 64 : i32
          %mul3A_1242 = arith.muli %add3A_1195, %mul3A_1241 : i32
          %add3A_1243 = arith.constant 32 : i32
          %add3A_1244 = arith.addi %mul3A_1242, %add3A_1243 : i32
          %swap3A_1245 = arith.index_cast %add3A_1244 : i32 to index
          %swap3A_1246 = tpu.vector_load %arg8[%swap3A_1245] {strides = array<i32>} : memref<1664xi32, #tpu.memory_space<vmem>>, vector<16xi32>,
          tpu.vector_store %arg8[%swap3A_1245], %add3A_1240 {strides = array<i32>} : memref<1664xi32, #tpu.memory_space<vmem>>, vector<16xi32>,
          %mul3A_1247 = arith.constant 64 : i32
          %mul3A_1248 = arith.muli %add3A_1182, %mul3A_1247 : i32
          %add3A_1249 = arith.constant 48 : i32
          %add3A_1250 = arith.addi %mul3A_1248, %add3A_1249 : i32
          %get3A_1251 = arith.index_cast %add3A_1195 : i32 to index
          %get3A_1252 = arith.index_cast %add3A_1250 : i32 to index
          %get3A_1253 = tpu.vector_load %arg7[%get3A_1251, %get3A_1252] {strides = array<i32>} : memref<26x512xi32, #tpu.memory_space<vmem>>, vector<16xi32>,
          %mul3A_1254 = arith.constant 100000 : i32
          %mul3A_1255 = arith.muli %add3A_1195, %mul3A_1254 : i32
          %add3A_1256 = vector.broadcast %mul3A_1255 : i32 to vector<16xi32>
          %add3A_1257 = arith.addi %get3A_1253, %add3A_1256 : vector<16xi32>
          %mul3A_1258 = arith.constant 64 : i32
          %mul3A_1259 = arith.muli %add3A_1195, %mul3A_1258 : i32
          %add3A_1260 = arith.constant 48 : i32
          %add3A_1261 = arith.addi %mul3A_1259, %add3A_1260 : i32
          %swap3A_1262 = arith.index_cast %add3A_1261 : i32 to index
          %swap3A_1263 = tpu.vector_load %arg8[%swap3A_1262] {strides = array<i32>} : memref<1664xi32, #tpu.memory_space<vmem>>, vector<16xi32>,
          tpu.vector_store %arg8[%swap3A_1262], %add3A_1257 {strides = array<i32>} : memref<1664xi32, #tpu.memory_space<vmem>>, vector<16xi32>,
        }
        %scan3A_1187 = arith.constant 26 : i32
        %dma_start3A_1188 = arith.constant 0 : i32
        %dma_start3A_1189 = arith.constant 0 : i32
        %dma_start3A_1190 = tpu.memref_slice %arg3[%dma_start3A_1188, %dma_start3A_1189] : memref<2600000x16xf32, #tpu.memory_space<hbm>> -> memref<2600000x16xf32, #tpu.memory_space<hbm>>
        tpu.enqueue_indirect_dma source(%dma_start3A_1190 : memref<2600000x16xf32, #tpu.memory_space<hbm>>) target(%arg10 : memref<1664x16xf32, #tpu.memory_space<vmem>>) offsets(%arg8 : memref<1664xi32, #tpu.memory_space<vmem>>) semaphore(%arg16 : memref<!tpu.dma_semaphore, #tpu.memory_space<semaphore_mem>>)
      } else {
      }
      %add3A_607 = arith.constant 1 : i32
      %add3A_608 = arith.addi %add3A_19, %add3A_607 : i32
      %broadcast_in_dim3A_609 = arith.constant 0.000000e+00 : f32
      %broadcast_in_dim3A_610 = vector.broadcast %broadcast_in_dim3A_609 : f32 to vector<16xf32>
      %scan3A_611 = arith.constant 0 : i32
      %scan3A_612 = arith.constant 26 : i32
      %scan3A_613 = arith.addi %scan3A_611, %scan3A_612 : i32
      %scan3A_614 = arith.constant 2 : i32
      %scan3A_615:16 = scf.for %scan3A_1181 = %scan3A_611 to %scan3A_613 step %scan3A_614 iter_args(%scan3A_1182 = %broadcast_in_dim3A_610, %scan3A_1183 = %broadcast_in_dim3A_610, %scan3A_1184 = %broadcast_in_dim3A_610, %scan3A_1185 = %broadcast_in_dim3A_610, %scan3A_1186 = %broadcast_in_dim3A_610, %scan3A_1187 = %broadcast_in_dim3A_610, %scan3A_1188 = %broadcast_in_dim3A_610, %scan3A_1189 = %broadcast_in_dim3A_610, %scan3A_1190 = %broadcast_in_dim3A_610, %scan3A_1191 = %broadcast_in_dim3A_610, %scan3A_1192 = %broadcast_in_dim3A_610, %scan3A_1193 = %broadcast_in_dim3A_610, %scan3A_1194 = %broadcast_in_dim3A_610, %scan3A_1195 = %broadcast_in_dim3A_610, %scan3A_1196 = %broadcast_in_dim3A_610, %scan3A_1197 = %broadcast_in_dim3A_610) -> (vector<16xf32>, vector<16xf32>, vector<16xf32>, vector<16xf32>, vector<16xf32>, vector<16xf32>, vector<16xf32>, vector<16xf32>, vector<16xf32>, vector<16xf32>, vector<16xf32>, vector<16xf32>, vector<16xf32>, vector<16xf32>, vector<16xf32>, vector<16xf32>)  : i32 {
        %mul3A_1198 = arith.constant 1 : i32
        %mul3A_1199 = arith.muli %scan3A_1181, %mul3A_1198 : i32
        %add3A_1200 = arith.constant 0 : i32
        %add3A_1201 = arith.addi %add3A_1200, %mul3A_1199 : i32
        %get3A_1202 = arith.index_cast %add3A_1201 : i32 to index
        %get3A_1203 = arith.constant 0 : index
        %get3A_1204 = tpu.vector_load %arg12[%get3A_1202, %get3A_1203] {strides = array<i32>} : memref<26x16xf32, #tpu.memory_space<vmem>>, vector<16xf32>,
        %mul3A_1205 = arith.constant 64 : i32
        %mul3A_1206 = arith.muli %add3A_1201, %mul3A_1205 : i32
        %add3A_1207 = arith.constant 0 : i32
        %add3A_1208 = arith.addi %mul3A_1206, %add3A_1207 : i32
        %add3A_1209 = arith.constant 0 : i32
        %add3A_1210 = arith.addi %add3A_1208, %add3A_1209 : i32
        %get3A_1211 = arith.index_cast %add3A_1210 : i32 to index
        %get3A_1212 = arith.constant 0 : index
        %get3A_1213 = tpu.vector_load %arg11[%get3A_1211, %get3A_1212] {strides = array<i32>} : memref<1664x16xf32, #tpu.memory_space<vmem>>, vector<16xf32>,
        %mul3A_1214 = arith.mulf %get3A_1213, %get3A_1204 : vector<16xf32>
        %add3A_1215 = arith.addf %scan3A_1182, %mul3A_1214 : vector<16xf32>
        %mul3A_1216 = arith.constant 64 : i32
        %mul3A_1217 = arith.muli %add3A_1201, %mul3A_1216 : i32
        %add3A_1218 = arith.constant 0 : i32
        %add3A_1219 = arith.addi %mul3A_1217, %add3A_1218 : i32
        %add3A_1220 = arith.constant 1 : i32
        %add3A_1221 = arith.addi %add3A_1219, %add3A_1220 : i32
        %get3A_1222 = arith.index_cast %add3A_1221 : i32 to index
        %get3A_1223 = arith.constant 0 : index
        %get3A_1224 = tpu.vector_load %arg11[%get3A_1222, %get3A_1223] {strides = array<i32>} : memref<1664x16xf32, #tpu.memory_space<vmem>>, vector<16xf32>,
        %mul3A_1225 = arith.mulf %get3A_1224, %get3A_1204 : vector<16xf32>
        %add3A_1226 = arith.addf %scan3A_1183, %mul3A_1225 : vector<16xf32>
        %mul3A_1227 = arith.constant 64 : i32
        %mul3A_1228 = arith.muli %add3A_1201, %mul3A_1227 : i32
        %add3A_1229 = arith.constant 0 : i32
        %add3A_1230 = arith.addi %mul3A_1228, %add3A_1229 : i32
        %add3A_1231 = arith.constant 2 : i32
        %add3A_1232 = arith.addi %add3A_1230, %add3A_1231 : i32
        %get3A_1233 = arith.index_cast %add3A_1232 : i32 to index
        %get3A_1234 = arith.constant 0 : index
        %get3A_1235 = tpu.vector_load %arg11[%get3A_1233, %get3A_1234] {strides = array<i32>} : memref<1664x16xf32, #tpu.memory_space<vmem>>, vector<16xf32>,
        %mul3A_1236 = arith.mulf %get3A_1235, %get3A_1204 : vector<16xf32>
        %add3A_1237 = arith.addf %scan3A_1184, %mul3A_1236 : vector<16xf32>
        %mul3A_1238 = arith.constant 64 : i32
        %mul3A_1239 = arith.muli %add3A_1201, %mul3A_1238 : i32
        %add3A_1240 = arith.constant 0 : i32
        %add3A_1241 = arith.addi %mul3A_1239, %add3A_1240 : i32
        %add3A_1242 = arith.constant 3 : i32
        %add3A_1243 = arith.addi %add3A_1241, %add3A_1242 : i32
        %get3A_1244 = arith.index_cast %add3A_1243 : i32 to index
        %get3A_1245 = arith.constant 0 : index
        %get3A_1246 = tpu.vector_load %arg11[%get3A_1244, %get3A_1245] {strides = array<i32>} : memref<1664x16xf32, #tpu.memory_space<vmem>>, vector<16xf32>,
        %mul3A_1247 = arith.mulf %get3A_1246, %get3A_1204 : vector<16xf32>
        %add3A_1248 = arith.addf %scan3A_1185, %mul3A_1247 : vector<16xf32>
        %mul3A_1249 = arith.constant 64 : i32
        %mul3A_1250 = arith.muli %add3A_1201, %mul3A_1249 : i32
        %add3A_1251 = arith.constant 0 : i32
        %add3A_1252 = arith.addi %mul3A_1250, %add3A_1251 : i32
        %add3A_1253 = arith.constant 4 : i32
        %add3A_1254 = arith.addi %add3A_1252, %add3A_1253 : i32
        %get3A_1255 = arith.index_cast %add3A_1254 : i32 to index
        %get3A_1256 = arith.constant 0 : index
        %get3A_1257 = tpu.vector_load %arg11[%get3A_1255, %get3A_1256] {strides = array<i32>} : memref<1664x16xf32, #tpu.memory_space<vmem>>, vector<16xf32>,
        %mul3A_1258 = arith.mulf %get3A_1257, %get3A_1204 : vector<16xf32>
        %add3A_1259 = arith.addf %scan3A_1186, %mul3A_1258 : vector<16xf32>
        %mul3A_1260 = arith.constant 64 : i32
        %mul3A_1261 = arith.muli %add3A_1201, %mul3A_1260 : i32
        %add3A_1262 = arith.constant 0 : i32
        %add3A_1263 = arith.addi %mul3A_1261, %add3A_1262 : i32
        %add3A_1264 = arith.constant 5 : i32
        %add3A_1265 = arith.addi %add3A_1263, %add3A_1264 : i32
        %get3A_1266 = arith.index_cast %add3A_1265 : i32 to index
        %get3A_1267 = arith.constant 0 : index
        %get3A_1268 = tpu.vector_load %arg11[%get3A_1266, %get3A_1267] {strides = array<i32>} : memref<1664x16xf32, #tpu.memory_space<vmem>>, vector<16xf32>,
        %mul3A_1269 = arith.mulf %get3A_1268, %get3A_1204 : vector<16xf32>
        %add3A_1270 = arith.addf %scan3A_1187, %mul3A_1269 : vector<16xf32>
        %mul3A_1271 = arith.constant 64 : i32
        %mul3A_1272 = arith.muli %add3A_1201, %mul3A_1271 : i32
        %add3A_1273 = arith.constant 0 : i32
        %add3A_1274 = arith.addi %mul3A_1272, %add3A_1273 : i32
        %add3A_1275 = arith.constant 6 : i32
        %add3A_1276 = arith.addi %add3A_1274, %add3A_1275 : i32
        %get3A_1277 = arith.index_cast %add3A_1276 : i32 to index
        %get3A_1278 = arith.constant 0 : index
        %get3A_1279 = tpu.vector_load %arg11[%get3A_1277, %get3A_1278] {strides = array<i32>} : memref<1664x16xf32, #tpu.memory_space<vmem>>, vector<16xf32>,
        %mul3A_1280 = arith.mulf %get3A_1279, %get3A_1204 : vector<16xf32>
        %add3A_1281 = arith.addf %scan3A_1188, %mul3A_1280 : vector<16xf32>
        %mul3A_1282 = arith.constant 64 : i32
        %mul3A_1283 = arith.muli %add3A_1201, %mul3A_1282 : i32
        %add3A_1284 = arith.constant 0 : i32
        %add3A_1285 = arith.addi %mul3A_1283, %add3A_1284 : i32
        %add3A_1286 = arith.constant 7 : i32
        %add3A_1287 = arith.addi %add3A_1285, %add3A_1286 : i32
        %get3A_1288 = arith.index_cast %add3A_1287 : i32 to index
        %get3A_1289 = arith.constant 0 : index
        %get3A_1290 = tpu.vector_load %arg11[%get3A_1288, %get3A_1289] {strides = array<i32>} : memref<1664x16xf32, #tpu.memory_space<vmem>>, vector<16xf32>,
        %mul3A_1291 = arith.mulf %get3A_1290, %get3A_1204 : vector<16xf32>
        %add3A_1292 = arith.addf %scan3A_1189, %mul3A_1291 : vector<16xf32>
        %mul3A_1293 = arith.constant 64 : i32
        %mul3A_1294 = arith.muli %add3A_1201, %mul3A_1293 : i32
        %add3A_1295 = arith.constant 0 : i32
        %add3A_1296 = arith.addi %mul3A_1294, %add3A_1295 : i32
        %add3A_1297 = arith.constant 8 : i32
        %add3A_1298 = arith.addi %add3A_1296, %add3A_1297 : i32
        %get3A_1299 = arith.index_cast %add3A_1298 : i32 to index
        %get3A_1300 = arith.constant 0 : index
        %get3A_1301 = tpu.vector_load %arg11[%get3A_1299, %get3A_1300] {strides = array<i32>} : memref<1664x16xf32, #tpu.memory_space<vmem>>, vector<16xf32>,
        %mul3A_1302 = arith.mulf %get3A_1301, %get3A_1204 : vector<16xf32>
        %add3A_1303 = arith.addf %scan3A_1190, %mul3A_1302 : vector<16xf32>
        %mul3A_1304 = arith.constant 64 : i32
        %mul3A_1305 = arith.muli %add3A_1201, %mul3A_1304 : i32
        %add3A_1306 = arith.constant 0 : i32
        %add3A_1307 = arith.addi %mul3A_1305, %add3A_1306 : i32
        %add3A_1308 = arith.constant 9 : i32
        %add3A_1309 = arith.addi %add3A_1307, %add3A_1308 : i32
        %get3A_1310 = arith.index_cast %add3A_1309 : i32 to index
        %get3A_1311 = arith.constant 0 : index
        %get3A_1312 = tpu.vector_load %arg11[%get3A_1310, %get3A_1311] {strides = array<i32>} : memref<1664x16xf32, #tpu.memory_space<vmem>>, vector<16xf32>,
        %mul3A_1313 = arith.mulf %get3A_1312, %get3A_1204 : vector<16xf32>
        %add3A_1314 = arith.addf %scan3A_1191, %mul3A_1313 : vector<16xf32>
        %mul3A_1315 = arith.constant 64 : i32
        %mul3A_1316 = arith.muli %add3A_1201, %mul3A_1315 : i32
        %add3A_1317 = arith.constant 0 : i32
        %add3A_1318 = arith.addi %mul3A_1316, %add3A_1317 : i32
        %add3A_1319 = arith.constant 10 : i32
        %add3A_1320 = arith.addi %add3A_1318, %add3A_1319 : i32
        %get3A_1321 = arith.index_cast %add3A_1320 : i32 to index
        %get3A_1322 = arith.constant 0 : index
        %get3A_1323 = tpu.vector_load %arg11[%get3A_1321, %get3A_1322] {strides = array<i32>} : memref<1664x16xf32, #tpu.memory_space<vmem>>, vector<16xf32>,
        %mul3A_1324 = arith.mulf %get3A_1323, %get3A_1204 : vector<16xf32>
        %add3A_1325 = arith.addf %scan3A_1192, %mul3A_1324 : vector<16xf32>
        %mul3A_1326 = arith.constant 64 : i32
        %mul3A_1327 = arith.muli %add3A_1201, %mul3A_1326 : i32
        %add3A_1328 = arith.constant 0 : i32
        %add3A_1329 = arith.addi %mul3A_1327, %add3A_1328 : i32
        %add3A_1330 = arith.constant 11 : i32
        %add3A_1331 = arith.addi %add3A_1329, %add3A_1330 : i32
        %get3A_1332 = arith.index_cast %add3A_1331 : i32 to index
        %get3A_1333 = arith.constant 0 : index
        %get3A_1334 = tpu.vector_load %arg11[%get3A_1332, %get3A_1333] {strides = array<i32>} : memref<1664x16xf32, #tpu.memory_space<vmem>>, vector<16xf32>,
        %mul3A_1335 = arith.mulf %get3A_1334, %get3A_1204 : vector<16xf32>
        %add3A_1336 = arith.addf %scan3A_1193, %mul3A_1335 : vector<16xf32>
        %mul3A_1337 = arith.constant 64 : i32
        %mul3A_1338 = arith.muli %add3A_1201, %mul3A_1337 : i32
        %add3A_1339 = arith.constant 0 : i32
        %add3A_1340 = arith.addi %mul3A_1338, %add3A_1339 : i32
        %add3A_1341 = arith.constant 12 : i32
        %add3A_1342 = arith.addi %add3A_1340, %add3A_1341 : i32
        %get3A_1343 = arith.index_cast %add3A_1342 : i32 to index
        %get3A_1344 = arith.constant 0 : index
        %get3A_1345 = tpu.vector_load %arg11[%get3A_1343, %get3A_1344] {strides = array<i32>} : memref<1664x16xf32, #tpu.memory_space<vmem>>, vector<16xf32>,
        %mul3A_1346 = arith.mulf %get3A_1345, %get3A_1204 : vector<16xf32>
        %add3A_1347 = arith.addf %scan3A_1194, %mul3A_1346 : vector<16xf32>
        %mul3A_1348 = arith.constant 64 : i32
        %mul3A_1349 = arith.muli %add3A_1201, %mul3A_1348 : i32
        %add3A_1350 = arith.constant 0 : i32
        %add3A_1351 = arith.addi %mul3A_1349, %add3A_1350 : i32
        %add3A_1352 = arith.constant 13 : i32
        %add3A_1353 = arith.addi %add3A_1351, %add3A_1352 : i32
        %get3A_1354 = arith.index_cast %add3A_1353 : i32 to index
        %get3A_1355 = arith.constant 0 : index
        %get3A_1356 = tpu.vector_load %arg11[%get3A_1354, %get3A_1355] {strides = array<i32>} : memref<1664x16xf32, #tpu.memory_space<vmem>>, vector<16xf32>,
        %mul3A_1357 = arith.mulf %get3A_1356, %get3A_1204 : vector<16xf32>
        %add3A_1358 = arith.addf %scan3A_1195, %mul3A_1357 : vector<16xf32>
        %mul3A_1359 = arith.constant 64 : i32
        %mul3A_1360 = arith.muli %add3A_1201, %mul3A_1359 : i32
        %add3A_1361 = arith.constant 0 : i32
        %add3A_1362 = arith.addi %mul3A_1360, %add3A_1361 : i32
        %add3A_1363 = arith.constant 14 : i32
        %add3A_1364 = arith.addi %add3A_1362, %add3A_1363 : i32
        %get3A_1365 = arith.index_cast %add3A_1364 : i32 to index
        %get3A_1366 = arith.constant 0 : index
        %get3A_1367 = tpu.vector_load %arg11[%get3A_1365, %get3A_1366] {strides = array<i32>} : memref<1664x16xf32, #tpu.memory_space<vmem>>, vector<16xf32>,
        %mul3A_1368 = arith.mulf %get3A_1367, %get3A_1204 : vector<16xf32>
        %add3A_1369 = arith.addf %scan3A_1196, %mul3A_1368 : vector<16xf32>
        %mul3A_1370 = arith.constant 64 : i32
        %mul3A_1371 = arith.muli %add3A_1201, %mul3A_1370 : i32
        %add3A_1372 = arith.constant 0 : i32
        %add3A_1373 = arith.addi %mul3A_1371, %add3A_1372 : i32
        %add3A_1374 = arith.constant 15 : i32
        %add3A_1375 = arith.addi %add3A_1373, %add3A_1374 : i32
        %get3A_1376 = arith.index_cast %add3A_1375 : i32 to index
        %get3A_1377 = arith.constant 0 : index
        %get3A_1378 = tpu.vector_load %arg11[%get3A_1376, %get3A_1377] {strides = array<i32>} : memref<1664x16xf32, #tpu.memory_space<vmem>>, vector<16xf32>,
        %mul3A_1379 = arith.mulf %get3A_1378, %get3A_1204 : vector<16xf32>
        %add3A_1380 = arith.addf %scan3A_1197, %mul3A_1379 : vector<16xf32>
        %scan3A_1381 = arith.constant 1 : i32
        %scan3A_1382 = arith.addi %scan3A_1181, %scan3A_1381 : i32
        %mul3A_1383 = arith.constant 1 : i32
        %mul3A_1384 = arith.muli %scan3A_1382, %mul3A_1383 : i32
        %add3A_1385 = arith.constant 0 : i32
        %add3A_1386 = arith.addi %add3A_1385, %mul3A_1384 : i32
        %get3A_1387 = arith.index_cast %add3A_1386 : i32 to index
        %get3A_1388 = arith.constant 0 : index
        %get3A_1389 = tpu.vector_load %arg12[%get3A_1387, %get3A_1388] {strides = array<i32>} : memref<26x16xf32, #tpu.memory_space<vmem>>, vector<16xf32>,
        %mul3A_1390 = arith.constant 64 : i32
        %mul3A_1391 = arith.muli %add3A_1386, %mul3A_1390 : i32
        %add3A_1392 = arith.constant 0 : i32
        %add3A_1393 = arith.addi %mul3A_1391, %add3A_1392 : i32
        %add3A_1394 = arith.constant 0 : i32
        %add3A_1395 = arith.addi %add3A_1393, %add3A_1394 : i32
        %get3A_1396 = arith.index_cast %add3A_1395 : i32 to index
        %get3A_1397 = arith.constant 0 : index
        %get3A_1398 = tpu.vector_load %arg11[%get3A_1396, %get3A_1397] {strides = array<i32>} : memref<1664x16xf32, #tpu.memory_space<vmem>>, vector<16xf32>,
        %mul3A_1399 = arith.mulf %get3A_1398, %get3A_1389 : vector<16xf32>
        %add3A_1400 = arith.addf %add3A_1215, %mul3A_1399 : vector<16xf32>
        %mul3A_1401 = arith.constant 64 : i32
        %mul3A_1402 = arith.muli %add3A_1386, %mul3A_1401 : i32
        %add3A_1403 = arith.constant 0 : i32
        %add3A_1404 = arith.addi %mul3A_1402, %add3A_1403 : i32
        %add3A_1405 = arith.constant 1 : i32
        %add3A_1406 = arith.addi %add3A_1404, %add3A_1405 : i32
        %get3A_1407 = arith.index_cast %add3A_1406 : i32 to index
        %get3A_1408 = arith.constant 0 : index
        %get3A_1409 = tpu.vector_load %arg11[%get3A_1407, %get3A_1408] {strides = array<i32>} : memref<1664x16xf32, #tpu.memory_space<vmem>>, vector<16xf32>,
        %mul3A_1410 = arith.mulf %get3A_1409, %get3A_1389 : vector<16xf32>
        %add3A_1411 = arith.addf %add3A_1226, %mul3A_1410 : vector<16xf32>
        %mul3A_1412 = arith.constant 64 : i32
        %mul3A_1413 = arith.muli %add3A_1386, %mul3A_1412 : i32
        %add3A_1414 = arith.constant 0 : i32
        %add3A_1415 = arith.addi %mul3A_1413, %add3A_1414 : i32
        %add3A_1416 = arith.constant 2 : i32
        %add3A_1417 = arith.addi %add3A_1415, %add3A_1416 : i32
        %get3A_1418 = arith.index_cast %add3A_1417 : i32 to index
        %get3A_1419 = arith.constant 0 : index
        %get3A_1420 = tpu.vector_load %arg11[%get3A_1418, %get3A_1419] {strides = array<i32>} : memref<1664x16xf32, #tpu.memory_space<vmem>>, vector<16xf32>,
        %mul3A_1421 = arith.mulf %get3A_1420, %get3A_1389 : vector<16xf32>
        %add3A_1422 = arith.addf %add3A_1237, %mul3A_1421 : vector<16xf32>
        %mul3A_1423 = arith.constant 64 : i32
        %mul3A_1424 = arith.muli %add3A_1386, %mul3A_1423 : i32
        %add3A_1425 = arith.constant 0 : i32
        %add3A_1426 = arith.addi %mul3A_1424, %add3A_1425 : i32
        %add3A_1427 = arith.constant 3 : i32
        %add3A_1428 = arith.addi %add3A_1426, %add3A_1427 : i32
        %get3A_1429 = arith.index_cast %add3A_1428 : i32 to index
        %get3A_1430 = arith.constant 0 : index
        %get3A_1431 = tpu.vector_load %arg11[%get3A_1429, %get3A_1430] {strides = array<i32>} : memref<1664x16xf32, #tpu.memory_space<vmem>>, vector<16xf32>,
        %mul3A_1432 = arith.mulf %get3A_1431, %get3A_1389 : vector<16xf32>
        %add3A_1433 = arith.addf %add3A_1248, %mul3A_1432 : vector<16xf32>
        %mul3A_1434 = arith.constant 64 : i32
        %mul3A_1435 = arith.muli %add3A_1386, %mul3A_1434 : i32
        %add3A_1436 = arith.constant 0 : i32
        %add3A_1437 = arith.addi %mul3A_1435, %add3A_1436 : i32
        %add3A_1438 = arith.constant 4 : i32
        %add3A_1439 = arith.addi %add3A_1437, %add3A_1438 : i32
        %get3A_1440 = arith.index_cast %add3A_1439 : i32 to index
        %get3A_1441 = arith.constant 0 : index
        %get3A_1442 = tpu.vector_load %arg11[%get3A_1440, %get3A_1441] {strides = array<i32>} : memref<1664x16xf32, #tpu.memory_space<vmem>>, vector<16xf32>,
        %mul3A_1443 = arith.mulf %get3A_1442, %get3A_1389 : vector<16xf32>
        %add3A_1444 = arith.addf %add3A_1259, %mul3A_1443 : vector<16xf32>
        %mul3A_1445 = arith.constant 64 : i32
        %mul3A_1446 = arith.muli %add3A_1386, %mul3A_1445 : i32
        %add3A_1447 = arith.constant 0 : i32
        %add3A_1448 = arith.addi %mul3A_1446, %add3A_1447 : i32
        %add3A_1449 = arith.constant 5 : i32
        %add3A_1450 = arith.addi %add3A_1448, %add3A_1449 : i32
        %get3A_1451 = arith.index_cast %add3A_1450 : i32 to index
        %get3A_1452 = arith.constant 0 : index
        %get3A_1453 = tpu.vector_load %arg11[%get3A_1451, %get3A_1452] {strides = array<i32>} : memref<1664x16xf32, #tpu.memory_space<vmem>>, vector<16xf32>,
        %mul3A_1454 = arith.mulf %get3A_1453, %get3A_1389 : vector<16xf32>
        %add3A_1455 = arith.addf %add3A_1270, %mul3A_1454 : vector<16xf32>
        %mul3A_1456 = arith.constant 64 : i32
        %mul3A_1457 = arith.muli %add3A_1386, %mul3A_1456 : i32
        %add3A_1458 = arith.constant 0 : i32
        %add3A_1459 = arith.addi %mul3A_1457, %add3A_1458 : i32
        %add3A_1460 = arith.constant 6 : i32
        %add3A_1461 = arith.addi %add3A_1459, %add3A_1460 : i32
        %get3A_1462 = arith.index_cast %add3A_1461 : i32 to index
        %get3A_1463 = arith.constant 0 : index
        %get3A_1464 = tpu.vector_load %arg11[%get3A_1462, %get3A_1463] {strides = array<i32>} : memref<1664x16xf32, #tpu.memory_space<vmem>>, vector<16xf32>,
        %mul3A_1465 = arith.mulf %get3A_1464, %get3A_1389 : vector<16xf32>
        %add3A_1466 = arith.addf %add3A_1281, %mul3A_1465 : vector<16xf32>
        %mul3A_1467 = arith.constant 64 : i32
        %mul3A_1468 = arith.muli %add3A_1386, %mul3A_1467 : i32
        %add3A_1469 = arith.constant 0 : i32
        %add3A_1470 = arith.addi %mul3A_1468, %add3A_1469 : i32
        %add3A_1471 = arith.constant 7 : i32
        %add3A_1472 = arith.addi %add3A_1470, %add3A_1471 : i32
        %get3A_1473 = arith.index_cast %add3A_1472 : i32 to index
        %get3A_1474 = arith.constant 0 : index
        %get3A_1475 = tpu.vector_load %arg11[%get3A_1473, %get3A_1474] {strides = array<i32>} : memref<1664x16xf32, #tpu.memory_space<vmem>>, vector<16xf32>,
        %mul3A_1476 = arith.mulf %get3A_1475, %get3A_1389 : vector<16xf32>
        %add3A_1477 = arith.addf %add3A_1292, %mul3A_1476 : vector<16xf32>
        %mul3A_1478 = arith.constant 64 : i32
        %mul3A_1479 = arith.muli %add3A_1386, %mul3A_1478 : i32
        %add3A_1480 = arith.constant 0 : i32
        %add3A_1481 = arith.addi %mul3A_1479, %add3A_1480 : i32
        %add3A_1482 = arith.constant 8 : i32
        %add3A_1483 = arith.addi %add3A_1481, %add3A_1482 : i32
        %get3A_1484 = arith.index_cast %add3A_1483 : i32 to index
        %get3A_1485 = arith.constant 0 : index
        %get3A_1486 = tpu.vector_load %arg11[%get3A_1484, %get3A_1485] {strides = array<i32>} : memref<1664x16xf32, #tpu.memory_space<vmem>>, vector<16xf32>,
        %mul3A_1487 = arith.mulf %get3A_1486, %get3A_1389 : vector<16xf32>
        %add3A_1488 = arith.addf %add3A_1303, %mul3A_1487 : vector<16xf32>
        %mul3A_1489 = arith.constant 64 : i32
        %mul3A_1490 = arith.muli %add3A_1386, %mul3A_1489 : i32
        %add3A_1491 = arith.constant 0 : i32
        %add3A_1492 = arith.addi %mul3A_1490, %add3A_1491 : i32
        %add3A_1493 = arith.constant 9 : i32
        %add3A_1494 = arith.addi %add3A_1492, %add3A_1493 : i32
        %get3A_1495 = arith.index_cast %add3A_1494 : i32 to index
        %get3A_1496 = arith.constant 0 : index
        %get3A_1497 = tpu.vector_load %arg11[%get3A_1495, %get3A_1496] {strides = array<i32>} : memref<1664x16xf32, #tpu.memory_space<vmem>>, vector<16xf32>,
        %mul3A_1498 = arith.mulf %get3A_1497, %get3A_1389 : vector<16xf32>
        %add3A_1499 = arith.addf %add3A_1314, %mul3A_1498 : vector<16xf32>
        %mul3A_1500 = arith.constant 64 : i32
        %mul3A_1501 = arith.muli %add3A_1386, %mul3A_1500 : i32
        %add3A_1502 = arith.constant 0 : i32
        %add3A_1503 = arith.addi %mul3A_1501, %add3A_1502 : i32
        %add3A_1504 = arith.constant 10 : i32
        %add3A_1505 = arith.addi %add3A_1503, %add3A_1504 : i32
        %get3A_1506 = arith.index_cast %add3A_1505 : i32 to index
        %get3A_1507 = arith.constant 0 : index
        %get3A_1508 = tpu.vector_load %arg11[%get3A_1506, %get3A_1507] {strides = array<i32>} : memref<1664x16xf32, #tpu.memory_space<vmem>>, vector<16xf32>,
        %mul3A_1509 = arith.mulf %get3A_1508, %get3A_1389 : vector<16xf32>
        %add3A_1510 = arith.addf %add3A_1325, %mul3A_1509 : vector<16xf32>
        %mul3A_1511 = arith.constant 64 : i32
        %mul3A_1512 = arith.muli %add3A_1386, %mul3A_1511 : i32
        %add3A_1513 = arith.constant 0 : i32
        %add3A_1514 = arith.addi %mul3A_1512, %add3A_1513 : i32
        %add3A_1515 = arith.constant 11 : i32
        %add3A_1516 = arith.addi %add3A_1514, %add3A_1515 : i32
        %get3A_1517 = arith.index_cast %add3A_1516 : i32 to index
        %get3A_1518 = arith.constant 0 : index
        %get3A_1519 = tpu.vector_load %arg11[%get3A_1517, %get3A_1518] {strides = array<i32>} : memref<1664x16xf32, #tpu.memory_space<vmem>>, vector<16xf32>,
        %mul3A_1520 = arith.mulf %get3A_1519, %get3A_1389 : vector<16xf32>
        %add3A_1521 = arith.addf %add3A_1336, %mul3A_1520 : vector<16xf32>
        %mul3A_1522 = arith.constant 64 : i32
        %mul3A_1523 = arith.muli %add3A_1386, %mul3A_1522 : i32
        %add3A_1524 = arith.constant 0 : i32
        %add3A_1525 = arith.addi %mul3A_1523, %add3A_1524 : i32
        %add3A_1526 = arith.constant 12 : i32
        %add3A_1527 = arith.addi %add3A_1525, %add3A_1526 : i32
        %get3A_1528 = arith.index_cast %add3A_1527 : i32 to index
        %get3A_1529 = arith.constant 0 : index
        %get3A_1530 = tpu.vector_load %arg11[%get3A_1528, %get3A_1529] {strides = array<i32>} : memref<1664x16xf32, #tpu.memory_space<vmem>>, vector<16xf32>,
        %mul3A_1531 = arith.mulf %get3A_1530, %get3A_1389 : vector<16xf32>
        %add3A_1532 = arith.addf %add3A_1347, %mul3A_1531 : vector<16xf32>
        %mul3A_1533 = arith.constant 64 : i32
        %mul3A_1534 = arith.muli %add3A_1386, %mul3A_1533 : i32
        %add3A_1535 = arith.constant 0 : i32
        %add3A_1536 = arith.addi %mul3A_1534, %add3A_1535 : i32
        %add3A_1537 = arith.constant 13 : i32
        %add3A_1538 = arith.addi %add3A_1536, %add3A_1537 : i32
        %get3A_1539 = arith.index_cast %add3A_1538 : i32 to index
        %get3A_1540 = arith.constant 0 : index
        %get3A_1541 = tpu.vector_load %arg11[%get3A_1539, %get3A_1540] {strides = array<i32>} : memref<1664x16xf32, #tpu.memory_space<vmem>>, vector<16xf32>,
        %mul3A_1542 = arith.mulf %get3A_1541, %get3A_1389 : vector<16xf32>
        %add3A_1543 = arith.addf %add3A_1358, %mul3A_1542 : vector<16xf32>
        %mul3A_1544 = arith.constant 64 : i32
        %mul3A_1545 = arith.muli %add3A_1386, %mul3A_1544 : i32
        %add3A_1546 = arith.constant 0 : i32
        %add3A_1547 = arith.addi %mul3A_1545, %add3A_1546 : i32
        %add3A_1548 = arith.constant 14 : i32
        %add3A_1549 = arith.addi %add3A_1547, %add3A_1548 : i32
        %get3A_1550 = arith.index_cast %add3A_1549 : i32 to index
        %get3A_1551 = arith.constant 0 : index
        %get3A_1552 = tpu.vector_load %arg11[%get3A_1550, %get3A_1551] {strides = array<i32>} : memref<1664x16xf32, #tpu.memory_space<vmem>>, vector<16xf32>,
        %mul3A_1553 = arith.mulf %get3A_1552, %get3A_1389 : vector<16xf32>
        %add3A_1554 = arith.addf %add3A_1369, %mul3A_1553 : vector<16xf32>
        %mul3A_1555 = arith.constant 64 : i32
        %mul3A_1556 = arith.muli %add3A_1386, %mul3A_1555 : i32
        %add3A_1557 = arith.constant 0 : i32
        %add3A_1558 = arith.addi %mul3A_1556, %add3A_1557 : i32
        %add3A_1559 = arith.constant 15 : i32
        %add3A_1560 = arith.addi %add3A_1558, %add3A_1559 : i32
        %get3A_1561 = arith.index_cast %add3A_1560 : i32 to index
        %get3A_1562 = arith.constant 0 : index
        %get3A_1563 = tpu.vector_load %arg11[%get3A_1561, %get3A_1562] {strides = array<i32>} : memref<1664x16xf32, #tpu.memory_space<vmem>>, vector<16xf32>,
        %mul3A_1564 = arith.mulf %get3A_1563, %get3A_1389 : vector<16xf32>
        %add3A_1565 = arith.addf %add3A_1380, %mul3A_1564 : vector<16xf32>
        scf.yield %add3A_1400, %add3A_1411, %add3A_1422, %add3A_1433, %add3A_1444, %add3A_1455, %add3A_1466, %add3A_1477, %add3A_1488, %add3A_1499, %add3A_1510, %add3A_1521, %add3A_1532, %add3A_1543, %add3A_1554, %add3A_1565 : vector<16xf32>, vector<16xf32>, vector<16xf32>, vector<16xf32>, vector<16xf32>, vector<16xf32>, vector<16xf32>, vector<16xf32>, vector<16xf32>, vector<16xf32>, vector<16xf32>, vector<16xf32>, vector<16xf32>, vector<16xf32>, vector<16xf32>, vector<16xf32>
      }
      %scan3A_616 = arith.constant 26 : i32
      %swap3A_617 = arith.constant 0 : i32
      %swap3A_618 = arith.index_cast %swap3A_617 : i32 to index
      %swap3A_619 = arith.constant 0 : index
      %swap3A_620 = tpu.vector_load %arg14[%swap3A_618, %swap3A_619] {strides = array<i32>} : memref<16x16xf32, #tpu.memory_space<vmem>>, vector<16xf32>,
      tpu.vector_store %arg14[%swap3A_618, %swap3A_619], %scan3A_615#0 {strides = array<i32>} : memref<16x16xf32, #tpu.memory_space<vmem>>, vector<16xf32>,
      %swap3A_621 = arith.constant 1 : i32
      %swap3A_622 = arith.index_cast %swap3A_621 : i32 to index
      %swap3A_623 = arith.constant 0 : index
      %swap3A_624 = tpu.vector_load %arg14[%swap3A_622, %swap3A_623] {strides = array<i32>} : memref<16x16xf32, #tpu.memory_space<vmem>>, vector<16xf32>,
      tpu.vector_store %arg14[%swap3A_622, %swap3A_623], %scan3A_615#1 {strides = array<i32>} : memref<16x16xf32, #tpu.memory_space<vmem>>, vector<16xf32>,
      %swap3A_625 = arith.constant 2 : i32
      %swap3A_626 = arith.index_cast %swap3A_625 : i32 to index
      %swap3A_627 = arith.constant 0 : index
      %swap3A_628 = tpu.vector_load %arg14[%swap3A_626, %swap3A_627] {strides = array<i32>} : memref<16x16xf32, #tpu.memory_space<vmem>>, vector<16xf32>,
      tpu.vector_store %arg14[%swap3A_626, %swap3A_627], %scan3A_615#2 {strides = array<i32>} : memref<16x16xf32, #tpu.memory_space<vmem>>, vector<16xf32>,
      %swap3A_629 = arith.constant 3 : i32
      %swap3A_630 = arith.index_cast %swap3A_629 : i32 to index
      %swap3A_631 = arith.constant 0 : index
      %swap3A_632 = tpu.vector_load %arg14[%swap3A_630, %swap3A_631] {strides = array<i32>} : memref<16x16xf32, #tpu.memory_space<vmem>>, vector<16xf32>,
      tpu.vector_store %arg14[%swap3A_630, %swap3A_631], %scan3A_615#3 {strides = array<i32>} : memref<16x16xf32, #tpu.memory_space<vmem>>, vector<16xf32>,
      %swap3A_633 = arith.constant 4 : i32
      %swap3A_634 = arith.index_cast %swap3A_633 : i32 to index
      %swap3A_635 = arith.constant 0 : index
      %swap3A_636 = tpu.vector_load %arg14[%swap3A_634, %swap3A_635] {strides = array<i32>} : memref<16x16xf32, #tpu.memory_space<vmem>>, vector<16xf32>,
      tpu.vector_store %arg14[%swap3A_634, %swap3A_635], %scan3A_615#4 {strides = array<i32>} : memref<16x16xf32, #tpu.memory_space<vmem>>, vector<16xf32>,
      %swap3A_637 = arith.constant 5 : i32
      %swap3A_638 = arith.index_cast %swap3A_637 : i32 to index
      %swap3A_639 = arith.constant 0 : index
      %swap3A_640 = tpu.vector_load %arg14[%swap3A_638, %swap3A_639] {strides = array<i32>} : memref<16x16xf32, #tpu.memory_space<vmem>>, vector<16xf32>,
      tpu.vector_store %arg14[%swap3A_638, %swap3A_639], %scan3A_615#5 {strides = array<i32>} : memref<16x16xf32, #tpu.memory_space<vmem>>, vector<16xf32>,
      %swap3A_641 = arith.constant 6 : i32
      %swap3A_642 = arith.index_cast %swap3A_641 : i32 to index
      %swap3A_643 = arith.constant 0 : index
      %swap3A_644 = tpu.vector_load %arg14[%swap3A_642, %swap3A_643] {strides = array<i32>} : memref<16x16xf32, #tpu.memory_space<vmem>>, vector<16xf32>,
      tpu.vector_store %arg14[%swap3A_642, %swap3A_643], %scan3A_615#6 {strides = array<i32>} : memref<16x16xf32, #tpu.memory_space<vmem>>, vector<16xf32>,
      %swap3A_645 = arith.constant 7 : i32
      %swap3A_646 = arith.index_cast %swap3A_645 : i32 to index
      %swap3A_647 = arith.constant 0 : index
      %swap3A_648 = tpu.vector_load %arg14[%swap3A_646, %swap3A_647] {strides = array<i32>} : memref<16x16xf32, #tpu.memory_space<vmem>>, vector<16xf32>,
      tpu.vector_store %arg14[%swap3A_646, %swap3A_647], %scan3A_615#7 {strides = array<i32>} : memref<16x16xf32, #tpu.memory_space<vmem>>, vector<16xf32>,
      %swap3A_649 = arith.constant 8 : i32
      %swap3A_650 = arith.index_cast %swap3A_649 : i32 to index
      %swap3A_651 = arith.constant 0 : index
      %swap3A_652 = tpu.vector_load %arg14[%swap3A_650, %swap3A_651] {strides = array<i32>} : memref<16x16xf32, #tpu.memory_space<vmem>>, vector<16xf32>,
      tpu.vector_store %arg14[%swap3A_650, %swap3A_651], %scan3A_615#8 {strides = array<i32>} : memref<16x16xf32, #tpu.memory_space<vmem>>, vector<16xf32>,
      %swap3A_653 = arith.constant 9 : i32
      %swap3A_654 = arith.index_cast %swap3A_653 : i32 to index
      %swap3A_655 = arith.constant 0 : index
      %swap3A_656 = tpu.vector_load %arg14[%swap3A_654, %swap3A_655] {strides = array<i32>} : memref<16x16xf32, #tpu.memory_space<vmem>>, vector<16xf32>,
      tpu.vector_store %arg14[%swap3A_654, %swap3A_655], %scan3A_615#9 {strides = array<i32>} : memref<16x16xf32, #tpu.memory_space<vmem>>, vector<16xf32>,
      %swap3A_657 = arith.constant 10 : i32
      %swap3A_658 = arith.index_cast %swap3A_657 : i32 to index
      %swap3A_659 = arith.constant 0 : index
      %swap3A_660 = tpu.vector_load %arg14[%swap3A_658, %swap3A_659] {strides = array<i32>} : memref<16x16xf32, #tpu.memory_space<vmem>>, vector<16xf32>,
      tpu.vector_store %arg14[%swap3A_658, %swap3A_659], %scan3A_615#10 {strides = array<i32>} : memref<16x16xf32, #tpu.memory_space<vmem>>, vector<16xf32>,
      %swap3A_661 = arith.constant 11 : i32
      %swap3A_662 = arith.index_cast %swap3A_661 : i32 to index
      %swap3A_663 = arith.constant 0 : index
      %swap3A_664 = tpu.vector_load %arg14[%swap3A_662, %swap3A_663] {strides = array<i32>} : memref<16x16xf32, #tpu.memory_space<vmem>>, vector<16xf32>,
      tpu.vector_store %arg14[%swap3A_662, %swap3A_663], %scan3A_615#11 {strides = array<i32>} : memref<16x16xf32, #tpu.memory_space<vmem>>, vector<16xf32>,
      %swap3A_665 = arith.constant 12 : i32
      %swap3A_666 = arith.index_cast %swap3A_665 : i32 to index
      %swap3A_667 = arith.constant 0 : index
      %swap3A_668 = tpu.vector_load %arg14[%swap3A_666, %swap3A_667] {strides = array<i32>} : memref<16x16xf32, #tpu.memory_space<vmem>>, vector<16xf32>,
      tpu.vector_store %arg14[%swap3A_666, %swap3A_667], %scan3A_615#12 {strides = array<i32>} : memref<16x16xf32, #tpu.memory_space<vmem>>, vector<16xf32>,
      %swap3A_669 = arith.constant 13 : i32
      %swap3A_670 = arith.index_cast %swap3A_669 : i32 to index
      %swap3A_671 = arith.constant 0 : index
      %swap3A_672 = tpu.vector_load %arg14[%swap3A_670, %swap3A_671] {strides = array<i32>} : memref<16x16xf32, #tpu.memory_space<vmem>>, vector<16xf32>,
      tpu.vector_store %arg14[%swap3A_670, %swap3A_671], %scan3A_615#13 {strides = array<i32>} : memref<16x16xf32, #tpu.memory_space<vmem>>, vector<16xf32>,
      %swap3A_673 = arith.constant 14 : i32
      %swap3A_674 = arith.index_cast %swap3A_673 : i32 to index
      %swap3A_675 = arith.constant 0 : index
      %swap3A_676 = tpu.vector_load %arg14[%swap3A_674, %swap3A_675] {strides = array<i32>} : memref<16x16xf32, #tpu.memory_space<vmem>>, vector<16xf32>,
      tpu.vector_store %arg14[%swap3A_674, %swap3A_675], %scan3A_615#14 {strides = array<i32>} : memref<16x16xf32, #tpu.memory_space<vmem>>, vector<16xf32>,
      %swap3A_677 = arith.constant 15 : i32
      %swap3A_678 = arith.index_cast %swap3A_677 : i32 to index
      %swap3A_679 = arith.constant 0 : index
      %swap3A_680 = tpu.vector_load %arg14[%swap3A_678, %swap3A_679] {strides = array<i32>} : memref<16x16xf32, #tpu.memory_space<vmem>>, vector<16xf32>,
      tpu.vector_store %arg14[%swap3A_678, %swap3A_679], %scan3A_615#15 {strides = array<i32>} : memref<16x16xf32, #tpu.memory_space<vmem>>, vector<16xf32>,
      %iota3A_681 = tpu.iota {dimensions = array<i32: 0>} : vector<16xi32>
      %broadcast_in_dim3A_682 = arith.constant 0 : i32
      %broadcast_in_dim3A_683 = vector.broadcast %broadcast_in_dim3A_682 : i32 to vector<16xi32>
      %gather3A_684 = tpu.vector_load_idx %arg14[%iota3A_681, %broadcast_in_dim3A_683] : memref<16x16xf32, #tpu.memory_space<vmem>>[vector<16xi32>, vector<16xi32>], vector<16xf32>,
      %broadcast_in_dim3A_685 = arith.constant 1 : i32
      %broadcast_in_dim3A_686 = vector.broadcast %broadcast_in_dim3A_685 : i32 to vector<16xi32>
      %gather3A_687 = tpu.vector_load_idx %arg14[%iota3A_681, %broadcast_in_dim3A_686] : memref<16x16xf32, #tpu.memory_space<vmem>>[vector<16xi32>, vector<16xi32>], vector<16xf32>,
      %add3A_688 = arith.addf %gather3A_684, %gather3A_687 : vector<16xf32>
      %broadcast_in_dim3A_689 = arith.constant 2 : i32
      %broadcast_in_dim3A_690 = vector.broadcast %broadcast_in_dim3A_689 : i32 to vector<16xi32>
      %gather3A_691 = tpu.vector_load_idx %arg14[%iota3A_681, %broadcast_in_dim3A_690] : memref<16x16xf32, #tpu.memory_space<vmem>>[vector<16xi32>, vector<16xi32>], vector<16xf32>,
      %add3A_692 = arith.addf %add3A_688, %gather3A_691 : vector<16xf32>
      %broadcast_in_dim3A_693 = arith.constant 3 : i32
      %broadcast_in_dim3A_694 = vector.broadcast %broadcast_in_dim3A_693 : i32 to vector<16xi32>
      %gather3A_695 = tpu.vector_load_idx %arg14[%iota3A_681, %broadcast_in_dim3A_694] : memref<16x16xf32, #tpu.memory_space<vmem>>[vector<16xi32>, vector<16xi32>], vector<16xf32>,
      %add3A_696 = arith.addf %add3A_692, %gather3A_695 : vector<16xf32>
      %broadcast_in_dim3A_697 = arith.constant 4 : i32
      %broadcast_in_dim3A_698 = vector.broadcast %broadcast_in_dim3A_697 : i32 to vector<16xi32>
      %gather3A_699 = tpu.vector_load_idx %arg14[%iota3A_681, %broadcast_in_dim3A_698] : memref<16x16xf32, #tpu.memory_space<vmem>>[vector<16xi32>, vector<16xi32>], vector<16xf32>,
      %broadcast_in_dim3A_700 = arith.constant 5 : i32
      %broadcast_in_dim3A_701 = vector.broadcast %broadcast_in_dim3A_700 : i32 to vector<16xi32>
      %gather3A_702 = tpu.vector_load_idx %arg14[%iota3A_681, %broadcast_in_dim3A_701] : memref<16x16xf32, #tpu.memory_space<vmem>>[vector<16xi32>, vector<16xi32>], vector<16xf32>,
      %add3A_703 = arith.addf %gather3A_699, %gather3A_702 : vector<16xf32>
      %broadcast_in_dim3A_704 = arith.constant 6 : i32
      %broadcast_in_dim3A_705 = vector.broadcast %broadcast_in_dim3A_704 : i32 to vector<16xi32>
      %gather3A_706 = tpu.vector_load_idx %arg14[%iota3A_681, %broadcast_in_dim3A_705] : memref<16x16xf32, #tpu.memory_space<vmem>>[vector<16xi32>, vector<16xi32>], vector<16xf32>,
      %add3A_707 = arith.addf %add3A_703, %gather3A_706 : vector<16xf32>
      %broadcast_in_dim3A_708 = arith.constant 7 : i32
      %broadcast_in_dim3A_709 = vector.broadcast %broadcast_in_dim3A_708 : i32 to vector<16xi32>
      %gather3A_710 = tpu.vector_load_idx %arg14[%iota3A_681, %broadcast_in_dim3A_709] : memref<16x16xf32, #tpu.memory_space<vmem>>[vector<16xi32>, vector<16xi32>], vector<16xf32>,
      %add3A_711 = arith.addf %add3A_707, %gather3A_710 : vector<16xf32>
      %broadcast_in_dim3A_712 = arith.constant 8 : i32
      %broadcast_in_dim3A_713 = vector.broadcast %broadcast_in_dim3A_712 : i32 to vector<16xi32>
      %gather3A_714 = tpu.vector_load_idx %arg14[%iota3A_681, %broadcast_in_dim3A_713] : memref<16x16xf32, #tpu.memory_space<vmem>>[vector<16xi32>, vector<16xi32>], vector<16xf32>,
      %broadcast_in_dim3A_715 = arith.constant 9 : i32
      %broadcast_in_dim3A_716 = vector.broadcast %broadcast_in_dim3A_715 : i32 to vector<16xi32>
      %gather3A_717 = tpu.vector_load_idx %arg14[%iota3A_681, %broadcast_in_dim3A_716] : memref<16x16xf32, #tpu.memory_space<vmem>>[vector<16xi32>, vector<16xi32>], vector<16xf32>,
      %add3A_718 = arith.addf %gather3A_714, %gather3A_717 : vector<16xf32>
      %broadcast_in_dim3A_719 = arith.constant 10 : i32
      %broadcast_in_dim3A_720 = vector.broadcast %broadcast_in_dim3A_719 : i32 to vector<16xi32>
      %gather3A_721 = tpu.vector_load_idx %arg14[%iota3A_681, %broadcast_in_dim3A_720] : memref<16x16xf32, #tpu.memory_space<vmem>>[vector<16xi32>, vector<16xi32>], vector<16xf32>,
      %add3A_722 = arith.addf %add3A_718, %gather3A_721 : vector<16xf32>
      %broadcast_in_dim3A_723 = arith.constant 11 : i32
      %broadcast_in_dim3A_724 = vector.broadcast %broadcast_in_dim3A_723 : i32 to vector<16xi32>
      %gather3A_725 = tpu.vector_load_idx %arg14[%iota3A_681, %broadcast_in_dim3A_724] : memref<16x16xf32, #tpu.memory_space<vmem>>[vector<16xi32>, vector<16xi32>], vector<16xf32>,
      %add3A_726 = arith.addf %add3A_722, %gather3A_725 : vector<16xf32>
      %broadcast_in_dim3A_727 = arith.constant 12 : i32
      %broadcast_in_dim3A_728 = vector.broadcast %broadcast_in_dim3A_727 : i32 to vector<16xi32>
      %gather3A_729 = tpu.vector_load_idx %arg14[%iota3A_681, %broadcast_in_dim3A_728] : memref<16x16xf32, #tpu.memory_space<vmem>>[vector<16xi32>, vector<16xi32>], vector<16xf32>,
      %broadcast_in_dim3A_730 = arith.constant 13 : i32
      %broadcast_in_dim3A_731 = vector.broadcast %broadcast_in_dim3A_730 : i32 to vector<16xi32>
      %gather3A_732 = tpu.vector_load_idx %arg14[%iota3A_681, %broadcast_in_dim3A_731] : memref<16x16xf32, #tpu.memory_space<vmem>>[vector<16xi32>, vector<16xi32>], vector<16xf32>,
      %add3A_733 = arith.addf %gather3A_729, %gather3A_732 : vector<16xf32>
      %broadcast_in_dim3A_734 = arith.constant 14 : i32
      %broadcast_in_dim3A_735 = vector.broadcast %broadcast_in_dim3A_734 : i32 to vector<16xi32>
      %gather3A_736 = tpu.vector_load_idx %arg14[%iota3A_681, %broadcast_in_dim3A_735] : memref<16x16xf32, #tpu.memory_space<vmem>>[vector<16xi32>, vector<16xi32>], vector<16xf32>,
      %add3A_737 = arith.addf %add3A_733, %gather3A_736 : vector<16xf32>
      %broadcast_in_dim3A_738 = arith.constant 15 : i32
      %broadcast_in_dim3A_739 = vector.broadcast %broadcast_in_dim3A_738 : i32 to vector<16xi32>
      %gather3A_740 = tpu.vector_load_idx %arg14[%iota3A_681, %broadcast_in_dim3A_739] : memref<16x16xf32, #tpu.memory_space<vmem>>[vector<16xi32>, vector<16xi32>], vector<16xf32>,
      %add3A_741 = arith.addf %add3A_737, %gather3A_740 : vector<16xf32>
      %add3A_742 = arith.addf %add3A_696, %add3A_711 : vector<16xf32>
      %add3A_743 = arith.addf %add3A_726, %add3A_741 : vector<16xf32>
      %add3A_744 = arith.addf %add3A_742, %add3A_743 : vector<16xf32>
      %add3A_745 = arith.addf %add3A_744, %get3A_3 : vector<16xf32>
      %mul3A_746 = arith.constant 64 : i32
      %mul3A_747 = arith.muli %add3A_608, %mul3A_746 : i32
      %add3A_748 = arith.constant 0 : i32
      %add3A_749 = arith.addi %mul3A_747, %add3A_748 : i32
      %swap3A_750 = arith.index_cast %add3A_749 : i32 to index
      %swap3A_751 = tpu.vector_load %arg15[%swap3A_750] {strides = array<i32>} : memref<512xf32, #tpu.memory_space<vmem>>, vector<16xf32>,
      tpu.vector_store %arg15[%swap3A_750], %add3A_745 {strides = array<i32>} : memref<512xf32, #tpu.memory_space<vmem>>, vector<16xf32>,
      %broadcast_in_dim3A_752 = arith.constant 0.000000e+00 : f32
      %broadcast_in_dim3A_753 = vector.broadcast %broadcast_in_dim3A_752 : f32 to vector<16xf32>
      %scan3A_754 = arith.constant 0 : i32
      %scan3A_755 = arith.constant 26 : i32
      %scan3A_756 = arith.addi %scan3A_754, %scan3A_755 : i32
      %scan3A_757 = arith.constant 2 : i32
      %scan3A_758:16 = scf.for %scan3A_1181 = %scan3A_754 to %scan3A_756 step %scan3A_757 iter_args(%scan3A_1182 = %broadcast_in_dim3A_753, %scan3A_1183 = %broadcast_in_dim3A_753, %scan3A_1184 = %broadcast_in_dim3A_753, %scan3A_1185 = %broadcast_in_dim3A_753, %scan3A_1186 = %broadcast_in_dim3A_753, %scan3A_1187 = %broadcast_in_dim3A_753, %scan3A_1188 = %broadcast_in_dim3A_753, %scan3A_1189 = %broadcast_in_dim3A_753, %scan3A_1190 = %broadcast_in_dim3A_753, %scan3A_1191 = %broadcast_in_dim3A_753, %scan3A_1192 = %broadcast_in_dim3A_753, %scan3A_1193 = %broadcast_in_dim3A_753, %scan3A_1194 = %broadcast_in_dim3A_753, %scan3A_1195 = %broadcast_in_dim3A_753, %scan3A_1196 = %broadcast_in_dim3A_753, %scan3A_1197 = %broadcast_in_dim3A_753) -> (vector<16xf32>, vector<16xf32>, vector<16xf32>, vector<16xf32>, vector<16xf32>, vector<16xf32>, vector<16xf32>, vector<16xf32>, vector<16xf32>, vector<16xf32>, vector<16xf32>, vector<16xf32>, vector<16xf32>, vector<16xf32>, vector<16xf32>, vector<16xf32>)  : i32 {
        %mul3A_1198 = arith.constant 1 : i32
        %mul3A_1199 = arith.muli %scan3A_1181, %mul3A_1198 : i32
        %add3A_1200 = arith.constant 0 : i32
        %add3A_1201 = arith.addi %add3A_1200, %mul3A_1199 : i32
        %get3A_1202 = arith.index_cast %add3A_1201 : i32 to index
        %get3A_1203 = arith.constant 0 : index
        %get3A_1204 = tpu.vector_load %arg12[%get3A_1202, %get3A_1203] {strides = array<i32>} : memref<26x16xf32, #tpu.memory_space<vmem>>, vector<16xf32>,
        %mul3A_1205 = arith.constant 64 : i32
        %mul3A_1206 = arith.muli %add3A_1201, %mul3A_1205 : i32
        %add3A_1207 = arith.constant 16 : i32
        %add3A_1208 = arith.addi %mul3A_1206, %add3A_1207 : i32
        %add3A_1209 = arith.constant 0 : i32
        %add3A_1210 = arith.addi %add3A_1208, %add3A_1209 : i32
        %get3A_1211 = arith.index_cast %add3A_1210 : i32 to index
        %get3A_1212 = arith.constant 0 : index
        %get3A_1213 = tpu.vector_load %arg11[%get3A_1211, %get3A_1212] {strides = array<i32>} : memref<1664x16xf32, #tpu.memory_space<vmem>>, vector<16xf32>,
        %mul3A_1214 = arith.mulf %get3A_1213, %get3A_1204 : vector<16xf32>
        %add3A_1215 = arith.addf %scan3A_1182, %mul3A_1214 : vector<16xf32>
        %mul3A_1216 = arith.constant 64 : i32
        %mul3A_1217 = arith.muli %add3A_1201, %mul3A_1216 : i32
        %add3A_1218 = arith.constant 16 : i32
        %add3A_1219 = arith.addi %mul3A_1217, %add3A_1218 : i32
        %add3A_1220 = arith.constant 1 : i32
        %add3A_1221 = arith.addi %add3A_1219, %add3A_1220 : i32
        %get3A_1222 = arith.index_cast %add3A_1221 : i32 to index
        %get3A_1223 = arith.constant 0 : index
        %get3A_1224 = tpu.vector_load %arg11[%get3A_1222, %get3A_1223] {strides = array<i32>} : memref<1664x16xf32, #tpu.memory_space<vmem>>, vector<16xf32>,
        %mul3A_1225 = arith.mulf %get3A_1224, %get3A_1204 : vector<16xf32>
        %add3A_1226 = arith.addf %scan3A_1183, %mul3A_1225 : vector<16xf32>
        %mul3A_1227 = arith.constant 64 : i32
        %mul3A_1228 = arith.muli %add3A_1201, %mul3A_1227 : i32
        %add3A_1229 = arith.constant 16 : i32
        %add3A_1230 = arith.addi %mul3A_1228, %add3A_1229 : i32
        %add3A_1231 = arith.constant 2 : i32
        %add3A_1232 = arith.addi %add3A_1230, %add3A_1231 : i32
        %get3A_1233 = arith.index_cast %add3A_1232 : i32 to index
        %get3A_1234 = arith.constant 0 : index
        %get3A_1235 = tpu.vector_load %arg11[%get3A_1233, %get3A_1234] {strides = array<i32>} : memref<1664x16xf32, #tpu.memory_space<vmem>>, vector<16xf32>,
        %mul3A_1236 = arith.mulf %get3A_1235, %get3A_1204 : vector<16xf32>
        %add3A_1237 = arith.addf %scan3A_1184, %mul3A_1236 : vector<16xf32>
        %mul3A_1238 = arith.constant 64 : i32
        %mul3A_1239 = arith.muli %add3A_1201, %mul3A_1238 : i32
        %add3A_1240 = arith.constant 16 : i32
        %add3A_1241 = arith.addi %mul3A_1239, %add3A_1240 : i32
        %add3A_1242 = arith.constant 3 : i32
        %add3A_1243 = arith.addi %add3A_1241, %add3A_1242 : i32
        %get3A_1244 = arith.index_cast %add3A_1243 : i32 to index
        %get3A_1245 = arith.constant 0 : index
        %get3A_1246 = tpu.vector_load %arg11[%get3A_1244, %get3A_1245] {strides = array<i32>} : memref<1664x16xf32, #tpu.memory_space<vmem>>, vector<16xf32>,
        %mul3A_1247 = arith.mulf %get3A_1246, %get3A_1204 : vector<16xf32>
        %add3A_1248 = arith.addf %scan3A_1185, %mul3A_1247 : vector<16xf32>
        %mul3A_1249 = arith.constant 64 : i32
        %mul3A_1250 = arith.muli %add3A_1201, %mul3A_1249 : i32
        %add3A_1251 = arith.constant 16 : i32
        %add3A_1252 = arith.addi %mul3A_1250, %add3A_1251 : i32
        %add3A_1253 = arith.constant 4 : i32
        %add3A_1254 = arith.addi %add3A_1252, %add3A_1253 : i32
        %get3A_1255 = arith.index_cast %add3A_1254 : i32 to index
        %get3A_1256 = arith.constant 0 : index
        %get3A_1257 = tpu.vector_load %arg11[%get3A_1255, %get3A_1256] {strides = array<i32>} : memref<1664x16xf32, #tpu.memory_space<vmem>>, vector<16xf32>,
        %mul3A_1258 = arith.mulf %get3A_1257, %get3A_1204 : vector<16xf32>
        %add3A_1259 = arith.addf %scan3A_1186, %mul3A_1258 : vector<16xf32>
        %mul3A_1260 = arith.constant 64 : i32
        %mul3A_1261 = arith.muli %add3A_1201, %mul3A_1260 : i32
        %add3A_1262 = arith.constant 16 : i32
        %add3A_1263 = arith.addi %mul3A_1261, %add3A_1262 : i32
        %add3A_1264 = arith.constant 5 : i32
        %add3A_1265 = arith.addi %add3A_1263, %add3A_1264 : i32
        %get3A_1266 = arith.index_cast %add3A_1265 : i32 to index
        %get3A_1267 = arith.constant 0 : index
        %get3A_1268 = tpu.vector_load %arg11[%get3A_1266, %get3A_1267] {strides = array<i32>} : memref<1664x16xf32, #tpu.memory_space<vmem>>, vector<16xf32>,
        %mul3A_1269 = arith.mulf %get3A_1268, %get3A_1204 : vector<16xf32>
        %add3A_1270 = arith.addf %scan3A_1187, %mul3A_1269 : vector<16xf32>
        %mul3A_1271 = arith.constant 64 : i32
        %mul3A_1272 = arith.muli %add3A_1201, %mul3A_1271 : i32
        %add3A_1273 = arith.constant 16 : i32
        %add3A_1274 = arith.addi %mul3A_1272, %add3A_1273 : i32
        %add3A_1275 = arith.constant 6 : i32
        %add3A_1276 = arith.addi %add3A_1274, %add3A_1275 : i32
        %get3A_1277 = arith.index_cast %add3A_1276 : i32 to index
        %get3A_1278 = arith.constant 0 : index
        %get3A_1279 = tpu.vector_load %arg11[%get3A_1277, %get3A_1278] {strides = array<i32>} : memref<1664x16xf32, #tpu.memory_space<vmem>>, vector<16xf32>,
        %mul3A_1280 = arith.mulf %get3A_1279, %get3A_1204 : vector<16xf32>
        %add3A_1281 = arith.addf %scan3A_1188, %mul3A_1280 : vector<16xf32>
        %mul3A_1282 = arith.constant 64 : i32
        %mul3A_1283 = arith.muli %add3A_1201, %mul3A_1282 : i32
        %add3A_1284 = arith.constant 16 : i32
        %add3A_1285 = arith.addi %mul3A_1283, %add3A_1284 : i32
        %add3A_1286 = arith.constant 7 : i32
        %add3A_1287 = arith.addi %add3A_1285, %add3A_1286 : i32
        %get3A_1288 = arith.index_cast %add3A_1287 : i32 to index
        %get3A_1289 = arith.constant 0 : index
        %get3A_1290 = tpu.vector_load %arg11[%get3A_1288, %get3A_1289] {strides = array<i32>} : memref<1664x16xf32, #tpu.memory_space<vmem>>, vector<16xf32>,
        %mul3A_1291 = arith.mulf %get3A_1290, %get3A_1204 : vector<16xf32>
        %add3A_1292 = arith.addf %scan3A_1189, %mul3A_1291 : vector<16xf32>
        %mul3A_1293 = arith.constant 64 : i32
        %mul3A_1294 = arith.muli %add3A_1201, %mul3A_1293 : i32
        %add3A_1295 = arith.constant 16 : i32
        %add3A_1296 = arith.addi %mul3A_1294, %add3A_1295 : i32
        %add3A_1297 = arith.constant 8 : i32
        %add3A_1298 = arith.addi %add3A_1296, %add3A_1297 : i32
        %get3A_1299 = arith.index_cast %add3A_1298 : i32 to index
        %get3A_1300 = arith.constant 0 : index
        %get3A_1301 = tpu.vector_load %arg11[%get3A_1299, %get3A_1300] {strides = array<i32>} : memref<1664x16xf32, #tpu.memory_space<vmem>>, vector<16xf32>,
        %mul3A_1302 = arith.mulf %get3A_1301, %get3A_1204 : vector<16xf32>
        %add3A_1303 = arith.addf %scan3A_1190, %mul3A_1302 : vector<16xf32>
        %mul3A_1304 = arith.constant 64 : i32
        %mul3A_1305 = arith.muli %add3A_1201, %mul3A_1304 : i32
        %add3A_1306 = arith.constant 16 : i32
        %add3A_1307 = arith.addi %mul3A_1305, %add3A_1306 : i32
        %add3A_1308 = arith.constant 9 : i32
        %add3A_1309 = arith.addi %add3A_1307, %add3A_1308 : i32
        %get3A_1310 = arith.index_cast %add3A_1309 : i32 to index
        %get3A_1311 = arith.constant 0 : index
        %get3A_1312 = tpu.vector_load %arg11[%get3A_1310, %get3A_1311] {strides = array<i32>} : memref<1664x16xf32, #tpu.memory_space<vmem>>, vector<16xf32>,
        %mul3A_1313 = arith.mulf %get3A_1312, %get3A_1204 : vector<16xf32>
        %add3A_1314 = arith.addf %scan3A_1191, %mul3A_1313 : vector<16xf32>
        %mul3A_1315 = arith.constant 64 : i32
        %mul3A_1316 = arith.muli %add3A_1201, %mul3A_1315 : i32
        %add3A_1317 = arith.constant 16 : i32
        %add3A_1318 = arith.addi %mul3A_1316, %add3A_1317 : i32
        %add3A_1319 = arith.constant 10 : i32
        %add3A_1320 = arith.addi %add3A_1318, %add3A_1319 : i32
        %get3A_1321 = arith.index_cast %add3A_1320 : i32 to index
        %get3A_1322 = arith.constant 0 : index
        %get3A_1323 = tpu.vector_load %arg11[%get3A_1321, %get3A_1322] {strides = array<i32>} : memref<1664x16xf32, #tpu.memory_space<vmem>>, vector<16xf32>,
        %mul3A_1324 = arith.mulf %get3A_1323, %get3A_1204 : vector<16xf32>
        %add3A_1325 = arith.addf %scan3A_1192, %mul3A_1324 : vector<16xf32>
        %mul3A_1326 = arith.constant 64 : i32
        %mul3A_1327 = arith.muli %add3A_1201, %mul3A_1326 : i32
        %add3A_1328 = arith.constant 16 : i32
        %add3A_1329 = arith.addi %mul3A_1327, %add3A_1328 : i32
        %add3A_1330 = arith.constant 11 : i32
        %add3A_1331 = arith.addi %add3A_1329, %add3A_1330 : i32
        %get3A_1332 = arith.index_cast %add3A_1331 : i32 to index
        %get3A_1333 = arith.constant 0 : index
        %get3A_1334 = tpu.vector_load %arg11[%get3A_1332, %get3A_1333] {strides = array<i32>} : memref<1664x16xf32, #tpu.memory_space<vmem>>, vector<16xf32>,
        %mul3A_1335 = arith.mulf %get3A_1334, %get3A_1204 : vector<16xf32>
        %add3A_1336 = arith.addf %scan3A_1193, %mul3A_1335 : vector<16xf32>
        %mul3A_1337 = arith.constant 64 : i32
        %mul3A_1338 = arith.muli %add3A_1201, %mul3A_1337 : i32
        %add3A_1339 = arith.constant 16 : i32
        %add3A_1340 = arith.addi %mul3A_1338, %add3A_1339 : i32
        %add3A_1341 = arith.constant 12 : i32
        %add3A_1342 = arith.addi %add3A_1340, %add3A_1341 : i32
        %get3A_1343 = arith.index_cast %add3A_1342 : i32 to index
        %get3A_1344 = arith.constant 0 : index
        %get3A_1345 = tpu.vector_load %arg11[%get3A_1343, %get3A_1344] {strides = array<i32>} : memref<1664x16xf32, #tpu.memory_space<vmem>>, vector<16xf32>,
        %mul3A_1346 = arith.mulf %get3A_1345, %get3A_1204 : vector<16xf32>
        %add3A_1347 = arith.addf %scan3A_1194, %mul3A_1346 : vector<16xf32>
        %mul3A_1348 = arith.constant 64 : i32
        %mul3A_1349 = arith.muli %add3A_1201, %mul3A_1348 : i32
        %add3A_1350 = arith.constant 16 : i32
        %add3A_1351 = arith.addi %mul3A_1349, %add3A_1350 : i32
        %add3A_1352 = arith.constant 13 : i32
        %add3A_1353 = arith.addi %add3A_1351, %add3A_1352 : i32
        %get3A_1354 = arith.index_cast %add3A_1353 : i32 to index
        %get3A_1355 = arith.constant 0 : index
        %get3A_1356 = tpu.vector_load %arg11[%get3A_1354, %get3A_1355] {strides = array<i32>} : memref<1664x16xf32, #tpu.memory_space<vmem>>, vector<16xf32>,
        %mul3A_1357 = arith.mulf %get3A_1356, %get3A_1204 : vector<16xf32>
        %add3A_1358 = arith.addf %scan3A_1195, %mul3A_1357 : vector<16xf32>
        %mul3A_1359 = arith.constant 64 : i32
        %mul3A_1360 = arith.muli %add3A_1201, %mul3A_1359 : i32
        %add3A_1361 = arith.constant 16 : i32
        %add3A_1362 = arith.addi %mul3A_1360, %add3A_1361 : i32
        %add3A_1363 = arith.constant 14 : i32
        %add3A_1364 = arith.addi %add3A_1362, %add3A_1363 : i32
        %get3A_1365 = arith.index_cast %add3A_1364 : i32 to index
        %get3A_1366 = arith.constant 0 : index
        %get3A_1367 = tpu.vector_load %arg11[%get3A_1365, %get3A_1366] {strides = array<i32>} : memref<1664x16xf32, #tpu.memory_space<vmem>>, vector<16xf32>,
        %mul3A_1368 = arith.mulf %get3A_1367, %get3A_1204 : vector<16xf32>
        %add3A_1369 = arith.addf %scan3A_1196, %mul3A_1368 : vector<16xf32>
        %mul3A_1370 = arith.constant 64 : i32
        %mul3A_1371 = arith.muli %add3A_1201, %mul3A_1370 : i32
        %add3A_1372 = arith.constant 16 : i32
        %add3A_1373 = arith.addi %mul3A_1371, %add3A_1372 : i32
        %add3A_1374 = arith.constant 15 : i32
        %add3A_1375 = arith.addi %add3A_1373, %add3A_1374 : i32
        %get3A_1376 = arith.index_cast %add3A_1375 : i32 to index
        %get3A_1377 = arith.constant 0 : index
        %get3A_1378 = tpu.vector_load %arg11[%get3A_1376, %get3A_1377] {strides = array<i32>} : memref<1664x16xf32, #tpu.memory_space<vmem>>, vector<16xf32>,
        %mul3A_1379 = arith.mulf %get3A_1378, %get3A_1204 : vector<16xf32>
        %add3A_1380 = arith.addf %scan3A_1197, %mul3A_1379 : vector<16xf32>
        %scan3A_1381 = arith.constant 1 : i32
        %scan3A_1382 = arith.addi %scan3A_1181, %scan3A_1381 : i32
        %mul3A_1383 = arith.constant 1 : i32
        %mul3A_1384 = arith.muli %scan3A_1382, %mul3A_1383 : i32
        %add3A_1385 = arith.constant 0 : i32
        %add3A_1386 = arith.addi %add3A_1385, %mul3A_1384 : i32
        %get3A_1387 = arith.index_cast %add3A_1386 : i32 to index
        %get3A_1388 = arith.constant 0 : index
        %get3A_1389 = tpu.vector_load %arg12[%get3A_1387, %get3A_1388] {strides = array<i32>} : memref<26x16xf32, #tpu.memory_space<vmem>>, vector<16xf32>,
        %mul3A_1390 = arith.constant 64 : i32
        %mul3A_1391 = arith.muli %add3A_1386, %mul3A_1390 : i32
        %add3A_1392 = arith.constant 16 : i32
        %add3A_1393 = arith.addi %mul3A_1391, %add3A_1392 : i32
        %add3A_1394 = arith.constant 0 : i32
        %add3A_1395 = arith.addi %add3A_1393, %add3A_1394 : i32
        %get3A_1396 = arith.index_cast %add3A_1395 : i32 to index
        %get3A_1397 = arith.constant 0 : index
        %get3A_1398 = tpu.vector_load %arg11[%get3A_1396, %get3A_1397] {strides = array<i32>} : memref<1664x16xf32, #tpu.memory_space<vmem>>, vector<16xf32>,
        %mul3A_1399 = arith.mulf %get3A_1398, %get3A_1389 : vector<16xf32>
        %add3A_1400 = arith.addf %add3A_1215, %mul3A_1399 : vector<16xf32>
        %mul3A_1401 = arith.constant 64 : i32
        %mul3A_1402 = arith.muli %add3A_1386, %mul3A_1401 : i32
        %add3A_1403 = arith.constant 16 : i32
        %add3A_1404 = arith.addi %mul3A_1402, %add3A_1403 : i32
        %add3A_1405 = arith.constant 1 : i32
        %add3A_1406 = arith.addi %add3A_1404, %add3A_1405 : i32
        %get3A_1407 = arith.index_cast %add3A_1406 : i32 to index
        %get3A_1408 = arith.constant 0 : index
        %get3A_1409 = tpu.vector_load %arg11[%get3A_1407, %get3A_1408] {strides = array<i32>} : memref<1664x16xf32, #tpu.memory_space<vmem>>, vector<16xf32>,
        %mul3A_1410 = arith.mulf %get3A_1409, %get3A_1389 : vector<16xf32>
        %add3A_1411 = arith.addf %add3A_1226, %mul3A_1410 : vector<16xf32>
        %mul3A_1412 = arith.constant 64 : i32
        %mul3A_1413 = arith.muli %add3A_1386, %mul3A_1412 : i32
        %add3A_1414 = arith.constant 16 : i32
        %add3A_1415 = arith.addi %mul3A_1413, %add3A_1414 : i32
        %add3A_1416 = arith.constant 2 : i32
        %add3A_1417 = arith.addi %add3A_1415, %add3A_1416 : i32
        %get3A_1418 = arith.index_cast %add3A_1417 : i32 to index
        %get3A_1419 = arith.constant 0 : index
        %get3A_1420 = tpu.vector_load %arg11[%get3A_1418, %get3A_1419] {strides = array<i32>} : memref<1664x16xf32, #tpu.memory_space<vmem>>, vector<16xf32>,
        %mul3A_1421 = arith.mulf %get3A_1420, %get3A_1389 : vector<16xf32>
        %add3A_1422 = arith.addf %add3A_1237, %mul3A_1421 : vector<16xf32>
        %mul3A_1423 = arith.constant 64 : i32
        %mul3A_1424 = arith.muli %add3A_1386, %mul3A_1423 : i32
        %add3A_1425 = arith.constant 16 : i32
        %add3A_1426 = arith.addi %mul3A_1424, %add3A_1425 : i32
        %add3A_1427 = arith.constant 3 : i32
        %add3A_1428 = arith.addi %add3A_1426, %add3A_1427 : i32
        %get3A_1429 = arith.index_cast %add3A_1428 : i32 to index
        %get3A_1430 = arith.constant 0 : index
        %get3A_1431 = tpu.vector_load %arg11[%get3A_1429, %get3A_1430] {strides = array<i32>} : memref<1664x16xf32, #tpu.memory_space<vmem>>, vector<16xf32>,
        %mul3A_1432 = arith.mulf %get3A_1431, %get3A_1389 : vector<16xf32>
        %add3A_1433 = arith.addf %add3A_1248, %mul3A_1432 : vector<16xf32>
        %mul3A_1434 = arith.constant 64 : i32
        %mul3A_1435 = arith.muli %add3A_1386, %mul3A_1434 : i32
        %add3A_1436 = arith.constant 16 : i32
        %add3A_1437 = arith.addi %mul3A_1435, %add3A_1436 : i32
        %add3A_1438 = arith.constant 4 : i32
        %add3A_1439 = arith.addi %add3A_1437, %add3A_1438 : i32
        %get3A_1440 = arith.index_cast %add3A_1439 : i32 to index
        %get3A_1441 = arith.constant 0 : index
        %get3A_1442 = tpu.vector_load %arg11[%get3A_1440, %get3A_1441] {strides = array<i32>} : memref<1664x16xf32, #tpu.memory_space<vmem>>, vector<16xf32>,
        %mul3A_1443 = arith.mulf %get3A_1442, %get3A_1389 : vector<16xf32>
        %add3A_1444 = arith.addf %add3A_1259, %mul3A_1443 : vector<16xf32>
        %mul3A_1445 = arith.constant 64 : i32
        %mul3A_1446 = arith.muli %add3A_1386, %mul3A_1445 : i32
        %add3A_1447 = arith.constant 16 : i32
        %add3A_1448 = arith.addi %mul3A_1446, %add3A_1447 : i32
        %add3A_1449 = arith.constant 5 : i32
        %add3A_1450 = arith.addi %add3A_1448, %add3A_1449 : i32
        %get3A_1451 = arith.index_cast %add3A_1450 : i32 to index
        %get3A_1452 = arith.constant 0 : index
        %get3A_1453 = tpu.vector_load %arg11[%get3A_1451, %get3A_1452] {strides = array<i32>} : memref<1664x16xf32, #tpu.memory_space<vmem>>, vector<16xf32>,
        %mul3A_1454 = arith.mulf %get3A_1453, %get3A_1389 : vector<16xf32>
        %add3A_1455 = arith.addf %add3A_1270, %mul3A_1454 : vector<16xf32>
        %mul3A_1456 = arith.constant 64 : i32
        %mul3A_1457 = arith.muli %add3A_1386, %mul3A_1456 : i32
        %add3A_1458 = arith.constant 16 : i32
        %add3A_1459 = arith.addi %mul3A_1457, %add3A_1458 : i32
        %add3A_1460 = arith.constant 6 : i32
        %add3A_1461 = arith.addi %add3A_1459, %add3A_1460 : i32
        %get3A_1462 = arith.index_cast %add3A_1461 : i32 to index
        %get3A_1463 = arith.constant 0 : index
        %get3A_1464 = tpu.vector_load %arg11[%get3A_1462, %get3A_1463] {strides = array<i32>} : memref<1664x16xf32, #tpu.memory_space<vmem>>, vector<16xf32>,
        %mul3A_1465 = arith.mulf %get3A_1464, %get3A_1389 : vector<16xf32>
        %add3A_1466 = arith.addf %add3A_1281, %mul3A_1465 : vector<16xf32>
        %mul3A_1467 = arith.constant 64 : i32
        %mul3A_1468 = arith.muli %add3A_1386, %mul3A_1467 : i32
        %add3A_1469 = arith.constant 16 : i32
        %add3A_1470 = arith.addi %mul3A_1468, %add3A_1469 : i32
        %add3A_1471 = arith.constant 7 : i32
        %add3A_1472 = arith.addi %add3A_1470, %add3A_1471 : i32
        %get3A_1473 = arith.index_cast %add3A_1472 : i32 to index
        %get3A_1474 = arith.constant 0 : index
        %get3A_1475 = tpu.vector_load %arg11[%get3A_1473, %get3A_1474] {strides = array<i32>} : memref<1664x16xf32, #tpu.memory_space<vmem>>, vector<16xf32>,
        %mul3A_1476 = arith.mulf %get3A_1475, %get3A_1389 : vector<16xf32>
        %add3A_1477 = arith.addf %add3A_1292, %mul3A_1476 : vector<16xf32>
        %mul3A_1478 = arith.constant 64 : i32
        %mul3A_1479 = arith.muli %add3A_1386, %mul3A_1478 : i32
        %add3A_1480 = arith.constant 16 : i32
        %add3A_1481 = arith.addi %mul3A_1479, %add3A_1480 : i32
        %add3A_1482 = arith.constant 8 : i32
        %add3A_1483 = arith.addi %add3A_1481, %add3A_1482 : i32
        %get3A_1484 = arith.index_cast %add3A_1483 : i32 to index
        %get3A_1485 = arith.constant 0 : index
        %get3A_1486 = tpu.vector_load %arg11[%get3A_1484, %get3A_1485] {strides = array<i32>} : memref<1664x16xf32, #tpu.memory_space<vmem>>, vector<16xf32>,
        %mul3A_1487 = arith.mulf %get3A_1486, %get3A_1389 : vector<16xf32>
        %add3A_1488 = arith.addf %add3A_1303, %mul3A_1487 : vector<16xf32>
        %mul3A_1489 = arith.constant 64 : i32
        %mul3A_1490 = arith.muli %add3A_1386, %mul3A_1489 : i32
        %add3A_1491 = arith.constant 16 : i32
        %add3A_1492 = arith.addi %mul3A_1490, %add3A_1491 : i32
        %add3A_1493 = arith.constant 9 : i32
        %add3A_1494 = arith.addi %add3A_1492, %add3A_1493 : i32
        %get3A_1495 = arith.index_cast %add3A_1494 : i32 to index
        %get3A_1496 = arith.constant 0 : index
        %get3A_1497 = tpu.vector_load %arg11[%get3A_1495, %get3A_1496] {strides = array<i32>} : memref<1664x16xf32, #tpu.memory_space<vmem>>, vector<16xf32>,
        %mul3A_1498 = arith.mulf %get3A_1497, %get3A_1389 : vector<16xf32>
        %add3A_1499 = arith.addf %add3A_1314, %mul3A_1498 : vector<16xf32>
        %mul3A_1500 = arith.constant 64 : i32
        %mul3A_1501 = arith.muli %add3A_1386, %mul3A_1500 : i32
        %add3A_1502 = arith.constant 16 : i32
        %add3A_1503 = arith.addi %mul3A_1501, %add3A_1502 : i32
        %add3A_1504 = arith.constant 10 : i32
        %add3A_1505 = arith.addi %add3A_1503, %add3A_1504 : i32
        %get3A_1506 = arith.index_cast %add3A_1505 : i32 to index
        %get3A_1507 = arith.constant 0 : index
        %get3A_1508 = tpu.vector_load %arg11[%get3A_1506, %get3A_1507] {strides = array<i32>} : memref<1664x16xf32, #tpu.memory_space<vmem>>, vector<16xf32>,
        %mul3A_1509 = arith.mulf %get3A_1508, %get3A_1389 : vector<16xf32>
        %add3A_1510 = arith.addf %add3A_1325, %mul3A_1509 : vector<16xf32>
        %mul3A_1511 = arith.constant 64 : i32
        %mul3A_1512 = arith.muli %add3A_1386, %mul3A_1511 : i32
        %add3A_1513 = arith.constant 16 : i32
        %add3A_1514 = arith.addi %mul3A_1512, %add3A_1513 : i32
        %add3A_1515 = arith.constant 11 : i32
        %add3A_1516 = arith.addi %add3A_1514, %add3A_1515 : i32
        %get3A_1517 = arith.index_cast %add3A_1516 : i32 to index
        %get3A_1518 = arith.constant 0 : index
        %get3A_1519 = tpu.vector_load %arg11[%get3A_1517, %get3A_1518] {strides = array<i32>} : memref<1664x16xf32, #tpu.memory_space<vmem>>, vector<16xf32>,
        %mul3A_1520 = arith.mulf %get3A_1519, %get3A_1389 : vector<16xf32>
        %add3A_1521 = arith.addf %add3A_1336, %mul3A_1520 : vector<16xf32>
        %mul3A_1522 = arith.constant 64 : i32
        %mul3A_1523 = arith.muli %add3A_1386, %mul3A_1522 : i32
        %add3A_1524 = arith.constant 16 : i32
        %add3A_1525 = arith.addi %mul3A_1523, %add3A_1524 : i32
        %add3A_1526 = arith.constant 12 : i32
        %add3A_1527 = arith.addi %add3A_1525, %add3A_1526 : i32
        %get3A_1528 = arith.index_cast %add3A_1527 : i32 to index
        %get3A_1529 = arith.constant 0 : index
        %get3A_1530 = tpu.vector_load %arg11[%get3A_1528, %get3A_1529] {strides = array<i32>} : memref<1664x16xf32, #tpu.memory_space<vmem>>, vector<16xf32>,
        %mul3A_1531 = arith.mulf %get3A_1530, %get3A_1389 : vector<16xf32>
        %add3A_1532 = arith.addf %add3A_1347, %mul3A_1531 : vector<16xf32>
        %mul3A_1533 = arith.constant 64 : i32
        %mul3A_1534 = arith.muli %add3A_1386, %mul3A_1533 : i32
        %add3A_1535 = arith.constant 16 : i32
        %add3A_1536 = arith.addi %mul3A_1534, %add3A_1535 : i32
        %add3A_1537 = arith.constant 13 : i32
        %add3A_1538 = arith.addi %add3A_1536, %add3A_1537 : i32
        %get3A_1539 = arith.index_cast %add3A_1538 : i32 to index
        %get3A_1540 = arith.constant 0 : index
        %get3A_1541 = tpu.vector_load %arg11[%get3A_1539, %get3A_1540] {strides = array<i32>} : memref<1664x16xf32, #tpu.memory_space<vmem>>, vector<16xf32>,
        %mul3A_1542 = arith.mulf %get3A_1541, %get3A_1389 : vector<16xf32>
        %add3A_1543 = arith.addf %add3A_1358, %mul3A_1542 : vector<16xf32>
        %mul3A_1544 = arith.constant 64 : i32
        %mul3A_1545 = arith.muli %add3A_1386, %mul3A_1544 : i32
        %add3A_1546 = arith.constant 16 : i32
        %add3A_1547 = arith.addi %mul3A_1545, %add3A_1546 : i32
        %add3A_1548 = arith.constant 14 : i32
        %add3A_1549 = arith.addi %add3A_1547, %add3A_1548 : i32
        %get3A_1550 = arith.index_cast %add3A_1549 : i32 to index
        %get3A_1551 = arith.constant 0 : index
        %get3A_1552 = tpu.vector_load %arg11[%get3A_1550, %get3A_1551] {strides = array<i32>} : memref<1664x16xf32, #tpu.memory_space<vmem>>, vector<16xf32>,
        %mul3A_1553 = arith.mulf %get3A_1552, %get3A_1389 : vector<16xf32>
        %add3A_1554 = arith.addf %add3A_1369, %mul3A_1553 : vector<16xf32>
        %mul3A_1555 = arith.constant 64 : i32
        %mul3A_1556 = arith.muli %add3A_1386, %mul3A_1555 : i32
        %add3A_1557 = arith.constant 16 : i32
        %add3A_1558 = arith.addi %mul3A_1556, %add3A_1557 : i32
        %add3A_1559 = arith.constant 15 : i32
        %add3A_1560 = arith.addi %add3A_1558, %add3A_1559 : i32
        %get3A_1561 = arith.index_cast %add3A_1560 : i32 to index
        %get3A_1562 = arith.constant 0 : index
        %get3A_1563 = tpu.vector_load %arg11[%get3A_1561, %get3A_1562] {strides = array<i32>} : memref<1664x16xf32, #tpu.memory_space<vmem>>, vector<16xf32>,
        %mul3A_1564 = arith.mulf %get3A_1563, %get3A_1389 : vector<16xf32>
        %add3A_1565 = arith.addf %add3A_1380, %mul3A_1564 : vector<16xf32>
        scf.yield %add3A_1400, %add3A_1411, %add3A_1422, %add3A_1433, %add3A_1444, %add3A_1455, %add3A_1466, %add3A_1477, %add3A_1488, %add3A_1499, %add3A_1510, %add3A_1521, %add3A_1532, %add3A_1543, %add3A_1554, %add3A_1565 : vector<16xf32>, vector<16xf32>, vector<16xf32>, vector<16xf32>, vector<16xf32>, vector<16xf32>, vector<16xf32>, vector<16xf32>, vector<16xf32>, vector<16xf32>, vector<16xf32>, vector<16xf32>, vector<16xf32>, vector<16xf32>, vector<16xf32>, vector<16xf32>
      }
      %scan3A_759 = arith.constant 26 : i32
      %swap3A_760 = arith.constant 0 : i32
      %swap3A_761 = arith.index_cast %swap3A_760 : i32 to index
      %swap3A_762 = arith.constant 0 : index
      %swap3A_763 = tpu.vector_load %arg14[%swap3A_761, %swap3A_762] {strides = array<i32>} : memref<16x16xf32, #tpu.memory_space<vmem>>, vector<16xf32>,
      tpu.vector_store %arg14[%swap3A_761, %swap3A_762], %scan3A_758#0 {strides = array<i32>} : memref<16x16xf32, #tpu.memory_space<vmem>>, vector<16xf32>,
      %swap3A_764 = arith.constant 1 : i32
      %swap3A_765 = arith.index_cast %swap3A_764 : i32 to index
      %swap3A_766 = arith.constant 0 : index
      %swap3A_767 = tpu.vector_load %arg14[%swap3A_765, %swap3A_766] {strides = array<i32>} : memref<16x16xf32, #tpu.memory_space<vmem>>, vector<16xf32>,
      tpu.vector_store %arg14[%swap3A_765, %swap3A_766], %scan3A_758#1 {strides = array<i32>} : memref<16x16xf32, #tpu.memory_space<vmem>>, vector<16xf32>,
      %swap3A_768 = arith.constant 2 : i32
      %swap3A_769 = arith.index_cast %swap3A_768 : i32 to index
      %swap3A_770 = arith.constant 0 : index
      %swap3A_771 = tpu.vector_load %arg14[%swap3A_769, %swap3A_770] {strides = array<i32>} : memref<16x16xf32, #tpu.memory_space<vmem>>, vector<16xf32>,
      tpu.vector_store %arg14[%swap3A_769, %swap3A_770], %scan3A_758#2 {strides = array<i32>} : memref<16x16xf32, #tpu.memory_space<vmem>>, vector<16xf32>,
      %swap3A_772 = arith.constant 3 : i32
      %swap3A_773 = arith.index_cast %swap3A_772 : i32 to index
      %swap3A_774 = arith.constant 0 : index
      %swap3A_775 = tpu.vector_load %arg14[%swap3A_773, %swap3A_774] {strides = array<i32>} : memref<16x16xf32, #tpu.memory_space<vmem>>, vector<16xf32>,
      tpu.vector_store %arg14[%swap3A_773, %swap3A_774], %scan3A_758#3 {strides = array<i32>} : memref<16x16xf32, #tpu.memory_space<vmem>>, vector<16xf32>,
      %swap3A_776 = arith.constant 4 : i32
      %swap3A_777 = arith.index_cast %swap3A_776 : i32 to index
      %swap3A_778 = arith.constant 0 : index
      %swap3A_779 = tpu.vector_load %arg14[%swap3A_777, %swap3A_778] {strides = array<i32>} : memref<16x16xf32, #tpu.memory_space<vmem>>, vector<16xf32>,
      tpu.vector_store %arg14[%swap3A_777, %swap3A_778], %scan3A_758#4 {strides = array<i32>} : memref<16x16xf32, #tpu.memory_space<vmem>>, vector<16xf32>,
      %swap3A_780 = arith.constant 5 : i32
      %swap3A_781 = arith.index_cast %swap3A_780 : i32 to index
      %swap3A_782 = arith.constant 0 : index
      %swap3A_783 = tpu.vector_load %arg14[%swap3A_781, %swap3A_782] {strides = array<i32>} : memref<16x16xf32, #tpu.memory_space<vmem>>, vector<16xf32>,
      tpu.vector_store %arg14[%swap3A_781, %swap3A_782], %scan3A_758#5 {strides = array<i32>} : memref<16x16xf32, #tpu.memory_space<vmem>>, vector<16xf32>,
      %swap3A_784 = arith.constant 6 : i32
      %swap3A_785 = arith.index_cast %swap3A_784 : i32 to index
      %swap3A_786 = arith.constant 0 : index
      %swap3A_787 = tpu.vector_load %arg14[%swap3A_785, %swap3A_786] {strides = array<i32>} : memref<16x16xf32, #tpu.memory_space<vmem>>, vector<16xf32>,
      tpu.vector_store %arg14[%swap3A_785, %swap3A_786], %scan3A_758#6 {strides = array<i32>} : memref<16x16xf32, #tpu.memory_space<vmem>>, vector<16xf32>,
      %swap3A_788 = arith.constant 7 : i32
      %swap3A_789 = arith.index_cast %swap3A_788 : i32 to index
      %swap3A_790 = arith.constant 0 : index
      %swap3A_791 = tpu.vector_load %arg14[%swap3A_789, %swap3A_790] {strides = array<i32>} : memref<16x16xf32, #tpu.memory_space<vmem>>, vector<16xf32>,
      tpu.vector_store %arg14[%swap3A_789, %swap3A_790], %scan3A_758#7 {strides = array<i32>} : memref<16x16xf32, #tpu.memory_space<vmem>>, vector<16xf32>,
      %swap3A_792 = arith.constant 8 : i32
      %swap3A_793 = arith.index_cast %swap3A_792 : i32 to index
      %swap3A_794 = arith.constant 0 : index
      %swap3A_795 = tpu.vector_load %arg14[%swap3A_793, %swap3A_794] {strides = array<i32>} : memref<16x16xf32, #tpu.memory_space<vmem>>, vector<16xf32>,
      tpu.vector_store %arg14[%swap3A_793, %swap3A_794], %scan3A_758#8 {strides = array<i32>} : memref<16x16xf32, #tpu.memory_space<vmem>>, vector<16xf32>,
      %swap3A_796 = arith.constant 9 : i32
      %swap3A_797 = arith.index_cast %swap3A_796 : i32 to index
      %swap3A_798 = arith.constant 0 : index
      %swap3A_799 = tpu.vector_load %arg14[%swap3A_797, %swap3A_798] {strides = array<i32>} : memref<16x16xf32, #tpu.memory_space<vmem>>, vector<16xf32>,
      tpu.vector_store %arg14[%swap3A_797, %swap3A_798], %scan3A_758#9 {strides = array<i32>} : memref<16x16xf32, #tpu.memory_space<vmem>>, vector<16xf32>,
      %swap3A_800 = arith.constant 10 : i32
      %swap3A_801 = arith.index_cast %swap3A_800 : i32 to index
      %swap3A_802 = arith.constant 0 : index
      %swap3A_803 = tpu.vector_load %arg14[%swap3A_801, %swap3A_802] {strides = array<i32>} : memref<16x16xf32, #tpu.memory_space<vmem>>, vector<16xf32>,
      tpu.vector_store %arg14[%swap3A_801, %swap3A_802], %scan3A_758#10 {strides = array<i32>} : memref<16x16xf32, #tpu.memory_space<vmem>>, vector<16xf32>,
      %swap3A_804 = arith.constant 11 : i32
      %swap3A_805 = arith.index_cast %swap3A_804 : i32 to index
      %swap3A_806 = arith.constant 0 : index
      %swap3A_807 = tpu.vector_load %arg14[%swap3A_805, %swap3A_806] {strides = array<i32>} : memref<16x16xf32, #tpu.memory_space<vmem>>, vector<16xf32>,
      tpu.vector_store %arg14[%swap3A_805, %swap3A_806], %scan3A_758#11 {strides = array<i32>} : memref<16x16xf32, #tpu.memory_space<vmem>>, vector<16xf32>,
      %swap3A_808 = arith.constant 12 : i32
      %swap3A_809 = arith.index_cast %swap3A_808 : i32 to index
      %swap3A_810 = arith.constant 0 : index
      %swap3A_811 = tpu.vector_load %arg14[%swap3A_809, %swap3A_810] {strides = array<i32>} : memref<16x16xf32, #tpu.memory_space<vmem>>, vector<16xf32>,
      tpu.vector_store %arg14[%swap3A_809, %swap3A_810], %scan3A_758#12 {strides = array<i32>} : memref<16x16xf32, #tpu.memory_space<vmem>>, vector<16xf32>,
      %swap3A_812 = arith.constant 13 : i32
      %swap3A_813 = arith.index_cast %swap3A_812 : i32 to index
      %swap3A_814 = arith.constant 0 : index
      %swap3A_815 = tpu.vector_load %arg14[%swap3A_813, %swap3A_814] {strides = array<i32>} : memref<16x16xf32, #tpu.memory_space<vmem>>, vector<16xf32>,
      tpu.vector_store %arg14[%swap3A_813, %swap3A_814], %scan3A_758#13 {strides = array<i32>} : memref<16x16xf32, #tpu.memory_space<vmem>>, vector<16xf32>,
      %swap3A_816 = arith.constant 14 : i32
      %swap3A_817 = arith.index_cast %swap3A_816 : i32 to index
      %swap3A_818 = arith.constant 0 : index
      %swap3A_819 = tpu.vector_load %arg14[%swap3A_817, %swap3A_818] {strides = array<i32>} : memref<16x16xf32, #tpu.memory_space<vmem>>, vector<16xf32>,
      tpu.vector_store %arg14[%swap3A_817, %swap3A_818], %scan3A_758#14 {strides = array<i32>} : memref<16x16xf32, #tpu.memory_space<vmem>>, vector<16xf32>,
      %swap3A_820 = arith.constant 15 : i32
      %swap3A_821 = arith.index_cast %swap3A_820 : i32 to index
      %swap3A_822 = arith.constant 0 : index
      %swap3A_823 = tpu.vector_load %arg14[%swap3A_821, %swap3A_822] {strides = array<i32>} : memref<16x16xf32, #tpu.memory_space<vmem>>, vector<16xf32>,
      tpu.vector_store %arg14[%swap3A_821, %swap3A_822], %scan3A_758#15 {strides = array<i32>} : memref<16x16xf32, #tpu.memory_space<vmem>>, vector<16xf32>,
      %iota3A_824 = tpu.iota {dimensions = array<i32: 0>} : vector<16xi32>
      %broadcast_in_dim3A_825 = arith.constant 0 : i32
      %broadcast_in_dim3A_826 = vector.broadcast %broadcast_in_dim3A_825 : i32 to vector<16xi32>
      %gather3A_827 = tpu.vector_load_idx %arg14[%iota3A_824, %broadcast_in_dim3A_826] : memref<16x16xf32, #tpu.memory_space<vmem>>[vector<16xi32>, vector<16xi32>], vector<16xf32>,
      %broadcast_in_dim3A_828 = arith.constant 1 : i32
      %broadcast_in_dim3A_829 = vector.broadcast %broadcast_in_dim3A_828 : i32 to vector<16xi32>
      %gather3A_830 = tpu.vector_load_idx %arg14[%iota3A_824, %broadcast_in_dim3A_829] : memref<16x16xf32, #tpu.memory_space<vmem>>[vector<16xi32>, vector<16xi32>], vector<16xf32>,
      %add3A_831 = arith.addf %gather3A_827, %gather3A_830 : vector<16xf32>
      %broadcast_in_dim3A_832 = arith.constant 2 : i32
      %broadcast_in_dim3A_833 = vector.broadcast %broadcast_in_dim3A_832 : i32 to vector<16xi32>
      %gather3A_834 = tpu.vector_load_idx %arg14[%iota3A_824, %broadcast_in_dim3A_833] : memref<16x16xf32, #tpu.memory_space<vmem>>[vector<16xi32>, vector<16xi32>], vector<16xf32>,
      %add3A_835 = arith.addf %add3A_831, %gather3A_834 : vector<16xf32>
      %broadcast_in_dim3A_836 = arith.constant 3 : i32
      %broadcast_in_dim3A_837 = vector.broadcast %broadcast_in_dim3A_836 : i32 to vector<16xi32>
      %gather3A_838 = tpu.vector_load_idx %arg14[%iota3A_824, %broadcast_in_dim3A_837] : memref<16x16xf32, #tpu.memory_space<vmem>>[vector<16xi32>, vector<16xi32>], vector<16xf32>,
      %add3A_839 = arith.addf %add3A_835, %gather3A_838 : vector<16xf32>
      %broadcast_in_dim3A_840 = arith.constant 4 : i32
      %broadcast_in_dim3A_841 = vector.broadcast %broadcast_in_dim3A_840 : i32 to vector<16xi32>
      %gather3A_842 = tpu.vector_load_idx %arg14[%iota3A_824, %broadcast_in_dim3A_841] : memref<16x16xf32, #tpu.memory_space<vmem>>[vector<16xi32>, vector<16xi32>], vector<16xf32>,
      %broadcast_in_dim3A_843 = arith.constant 5 : i32
      %broadcast_in_dim3A_844 = vector.broadcast %broadcast_in_dim3A_843 : i32 to vector<16xi32>
      %gather3A_845 = tpu.vector_load_idx %arg14[%iota3A_824, %broadcast_in_dim3A_844] : memref<16x16xf32, #tpu.memory_space<vmem>>[vector<16xi32>, vector<16xi32>], vector<16xf32>,
      %add3A_846 = arith.addf %gather3A_842, %gather3A_845 : vector<16xf32>
      %broadcast_in_dim3A_847 = arith.constant 6 : i32
      %broadcast_in_dim3A_848 = vector.broadcast %broadcast_in_dim3A_847 : i32 to vector<16xi32>
      %gather3A_849 = tpu.vector_load_idx %arg14[%iota3A_824, %broadcast_in_dim3A_848] : memref<16x16xf32, #tpu.memory_space<vmem>>[vector<16xi32>, vector<16xi32>], vector<16xf32>,
      %add3A_850 = arith.addf %add3A_846, %gather3A_849 : vector<16xf32>
      %broadcast_in_dim3A_851 = arith.constant 7 : i32
      %broadcast_in_dim3A_852 = vector.broadcast %broadcast_in_dim3A_851 : i32 to vector<16xi32>
      %gather3A_853 = tpu.vector_load_idx %arg14[%iota3A_824, %broadcast_in_dim3A_852] : memref<16x16xf32, #tpu.memory_space<vmem>>[vector<16xi32>, vector<16xi32>], vector<16xf32>,
      %add3A_854 = arith.addf %add3A_850, %gather3A_853 : vector<16xf32>
      %broadcast_in_dim3A_855 = arith.constant 8 : i32
      %broadcast_in_dim3A_856 = vector.broadcast %broadcast_in_dim3A_855 : i32 to vector<16xi32>
      %gather3A_857 = tpu.vector_load_idx %arg14[%iota3A_824, %broadcast_in_dim3A_856] : memref<16x16xf32, #tpu.memory_space<vmem>>[vector<16xi32>, vector<16xi32>], vector<16xf32>,
      %broadcast_in_dim3A_858 = arith.constant 9 : i32
      %broadcast_in_dim3A_859 = vector.broadcast %broadcast_in_dim3A_858 : i32 to vector<16xi32>
      %gather3A_860 = tpu.vector_load_idx %arg14[%iota3A_824, %broadcast_in_dim3A_859] : memref<16x16xf32, #tpu.memory_space<vmem>>[vector<16xi32>, vector<16xi32>], vector<16xf32>,
      %add3A_861 = arith.addf %gather3A_857, %gather3A_860 : vector<16xf32>
      %broadcast_in_dim3A_862 = arith.constant 10 : i32
      %broadcast_in_dim3A_863 = vector.broadcast %broadcast_in_dim3A_862 : i32 to vector<16xi32>
      %gather3A_864 = tpu.vector_load_idx %arg14[%iota3A_824, %broadcast_in_dim3A_863] : memref<16x16xf32, #tpu.memory_space<vmem>>[vector<16xi32>, vector<16xi32>], vector<16xf32>,
      %add3A_865 = arith.addf %add3A_861, %gather3A_864 : vector<16xf32>
      %broadcast_in_dim3A_866 = arith.constant 11 : i32
      %broadcast_in_dim3A_867 = vector.broadcast %broadcast_in_dim3A_866 : i32 to vector<16xi32>
      %gather3A_868 = tpu.vector_load_idx %arg14[%iota3A_824, %broadcast_in_dim3A_867] : memref<16x16xf32, #tpu.memory_space<vmem>>[vector<16xi32>, vector<16xi32>], vector<16xf32>,
      %add3A_869 = arith.addf %add3A_865, %gather3A_868 : vector<16xf32>
      %broadcast_in_dim3A_870 = arith.constant 12 : i32
      %broadcast_in_dim3A_871 = vector.broadcast %broadcast_in_dim3A_870 : i32 to vector<16xi32>
      %gather3A_872 = tpu.vector_load_idx %arg14[%iota3A_824, %broadcast_in_dim3A_871] : memref<16x16xf32, #tpu.memory_space<vmem>>[vector<16xi32>, vector<16xi32>], vector<16xf32>,
      %broadcast_in_dim3A_873 = arith.constant 13 : i32
      %broadcast_in_dim3A_874 = vector.broadcast %broadcast_in_dim3A_873 : i32 to vector<16xi32>
      %gather3A_875 = tpu.vector_load_idx %arg14[%iota3A_824, %broadcast_in_dim3A_874] : memref<16x16xf32, #tpu.memory_space<vmem>>[vector<16xi32>, vector<16xi32>], vector<16xf32>,
      %add3A_876 = arith.addf %gather3A_872, %gather3A_875 : vector<16xf32>
      %broadcast_in_dim3A_877 = arith.constant 14 : i32
      %broadcast_in_dim3A_878 = vector.broadcast %broadcast_in_dim3A_877 : i32 to vector<16xi32>
      %gather3A_879 = tpu.vector_load_idx %arg14[%iota3A_824, %broadcast_in_dim3A_878] : memref<16x16xf32, #tpu.memory_space<vmem>>[vector<16xi32>, vector<16xi32>], vector<16xf32>,
      %add3A_880 = arith.addf %add3A_876, %gather3A_879 : vector<16xf32>
      %broadcast_in_dim3A_881 = arith.constant 15 : i32
      %broadcast_in_dim3A_882 = vector.broadcast %broadcast_in_dim3A_881 : i32 to vector<16xi32>
      %gather3A_883 = tpu.vector_load_idx %arg14[%iota3A_824, %broadcast_in_dim3A_882] : memref<16x16xf32, #tpu.memory_space<vmem>>[vector<16xi32>, vector<16xi32>], vector<16xf32>,
      %add3A_884 = arith.addf %add3A_880, %gather3A_883 : vector<16xf32>
      %add3A_885 = arith.addf %add3A_839, %add3A_854 : vector<16xf32>
      %add3A_886 = arith.addf %add3A_869, %add3A_884 : vector<16xf32>
      %add3A_887 = arith.addf %add3A_885, %add3A_886 : vector<16xf32>
      %add3A_888 = arith.addf %add3A_887, %get3A_3 : vector<16xf32>
      %mul3A_889 = arith.constant 64 : i32
      %mul3A_890 = arith.muli %add3A_608, %mul3A_889 : i32
      %add3A_891 = arith.constant 16 : i32
      %add3A_892 = arith.addi %mul3A_890, %add3A_891 : i32
      %swap3A_893 = arith.index_cast %add3A_892 : i32 to index
      %swap3A_894 = tpu.vector_load %arg15[%swap3A_893] {strides = array<i32>} : memref<512xf32, #tpu.memory_space<vmem>>, vector<16xf32>,
      tpu.vector_store %arg15[%swap3A_893], %add3A_888 {strides = array<i32>} : memref<512xf32, #tpu.memory_space<vmem>>, vector<16xf32>,
      %broadcast_in_dim3A_895 = arith.constant 0.000000e+00 : f32
      %broadcast_in_dim3A_896 = vector.broadcast %broadcast_in_dim3A_895 : f32 to vector<16xf32>
      %scan3A_897 = arith.constant 0 : i32
      %scan3A_898 = arith.constant 26 : i32
      %scan3A_899 = arith.addi %scan3A_897, %scan3A_898 : i32
      %scan3A_900 = arith.constant 2 : i32
      %scan3A_901:16 = scf.for %scan3A_1181 = %scan3A_897 to %scan3A_899 step %scan3A_900 iter_args(%scan3A_1182 = %broadcast_in_dim3A_896, %scan3A_1183 = %broadcast_in_dim3A_896, %scan3A_1184 = %broadcast_in_dim3A_896, %scan3A_1185 = %broadcast_in_dim3A_896, %scan3A_1186 = %broadcast_in_dim3A_896, %scan3A_1187 = %broadcast_in_dim3A_896, %scan3A_1188 = %broadcast_in_dim3A_896, %scan3A_1189 = %broadcast_in_dim3A_896, %scan3A_1190 = %broadcast_in_dim3A_896, %scan3A_1191 = %broadcast_in_dim3A_896, %scan3A_1192 = %broadcast_in_dim3A_896, %scan3A_1193 = %broadcast_in_dim3A_896, %scan3A_1194 = %broadcast_in_dim3A_896, %scan3A_1195 = %broadcast_in_dim3A_896, %scan3A_1196 = %broadcast_in_dim3A_896, %scan3A_1197 = %broadcast_in_dim3A_896) -> (vector<16xf32>, vector<16xf32>, vector<16xf32>, vector<16xf32>, vector<16xf32>, vector<16xf32>, vector<16xf32>, vector<16xf32>, vector<16xf32>, vector<16xf32>, vector<16xf32>, vector<16xf32>, vector<16xf32>, vector<16xf32>, vector<16xf32>, vector<16xf32>)  : i32 {
        %mul3A_1198 = arith.constant 1 : i32
        %mul3A_1199 = arith.muli %scan3A_1181, %mul3A_1198 : i32
        %add3A_1200 = arith.constant 0 : i32
        %add3A_1201 = arith.addi %add3A_1200, %mul3A_1199 : i32
        %get3A_1202 = arith.index_cast %add3A_1201 : i32 to index
        %get3A_1203 = arith.constant 0 : index
        %get3A_1204 = tpu.vector_load %arg12[%get3A_1202, %get3A_1203] {strides = array<i32>} : memref<26x16xf32, #tpu.memory_space<vmem>>, vector<16xf32>,
        %mul3A_1205 = arith.constant 64 : i32
        %mul3A_1206 = arith.muli %add3A_1201, %mul3A_1205 : i32
        %add3A_1207 = arith.constant 32 : i32
        %add3A_1208 = arith.addi %mul3A_1206, %add3A_1207 : i32
        %add3A_1209 = arith.constant 0 : i32
        %add3A_1210 = arith.addi %add3A_1208, %add3A_1209 : i32
        %get3A_1211 = arith.index_cast %add3A_1210 : i32 to index
        %get3A_1212 = arith.constant 0 : index
        %get3A_1213 = tpu.vector_load %arg11[%get3A_1211, %get3A_1212] {strides = array<i32>} : memref<1664x16xf32, #tpu.memory_space<vmem>>, vector<16xf32>,
        %mul3A_1214 = arith.mulf %get3A_1213, %get3A_1204 : vector<16xf32>
        %add3A_1215 = arith.addf %scan3A_1182, %mul3A_1214 : vector<16xf32>
        %mul3A_1216 = arith.constant 64 : i32
        %mul3A_1217 = arith.muli %add3A_1201, %mul3A_1216 : i32
        %add3A_1218 = arith.constant 32 : i32
        %add3A_1219 = arith.addi %mul3A_1217, %add3A_1218 : i32
        %add3A_1220 = arith.constant 1 : i32
        %add3A_1221 = arith.addi %add3A_1219, %add3A_1220 : i32
        %get3A_1222 = arith.index_cast %add3A_1221 : i32 to index
        %get3A_1223 = arith.constant 0 : index
        %get3A_1224 = tpu.vector_load %arg11[%get3A_1222, %get3A_1223] {strides = array<i32>} : memref<1664x16xf32, #tpu.memory_space<vmem>>, vector<16xf32>,
        %mul3A_1225 = arith.mulf %get3A_1224, %get3A_1204 : vector<16xf32>
        %add3A_1226 = arith.addf %scan3A_1183, %mul3A_1225 : vector<16xf32>
        %mul3A_1227 = arith.constant 64 : i32
        %mul3A_1228 = arith.muli %add3A_1201, %mul3A_1227 : i32
        %add3A_1229 = arith.constant 32 : i32
        %add3A_1230 = arith.addi %mul3A_1228, %add3A_1229 : i32
        %add3A_1231 = arith.constant 2 : i32
        %add3A_1232 = arith.addi %add3A_1230, %add3A_1231 : i32
        %get3A_1233 = arith.index_cast %add3A_1232 : i32 to index
        %get3A_1234 = arith.constant 0 : index
        %get3A_1235 = tpu.vector_load %arg11[%get3A_1233, %get3A_1234] {strides = array<i32>} : memref<1664x16xf32, #tpu.memory_space<vmem>>, vector<16xf32>,
        %mul3A_1236 = arith.mulf %get3A_1235, %get3A_1204 : vector<16xf32>
        %add3A_1237 = arith.addf %scan3A_1184, %mul3A_1236 : vector<16xf32>
        %mul3A_1238 = arith.constant 64 : i32
        %mul3A_1239 = arith.muli %add3A_1201, %mul3A_1238 : i32
        %add3A_1240 = arith.constant 32 : i32
        %add3A_1241 = arith.addi %mul3A_1239, %add3A_1240 : i32
        %add3A_1242 = arith.constant 3 : i32
        %add3A_1243 = arith.addi %add3A_1241, %add3A_1242 : i32
        %get3A_1244 = arith.index_cast %add3A_1243 : i32 to index
        %get3A_1245 = arith.constant 0 : index
        %get3A_1246 = tpu.vector_load %arg11[%get3A_1244, %get3A_1245] {strides = array<i32>} : memref<1664x16xf32, #tpu.memory_space<vmem>>, vector<16xf32>,
        %mul3A_1247 = arith.mulf %get3A_1246, %get3A_1204 : vector<16xf32>
        %add3A_1248 = arith.addf %scan3A_1185, %mul3A_1247 : vector<16xf32>
        %mul3A_1249 = arith.constant 64 : i32
        %mul3A_1250 = arith.muli %add3A_1201, %mul3A_1249 : i32
        %add3A_1251 = arith.constant 32 : i32
        %add3A_1252 = arith.addi %mul3A_1250, %add3A_1251 : i32
        %add3A_1253 = arith.constant 4 : i32
        %add3A_1254 = arith.addi %add3A_1252, %add3A_1253 : i32
        %get3A_1255 = arith.index_cast %add3A_1254 : i32 to index
        %get3A_1256 = arith.constant 0 : index
        %get3A_1257 = tpu.vector_load %arg11[%get3A_1255, %get3A_1256] {strides = array<i32>} : memref<1664x16xf32, #tpu.memory_space<vmem>>, vector<16xf32>,
        %mul3A_1258 = arith.mulf %get3A_1257, %get3A_1204 : vector<16xf32>
        %add3A_1259 = arith.addf %scan3A_1186, %mul3A_1258 : vector<16xf32>
        %mul3A_1260 = arith.constant 64 : i32
        %mul3A_1261 = arith.muli %add3A_1201, %mul3A_1260 : i32
        %add3A_1262 = arith.constant 32 : i32
        %add3A_1263 = arith.addi %mul3A_1261, %add3A_1262 : i32
        %add3A_1264 = arith.constant 5 : i32
        %add3A_1265 = arith.addi %add3A_1263, %add3A_1264 : i32
        %get3A_1266 = arith.index_cast %add3A_1265 : i32 to index
        %get3A_1267 = arith.constant 0 : index
        %get3A_1268 = tpu.vector_load %arg11[%get3A_1266, %get3A_1267] {strides = array<i32>} : memref<1664x16xf32, #tpu.memory_space<vmem>>, vector<16xf32>,
        %mul3A_1269 = arith.mulf %get3A_1268, %get3A_1204 : vector<16xf32>
        %add3A_1270 = arith.addf %scan3A_1187, %mul3A_1269 : vector<16xf32>
        %mul3A_1271 = arith.constant 64 : i32
        %mul3A_1272 = arith.muli %add3A_1201, %mul3A_1271 : i32
        %add3A_1273 = arith.constant 32 : i32
        %add3A_1274 = arith.addi %mul3A_1272, %add3A_1273 : i32
        %add3A_1275 = arith.constant 6 : i32
        %add3A_1276 = arith.addi %add3A_1274, %add3A_1275 : i32
        %get3A_1277 = arith.index_cast %add3A_1276 : i32 to index
        %get3A_1278 = arith.constant 0 : index
        %get3A_1279 = tpu.vector_load %arg11[%get3A_1277, %get3A_1278] {strides = array<i32>} : memref<1664x16xf32, #tpu.memory_space<vmem>>, vector<16xf32>,
        %mul3A_1280 = arith.mulf %get3A_1279, %get3A_1204 : vector<16xf32>
        %add3A_1281 = arith.addf %scan3A_1188, %mul3A_1280 : vector<16xf32>
        %mul3A_1282 = arith.constant 64 : i32
        %mul3A_1283 = arith.muli %add3A_1201, %mul3A_1282 : i32
        %add3A_1284 = arith.constant 32 : i32
        %add3A_1285 = arith.addi %mul3A_1283, %add3A_1284 : i32
        %add3A_1286 = arith.constant 7 : i32
        %add3A_1287 = arith.addi %add3A_1285, %add3A_1286 : i32
        %get3A_1288 = arith.index_cast %add3A_1287 : i32 to index
        %get3A_1289 = arith.constant 0 : index
        %get3A_1290 = tpu.vector_load %arg11[%get3A_1288, %get3A_1289] {strides = array<i32>} : memref<1664x16xf32, #tpu.memory_space<vmem>>, vector<16xf32>,
        %mul3A_1291 = arith.mulf %get3A_1290, %get3A_1204 : vector<16xf32>
        %add3A_1292 = arith.addf %scan3A_1189, %mul3A_1291 : vector<16xf32>
        %mul3A_1293 = arith.constant 64 : i32
        %mul3A_1294 = arith.muli %add3A_1201, %mul3A_1293 : i32
        %add3A_1295 = arith.constant 32 : i32
        %add3A_1296 = arith.addi %mul3A_1294, %add3A_1295 : i32
        %add3A_1297 = arith.constant 8 : i32
        %add3A_1298 = arith.addi %add3A_1296, %add3A_1297 : i32
        %get3A_1299 = arith.index_cast %add3A_1298 : i32 to index
        %get3A_1300 = arith.constant 0 : index
        %get3A_1301 = tpu.vector_load %arg11[%get3A_1299, %get3A_1300] {strides = array<i32>} : memref<1664x16xf32, #tpu.memory_space<vmem>>, vector<16xf32>,
        %mul3A_1302 = arith.mulf %get3A_1301, %get3A_1204 : vector<16xf32>
        %add3A_1303 = arith.addf %scan3A_1190, %mul3A_1302 : vector<16xf32>
        %mul3A_1304 = arith.constant 64 : i32
        %mul3A_1305 = arith.muli %add3A_1201, %mul3A_1304 : i32
        %add3A_1306 = arith.constant 32 : i32
        %add3A_1307 = arith.addi %mul3A_1305, %add3A_1306 : i32
        %add3A_1308 = arith.constant 9 : i32
        %add3A_1309 = arith.addi %add3A_1307, %add3A_1308 : i32
        %get3A_1310 = arith.index_cast %add3A_1309 : i32 to index
        %get3A_1311 = arith.constant 0 : index
        %get3A_1312 = tpu.vector_load %arg11[%get3A_1310, %get3A_1311] {strides = array<i32>} : memref<1664x16xf32, #tpu.memory_space<vmem>>, vector<16xf32>,
        %mul3A_1313 = arith.mulf %get3A_1312, %get3A_1204 : vector<16xf32>
        %add3A_1314 = arith.addf %scan3A_1191, %mul3A_1313 : vector<16xf32>
        %mul3A_1315 = arith.constant 64 : i32
        %mul3A_1316 = arith.muli %add3A_1201, %mul3A_1315 : i32
        %add3A_1317 = arith.constant 32 : i32
        %add3A_1318 = arith.addi %mul3A_1316, %add3A_1317 : i32
        %add3A_1319 = arith.constant 10 : i32
        %add3A_1320 = arith.addi %add3A_1318, %add3A_1319 : i32
        %get3A_1321 = arith.index_cast %add3A_1320 : i32 to index
        %get3A_1322 = arith.constant 0 : index
        %get3A_1323 = tpu.vector_load %arg11[%get3A_1321, %get3A_1322] {strides = array<i32>} : memref<1664x16xf32, #tpu.memory_space<vmem>>, vector<16xf32>,
        %mul3A_1324 = arith.mulf %get3A_1323, %get3A_1204 : vector<16xf32>
        %add3A_1325 = arith.addf %scan3A_1192, %mul3A_1324 : vector<16xf32>
        %mul3A_1326 = arith.constant 64 : i32
        %mul3A_1327 = arith.muli %add3A_1201, %mul3A_1326 : i32
        %add3A_1328 = arith.constant 32 : i32
        %add3A_1329 = arith.addi %mul3A_1327, %add3A_1328 : i32
        %add3A_1330 = arith.constant 11 : i32
        %add3A_1331 = arith.addi %add3A_1329, %add3A_1330 : i32
        %get3A_1332 = arith.index_cast %add3A_1331 : i32 to index
        %get3A_1333 = arith.constant 0 : index
        %get3A_1334 = tpu.vector_load %arg11[%get3A_1332, %get3A_1333] {strides = array<i32>} : memref<1664x16xf32, #tpu.memory_space<vmem>>, vector<16xf32>,
        %mul3A_1335 = arith.mulf %get3A_1334, %get3A_1204 : vector<16xf32>
        %add3A_1336 = arith.addf %scan3A_1193, %mul3A_1335 : vector<16xf32>
        %mul3A_1337 = arith.constant 64 : i32
        %mul3A_1338 = arith.muli %add3A_1201, %mul3A_1337 : i32
        %add3A_1339 = arith.constant 32 : i32
        %add3A_1340 = arith.addi %mul3A_1338, %add3A_1339 : i32
        %add3A_1341 = arith.constant 12 : i32
        %add3A_1342 = arith.addi %add3A_1340, %add3A_1341 : i32
        %get3A_1343 = arith.index_cast %add3A_1342 : i32 to index
        %get3A_1344 = arith.constant 0 : index
        %get3A_1345 = tpu.vector_load %arg11[%get3A_1343, %get3A_1344] {strides = array<i32>} : memref<1664x16xf32, #tpu.memory_space<vmem>>, vector<16xf32>,
        %mul3A_1346 = arith.mulf %get3A_1345, %get3A_1204 : vector<16xf32>
        %add3A_1347 = arith.addf %scan3A_1194, %mul3A_1346 : vector<16xf32>
        %mul3A_1348 = arith.constant 64 : i32
        %mul3A_1349 = arith.muli %add3A_1201, %mul3A_1348 : i32
        %add3A_1350 = arith.constant 32 : i32
        %add3A_1351 = arith.addi %mul3A_1349, %add3A_1350 : i32
        %add3A_1352 = arith.constant 13 : i32
        %add3A_1353 = arith.addi %add3A_1351, %add3A_1352 : i32
        %get3A_1354 = arith.index_cast %add3A_1353 : i32 to index
        %get3A_1355 = arith.constant 0 : index
        %get3A_1356 = tpu.vector_load %arg11[%get3A_1354, %get3A_1355] {strides = array<i32>} : memref<1664x16xf32, #tpu.memory_space<vmem>>, vector<16xf32>,
        %mul3A_1357 = arith.mulf %get3A_1356, %get3A_1204 : vector<16xf32>
        %add3A_1358 = arith.addf %scan3A_1195, %mul3A_1357 : vector<16xf32>
        %mul3A_1359 = arith.constant 64 : i32
        %mul3A_1360 = arith.muli %add3A_1201, %mul3A_1359 : i32
        %add3A_1361 = arith.constant 32 : i32
        %add3A_1362 = arith.addi %mul3A_1360, %add3A_1361 : i32
        %add3A_1363 = arith.constant 14 : i32
        %add3A_1364 = arith.addi %add3A_1362, %add3A_1363 : i32
        %get3A_1365 = arith.index_cast %add3A_1364 : i32 to index
        %get3A_1366 = arith.constant 0 : index
        %get3A_1367 = tpu.vector_load %arg11[%get3A_1365, %get3A_1366] {strides = array<i32>} : memref<1664x16xf32, #tpu.memory_space<vmem>>, vector<16xf32>,
        %mul3A_1368 = arith.mulf %get3A_1367, %get3A_1204 : vector<16xf32>
        %add3A_1369 = arith.addf %scan3A_1196, %mul3A_1368 : vector<16xf32>
        %mul3A_1370 = arith.constant 64 : i32
        %mul3A_1371 = arith.muli %add3A_1201, %mul3A_1370 : i32
        %add3A_1372 = arith.constant 32 : i32
        %add3A_1373 = arith.addi %mul3A_1371, %add3A_1372 : i32
        %add3A_1374 = arith.constant 15 : i32
        %add3A_1375 = arith.addi %add3A_1373, %add3A_1374 : i32
        %get3A_1376 = arith.index_cast %add3A_1375 : i32 to index
        %get3A_1377 = arith.constant 0 : index
        %get3A_1378 = tpu.vector_load %arg11[%get3A_1376, %get3A_1377] {strides = array<i32>} : memref<1664x16xf32, #tpu.memory_space<vmem>>, vector<16xf32>,
        %mul3A_1379 = arith.mulf %get3A_1378, %get3A_1204 : vector<16xf32>
        %add3A_1380 = arith.addf %scan3A_1197, %mul3A_1379 : vector<16xf32>
        %scan3A_1381 = arith.constant 1 : i32
        %scan3A_1382 = arith.addi %scan3A_1181, %scan3A_1381 : i32
        %mul3A_1383 = arith.constant 1 : i32
        %mul3A_1384 = arith.muli %scan3A_1382, %mul3A_1383 : i32
        %add3A_1385 = arith.constant 0 : i32
        %add3A_1386 = arith.addi %add3A_1385, %mul3A_1384 : i32
        %get3A_1387 = arith.index_cast %add3A_1386 : i32 to index
        %get3A_1388 = arith.constant 0 : index
        %get3A_1389 = tpu.vector_load %arg12[%get3A_1387, %get3A_1388] {strides = array<i32>} : memref<26x16xf32, #tpu.memory_space<vmem>>, vector<16xf32>,
        %mul3A_1390 = arith.constant 64 : i32
        %mul3A_1391 = arith.muli %add3A_1386, %mul3A_1390 : i32
        %add3A_1392 = arith.constant 32 : i32
        %add3A_1393 = arith.addi %mul3A_1391, %add3A_1392 : i32
        %add3A_1394 = arith.constant 0 : i32
        %add3A_1395 = arith.addi %add3A_1393, %add3A_1394 : i32
        %get3A_1396 = arith.index_cast %add3A_1395 : i32 to index
        %get3A_1397 = arith.constant 0 : index
        %get3A_1398 = tpu.vector_load %arg11[%get3A_1396, %get3A_1397] {strides = array<i32>} : memref<1664x16xf32, #tpu.memory_space<vmem>>, vector<16xf32>,
        %mul3A_1399 = arith.mulf %get3A_1398, %get3A_1389 : vector<16xf32>
        %add3A_1400 = arith.addf %add3A_1215, %mul3A_1399 : vector<16xf32>
        %mul3A_1401 = arith.constant 64 : i32
        %mul3A_1402 = arith.muli %add3A_1386, %mul3A_1401 : i32
        %add3A_1403 = arith.constant 32 : i32
        %add3A_1404 = arith.addi %mul3A_1402, %add3A_1403 : i32
        %add3A_1405 = arith.constant 1 : i32
        %add3A_1406 = arith.addi %add3A_1404, %add3A_1405 : i32
        %get3A_1407 = arith.index_cast %add3A_1406 : i32 to index
        %get3A_1408 = arith.constant 0 : index
        %get3A_1409 = tpu.vector_load %arg11[%get3A_1407, %get3A_1408] {strides = array<i32>} : memref<1664x16xf32, #tpu.memory_space<vmem>>, vector<16xf32>,
        %mul3A_1410 = arith.mulf %get3A_1409, %get3A_1389 : vector<16xf32>
        %add3A_1411 = arith.addf %add3A_1226, %mul3A_1410 : vector<16xf32>
        %mul3A_1412 = arith.constant 64 : i32
        %mul3A_1413 = arith.muli %add3A_1386, %mul3A_1412 : i32
        %add3A_1414 = arith.constant 32 : i32
        %add3A_1415 = arith.addi %mul3A_1413, %add3A_1414 : i32
        %add3A_1416 = arith.constant 2 : i32
        %add3A_1417 = arith.addi %add3A_1415, %add3A_1416 : i32
        %get3A_1418 = arith.index_cast %add3A_1417 : i32 to index
        %get3A_1419 = arith.constant 0 : index
        %get3A_1420 = tpu.vector_load %arg11[%get3A_1418, %get3A_1419] {strides = array<i32>} : memref<1664x16xf32, #tpu.memory_space<vmem>>, vector<16xf32>,
        %mul3A_1421 = arith.mulf %get3A_1420, %get3A_1389 : vector<16xf32>
        %add3A_1422 = arith.addf %add3A_1237, %mul3A_1421 : vector<16xf32>
        %mul3A_1423 = arith.constant 64 : i32
        %mul3A_1424 = arith.muli %add3A_1386, %mul3A_1423 : i32
        %add3A_1425 = arith.constant 32 : i32
        %add3A_1426 = arith.addi %mul3A_1424, %add3A_1425 : i32
        %add3A_1427 = arith.constant 3 : i32
        %add3A_1428 = arith.addi %add3A_1426, %add3A_1427 : i32
        %get3A_1429 = arith.index_cast %add3A_1428 : i32 to index
        %get3A_1430 = arith.constant 0 : index
        %get3A_1431 = tpu.vector_load %arg11[%get3A_1429, %get3A_1430] {strides = array<i32>} : memref<1664x16xf32, #tpu.memory_space<vmem>>, vector<16xf32>,
        %mul3A_1432 = arith.mulf %get3A_1431, %get3A_1389 : vector<16xf32>
        %add3A_1433 = arith.addf %add3A_1248, %mul3A_1432 : vector<16xf32>
        %mul3A_1434 = arith.constant 64 : i32
        %mul3A_1435 = arith.muli %add3A_1386, %mul3A_1434 : i32
        %add3A_1436 = arith.constant 32 : i32
        %add3A_1437 = arith.addi %mul3A_1435, %add3A_1436 : i32
        %add3A_1438 = arith.constant 4 : i32
        %add3A_1439 = arith.addi %add3A_1437, %add3A_1438 : i32
        %get3A_1440 = arith.index_cast %add3A_1439 : i32 to index
        %get3A_1441 = arith.constant 0 : index
        %get3A_1442 = tpu.vector_load %arg11[%get3A_1440, %get3A_1441] {strides = array<i32>} : memref<1664x16xf32, #tpu.memory_space<vmem>>, vector<16xf32>,
        %mul3A_1443 = arith.mulf %get3A_1442, %get3A_1389 : vector<16xf32>
        %add3A_1444 = arith.addf %add3A_1259, %mul3A_1443 : vector<16xf32>
        %mul3A_1445 = arith.constant 64 : i32
        %mul3A_1446 = arith.muli %add3A_1386, %mul3A_1445 : i32
        %add3A_1447 = arith.constant 32 : i32
        %add3A_1448 = arith.addi %mul3A_1446, %add3A_1447 : i32
        %add3A_1449 = arith.constant 5 : i32
        %add3A_1450 = arith.addi %add3A_1448, %add3A_1449 : i32
        %get3A_1451 = arith.index_cast %add3A_1450 : i32 to index
        %get3A_1452 = arith.constant 0 : index
        %get3A_1453 = tpu.vector_load %arg11[%get3A_1451, %get3A_1452] {strides = array<i32>} : memref<1664x16xf32, #tpu.memory_space<vmem>>, vector<16xf32>,
        %mul3A_1454 = arith.mulf %get3A_1453, %get3A_1389 : vector<16xf32>
        %add3A_1455 = arith.addf %add3A_1270, %mul3A_1454 : vector<16xf32>
        %mul3A_1456 = arith.constant 64 : i32
        %mul3A_1457 = arith.muli %add3A_1386, %mul3A_1456 : i32
        %add3A_1458 = arith.constant 32 : i32
        %add3A_1459 = arith.addi %mul3A_1457, %add3A_1458 : i32
        %add3A_1460 = arith.constant 6 : i32
        %add3A_1461 = arith.addi %add3A_1459, %add3A_1460 : i32
        %get3A_1462 = arith.index_cast %add3A_1461 : i32 to index
        %get3A_1463 = arith.constant 0 : index
        %get3A_1464 = tpu.vector_load %arg11[%get3A_1462, %get3A_1463] {strides = array<i32>} : memref<1664x16xf32, #tpu.memory_space<vmem>>, vector<16xf32>,
        %mul3A_1465 = arith.mulf %get3A_1464, %get3A_1389 : vector<16xf32>
        %add3A_1466 = arith.addf %add3A_1281, %mul3A_1465 : vector<16xf32>
        %mul3A_1467 = arith.constant 64 : i32
        %mul3A_1468 = arith.muli %add3A_1386, %mul3A_1467 : i32
        %add3A_1469 = arith.constant 32 : i32
        %add3A_1470 = arith.addi %mul3A_1468, %add3A_1469 : i32
        %add3A_1471 = arith.constant 7 : i32
        %add3A_1472 = arith.addi %add3A_1470, %add3A_1471 : i32
        %get3A_1473 = arith.index_cast %add3A_1472 : i32 to index
        %get3A_1474 = arith.constant 0 : index
        %get3A_1475 = tpu.vector_load %arg11[%get3A_1473, %get3A_1474] {strides = array<i32>} : memref<1664x16xf32, #tpu.memory_space<vmem>>, vector<16xf32>,
        %mul3A_1476 = arith.mulf %get3A_1475, %get3A_1389 : vector<16xf32>
        %add3A_1477 = arith.addf %add3A_1292, %mul3A_1476 : vector<16xf32>
        %mul3A_1478 = arith.constant 64 : i32
        %mul3A_1479 = arith.muli %add3A_1386, %mul3A_1478 : i32
        %add3A_1480 = arith.constant 32 : i32
        %add3A_1481 = arith.addi %mul3A_1479, %add3A_1480 : i32
        %add3A_1482 = arith.constant 8 : i32
        %add3A_1483 = arith.addi %add3A_1481, %add3A_1482 : i32
        %get3A_1484 = arith.index_cast %add3A_1483 : i32 to index
        %get3A_1485 = arith.constant 0 : index
        %get3A_1486 = tpu.vector_load %arg11[%get3A_1484, %get3A_1485] {strides = array<i32>} : memref<1664x16xf32, #tpu.memory_space<vmem>>, vector<16xf32>,
        %mul3A_1487 = arith.mulf %get3A_1486, %get3A_1389 : vector<16xf32>
        %add3A_1488 = arith.addf %add3A_1303, %mul3A_1487 : vector<16xf32>
        %mul3A_1489 = arith.constant 64 : i32
        %mul3A_1490 = arith.muli %add3A_1386, %mul3A_1489 : i32
        %add3A_1491 = arith.constant 32 : i32
        %add3A_1492 = arith.addi %mul3A_1490, %add3A_1491 : i32
        %add3A_1493 = arith.constant 9 : i32
        %add3A_1494 = arith.addi %add3A_1492, %add3A_1493 : i32
        %get3A_1495 = arith.index_cast %add3A_1494 : i32 to index
        %get3A_1496 = arith.constant 0 : index
        %get3A_1497 = tpu.vector_load %arg11[%get3A_1495, %get3A_1496] {strides = array<i32>} : memref<1664x16xf32, #tpu.memory_space<vmem>>, vector<16xf32>,
        %mul3A_1498 = arith.mulf %get3A_1497, %get3A_1389 : vector<16xf32>
        %add3A_1499 = arith.addf %add3A_1314, %mul3A_1498 : vector<16xf32>
        %mul3A_1500 = arith.constant 64 : i32
        %mul3A_1501 = arith.muli %add3A_1386, %mul3A_1500 : i32
        %add3A_1502 = arith.constant 32 : i32
        %add3A_1503 = arith.addi %mul3A_1501, %add3A_1502 : i32
        %add3A_1504 = arith.constant 10 : i32
        %add3A_1505 = arith.addi %add3A_1503, %add3A_1504 : i32
        %get3A_1506 = arith.index_cast %add3A_1505 : i32 to index
        %get3A_1507 = arith.constant 0 : index
        %get3A_1508 = tpu.vector_load %arg11[%get3A_1506, %get3A_1507] {strides = array<i32>} : memref<1664x16xf32, #tpu.memory_space<vmem>>, vector<16xf32>,
        %mul3A_1509 = arith.mulf %get3A_1508, %get3A_1389 : vector<16xf32>
        %add3A_1510 = arith.addf %add3A_1325, %mul3A_1509 : vector<16xf32>
        %mul3A_1511 = arith.constant 64 : i32
        %mul3A_1512 = arith.muli %add3A_1386, %mul3A_1511 : i32
        %add3A_1513 = arith.constant 32 : i32
        %add3A_1514 = arith.addi %mul3A_1512, %add3A_1513 : i32
        %add3A_1515 = arith.constant 11 : i32
        %add3A_1516 = arith.addi %add3A_1514, %add3A_1515 : i32
        %get3A_1517 = arith.index_cast %add3A_1516 : i32 to index
        %get3A_1518 = arith.constant 0 : index
        %get3A_1519 = tpu.vector_load %arg11[%get3A_1517, %get3A_1518] {strides = array<i32>} : memref<1664x16xf32, #tpu.memory_space<vmem>>, vector<16xf32>,
        %mul3A_1520 = arith.mulf %get3A_1519, %get3A_1389 : vector<16xf32>
        %add3A_1521 = arith.addf %add3A_1336, %mul3A_1520 : vector<16xf32>
        %mul3A_1522 = arith.constant 64 : i32
        %mul3A_1523 = arith.muli %add3A_1386, %mul3A_1522 : i32
        %add3A_1524 = arith.constant 32 : i32
        %add3A_1525 = arith.addi %mul3A_1523, %add3A_1524 : i32
        %add3A_1526 = arith.constant 12 : i32
        %add3A_1527 = arith.addi %add3A_1525, %add3A_1526 : i32
        %get3A_1528 = arith.index_cast %add3A_1527 : i32 to index
        %get3A_1529 = arith.constant 0 : index
        %get3A_1530 = tpu.vector_load %arg11[%get3A_1528, %get3A_1529] {strides = array<i32>} : memref<1664x16xf32, #tpu.memory_space<vmem>>, vector<16xf32>,
        %mul3A_1531 = arith.mulf %get3A_1530, %get3A_1389 : vector<16xf32>
        %add3A_1532 = arith.addf %add3A_1347, %mul3A_1531 : vector<16xf32>
        %mul3A_1533 = arith.constant 64 : i32
        %mul3A_1534 = arith.muli %add3A_1386, %mul3A_1533 : i32
        %add3A_1535 = arith.constant 32 : i32
        %add3A_1536 = arith.addi %mul3A_1534, %add3A_1535 : i32
        %add3A_1537 = arith.constant 13 : i32
        %add3A_1538 = arith.addi %add3A_1536, %add3A_1537 : i32
        %get3A_1539 = arith.index_cast %add3A_1538 : i32 to index
        %get3A_1540 = arith.constant 0 : index
        %get3A_1541 = tpu.vector_load %arg11[%get3A_1539, %get3A_1540] {strides = array<i32>} : memref<1664x16xf32, #tpu.memory_space<vmem>>, vector<16xf32>,
        %mul3A_1542 = arith.mulf %get3A_1541, %get3A_1389 : vector<16xf32>
        %add3A_1543 = arith.addf %add3A_1358, %mul3A_1542 : vector<16xf32>
        %mul3A_1544 = arith.constant 64 : i32
        %mul3A_1545 = arith.muli %add3A_1386, %mul3A_1544 : i32
        %add3A_1546 = arith.constant 32 : i32
        %add3A_1547 = arith.addi %mul3A_1545, %add3A_1546 : i32
        %add3A_1548 = arith.constant 14 : i32
        %add3A_1549 = arith.addi %add3A_1547, %add3A_1548 : i32
        %get3A_1550 = arith.index_cast %add3A_1549 : i32 to index
        %get3A_1551 = arith.constant 0 : index
        %get3A_1552 = tpu.vector_load %arg11[%get3A_1550, %get3A_1551] {strides = array<i32>} : memref<1664x16xf32, #tpu.memory_space<vmem>>, vector<16xf32>,
        %mul3A_1553 = arith.mulf %get3A_1552, %get3A_1389 : vector<16xf32>
        %add3A_1554 = arith.addf %add3A_1369, %mul3A_1553 : vector<16xf32>
        %mul3A_1555 = arith.constant 64 : i32
        %mul3A_1556 = arith.muli %add3A_1386, %mul3A_1555 : i32
        %add3A_1557 = arith.constant 32 : i32
        %add3A_1558 = arith.addi %mul3A_1556, %add3A_1557 : i32
        %add3A_1559 = arith.constant 15 : i32
        %add3A_1560 = arith.addi %add3A_1558, %add3A_1559 : i32
        %get3A_1561 = arith.index_cast %add3A_1560 : i32 to index
        %get3A_1562 = arith.constant 0 : index
        %get3A_1563 = tpu.vector_load %arg11[%get3A_1561, %get3A_1562] {strides = array<i32>} : memref<1664x16xf32, #tpu.memory_space<vmem>>, vector<16xf32>,
        %mul3A_1564 = arith.mulf %get3A_1563, %get3A_1389 : vector<16xf32>
        %add3A_1565 = arith.addf %add3A_1380, %mul3A_1564 : vector<16xf32>
        scf.yield %add3A_1400, %add3A_1411, %add3A_1422, %add3A_1433, %add3A_1444, %add3A_1455, %add3A_1466, %add3A_1477, %add3A_1488, %add3A_1499, %add3A_1510, %add3A_1521, %add3A_1532, %add3A_1543, %add3A_1554, %add3A_1565 : vector<16xf32>, vector<16xf32>, vector<16xf32>, vector<16xf32>, vector<16xf32>, vector<16xf32>, vector<16xf32>, vector<16xf32>, vector<16xf32>, vector<16xf32>, vector<16xf32>, vector<16xf32>, vector<16xf32>, vector<16xf32>, vector<16xf32>, vector<16xf32>
      }
      %scan3A_902 = arith.constant 26 : i32
      %swap3A_903 = arith.constant 0 : i32
      %swap3A_904 = arith.index_cast %swap3A_903 : i32 to index
      %swap3A_905 = arith.constant 0 : index
      %swap3A_906 = tpu.vector_load %arg14[%swap3A_904, %swap3A_905] {strides = array<i32>} : memref<16x16xf32, #tpu.memory_space<vmem>>, vector<16xf32>,
      tpu.vector_store %arg14[%swap3A_904, %swap3A_905], %scan3A_901#0 {strides = array<i32>} : memref<16x16xf32, #tpu.memory_space<vmem>>, vector<16xf32>,
      %swap3A_907 = arith.constant 1 : i32
      %swap3A_908 = arith.index_cast %swap3A_907 : i32 to index
      %swap3A_909 = arith.constant 0 : index
      %swap3A_910 = tpu.vector_load %arg14[%swap3A_908, %swap3A_909] {strides = array<i32>} : memref<16x16xf32, #tpu.memory_space<vmem>>, vector<16xf32>,
      tpu.vector_store %arg14[%swap3A_908, %swap3A_909], %scan3A_901#1 {strides = array<i32>} : memref<16x16xf32, #tpu.memory_space<vmem>>, vector<16xf32>,
      %swap3A_911 = arith.constant 2 : i32
      %swap3A_912 = arith.index_cast %swap3A_911 : i32 to index
      %swap3A_913 = arith.constant 0 : index
      %swap3A_914 = tpu.vector_load %arg14[%swap3A_912, %swap3A_913] {strides = array<i32>} : memref<16x16xf32, #tpu.memory_space<vmem>>, vector<16xf32>,
      tpu.vector_store %arg14[%swap3A_912, %swap3A_913], %scan3A_901#2 {strides = array<i32>} : memref<16x16xf32, #tpu.memory_space<vmem>>, vector<16xf32>,
      %swap3A_915 = arith.constant 3 : i32
      %swap3A_916 = arith.index_cast %swap3A_915 : i32 to index
      %swap3A_917 = arith.constant 0 : index
      %swap3A_918 = tpu.vector_load %arg14[%swap3A_916, %swap3A_917] {strides = array<i32>} : memref<16x16xf32, #tpu.memory_space<vmem>>, vector<16xf32>,
      tpu.vector_store %arg14[%swap3A_916, %swap3A_917], %scan3A_901#3 {strides = array<i32>} : memref<16x16xf32, #tpu.memory_space<vmem>>, vector<16xf32>,
      %swap3A_919 = arith.constant 4 : i32
      %swap3A_920 = arith.index_cast %swap3A_919 : i32 to index
      %swap3A_921 = arith.constant 0 : index
      %swap3A_922 = tpu.vector_load %arg14[%swap3A_920, %swap3A_921] {strides = array<i32>} : memref<16x16xf32, #tpu.memory_space<vmem>>, vector<16xf32>,
      tpu.vector_store %arg14[%swap3A_920, %swap3A_921], %scan3A_901#4 {strides = array<i32>} : memref<16x16xf32, #tpu.memory_space<vmem>>, vector<16xf32>,
      %swap3A_923 = arith.constant 5 : i32
      %swap3A_924 = arith.index_cast %swap3A_923 : i32 to index
      %swap3A_925 = arith.constant 0 : index
      %swap3A_926 = tpu.vector_load %arg14[%swap3A_924, %swap3A_925] {strides = array<i32>} : memref<16x16xf32, #tpu.memory_space<vmem>>, vector<16xf32>,
      tpu.vector_store %arg14[%swap3A_924, %swap3A_925], %scan3A_901#5 {strides = array<i32>} : memref<16x16xf32, #tpu.memory_space<vmem>>, vector<16xf32>,
      %swap3A_927 = arith.constant 6 : i32
      %swap3A_928 = arith.index_cast %swap3A_927 : i32 to index
      %swap3A_929 = arith.constant 0 : index
      %swap3A_930 = tpu.vector_load %arg14[%swap3A_928, %swap3A_929] {strides = array<i32>} : memref<16x16xf32, #tpu.memory_space<vmem>>, vector<16xf32>,
      tpu.vector_store %arg14[%swap3A_928, %swap3A_929], %scan3A_901#6 {strides = array<i32>} : memref<16x16xf32, #tpu.memory_space<vmem>>, vector<16xf32>,
      %swap3A_931 = arith.constant 7 : i32
      %swap3A_932 = arith.index_cast %swap3A_931 : i32 to index
      %swap3A_933 = arith.constant 0 : index
      %swap3A_934 = tpu.vector_load %arg14[%swap3A_932, %swap3A_933] {strides = array<i32>} : memref<16x16xf32, #tpu.memory_space<vmem>>, vector<16xf32>,
      tpu.vector_store %arg14[%swap3A_932, %swap3A_933], %scan3A_901#7 {strides = array<i32>} : memref<16x16xf32, #tpu.memory_space<vmem>>, vector<16xf32>,
      %swap3A_935 = arith.constant 8 : i32
      %swap3A_936 = arith.index_cast %swap3A_935 : i32 to index
      %swap3A_937 = arith.constant 0 : index
      %swap3A_938 = tpu.vector_load %arg14[%swap3A_936, %swap3A_937] {strides = array<i32>} : memref<16x16xf32, #tpu.memory_space<vmem>>, vector<16xf32>,
      tpu.vector_store %arg14[%swap3A_936, %swap3A_937], %scan3A_901#8 {strides = array<i32>} : memref<16x16xf32, #tpu.memory_space<vmem>>, vector<16xf32>,
      %swap3A_939 = arith.constant 9 : i32
      %swap3A_940 = arith.index_cast %swap3A_939 : i32 to index
      %swap3A_941 = arith.constant 0 : index
      %swap3A_942 = tpu.vector_load %arg14[%swap3A_940, %swap3A_941] {strides = array<i32>} : memref<16x16xf32, #tpu.memory_space<vmem>>, vector<16xf32>,
      tpu.vector_store %arg14[%swap3A_940, %swap3A_941], %scan3A_901#9 {strides = array<i32>} : memref<16x16xf32, #tpu.memory_space<vmem>>, vector<16xf32>,
      %swap3A_943 = arith.constant 10 : i32
      %swap3A_944 = arith.index_cast %swap3A_943 : i32 to index
      %swap3A_945 = arith.constant 0 : index
      %swap3A_946 = tpu.vector_load %arg14[%swap3A_944, %swap3A_945] {strides = array<i32>} : memref<16x16xf32, #tpu.memory_space<vmem>>, vector<16xf32>,
      tpu.vector_store %arg14[%swap3A_944, %swap3A_945], %scan3A_901#10 {strides = array<i32>} : memref<16x16xf32, #tpu.memory_space<vmem>>, vector<16xf32>,
      %swap3A_947 = arith.constant 11 : i32
      %swap3A_948 = arith.index_cast %swap3A_947 : i32 to index
      %swap3A_949 = arith.constant 0 : index
      %swap3A_950 = tpu.vector_load %arg14[%swap3A_948, %swap3A_949] {strides = array<i32>} : memref<16x16xf32, #tpu.memory_space<vmem>>, vector<16xf32>,
      tpu.vector_store %arg14[%swap3A_948, %swap3A_949], %scan3A_901#11 {strides = array<i32>} : memref<16x16xf32, #tpu.memory_space<vmem>>, vector<16xf32>,
      %swap3A_951 = arith.constant 12 : i32
      %swap3A_952 = arith.index_cast %swap3A_951 : i32 to index
      %swap3A_953 = arith.constant 0 : index
      %swap3A_954 = tpu.vector_load %arg14[%swap3A_952, %swap3A_953] {strides = array<i32>} : memref<16x16xf32, #tpu.memory_space<vmem>>, vector<16xf32>,
      tpu.vector_store %arg14[%swap3A_952, %swap3A_953], %scan3A_901#12 {strides = array<i32>} : memref<16x16xf32, #tpu.memory_space<vmem>>, vector<16xf32>,
      %swap3A_955 = arith.constant 13 : i32
      %swap3A_956 = arith.index_cast %swap3A_955 : i32 to index
      %swap3A_957 = arith.constant 0 : index
      %swap3A_958 = tpu.vector_load %arg14[%swap3A_956, %swap3A_957] {strides = array<i32>} : memref<16x16xf32, #tpu.memory_space<vmem>>, vector<16xf32>,
      tpu.vector_store %arg14[%swap3A_956, %swap3A_957], %scan3A_901#13 {strides = array<i32>} : memref<16x16xf32, #tpu.memory_space<vmem>>, vector<16xf32>,
      %swap3A_959 = arith.constant 14 : i32
      %swap3A_960 = arith.index_cast %swap3A_959 : i32 to index
      %swap3A_961 = arith.constant 0 : index
      %swap3A_962 = tpu.vector_load %arg14[%swap3A_960, %swap3A_961] {strides = array<i32>} : memref<16x16xf32, #tpu.memory_space<vmem>>, vector<16xf32>,
      tpu.vector_store %arg14[%swap3A_960, %swap3A_961], %scan3A_901#14 {strides = array<i32>} : memref<16x16xf32, #tpu.memory_space<vmem>>, vector<16xf32>,
      %swap3A_963 = arith.constant 15 : i32
      %swap3A_964 = arith.index_cast %swap3A_963 : i32 to index
      %swap3A_965 = arith.constant 0 : index
      %swap3A_966 = tpu.vector_load %arg14[%swap3A_964, %swap3A_965] {strides = array<i32>} : memref<16x16xf32, #tpu.memory_space<vmem>>, vector<16xf32>,
      tpu.vector_store %arg14[%swap3A_964, %swap3A_965], %scan3A_901#15 {strides = array<i32>} : memref<16x16xf32, #tpu.memory_space<vmem>>, vector<16xf32>,
      %iota3A_967 = tpu.iota {dimensions = array<i32: 0>} : vector<16xi32>
      %broadcast_in_dim3A_968 = arith.constant 0 : i32
      %broadcast_in_dim3A_969 = vector.broadcast %broadcast_in_dim3A_968 : i32 to vector<16xi32>
      %gather3A_970 = tpu.vector_load_idx %arg14[%iota3A_967, %broadcast_in_dim3A_969] : memref<16x16xf32, #tpu.memory_space<vmem>>[vector<16xi32>, vector<16xi32>], vector<16xf32>,
      %broadcast_in_dim3A_971 = arith.constant 1 : i32
      %broadcast_in_dim3A_972 = vector.broadcast %broadcast_in_dim3A_971 : i32 to vector<16xi32>
      %gather3A_973 = tpu.vector_load_idx %arg14[%iota3A_967, %broadcast_in_dim3A_972] : memref<16x16xf32, #tpu.memory_space<vmem>>[vector<16xi32>, vector<16xi32>], vector<16xf32>,
      %add3A_974 = arith.addf %gather3A_970, %gather3A_973 : vector<16xf32>
      %broadcast_in_dim3A_975 = arith.constant 2 : i32
      %broadcast_in_dim3A_976 = vector.broadcast %broadcast_in_dim3A_975 : i32 to vector<16xi32>
      %gather3A_977 = tpu.vector_load_idx %arg14[%iota3A_967, %broadcast_in_dim3A_976] : memref<16x16xf32, #tpu.memory_space<vmem>>[vector<16xi32>, vector<16xi32>], vector<16xf32>,
      %add3A_978 = arith.addf %add3A_974, %gather3A_977 : vector<16xf32>
      %broadcast_in_dim3A_979 = arith.constant 3 : i32
      %broadcast_in_dim3A_980 = vector.broadcast %broadcast_in_dim3A_979 : i32 to vector<16xi32>
      %gather3A_981 = tpu.vector_load_idx %arg14[%iota3A_967, %broadcast_in_dim3A_980] : memref<16x16xf32, #tpu.memory_space<vmem>>[vector<16xi32>, vector<16xi32>], vector<16xf32>,
      %add3A_982 = arith.addf %add3A_978, %gather3A_981 : vector<16xf32>
      %broadcast_in_dim3A_983 = arith.constant 4 : i32
      %broadcast_in_dim3A_984 = vector.broadcast %broadcast_in_dim3A_983 : i32 to vector<16xi32>
      %gather3A_985 = tpu.vector_load_idx %arg14[%iota3A_967, %broadcast_in_dim3A_984] : memref<16x16xf32, #tpu.memory_space<vmem>>[vector<16xi32>, vector<16xi32>], vector<16xf32>,
      %broadcast_in_dim3A_986 = arith.constant 5 : i32
      %broadcast_in_dim3A_987 = vector.broadcast %broadcast_in_dim3A_986 : i32 to vector<16xi32>
      %gather3A_988 = tpu.vector_load_idx %arg14[%iota3A_967, %broadcast_in_dim3A_987] : memref<16x16xf32, #tpu.memory_space<vmem>>[vector<16xi32>, vector<16xi32>], vector<16xf32>,
      %add3A_989 = arith.addf %gather3A_985, %gather3A_988 : vector<16xf32>
      %broadcast_in_dim3A_990 = arith.constant 6 : i32
      %broadcast_in_dim3A_991 = vector.broadcast %broadcast_in_dim3A_990 : i32 to vector<16xi32>
      %gather3A_992 = tpu.vector_load_idx %arg14[%iota3A_967, %broadcast_in_dim3A_991] : memref<16x16xf32, #tpu.memory_space<vmem>>[vector<16xi32>, vector<16xi32>], vector<16xf32>,
      %add3A_993 = arith.addf %add3A_989, %gather3A_992 : vector<16xf32>
      %broadcast_in_dim3A_994 = arith.constant 7 : i32
      %broadcast_in_dim3A_995 = vector.broadcast %broadcast_in_dim3A_994 : i32 to vector<16xi32>
      %gather3A_996 = tpu.vector_load_idx %arg14[%iota3A_967, %broadcast_in_dim3A_995] : memref<16x16xf32, #tpu.memory_space<vmem>>[vector<16xi32>, vector<16xi32>], vector<16xf32>,
      %add3A_997 = arith.addf %add3A_993, %gather3A_996 : vector<16xf32>
      %broadcast_in_dim3A_998 = arith.constant 8 : i32
      %broadcast_in_dim3A_999 = vector.broadcast %broadcast_in_dim3A_998 : i32 to vector<16xi32>
      %gather3A_1000 = tpu.vector_load_idx %arg14[%iota3A_967, %broadcast_in_dim3A_999] : memref<16x16xf32, #tpu.memory_space<vmem>>[vector<16xi32>, vector<16xi32>], vector<16xf32>,
      %broadcast_in_dim3A_1001 = arith.constant 9 : i32
      %broadcast_in_dim3A_1002 = vector.broadcast %broadcast_in_dim3A_1001 : i32 to vector<16xi32>
      %gather3A_1003 = tpu.vector_load_idx %arg14[%iota3A_967, %broadcast_in_dim3A_1002] : memref<16x16xf32, #tpu.memory_space<vmem>>[vector<16xi32>, vector<16xi32>], vector<16xf32>,
      %add3A_1004 = arith.addf %gather3A_1000, %gather3A_1003 : vector<16xf32>
      %broadcast_in_dim3A_1005 = arith.constant 10 : i32
      %broadcast_in_dim3A_1006 = vector.broadcast %broadcast_in_dim3A_1005 : i32 to vector<16xi32>
      %gather3A_1007 = tpu.vector_load_idx %arg14[%iota3A_967, %broadcast_in_dim3A_1006] : memref<16x16xf32, #tpu.memory_space<vmem>>[vector<16xi32>, vector<16xi32>], vector<16xf32>,
      %add3A_1008 = arith.addf %add3A_1004, %gather3A_1007 : vector<16xf32>
      %broadcast_in_dim3A_1009 = arith.constant 11 : i32
      %broadcast_in_dim3A_1010 = vector.broadcast %broadcast_in_dim3A_1009 : i32 to vector<16xi32>
      %gather3A_1011 = tpu.vector_load_idx %arg14[%iota3A_967, %broadcast_in_dim3A_1010] : memref<16x16xf32, #tpu.memory_space<vmem>>[vector<16xi32>, vector<16xi32>], vector<16xf32>,
      %add3A_1012 = arith.addf %add3A_1008, %gather3A_1011 : vector<16xf32>
      %broadcast_in_dim3A_1013 = arith.constant 12 : i32
      %broadcast_in_dim3A_1014 = vector.broadcast %broadcast_in_dim3A_1013 : i32 to vector<16xi32>
      %gather3A_1015 = tpu.vector_load_idx %arg14[%iota3A_967, %broadcast_in_dim3A_1014] : memref<16x16xf32, #tpu.memory_space<vmem>>[vector<16xi32>, vector<16xi32>], vector<16xf32>,
      %broadcast_in_dim3A_1016 = arith.constant 13 : i32
      %broadcast_in_dim3A_1017 = vector.broadcast %broadcast_in_dim3A_1016 : i32 to vector<16xi32>
      %gather3A_1018 = tpu.vector_load_idx %arg14[%iota3A_967, %broadcast_in_dim3A_1017] : memref<16x16xf32, #tpu.memory_space<vmem>>[vector<16xi32>, vector<16xi32>], vector<16xf32>,
      %add3A_1019 = arith.addf %gather3A_1015, %gather3A_1018 : vector<16xf32>
      %broadcast_in_dim3A_1020 = arith.constant 14 : i32
      %broadcast_in_dim3A_1021 = vector.broadcast %broadcast_in_dim3A_1020 : i32 to vector<16xi32>
      %gather3A_1022 = tpu.vector_load_idx %arg14[%iota3A_967, %broadcast_in_dim3A_1021] : memref<16x16xf32, #tpu.memory_space<vmem>>[vector<16xi32>, vector<16xi32>], vector<16xf32>,
      %add3A_1023 = arith.addf %add3A_1019, %gather3A_1022 : vector<16xf32>
      %broadcast_in_dim3A_1024 = arith.constant 15 : i32
      %broadcast_in_dim3A_1025 = vector.broadcast %broadcast_in_dim3A_1024 : i32 to vector<16xi32>
      %gather3A_1026 = tpu.vector_load_idx %arg14[%iota3A_967, %broadcast_in_dim3A_1025] : memref<16x16xf32, #tpu.memory_space<vmem>>[vector<16xi32>, vector<16xi32>], vector<16xf32>,
      %add3A_1027 = arith.addf %add3A_1023, %gather3A_1026 : vector<16xf32>
      %add3A_1028 = arith.addf %add3A_982, %add3A_997 : vector<16xf32>
      %add3A_1029 = arith.addf %add3A_1012, %add3A_1027 : vector<16xf32>
      %add3A_1030 = arith.addf %add3A_1028, %add3A_1029 : vector<16xf32>
      %add3A_1031 = arith.addf %add3A_1030, %get3A_3 : vector<16xf32>
      %mul3A_1032 = arith.constant 64 : i32
      %mul3A_1033 = arith.muli %add3A_608, %mul3A_1032 : i32
      %add3A_1034 = arith.constant 32 : i32
      %add3A_1035 = arith.addi %mul3A_1033, %add3A_1034 : i32
      %swap3A_1036 = arith.index_cast %add3A_1035 : i32 to index
      %swap3A_1037 = tpu.vector_load %arg15[%swap3A_1036] {strides = array<i32>} : memref<512xf32, #tpu.memory_space<vmem>>, vector<16xf32>,
      tpu.vector_store %arg15[%swap3A_1036], %add3A_1031 {strides = array<i32>} : memref<512xf32, #tpu.memory_space<vmem>>, vector<16xf32>,
      %broadcast_in_dim3A_1038 = arith.constant 0.000000e+00 : f32
      %broadcast_in_dim3A_1039 = vector.broadcast %broadcast_in_dim3A_1038 : f32 to vector<16xf32>
      %scan3A_1040 = arith.constant 0 : i32
      %scan3A_1041 = arith.constant 26 : i32
      %scan3A_1042 = arith.addi %scan3A_1040, %scan3A_1041 : i32
      %scan3A_1043 = arith.constant 2 : i32
      %scan3A_1044:16 = scf.for %scan3A_1181 = %scan3A_1040 to %scan3A_1042 step %scan3A_1043 iter_args(%scan3A_1182 = %broadcast_in_dim3A_1039, %scan3A_1183 = %broadcast_in_dim3A_1039, %scan3A_1184 = %broadcast_in_dim3A_1039, %scan3A_1185 = %broadcast_in_dim3A_1039, %scan3A_1186 = %broadcast_in_dim3A_1039, %scan3A_1187 = %broadcast_in_dim3A_1039, %scan3A_1188 = %broadcast_in_dim3A_1039, %scan3A_1189 = %broadcast_in_dim3A_1039, %scan3A_1190 = %broadcast_in_dim3A_1039, %scan3A_1191 = %broadcast_in_dim3A_1039, %scan3A_1192 = %broadcast_in_dim3A_1039, %scan3A_1193 = %broadcast_in_dim3A_1039, %scan3A_1194 = %broadcast_in_dim3A_1039, %scan3A_1195 = %broadcast_in_dim3A_1039, %scan3A_1196 = %broadcast_in_dim3A_1039, %scan3A_1197 = %broadcast_in_dim3A_1039) -> (vector<16xf32>, vector<16xf32>, vector<16xf32>, vector<16xf32>, vector<16xf32>, vector<16xf32>, vector<16xf32>, vector<16xf32>, vector<16xf32>, vector<16xf32>, vector<16xf32>, vector<16xf32>, vector<16xf32>, vector<16xf32>, vector<16xf32>, vector<16xf32>)  : i32 {
        %mul3A_1198 = arith.constant 1 : i32
        %mul3A_1199 = arith.muli %scan3A_1181, %mul3A_1198 : i32
        %add3A_1200 = arith.constant 0 : i32
        %add3A_1201 = arith.addi %add3A_1200, %mul3A_1199 : i32
        %get3A_1202 = arith.index_cast %add3A_1201 : i32 to index
        %get3A_1203 = arith.constant 0 : index
        %get3A_1204 = tpu.vector_load %arg12[%get3A_1202, %get3A_1203] {strides = array<i32>} : memref<26x16xf32, #tpu.memory_space<vmem>>, vector<16xf32>,
        %mul3A_1205 = arith.constant 64 : i32
        %mul3A_1206 = arith.muli %add3A_1201, %mul3A_1205 : i32
        %add3A_1207 = arith.constant 48 : i32
        %add3A_1208 = arith.addi %mul3A_1206, %add3A_1207 : i32
        %add3A_1209 = arith.constant 0 : i32
        %add3A_1210 = arith.addi %add3A_1208, %add3A_1209 : i32
        %get3A_1211 = arith.index_cast %add3A_1210 : i32 to index
        %get3A_1212 = arith.constant 0 : index
        %get3A_1213 = tpu.vector_load %arg11[%get3A_1211, %get3A_1212] {strides = array<i32>} : memref<1664x16xf32, #tpu.memory_space<vmem>>, vector<16xf32>,
        %mul3A_1214 = arith.mulf %get3A_1213, %get3A_1204 : vector<16xf32>
        %add3A_1215 = arith.addf %scan3A_1182, %mul3A_1214 : vector<16xf32>
        %mul3A_1216 = arith.constant 64 : i32
        %mul3A_1217 = arith.muli %add3A_1201, %mul3A_1216 : i32
        %add3A_1218 = arith.constant 48 : i32
        %add3A_1219 = arith.addi %mul3A_1217, %add3A_1218 : i32
        %add3A_1220 = arith.constant 1 : i32
        %add3A_1221 = arith.addi %add3A_1219, %add3A_1220 : i32
        %get3A_1222 = arith.index_cast %add3A_1221 : i32 to index
        %get3A_1223 = arith.constant 0 : index
        %get3A_1224 = tpu.vector_load %arg11[%get3A_1222, %get3A_1223] {strides = array<i32>} : memref<1664x16xf32, #tpu.memory_space<vmem>>, vector<16xf32>,
        %mul3A_1225 = arith.mulf %get3A_1224, %get3A_1204 : vector<16xf32>
        %add3A_1226 = arith.addf %scan3A_1183, %mul3A_1225 : vector<16xf32>
        %mul3A_1227 = arith.constant 64 : i32
        %mul3A_1228 = arith.muli %add3A_1201, %mul3A_1227 : i32
        %add3A_1229 = arith.constant 48 : i32
        %add3A_1230 = arith.addi %mul3A_1228, %add3A_1229 : i32
        %add3A_1231 = arith.constant 2 : i32
        %add3A_1232 = arith.addi %add3A_1230, %add3A_1231 : i32
        %get3A_1233 = arith.index_cast %add3A_1232 : i32 to index
        %get3A_1234 = arith.constant 0 : index
        %get3A_1235 = tpu.vector_load %arg11[%get3A_1233, %get3A_1234] {strides = array<i32>} : memref<1664x16xf32, #tpu.memory_space<vmem>>, vector<16xf32>,
        %mul3A_1236 = arith.mulf %get3A_1235, %get3A_1204 : vector<16xf32>
        %add3A_1237 = arith.addf %scan3A_1184, %mul3A_1236 : vector<16xf32>
        %mul3A_1238 = arith.constant 64 : i32
        %mul3A_1239 = arith.muli %add3A_1201, %mul3A_1238 : i32
        %add3A_1240 = arith.constant 48 : i32
        %add3A_1241 = arith.addi %mul3A_1239, %add3A_1240 : i32
        %add3A_1242 = arith.constant 3 : i32
        %add3A_1243 = arith.addi %add3A_1241, %add3A_1242 : i32
        %get3A_1244 = arith.index_cast %add3A_1243 : i32 to index
        %get3A_1245 = arith.constant 0 : index
        %get3A_1246 = tpu.vector_load %arg11[%get3A_1244, %get3A_1245] {strides = array<i32>} : memref<1664x16xf32, #tpu.memory_space<vmem>>, vector<16xf32>,
        %mul3A_1247 = arith.mulf %get3A_1246, %get3A_1204 : vector<16xf32>
        %add3A_1248 = arith.addf %scan3A_1185, %mul3A_1247 : vector<16xf32>
        %mul3A_1249 = arith.constant 64 : i32
        %mul3A_1250 = arith.muli %add3A_1201, %mul3A_1249 : i32
        %add3A_1251 = arith.constant 48 : i32
        %add3A_1252 = arith.addi %mul3A_1250, %add3A_1251 : i32
        %add3A_1253 = arith.constant 4 : i32
        %add3A_1254 = arith.addi %add3A_1252, %add3A_1253 : i32
        %get3A_1255 = arith.index_cast %add3A_1254 : i32 to index
        %get3A_1256 = arith.constant 0 : index
        %get3A_1257 = tpu.vector_load %arg11[%get3A_1255, %get3A_1256] {strides = array<i32>} : memref<1664x16xf32, #tpu.memory_space<vmem>>, vector<16xf32>,
        %mul3A_1258 = arith.mulf %get3A_1257, %get3A_1204 : vector<16xf32>
        %add3A_1259 = arith.addf %scan3A_1186, %mul3A_1258 : vector<16xf32>
        %mul3A_1260 = arith.constant 64 : i32
        %mul3A_1261 = arith.muli %add3A_1201, %mul3A_1260 : i32
        %add3A_1262 = arith.constant 48 : i32
        %add3A_1263 = arith.addi %mul3A_1261, %add3A_1262 : i32
        %add3A_1264 = arith.constant 5 : i32
        %add3A_1265 = arith.addi %add3A_1263, %add3A_1264 : i32
        %get3A_1266 = arith.index_cast %add3A_1265 : i32 to index
        %get3A_1267 = arith.constant 0 : index
        %get3A_1268 = tpu.vector_load %arg11[%get3A_1266, %get3A_1267] {strides = array<i32>} : memref<1664x16xf32, #tpu.memory_space<vmem>>, vector<16xf32>,
        %mul3A_1269 = arith.mulf %get3A_1268, %get3A_1204 : vector<16xf32>
        %add3A_1270 = arith.addf %scan3A_1187, %mul3A_1269 : vector<16xf32>
        %mul3A_1271 = arith.constant 64 : i32
        %mul3A_1272 = arith.muli %add3A_1201, %mul3A_1271 : i32
        %add3A_1273 = arith.constant 48 : i32
        %add3A_1274 = arith.addi %mul3A_1272, %add3A_1273 : i32
        %add3A_1275 = arith.constant 6 : i32
        %add3A_1276 = arith.addi %add3A_1274, %add3A_1275 : i32
        %get3A_1277 = arith.index_cast %add3A_1276 : i32 to index
        %get3A_1278 = arith.constant 0 : index
        %get3A_1279 = tpu.vector_load %arg11[%get3A_1277, %get3A_1278] {strides = array<i32>} : memref<1664x16xf32, #tpu.memory_space<vmem>>, vector<16xf32>,
        %mul3A_1280 = arith.mulf %get3A_1279, %get3A_1204 : vector<16xf32>
        %add3A_1281 = arith.addf %scan3A_1188, %mul3A_1280 : vector<16xf32>
        %mul3A_1282 = arith.constant 64 : i32
        %mul3A_1283 = arith.muli %add3A_1201, %mul3A_1282 : i32
        %add3A_1284 = arith.constant 48 : i32
        %add3A_1285 = arith.addi %mul3A_1283, %add3A_1284 : i32
        %add3A_1286 = arith.constant 7 : i32
        %add3A_1287 = arith.addi %add3A_1285, %add3A_1286 : i32
        %get3A_1288 = arith.index_cast %add3A_1287 : i32 to index
        %get3A_1289 = arith.constant 0 : index
        %get3A_1290 = tpu.vector_load %arg11[%get3A_1288, %get3A_1289] {strides = array<i32>} : memref<1664x16xf32, #tpu.memory_space<vmem>>, vector<16xf32>,
        %mul3A_1291 = arith.mulf %get3A_1290, %get3A_1204 : vector<16xf32>
        %add3A_1292 = arith.addf %scan3A_1189, %mul3A_1291 : vector<16xf32>
        %mul3A_1293 = arith.constant 64 : i32
        %mul3A_1294 = arith.muli %add3A_1201, %mul3A_1293 : i32
        %add3A_1295 = arith.constant 48 : i32
        %add3A_1296 = arith.addi %mul3A_1294, %add3A_1295 : i32
        %add3A_1297 = arith.constant 8 : i32
        %add3A_1298 = arith.addi %add3A_1296, %add3A_1297 : i32
        %get3A_1299 = arith.index_cast %add3A_1298 : i32 to index
        %get3A_1300 = arith.constant 0 : index
        %get3A_1301 = tpu.vector_load %arg11[%get3A_1299, %get3A_1300] {strides = array<i32>} : memref<1664x16xf32, #tpu.memory_space<vmem>>, vector<16xf32>,
        %mul3A_1302 = arith.mulf %get3A_1301, %get3A_1204 : vector<16xf32>
        %add3A_1303 = arith.addf %scan3A_1190, %mul3A_1302 : vector<16xf32>
        %mul3A_1304 = arith.constant 64 : i32
        %mul3A_1305 = arith.muli %add3A_1201, %mul3A_1304 : i32
        %add3A_1306 = arith.constant 48 : i32
        %add3A_1307 = arith.addi %mul3A_1305, %add3A_1306 : i32
        %add3A_1308 = arith.constant 9 : i32
        %add3A_1309 = arith.addi %add3A_1307, %add3A_1308 : i32
        %get3A_1310 = arith.index_cast %add3A_1309 : i32 to index
        %get3A_1311 = arith.constant 0 : index
        %get3A_1312 = tpu.vector_load %arg11[%get3A_1310, %get3A_1311] {strides = array<i32>} : memref<1664x16xf32, #tpu.memory_space<vmem>>, vector<16xf32>,
        %mul3A_1313 = arith.mulf %get3A_1312, %get3A_1204 : vector<16xf32>
        %add3A_1314 = arith.addf %scan3A_1191, %mul3A_1313 : vector<16xf32>
        %mul3A_1315 = arith.constant 64 : i32
        %mul3A_1316 = arith.muli %add3A_1201, %mul3A_1315 : i32
        %add3A_1317 = arith.constant 48 : i32
        %add3A_1318 = arith.addi %mul3A_1316, %add3A_1317 : i32
        %add3A_1319 = arith.constant 10 : i32
        %add3A_1320 = arith.addi %add3A_1318, %add3A_1319 : i32
        %get3A_1321 = arith.index_cast %add3A_1320 : i32 to index
        %get3A_1322 = arith.constant 0 : index
        %get3A_1323 = tpu.vector_load %arg11[%get3A_1321, %get3A_1322] {strides = array<i32>} : memref<1664x16xf32, #tpu.memory_space<vmem>>, vector<16xf32>,
        %mul3A_1324 = arith.mulf %get3A_1323, %get3A_1204 : vector<16xf32>
        %add3A_1325 = arith.addf %scan3A_1192, %mul3A_1324 : vector<16xf32>
        %mul3A_1326 = arith.constant 64 : i32
        %mul3A_1327 = arith.muli %add3A_1201, %mul3A_1326 : i32
        %add3A_1328 = arith.constant 48 : i32
        %add3A_1329 = arith.addi %mul3A_1327, %add3A_1328 : i32
        %add3A_1330 = arith.constant 11 : i32
        %add3A_1331 = arith.addi %add3A_1329, %add3A_1330 : i32
        %get3A_1332 = arith.index_cast %add3A_1331 : i32 to index
        %get3A_1333 = arith.constant 0 : index
        %get3A_1334 = tpu.vector_load %arg11[%get3A_1332, %get3A_1333] {strides = array<i32>} : memref<1664x16xf32, #tpu.memory_space<vmem>>, vector<16xf32>,
        %mul3A_1335 = arith.mulf %get3A_1334, %get3A_1204 : vector<16xf32>
        %add3A_1336 = arith.addf %scan3A_1193, %mul3A_1335 : vector<16xf32>
        %mul3A_1337 = arith.constant 64 : i32
        %mul3A_1338 = arith.muli %add3A_1201, %mul3A_1337 : i32
        %add3A_1339 = arith.constant 48 : i32
        %add3A_1340 = arith.addi %mul3A_1338, %add3A_1339 : i32
        %add3A_1341 = arith.constant 12 : i32
        %add3A_1342 = arith.addi %add3A_1340, %add3A_1341 : i32
        %get3A_1343 = arith.index_cast %add3A_1342 : i32 to index
        %get3A_1344 = arith.constant 0 : index
        %get3A_1345 = tpu.vector_load %arg11[%get3A_1343, %get3A_1344] {strides = array<i32>} : memref<1664x16xf32, #tpu.memory_space<vmem>>, vector<16xf32>,
        %mul3A_1346 = arith.mulf %get3A_1345, %get3A_1204 : vector<16xf32>
        %add3A_1347 = arith.addf %scan3A_1194, %mul3A_1346 : vector<16xf32>
        %mul3A_1348 = arith.constant 64 : i32
        %mul3A_1349 = arith.muli %add3A_1201, %mul3A_1348 : i32
        %add3A_1350 = arith.constant 48 : i32
        %add3A_1351 = arith.addi %mul3A_1349, %add3A_1350 : i32
        %add3A_1352 = arith.constant 13 : i32
        %add3A_1353 = arith.addi %add3A_1351, %add3A_1352 : i32
        %get3A_1354 = arith.index_cast %add3A_1353 : i32 to index
        %get3A_1355 = arith.constant 0 : index
        %get3A_1356 = tpu.vector_load %arg11[%get3A_1354, %get3A_1355] {strides = array<i32>} : memref<1664x16xf32, #tpu.memory_space<vmem>>, vector<16xf32>,
        %mul3A_1357 = arith.mulf %get3A_1356, %get3A_1204 : vector<16xf32>
        %add3A_1358 = arith.addf %scan3A_1195, %mul3A_1357 : vector<16xf32>
        %mul3A_1359 = arith.constant 64 : i32
        %mul3A_1360 = arith.muli %add3A_1201, %mul3A_1359 : i32
        %add3A_1361 = arith.constant 48 : i32
        %add3A_1362 = arith.addi %mul3A_1360, %add3A_1361 : i32
        %add3A_1363 = arith.constant 14 : i32
        %add3A_1364 = arith.addi %add3A_1362, %add3A_1363 : i32
        %get3A_1365 = arith.index_cast %add3A_1364 : i32 to index
        %get3A_1366 = arith.constant 0 : index
        %get3A_1367 = tpu.vector_load %arg11[%get3A_1365, %get3A_1366] {strides = array<i32>} : memref<1664x16xf32, #tpu.memory_space<vmem>>, vector<16xf32>,
        %mul3A_1368 = arith.mulf %get3A_1367, %get3A_1204 : vector<16xf32>
        %add3A_1369 = arith.addf %scan3A_1196, %mul3A_1368 : vector<16xf32>
        %mul3A_1370 = arith.constant 64 : i32
        %mul3A_1371 = arith.muli %add3A_1201, %mul3A_1370 : i32
        %add3A_1372 = arith.constant 48 : i32
        %add3A_1373 = arith.addi %mul3A_1371, %add3A_1372 : i32
        %add3A_1374 = arith.constant 15 : i32
        %add3A_1375 = arith.addi %add3A_1373, %add3A_1374 : i32
        %get3A_1376 = arith.index_cast %add3A_1375 : i32 to index
        %get3A_1377 = arith.constant 0 : index
        %get3A_1378 = tpu.vector_load %arg11[%get3A_1376, %get3A_1377] {strides = array<i32>} : memref<1664x16xf32, #tpu.memory_space<vmem>>, vector<16xf32>,
        %mul3A_1379 = arith.mulf %get3A_1378, %get3A_1204 : vector<16xf32>
        %add3A_1380 = arith.addf %scan3A_1197, %mul3A_1379 : vector<16xf32>
        %scan3A_1381 = arith.constant 1 : i32
        %scan3A_1382 = arith.addi %scan3A_1181, %scan3A_1381 : i32
        %mul3A_1383 = arith.constant 1 : i32
        %mul3A_1384 = arith.muli %scan3A_1382, %mul3A_1383 : i32
        %add3A_1385 = arith.constant 0 : i32
        %add3A_1386 = arith.addi %add3A_1385, %mul3A_1384 : i32
        %get3A_1387 = arith.index_cast %add3A_1386 : i32 to index
        %get3A_1388 = arith.constant 0 : index
        %get3A_1389 = tpu.vector_load %arg12[%get3A_1387, %get3A_1388] {strides = array<i32>} : memref<26x16xf32, #tpu.memory_space<vmem>>, vector<16xf32>,
        %mul3A_1390 = arith.constant 64 : i32
        %mul3A_1391 = arith.muli %add3A_1386, %mul3A_1390 : i32
        %add3A_1392 = arith.constant 48 : i32
        %add3A_1393 = arith.addi %mul3A_1391, %add3A_1392 : i32
        %add3A_1394 = arith.constant 0 : i32
        %add3A_1395 = arith.addi %add3A_1393, %add3A_1394 : i32
        %get3A_1396 = arith.index_cast %add3A_1395 : i32 to index
        %get3A_1397 = arith.constant 0 : index
        %get3A_1398 = tpu.vector_load %arg11[%get3A_1396, %get3A_1397] {strides = array<i32>} : memref<1664x16xf32, #tpu.memory_space<vmem>>, vector<16xf32>,
        %mul3A_1399 = arith.mulf %get3A_1398, %get3A_1389 : vector<16xf32>
        %add3A_1400 = arith.addf %add3A_1215, %mul3A_1399 : vector<16xf32>
        %mul3A_1401 = arith.constant 64 : i32
        %mul3A_1402 = arith.muli %add3A_1386, %mul3A_1401 : i32
        %add3A_1403 = arith.constant 48 : i32
        %add3A_1404 = arith.addi %mul3A_1402, %add3A_1403 : i32
        %add3A_1405 = arith.constant 1 : i32
        %add3A_1406 = arith.addi %add3A_1404, %add3A_1405 : i32
        %get3A_1407 = arith.index_cast %add3A_1406 : i32 to index
        %get3A_1408 = arith.constant 0 : index
        %get3A_1409 = tpu.vector_load %arg11[%get3A_1407, %get3A_1408] {strides = array<i32>} : memref<1664x16xf32, #tpu.memory_space<vmem>>, vector<16xf32>,
        %mul3A_1410 = arith.mulf %get3A_1409, %get3A_1389 : vector<16xf32>
        %add3A_1411 = arith.addf %add3A_1226, %mul3A_1410 : vector<16xf32>
        %mul3A_1412 = arith.constant 64 : i32
        %mul3A_1413 = arith.muli %add3A_1386, %mul3A_1412 : i32
        %add3A_1414 = arith.constant 48 : i32
        %add3A_1415 = arith.addi %mul3A_1413, %add3A_1414 : i32
        %add3A_1416 = arith.constant 2 : i32
        %add3A_1417 = arith.addi %add3A_1415, %add3A_1416 : i32
        %get3A_1418 = arith.index_cast %add3A_1417 : i32 to index
        %get3A_1419 = arith.constant 0 : index
        %get3A_1420 = tpu.vector_load %arg11[%get3A_1418, %get3A_1419] {strides = array<i32>} : memref<1664x16xf32, #tpu.memory_space<vmem>>, vector<16xf32>,
        %mul3A_1421 = arith.mulf %get3A_1420, %get3A_1389 : vector<16xf32>
        %add3A_1422 = arith.addf %add3A_1237, %mul3A_1421 : vector<16xf32>
        %mul3A_1423 = arith.constant 64 : i32
        %mul3A_1424 = arith.muli %add3A_1386, %mul3A_1423 : i32
        %add3A_1425 = arith.constant 48 : i32
        %add3A_1426 = arith.addi %mul3A_1424, %add3A_1425 : i32
        %add3A_1427 = arith.constant 3 : i32
        %add3A_1428 = arith.addi %add3A_1426, %add3A_1427 : i32
        %get3A_1429 = arith.index_cast %add3A_1428 : i32 to index
        %get3A_1430 = arith.constant 0 : index
        %get3A_1431 = tpu.vector_load %arg11[%get3A_1429, %get3A_1430] {strides = array<i32>} : memref<1664x16xf32, #tpu.memory_space<vmem>>, vector<16xf32>,
        %mul3A_1432 = arith.mulf %get3A_1431, %get3A_1389 : vector<16xf32>
        %add3A_1433 = arith.addf %add3A_1248, %mul3A_1432 : vector<16xf32>
        %mul3A_1434 = arith.constant 64 : i32
        %mul3A_1435 = arith.muli %add3A_1386, %mul3A_1434 : i32
        %add3A_1436 = arith.constant 48 : i32
        %add3A_1437 = arith.addi %mul3A_1435, %add3A_1436 : i32
        %add3A_1438 = arith.constant 4 : i32
        %add3A_1439 = arith.addi %add3A_1437, %add3A_1438 : i32
        %get3A_1440 = arith.index_cast %add3A_1439 : i32 to index
        %get3A_1441 = arith.constant 0 : index
        %get3A_1442 = tpu.vector_load %arg11[%get3A_1440, %get3A_1441] {strides = array<i32>} : memref<1664x16xf32, #tpu.memory_space<vmem>>, vector<16xf32>,
        %mul3A_1443 = arith.mulf %get3A_1442, %get3A_1389 : vector<16xf32>
        %add3A_1444 = arith.addf %add3A_1259, %mul3A_1443 : vector<16xf32>
        %mul3A_1445 = arith.constant 64 : i32
        %mul3A_1446 = arith.muli %add3A_1386, %mul3A_1445 : i32
        %add3A_1447 = arith.constant 48 : i32
        %add3A_1448 = arith.addi %mul3A_1446, %add3A_1447 : i32
        %add3A_1449 = arith.constant 5 : i32
        %add3A_1450 = arith.addi %add3A_1448, %add3A_1449 : i32
        %get3A_1451 = arith.index_cast %add3A_1450 : i32 to index
        %get3A_1452 = arith.constant 0 : index
        %get3A_1453 = tpu.vector_load %arg11[%get3A_1451, %get3A_1452] {strides = array<i32>} : memref<1664x16xf32, #tpu.memory_space<vmem>>, vector<16xf32>,
        %mul3A_1454 = arith.mulf %get3A_1453, %get3A_1389 : vector<16xf32>
        %add3A_1455 = arith.addf %add3A_1270, %mul3A_1454 : vector<16xf32>
        %mul3A_1456 = arith.constant 64 : i32
        %mul3A_1457 = arith.muli %add3A_1386, %mul3A_1456 : i32
        %add3A_1458 = arith.constant 48 : i32
        %add3A_1459 = arith.addi %mul3A_1457, %add3A_1458 : i32
        %add3A_1460 = arith.constant 6 : i32
        %add3A_1461 = arith.addi %add3A_1459, %add3A_1460 : i32
        %get3A_1462 = arith.index_cast %add3A_1461 : i32 to index
        %get3A_1463 = arith.constant 0 : index
        %get3A_1464 = tpu.vector_load %arg11[%get3A_1462, %get3A_1463] {strides = array<i32>} : memref<1664x16xf32, #tpu.memory_space<vmem>>, vector<16xf32>,
        %mul3A_1465 = arith.mulf %get3A_1464, %get3A_1389 : vector<16xf32>
        %add3A_1466 = arith.addf %add3A_1281, %mul3A_1465 : vector<16xf32>
        %mul3A_1467 = arith.constant 64 : i32
        %mul3A_1468 = arith.muli %add3A_1386, %mul3A_1467 : i32
        %add3A_1469 = arith.constant 48 : i32
        %add3A_1470 = arith.addi %mul3A_1468, %add3A_1469 : i32
        %add3A_1471 = arith.constant 7 : i32
        %add3A_1472 = arith.addi %add3A_1470, %add3A_1471 : i32
        %get3A_1473 = arith.index_cast %add3A_1472 : i32 to index
        %get3A_1474 = arith.constant 0 : index
        %get3A_1475 = tpu.vector_load %arg11[%get3A_1473, %get3A_1474] {strides = array<i32>} : memref<1664x16xf32, #tpu.memory_space<vmem>>, vector<16xf32>,
        %mul3A_1476 = arith.mulf %get3A_1475, %get3A_1389 : vector<16xf32>
        %add3A_1477 = arith.addf %add3A_1292, %mul3A_1476 : vector<16xf32>
        %mul3A_1478 = arith.constant 64 : i32
        %mul3A_1479 = arith.muli %add3A_1386, %mul3A_1478 : i32
        %add3A_1480 = arith.constant 48 : i32
        %add3A_1481 = arith.addi %mul3A_1479, %add3A_1480 : i32
        %add3A_1482 = arith.constant 8 : i32
        %add3A_1483 = arith.addi %add3A_1481, %add3A_1482 : i32
        %get3A_1484 = arith.index_cast %add3A_1483 : i32 to index
        %get3A_1485 = arith.constant 0 : index
        %get3A_1486 = tpu.vector_load %arg11[%get3A_1484, %get3A_1485] {strides = array<i32>} : memref<1664x16xf32, #tpu.memory_space<vmem>>, vector<16xf32>,
        %mul3A_1487 = arith.mulf %get3A_1486, %get3A_1389 : vector<16xf32>
        %add3A_1488 = arith.addf %add3A_1303, %mul3A_1487 : vector<16xf32>
        %mul3A_1489 = arith.constant 64 : i32
        %mul3A_1490 = arith.muli %add3A_1386, %mul3A_1489 : i32
        %add3A_1491 = arith.constant 48 : i32
        %add3A_1492 = arith.addi %mul3A_1490, %add3A_1491 : i32
        %add3A_1493 = arith.constant 9 : i32
        %add3A_1494 = arith.addi %add3A_1492, %add3A_1493 : i32
        %get3A_1495 = arith.index_cast %add3A_1494 : i32 to index
        %get3A_1496 = arith.constant 0 : index
        %get3A_1497 = tpu.vector_load %arg11[%get3A_1495, %get3A_1496] {strides = array<i32>} : memref<1664x16xf32, #tpu.memory_space<vmem>>, vector<16xf32>,
        %mul3A_1498 = arith.mulf %get3A_1497, %get3A_1389 : vector<16xf32>
        %add3A_1499 = arith.addf %add3A_1314, %mul3A_1498 : vector<16xf32>
        %mul3A_1500 = arith.constant 64 : i32
        %mul3A_1501 = arith.muli %add3A_1386, %mul3A_1500 : i32
        %add3A_1502 = arith.constant 48 : i32
        %add3A_1503 = arith.addi %mul3A_1501, %add3A_1502 : i32
        %add3A_1504 = arith.constant 10 : i32
        %add3A_1505 = arith.addi %add3A_1503, %add3A_1504 : i32
        %get3A_1506 = arith.index_cast %add3A_1505 : i32 to index
        %get3A_1507 = arith.constant 0 : index
        %get3A_1508 = tpu.vector_load %arg11[%get3A_1506, %get3A_1507] {strides = array<i32>} : memref<1664x16xf32, #tpu.memory_space<vmem>>, vector<16xf32>,
        %mul3A_1509 = arith.mulf %get3A_1508, %get3A_1389 : vector<16xf32>
        %add3A_1510 = arith.addf %add3A_1325, %mul3A_1509 : vector<16xf32>
        %mul3A_1511 = arith.constant 64 : i32
        %mul3A_1512 = arith.muli %add3A_1386, %mul3A_1511 : i32
        %add3A_1513 = arith.constant 48 : i32
        %add3A_1514 = arith.addi %mul3A_1512, %add3A_1513 : i32
        %add3A_1515 = arith.constant 11 : i32
        %add3A_1516 = arith.addi %add3A_1514, %add3A_1515 : i32
        %get3A_1517 = arith.index_cast %add3A_1516 : i32 to index
        %get3A_1518 = arith.constant 0 : index
        %get3A_1519 = tpu.vector_load %arg11[%get3A_1517, %get3A_1518] {strides = array<i32>} : memref<1664x16xf32, #tpu.memory_space<vmem>>, vector<16xf32>,
        %mul3A_1520 = arith.mulf %get3A_1519, %get3A_1389 : vector<16xf32>
        %add3A_1521 = arith.addf %add3A_1336, %mul3A_1520 : vector<16xf32>
        %mul3A_1522 = arith.constant 64 : i32
        %mul3A_1523 = arith.muli %add3A_1386, %mul3A_1522 : i32
        %add3A_1524 = arith.constant 48 : i32
        %add3A_1525 = arith.addi %mul3A_1523, %add3A_1524 : i32
        %add3A_1526 = arith.constant 12 : i32
        %add3A_1527 = arith.addi %add3A_1525, %add3A_1526 : i32
        %get3A_1528 = arith.index_cast %add3A_1527 : i32 to index
        %get3A_1529 = arith.constant 0 : index
        %get3A_1530 = tpu.vector_load %arg11[%get3A_1528, %get3A_1529] {strides = array<i32>} : memref<1664x16xf32, #tpu.memory_space<vmem>>, vector<16xf32>,
        %mul3A_1531 = arith.mulf %get3A_1530, %get3A_1389 : vector<16xf32>
        %add3A_1532 = arith.addf %add3A_1347, %mul3A_1531 : vector<16xf32>
        %mul3A_1533 = arith.constant 64 : i32
        %mul3A_1534 = arith.muli %add3A_1386, %mul3A_1533 : i32
        %add3A_1535 = arith.constant 48 : i32
        %add3A_1536 = arith.addi %mul3A_1534, %add3A_1535 : i32
        %add3A_1537 = arith.constant 13 : i32
        %add3A_1538 = arith.addi %add3A_1536, %add3A_1537 : i32
        %get3A_1539 = arith.index_cast %add3A_1538 : i32 to index
        %get3A_1540 = arith.constant 0 : index
        %get3A_1541 = tpu.vector_load %arg11[%get3A_1539, %get3A_1540] {strides = array<i32>} : memref<1664x16xf32, #tpu.memory_space<vmem>>, vector<16xf32>,
        %mul3A_1542 = arith.mulf %get3A_1541, %get3A_1389 : vector<16xf32>
        %add3A_1543 = arith.addf %add3A_1358, %mul3A_1542 : vector<16xf32>
        %mul3A_1544 = arith.constant 64 : i32
        %mul3A_1545 = arith.muli %add3A_1386, %mul3A_1544 : i32
        %add3A_1546 = arith.constant 48 : i32
        %add3A_1547 = arith.addi %mul3A_1545, %add3A_1546 : i32
        %add3A_1548 = arith.constant 14 : i32
        %add3A_1549 = arith.addi %add3A_1547, %add3A_1548 : i32
        %get3A_1550 = arith.index_cast %add3A_1549 : i32 to index
        %get3A_1551 = arith.constant 0 : index
        %get3A_1552 = tpu.vector_load %arg11[%get3A_1550, %get3A_1551] {strides = array<i32>} : memref<1664x16xf32, #tpu.memory_space<vmem>>, vector<16xf32>,
        %mul3A_1553 = arith.mulf %get3A_1552, %get3A_1389 : vector<16xf32>
        %add3A_1554 = arith.addf %add3A_1369, %mul3A_1553 : vector<16xf32>
        %mul3A_1555 = arith.constant 64 : i32
        %mul3A_1556 = arith.muli %add3A_1386, %mul3A_1555 : i32
        %add3A_1557 = arith.constant 48 : i32
        %add3A_1558 = arith.addi %mul3A_1556, %add3A_1557 : i32
        %add3A_1559 = arith.constant 15 : i32
        %add3A_1560 = arith.addi %add3A_1558, %add3A_1559 : i32
        %get3A_1561 = arith.index_cast %add3A_1560 : i32 to index
        %get3A_1562 = arith.constant 0 : index
        %get3A_1563 = tpu.vector_load %arg11[%get3A_1561, %get3A_1562] {strides = array<i32>} : memref<1664x16xf32, #tpu.memory_space<vmem>>, vector<16xf32>,
        %mul3A_1564 = arith.mulf %get3A_1563, %get3A_1389 : vector<16xf32>
        %add3A_1565 = arith.addf %add3A_1380, %mul3A_1564 : vector<16xf32>
        scf.yield %add3A_1400, %add3A_1411, %add3A_1422, %add3A_1433, %add3A_1444, %add3A_1455, %add3A_1466, %add3A_1477, %add3A_1488, %add3A_1499, %add3A_1510, %add3A_1521, %add3A_1532, %add3A_1543, %add3A_1554, %add3A_1565 : vector<16xf32>, vector<16xf32>, vector<16xf32>, vector<16xf32>, vector<16xf32>, vector<16xf32>, vector<16xf32>, vector<16xf32>, vector<16xf32>, vector<16xf32>, vector<16xf32>, vector<16xf32>, vector<16xf32>, vector<16xf32>, vector<16xf32>, vector<16xf32>
      }
      %scan3A_1045 = arith.constant 26 : i32
      %swap3A_1046 = arith.constant 0 : i32
      %swap3A_1047 = arith.index_cast %swap3A_1046 : i32 to index
      %swap3A_1048 = arith.constant 0 : index
      %swap3A_1049 = tpu.vector_load %arg14[%swap3A_1047, %swap3A_1048] {strides = array<i32>} : memref<16x16xf32, #tpu.memory_space<vmem>>, vector<16xf32>,
      tpu.vector_store %arg14[%swap3A_1047, %swap3A_1048], %scan3A_1044#0 {strides = array<i32>} : memref<16x16xf32, #tpu.memory_space<vmem>>, vector<16xf32>,
      %swap3A_1050 = arith.constant 1 : i32
      %swap3A_1051 = arith.index_cast %swap3A_1050 : i32 to index
      %swap3A_1052 = arith.constant 0 : index
      %swap3A_1053 = tpu.vector_load %arg14[%swap3A_1051, %swap3A_1052] {strides = array<i32>} : memref<16x16xf32, #tpu.memory_space<vmem>>, vector<16xf32>,
      tpu.vector_store %arg14[%swap3A_1051, %swap3A_1052], %scan3A_1044#1 {strides = array<i32>} : memref<16x16xf32, #tpu.memory_space<vmem>>, vector<16xf32>,
      %swap3A_1054 = arith.constant 2 : i32
      %swap3A_1055 = arith.index_cast %swap3A_1054 : i32 to index
      %swap3A_1056 = arith.constant 0 : index
      %swap3A_1057 = tpu.vector_load %arg14[%swap3A_1055, %swap3A_1056] {strides = array<i32>} : memref<16x16xf32, #tpu.memory_space<vmem>>, vector<16xf32>,
      tpu.vector_store %arg14[%swap3A_1055, %swap3A_1056], %scan3A_1044#2 {strides = array<i32>} : memref<16x16xf32, #tpu.memory_space<vmem>>, vector<16xf32>,
      %swap3A_1058 = arith.constant 3 : i32
      %swap3A_1059 = arith.index_cast %swap3A_1058 : i32 to index
      %swap3A_1060 = arith.constant 0 : index
      %swap3A_1061 = tpu.vector_load %arg14[%swap3A_1059, %swap3A_1060] {strides = array<i32>} : memref<16x16xf32, #tpu.memory_space<vmem>>, vector<16xf32>,
      tpu.vector_store %arg14[%swap3A_1059, %swap3A_1060], %scan3A_1044#3 {strides = array<i32>} : memref<16x16xf32, #tpu.memory_space<vmem>>, vector<16xf32>,
      %swap3A_1062 = arith.constant 4 : i32
      %swap3A_1063 = arith.index_cast %swap3A_1062 : i32 to index
      %swap3A_1064 = arith.constant 0 : index
      %swap3A_1065 = tpu.vector_load %arg14[%swap3A_1063, %swap3A_1064] {strides = array<i32>} : memref<16x16xf32, #tpu.memory_space<vmem>>, vector<16xf32>,
      tpu.vector_store %arg14[%swap3A_1063, %swap3A_1064], %scan3A_1044#4 {strides = array<i32>} : memref<16x16xf32, #tpu.memory_space<vmem>>, vector<16xf32>,
      %swap3A_1066 = arith.constant 5 : i32
      %swap3A_1067 = arith.index_cast %swap3A_1066 : i32 to index
      %swap3A_1068 = arith.constant 0 : index
      %swap3A_1069 = tpu.vector_load %arg14[%swap3A_1067, %swap3A_1068] {strides = array<i32>} : memref<16x16xf32, #tpu.memory_space<vmem>>, vector<16xf32>,
      tpu.vector_store %arg14[%swap3A_1067, %swap3A_1068], %scan3A_1044#5 {strides = array<i32>} : memref<16x16xf32, #tpu.memory_space<vmem>>, vector<16xf32>,
      %swap3A_1070 = arith.constant 6 : i32
      %swap3A_1071 = arith.index_cast %swap3A_1070 : i32 to index
      %swap3A_1072 = arith.constant 0 : index
      %swap3A_1073 = tpu.vector_load %arg14[%swap3A_1071, %swap3A_1072] {strides = array<i32>} : memref<16x16xf32, #tpu.memory_space<vmem>>, vector<16xf32>,
      tpu.vector_store %arg14[%swap3A_1071, %swap3A_1072], %scan3A_1044#6 {strides = array<i32>} : memref<16x16xf32, #tpu.memory_space<vmem>>, vector<16xf32>,
      %swap3A_1074 = arith.constant 7 : i32
      %swap3A_1075 = arith.index_cast %swap3A_1074 : i32 to index
      %swap3A_1076 = arith.constant 0 : index
      %swap3A_1077 = tpu.vector_load %arg14[%swap3A_1075, %swap3A_1076] {strides = array<i32>} : memref<16x16xf32, #tpu.memory_space<vmem>>, vector<16xf32>,
      tpu.vector_store %arg14[%swap3A_1075, %swap3A_1076], %scan3A_1044#7 {strides = array<i32>} : memref<16x16xf32, #tpu.memory_space<vmem>>, vector<16xf32>,
      %swap3A_1078 = arith.constant 8 : i32
      %swap3A_1079 = arith.index_cast %swap3A_1078 : i32 to index
      %swap3A_1080 = arith.constant 0 : index
      %swap3A_1081 = tpu.vector_load %arg14[%swap3A_1079, %swap3A_1080] {strides = array<i32>} : memref<16x16xf32, #tpu.memory_space<vmem>>, vector<16xf32>,
      tpu.vector_store %arg14[%swap3A_1079, %swap3A_1080], %scan3A_1044#8 {strides = array<i32>} : memref<16x16xf32, #tpu.memory_space<vmem>>, vector<16xf32>,
      %swap3A_1082 = arith.constant 9 : i32
      %swap3A_1083 = arith.index_cast %swap3A_1082 : i32 to index
      %swap3A_1084 = arith.constant 0 : index
      %swap3A_1085 = tpu.vector_load %arg14[%swap3A_1083, %swap3A_1084] {strides = array<i32>} : memref<16x16xf32, #tpu.memory_space<vmem>>, vector<16xf32>,
      tpu.vector_store %arg14[%swap3A_1083, %swap3A_1084], %scan3A_1044#9 {strides = array<i32>} : memref<16x16xf32, #tpu.memory_space<vmem>>, vector<16xf32>,
      %swap3A_1086 = arith.constant 10 : i32
      %swap3A_1087 = arith.index_cast %swap3A_1086 : i32 to index
      %swap3A_1088 = arith.constant 0 : index
      %swap3A_1089 = tpu.vector_load %arg14[%swap3A_1087, %swap3A_1088] {strides = array<i32>} : memref<16x16xf32, #tpu.memory_space<vmem>>, vector<16xf32>,
      tpu.vector_store %arg14[%swap3A_1087, %swap3A_1088], %scan3A_1044#10 {strides = array<i32>} : memref<16x16xf32, #tpu.memory_space<vmem>>, vector<16xf32>,
      %swap3A_1090 = arith.constant 11 : i32
      %swap3A_1091 = arith.index_cast %swap3A_1090 : i32 to index
      %swap3A_1092 = arith.constant 0 : index
      %swap3A_1093 = tpu.vector_load %arg14[%swap3A_1091, %swap3A_1092] {strides = array<i32>} : memref<16x16xf32, #tpu.memory_space<vmem>>, vector<16xf32>,
      tpu.vector_store %arg14[%swap3A_1091, %swap3A_1092], %scan3A_1044#11 {strides = array<i32>} : memref<16x16xf32, #tpu.memory_space<vmem>>, vector<16xf32>,
      %swap3A_1094 = arith.constant 12 : i32
      %swap3A_1095 = arith.index_cast %swap3A_1094 : i32 to index
      %swap3A_1096 = arith.constant 0 : index
      %swap3A_1097 = tpu.vector_load %arg14[%swap3A_1095, %swap3A_1096] {strides = array<i32>} : memref<16x16xf32, #tpu.memory_space<vmem>>, vector<16xf32>,
      tpu.vector_store %arg14[%swap3A_1095, %swap3A_1096], %scan3A_1044#12 {strides = array<i32>} : memref<16x16xf32, #tpu.memory_space<vmem>>, vector<16xf32>,
      %swap3A_1098 = arith.constant 13 : i32
      %swap3A_1099 = arith.index_cast %swap3A_1098 : i32 to index
      %swap3A_1100 = arith.constant 0 : index
      %swap3A_1101 = tpu.vector_load %arg14[%swap3A_1099, %swap3A_1100] {strides = array<i32>} : memref<16x16xf32, #tpu.memory_space<vmem>>, vector<16xf32>,
      tpu.vector_store %arg14[%swap3A_1099, %swap3A_1100], %scan3A_1044#13 {strides = array<i32>} : memref<16x16xf32, #tpu.memory_space<vmem>>, vector<16xf32>,
      %swap3A_1102 = arith.constant 14 : i32
      %swap3A_1103 = arith.index_cast %swap3A_1102 : i32 to index
      %swap3A_1104 = arith.constant 0 : index
      %swap3A_1105 = tpu.vector_load %arg14[%swap3A_1103, %swap3A_1104] {strides = array<i32>} : memref<16x16xf32, #tpu.memory_space<vmem>>, vector<16xf32>,
      tpu.vector_store %arg14[%swap3A_1103, %swap3A_1104], %scan3A_1044#14 {strides = array<i32>} : memref<16x16xf32, #tpu.memory_space<vmem>>, vector<16xf32>,
      %swap3A_1106 = arith.constant 15 : i32
      %swap3A_1107 = arith.index_cast %swap3A_1106 : i32 to index
      %swap3A_1108 = arith.constant 0 : index
      %swap3A_1109 = tpu.vector_load %arg14[%swap3A_1107, %swap3A_1108] {strides = array<i32>} : memref<16x16xf32, #tpu.memory_space<vmem>>, vector<16xf32>,
      tpu.vector_store %arg14[%swap3A_1107, %swap3A_1108], %scan3A_1044#15 {strides = array<i32>} : memref<16x16xf32, #tpu.memory_space<vmem>>, vector<16xf32>,
      %iota3A_1110 = tpu.iota {dimensions = array<i32: 0>} : vector<16xi32>
      %broadcast_in_dim3A_1111 = arith.constant 0 : i32
      %broadcast_in_dim3A_1112 = vector.broadcast %broadcast_in_dim3A_1111 : i32 to vector<16xi32>
      %gather3A_1113 = tpu.vector_load_idx %arg14[%iota3A_1110, %broadcast_in_dim3A_1112] : memref<16x16xf32, #tpu.memory_space<vmem>>[vector<16xi32>, vector<16xi32>], vector<16xf32>,
      %broadcast_in_dim3A_1114 = arith.constant 1 : i32
      %broadcast_in_dim3A_1115 = vector.broadcast %broadcast_in_dim3A_1114 : i32 to vector<16xi32>
      %gather3A_1116 = tpu.vector_load_idx %arg14[%iota3A_1110, %broadcast_in_dim3A_1115] : memref<16x16xf32, #tpu.memory_space<vmem>>[vector<16xi32>, vector<16xi32>], vector<16xf32>,
      %add3A_1117 = arith.addf %gather3A_1113, %gather3A_1116 : vector<16xf32>
      %broadcast_in_dim3A_1118 = arith.constant 2 : i32
      %broadcast_in_dim3A_1119 = vector.broadcast %broadcast_in_dim3A_1118 : i32 to vector<16xi32>
      %gather3A_1120 = tpu.vector_load_idx %arg14[%iota3A_1110, %broadcast_in_dim3A_1119] : memref<16x16xf32, #tpu.memory_space<vmem>>[vector<16xi32>, vector<16xi32>], vector<16xf32>,
      %add3A_1121 = arith.addf %add3A_1117, %gather3A_1120 : vector<16xf32>
      %broadcast_in_dim3A_1122 = arith.constant 3 : i32
      %broadcast_in_dim3A_1123 = vector.broadcast %broadcast_in_dim3A_1122 : i32 to vector<16xi32>
      %gather3A_1124 = tpu.vector_load_idx %arg14[%iota3A_1110, %broadcast_in_dim3A_1123] : memref<16x16xf32, #tpu.memory_space<vmem>>[vector<16xi32>, vector<16xi32>], vector<16xf32>,
      %add3A_1125 = arith.addf %add3A_1121, %gather3A_1124 : vector<16xf32>
      %broadcast_in_dim3A_1126 = arith.constant 4 : i32
      %broadcast_in_dim3A_1127 = vector.broadcast %broadcast_in_dim3A_1126 : i32 to vector<16xi32>
      %gather3A_1128 = tpu.vector_load_idx %arg14[%iota3A_1110, %broadcast_in_dim3A_1127] : memref<16x16xf32, #tpu.memory_space<vmem>>[vector<16xi32>, vector<16xi32>], vector<16xf32>,
      %broadcast_in_dim3A_1129 = arith.constant 5 : i32
      %broadcast_in_dim3A_1130 = vector.broadcast %broadcast_in_dim3A_1129 : i32 to vector<16xi32>
      %gather3A_1131 = tpu.vector_load_idx %arg14[%iota3A_1110, %broadcast_in_dim3A_1130] : memref<16x16xf32, #tpu.memory_space<vmem>>[vector<16xi32>, vector<16xi32>], vector<16xf32>,
      %add3A_1132 = arith.addf %gather3A_1128, %gather3A_1131 : vector<16xf32>
      %broadcast_in_dim3A_1133 = arith.constant 6 : i32
      %broadcast_in_dim3A_1134 = vector.broadcast %broadcast_in_dim3A_1133 : i32 to vector<16xi32>
      %gather3A_1135 = tpu.vector_load_idx %arg14[%iota3A_1110, %broadcast_in_dim3A_1134] : memref<16x16xf32, #tpu.memory_space<vmem>>[vector<16xi32>, vector<16xi32>], vector<16xf32>,
      %add3A_1136 = arith.addf %add3A_1132, %gather3A_1135 : vector<16xf32>
      %broadcast_in_dim3A_1137 = arith.constant 7 : i32
      %broadcast_in_dim3A_1138 = vector.broadcast %broadcast_in_dim3A_1137 : i32 to vector<16xi32>
      %gather3A_1139 = tpu.vector_load_idx %arg14[%iota3A_1110, %broadcast_in_dim3A_1138] : memref<16x16xf32, #tpu.memory_space<vmem>>[vector<16xi32>, vector<16xi32>], vector<16xf32>,
      %add3A_1140 = arith.addf %add3A_1136, %gather3A_1139 : vector<16xf32>
      %broadcast_in_dim3A_1141 = arith.constant 8 : i32
      %broadcast_in_dim3A_1142 = vector.broadcast %broadcast_in_dim3A_1141 : i32 to vector<16xi32>
      %gather3A_1143 = tpu.vector_load_idx %arg14[%iota3A_1110, %broadcast_in_dim3A_1142] : memref<16x16xf32, #tpu.memory_space<vmem>>[vector<16xi32>, vector<16xi32>], vector<16xf32>,
      %broadcast_in_dim3A_1144 = arith.constant 9 : i32
      %broadcast_in_dim3A_1145 = vector.broadcast %broadcast_in_dim3A_1144 : i32 to vector<16xi32>
      %gather3A_1146 = tpu.vector_load_idx %arg14[%iota3A_1110, %broadcast_in_dim3A_1145] : memref<16x16xf32, #tpu.memory_space<vmem>>[vector<16xi32>, vector<16xi32>], vector<16xf32>,
      %add3A_1147 = arith.addf %gather3A_1143, %gather3A_1146 : vector<16xf32>
      %broadcast_in_dim3A_1148 = arith.constant 10 : i32
      %broadcast_in_dim3A_1149 = vector.broadcast %broadcast_in_dim3A_1148 : i32 to vector<16xi32>
      %gather3A_1150 = tpu.vector_load_idx %arg14[%iota3A_1110, %broadcast_in_dim3A_1149] : memref<16x16xf32, #tpu.memory_space<vmem>>[vector<16xi32>, vector<16xi32>], vector<16xf32>,
      %add3A_1151 = arith.addf %add3A_1147, %gather3A_1150 : vector<16xf32>
      %broadcast_in_dim3A_1152 = arith.constant 11 : i32
      %broadcast_in_dim3A_1153 = vector.broadcast %broadcast_in_dim3A_1152 : i32 to vector<16xi32>
      %gather3A_1154 = tpu.vector_load_idx %arg14[%iota3A_1110, %broadcast_in_dim3A_1153] : memref<16x16xf32, #tpu.memory_space<vmem>>[vector<16xi32>, vector<16xi32>], vector<16xf32>,
      %add3A_1155 = arith.addf %add3A_1151, %gather3A_1154 : vector<16xf32>
      %broadcast_in_dim3A_1156 = arith.constant 12 : i32
      %broadcast_in_dim3A_1157 = vector.broadcast %broadcast_in_dim3A_1156 : i32 to vector<16xi32>
      %gather3A_1158 = tpu.vector_load_idx %arg14[%iota3A_1110, %broadcast_in_dim3A_1157] : memref<16x16xf32, #tpu.memory_space<vmem>>[vector<16xi32>, vector<16xi32>], vector<16xf32>,
      %broadcast_in_dim3A_1159 = arith.constant 13 : i32
      %broadcast_in_dim3A_1160 = vector.broadcast %broadcast_in_dim3A_1159 : i32 to vector<16xi32>
      %gather3A_1161 = tpu.vector_load_idx %arg14[%iota3A_1110, %broadcast_in_dim3A_1160] : memref<16x16xf32, #tpu.memory_space<vmem>>[vector<16xi32>, vector<16xi32>], vector<16xf32>,
      %add3A_1162 = arith.addf %gather3A_1158, %gather3A_1161 : vector<16xf32>
      %broadcast_in_dim3A_1163 = arith.constant 14 : i32
      %broadcast_in_dim3A_1164 = vector.broadcast %broadcast_in_dim3A_1163 : i32 to vector<16xi32>
      %gather3A_1165 = tpu.vector_load_idx %arg14[%iota3A_1110, %broadcast_in_dim3A_1164] : memref<16x16xf32, #tpu.memory_space<vmem>>[vector<16xi32>, vector<16xi32>], vector<16xf32>,
      %add3A_1166 = arith.addf %add3A_1162, %gather3A_1165 : vector<16xf32>
      %broadcast_in_dim3A_1167 = arith.constant 15 : i32
      %broadcast_in_dim3A_1168 = vector.broadcast %broadcast_in_dim3A_1167 : i32 to vector<16xi32>
      %gather3A_1169 = tpu.vector_load_idx %arg14[%iota3A_1110, %broadcast_in_dim3A_1168] : memref<16x16xf32, #tpu.memory_space<vmem>>[vector<16xi32>, vector<16xi32>], vector<16xf32>,
      %add3A_1170 = arith.addf %add3A_1166, %gather3A_1169 : vector<16xf32>
      %add3A_1171 = arith.addf %add3A_1125, %add3A_1140 : vector<16xf32>
      %add3A_1172 = arith.addf %add3A_1155, %add3A_1170 : vector<16xf32>
      %add3A_1173 = arith.addf %add3A_1171, %add3A_1172 : vector<16xf32>
      %add3A_1174 = arith.addf %add3A_1173, %get3A_3 : vector<16xf32>
      %mul3A_1175 = arith.constant 64 : i32
      %mul3A_1176 = arith.muli %add3A_608, %mul3A_1175 : i32
      %add3A_1177 = arith.constant 48 : i32
      %add3A_1178 = arith.addi %mul3A_1176, %add3A_1177 : i32
      %swap3A_1179 = arith.index_cast %add3A_1178 : i32 to index
      %swap3A_1180 = tpu.vector_load %arg15[%swap3A_1179] {strides = array<i32>} : memref<512xf32, #tpu.memory_space<vmem>>, vector<16xf32>,
      tpu.vector_store %arg15[%swap3A_1179], %add3A_1174 {strides = array<i32>} : memref<512xf32, #tpu.memory_space<vmem>>, vector<16xf32>,
    }
    %scan3A_14 = arith.constant 4 : i32
    "tpu.region"() ({
      %run_scoped3A = tpu.sem_alloc : memref<!tpu.dma_semaphore, #tpu.memory_space<semaphore_mem>>
      %dma_start3A_15 = tpu.memref_slice %arg6[%mul3A_2] : memref<16384xf32, #tpu.memory_space<hbm>> -> memref<512xf32, #tpu.memory_space<hbm>>
      %dma_start3A_16 = tpu.memref_slice %arg6[%mul3A_2] : memref<16384xf32, #tpu.memory_space<hbm>> -> memref<512xf32, #tpu.memory_space<hbm>>
      tpu.enqueue_dma source(%arg15 : memref<512xf32, #tpu.memory_space<vmem>>) target(%dma_start3A_16 : memref<512xf32, #tpu.memory_space<hbm>>) target_semaphore(%run_scoped3A : memref<!tpu.dma_semaphore, #tpu.memory_space<semaphore_mem>>)
      %dma_wait3A = tpu.memref_slice %arg6[%mul3A_2] : memref<16384xf32, #tpu.memory_space<hbm>> -> memref<512xf32, #tpu.memory_space<hbm>>
      %dma_wait3A_17 = tpu.memref_slice %arg6[%mul3A_2] : memref<16384xf32, #tpu.memory_space<hbm>> -> memref<512xf32, #tpu.memory_space<hbm>>
      tpu.wait_dma2 semaphore(%run_scoped3A : memref<!tpu.dma_semaphore, #tpu.memory_space<semaphore_mem>>) src(%arg15 : memref<512xf32, #tpu.memory_space<vmem>>) dst(%dma_wait3A_17 : memref<512xf32, #tpu.memory_space<hbm>>)
      tpu.yield
    }) : () -> ()
    return
  }
}

</mosaic_0001>

<sc_bundles>
// kernel: _run.3.cloned.1.call-start
scs
__scs_entry_jumppad:
0x0: {  	(pc) =	sbr.rel $0x88, $3  }
0x1: {  	(tag) =	ssettag $0x0;
	lr =	simm.s32 $0x1  }
0x2: {  	[smem:$0x3F9D] =	sst lr;
	_ =	strace $0xD0000000  }
0x3: {  	_ = 	snop  }
0x4: {  	_ = 	snop  }
0x5: {  	_ = 	snop  }
0x6: {  	_ = 	snop  }
0x7: {  	_ = 	snop  }
__scs_overlays_trampoline_lowered:
0x8: {  	[smem:$0x3FAC] =	sst s0  }
0x9: {  	[smem:$0x3FAD] =	sst s1  }
0xa: {  	[smem:$0x3FAE] =	sst s2  }
0xb: {  	[smem:$0x3FAF] =	sst s3  }
0xc: {  	[smem:$0x3FB0] =	sst s4  }
0xd: {  	[smem:$0x3FB1] =	sst s5  }
0xe: {  	[smem:$0x3FB2] =	sst s6  }
0xf: {  	[smem:$0x3FB3] =	sst s7  }
0x10: {  	[smem:$0x3FB4] =	sst s8  }
0x11: {  	[smem:$0x3FB5] =	sst s9;
	s0 =	simm.s32 @!p0 $0x0  }
0x12: {  	s1 =	sld [smem:$0x3F9B];
	s0 =	simm.s32 @p0 $0x1  }
0x13: {  	[smem:$0x3FB6] =	sst s0;
	s0 =	simm.s32 @!p1 $0x0  }
0x14: {  	s2 =	sld [smem:$0x3F9A];
	s0 =	simm.s32 @p1 $0x1  }
0x15: {  	[smem:$0x3FB7] =	sst s0;
	s0 =	simm.s32 @!p2 $0x0  }
0x16: {  	s3 =	sld [smem:$0x3FDB];
	s0 =	simm.s32 @p2 $0x1  }
0x17: {  	s4 =	simm.s32 $0x1BF5;
	[smem:$0x3FB9] =	sst s0  }
0x18: {  	s0 =	sld [smem:$0x3F9C];
	_ =	swait.ge [sflag:s4], $0x0  }
0x19: {  	s7 =	sld [smem:$0x3F9D]  }
0x1a: {  	s8 =	sadd.s32 $0xFFFFE003, lr  }
0x1b: {  	s9 =	sadd.s32 $0xFFFFFEF7, lr;
	s5 =	simm.s32 $0xFFFFFFFF;
	p2 =	slt.u32 s8, $0xFFFFF086  }
0x1c: {  	p1 =	slt.u32 s9, $0xF7A;
	s5 =	simm.s32 @!p2 $0x0  }
0x1d: {  	s5 =	simm.s32 @p1 $0x1;
	p0 =	seq.s32 s7, s2  }
0x1e: {  	s7 =	smul.u32 @!p0 $0xF7A, s2;
	p2 =	seq.s32 @!p0 s5, $0x0  }
0x1f: {  	s9 =	smul.u32 $0xF7A, s1;
	s8 =	simm.s32 @!p0 $0x1BF5;
	p2 =	por !p2, p0  }
0x20: {  	[sflag:s8] =	ssyncset.s32 @!p0 $0xFFFFF086;
	s6 =	sadd.s32 @!p0 s3, s7;
	s7 =	simm.s32 @!p0 $0x108  }
0x21: {  	s3 =	sadd.s32 s3, s9;
	s6 =	sadd.s32 @!p0 $0x88, s6;
	s7 =	simm.s32 @p2 $0x1082  }
0x22: {  	[simem:s7], [sflag:s8] =	dma.local @!p0 [hbm:s6], $0xF7A  }
0x23: {  	s9 =	sor.u32 $0xD0000000, s2;
	s6 =	simm.s32 $0x108;
	_ =	swait.ge @!p0 [sflag:s8], $0x0  }
0x24: {  	s3 =	sadd.s32 $0x88, s3;
	s6 =	simm.s32 @!p1 $0x1082;
	[sflag:s4] =	ssyncset.s32 $0xFFFFF086  }
0x25: {  	[simem:s6], [sflag:s4] =	dma.local [hbm:s3], $0xF7A  }
0x26: {  	[smem:$0x3F9D] =	sst s1;
	(tag) =	ssettag s2;
	_ =	strace s9  }
0x27: {  	s1 =	sld [smem:$0x3FAD]  }
0x28: {  	s2 =	sld [smem:$0x3FAE]  }
0x29: {  	s4 =	sld [smem:$0x3FB0]  }
0x2a: {  	p0 =	seq.s32 s5, $0x0;
	s5 =	sld [smem:$0x3FB1]  }
0x2b: {  	s6 =	sld [smem:$0x3FB2]  }
0x2c: {  	s7 =	sld [smem:$0x3FB3]  }
0x2d: {  	s3 =	simm.s32 $0x108;
	s8 =	sld [smem:$0x3FB4]  }
0x2e: {  	s3 =	simm.s32 @!p0 $0x1082;
	s9 =	sld [smem:$0x3FB5]  }
0x2f: {  	lr =	sadd.s32 s0, s3;
	s0 =	sld [smem:$0x3FAC]  }
0x30: {  	s3 =	sld [smem:$0x3FAF]  }
0x31: {  	[smem:$0x3FB8] =	sst s10  }
0x32: {  	s10 =	sld [smem:$0x3FB6];
	_ =	sdelay $0x3  }
0x33: {  	p0 =	seq.s32 s10, $0x1;
	s10 =	sld [smem:$0x3FB8];
	_ =	sdelay $0x3  }
0x34: {  	[smem:$0x3FB8] =	sst s10  }
0x35: {  	s10 =	sld [smem:$0x3FB7];
	_ =	sdelay $0x3  }
0x36: {  	p1 =	seq.s32 s10, $0x1;
	s10 =	sld [smem:$0x3FB8];
	_ =	sdelay $0x3  }
0x37: {  	[smem:$0x3FB8] =	sst s10  }
0x38: {  	s10 =	sld [smem:$0x3FB9]  }
0x39: {  	_ = 	snop;
	(pc) =	sbr.ind lr, $3  }
0x3a: {  	_ = 	snop  }
0x3b: {  	_ = 	snop  }
0x3c: {  	p2 =	seq.s32 s10, $0x1;
	s10 =	sld [smem:$0x3FB8]  }
0x3d: {  	_ =	shalt  }
0x3e: {  	_ =	shalt  }
0x3f: {  	_ =	shalt  }
0x40: {  	_ =	shalt  }
0x41: {  	_ =	shalt  }
0x42: {  	_ =	shalt  }
0x43: {  	_ =	shalt  }
0x44: {  	_ =	shalt  }
0x45: {  	_ =	shalt  }
0x46: {  	_ =	shalt  }
0x47: {  	_ =	shalt  }
0x48: {  	_ =	shalt  }
0x49: {  	_ =	shalt  }
0x4a: {  	_ =	shalt  }
0x4b: {  	_ =	shalt  }
0x4c: {  	_ =	shalt  }
0x4d: {  	_ =	shalt  }
0x4e: {  	_ =	shalt  }
0x4f: {  	_ =	shalt  }
0x50: {  	_ =	shalt  }
0x51: {  	_ =	shalt  }
0x52: {  	_ =	shalt  }
0x53: {  	_ =	shalt  }
0x54: {  	_ =	shalt  }
0x55: {  	_ =	shalt  }
0x56: {  	_ =	shalt  }
0x57: {  	_ =	shalt  }
0x58: {  	_ =	shalt  }
0x59: {  	_ =	shalt  }
0x5a: {  	_ =	shalt  }
0x5b: {  	_ =	shalt  }
0x5c: {  	_ =	shalt  }
0x5d: {  	_ =	shalt  }
0x5e: {  	_ =	shalt  }
0x5f: {  	_ =	shalt  }
0x60: {  	_ =	shalt  }
0x61: {  	_ =	shalt  }
0x62: {  	_ =	shalt  }
0x63: {  	_ =	shalt  }
0x64: {  	_ =	shalt  }
0x65: {  	_ =	shalt  }
0x66: {  	_ =	shalt  }
0x67: {  	_ =	shalt  }
0x68: {  	_ =	shalt  }
0x69: {  	_ =	shalt  }
0x6a: {  	_ =	shalt  }
0x6b: {  	_ =	shalt  }
0x6c: {  	_ =	shalt  }
0x6d: {  	_ =	shalt  }
0x6e: {  	_ =	shalt  }
0x6f: {  	_ =	shalt  }
0x70: {  	_ =	shalt  }
0x71: {  	_ =	shalt  }
0x72: {  	_ =	shalt  }
0x73: {  	_ =	shalt  }
0x74: {  	_ =	shalt  }
0x75: {  	_ =	shalt  }
0x76: {  	_ =	shalt  }
0x77: {  	_ =	shalt  }
0x78: {  	_ =	shalt  }
0x79: {  	_ =	shalt  }
0x7a: {  	_ =	shalt  }
0x7b: {  	_ =	shalt  }
0x7c: {  	_ =	shalt  }
0x7d: {  	_ =	shalt  }
0x7e: {  	_ =	shalt  }
0x7f: {  	_ =	shalt  }
0x80: {  	_ =	shalt  }
0x81: {  	_ =	shalt  }
0x82: {  	_ =	shalt  }
0x83: {  	_ =	shalt  }
0x84: {  	_ =	shalt  }
0x85: {  	_ =	shalt  }
0x86: {  	_ =	shalt  }
0x87: {  	_ =	shalt  }
.Lfunc_end0:
.L_simem_size_0:
called_computation_lowered:
.L_overlay_start_0:
0x88: {  	s2 =	sld [smem:$0x3FD9]  }
0x89: {  	s3 =	sld [smem:$0x3FFE];
	_ =	sdelay $0x1  }
0x8a: {  	s1 =	srdreg.scid  }
0x8b: {  	s0 =	sand.u32 $0x1, s1  }
0x8c: {  	s17 =	sshll.u32 s0, $0xA;
	s2 =	sadd.s32 s3, s2  }
0x8d: {  	s2 =	sadd.s32 s2, s17  }
0x8e: {  	[smem:$0x3FC4] =	sst s2  }
0x8f: {  	_ = 	snop  }
0x90: {  	s2 =	sld [smem:$0x3FC6]  }
0x91: {  	s18 =	sld [smem:$0x3FD0];
	(tm) =	ssettm $0x1  }
0x92: {  	s4 =	sld [smem:$0x3FFB];
	_ =	sdelay $0x3  }
0x93: {  	_ =	strace s4  }
0x94: {  	s4 =	sld [smem:$0x3FFC];
	_ =	sdelay $0x3  }
0x95: {  	_ =	strace s4  }
0x96: {  	s4 =	sld [smem:$0x3FFD];
	_ =	sdelay $0x3  }
0x97: {  	_ =	strace s4  }
0x98: {  	_ =	strace $0x8FFFFFFF  }
0x99: {  	s19 =	sld [smem:$0x3FDB];
	_ =	sdelay $0x1  }
0x9a: {  	s5 =	simm.s32 $_scs_section_size  }
0x9b: {  	s6 =	simm.s32 $_size__tile_overlayer_lowered;
	s7 =	simm.s32 $_tile_overlayer_lowered  }
0x9c: {  	s22 =	simm.s32 $0x1BFF;
	s21 =	sshll.u32 s7, $0x1;
	s4 =	sadd.s32 s5, s19  }
0x9d: {  	s8 =	simm.s32 $0x0;
	s20 =	sshll.u32 s6, $0x1;
	s6 =	sadd.s32 s21, s4  }
0x9e: {  	[timem:s8], [sflag:s22] =	dma.local [hbm:s6], s20  }
0x9f: {  	_ =	swait.ge [sflag:s22], s20  }
0xa0: {  	s5 =	ssub.s32 $0x0, s20;
	[sflag:s22] =	ssyncset.done $0x0  }
0xa1: {  	[sflag:s22] =	ssyncadd.s32 s5;
	_ =	sdelay $0x1  }
0xa2: {  	s23 =	simm.s32 $0x1B8B  }
0xa3: {  	_ =	swait.ge [sflag:s23], $0x1  }
0xa4: {  	[sflag:s23] =	ssyncset.done $0x0  }
0xa5: {  	s25 =	simm.s32 $0x1B8E;
	s24 =	sld [smem:$0x3FFE];
	[sflag:s23] =	ssyncadd.s32 $0xFFFFFFFF  }
0xa6: {  	s26 =	simm.s32 $execute0_lowered;
	[smem:$0x3FD2] =	sst s25  }
0xa7: {  	s6 =	sshll.u32 s26, $0x1;
	_ =	strace $0x80000046;
	[dreg:$0x1] =	wrdreg $0xFFFFFFFF  }
0xa8: {  	s28 =	simm.s32 $_size_execute0_lowered;
	s4 =	sadd.s32 s4, s6;
	[dreg:$0x0] =	wrdreg $0x0  }
0xa9: {  	s6 =	sshll.u32 s28, $0x1;
	[dreg:$0x2] =	wrdreg s4  }
0xaa: {  	[dreg:$0x3] =	wrdreg s6  }
0xab: {  	[dreg:$0x4] =	wrdreg $0xC0  }
0xac: {  	_ =	task [dreg:s8], $0x5FFFF  }
0xad: {  	[dreg:$0x1] =	wrdreg $0xFFFFFFFF  }
0xae: {  	[dreg:$0x0] =	wrdreg $0x60  }
0xaf: {  	[dreg:$0x2] =	wrdreg s24  }
0xb0: {  	[dreg:$0x3] =	wrdreg s2  }
0xb1: {  	[dreg:$0x4] =	wrdreg s18  }
0xb2: {  	[dreg:$0x5] =	wrdreg $0x9  }
0xb3: {  	_ =	task.clear_ibuf [dreg:s8], $0x6FFFF;
	_ =	strace $0x90000046  }
0xb4: {  	s29 =	simm.s32 $0x9;
	_ =	strace $0x80000048  }
0xb5: {  	_ =	swait.ge [sflag:s29], $0x1  }
0xb6: {  	[sflag:s29] =	ssyncadd.s32 $0xFFFFFFFF  }
0xb7: {  	_ =	strace $0x90000048  }
0xb8: {  	_ =	sfence  }
0xb9: {  	s30 =	sld [smem:$0x0];
	_ =	sdelay $0x2  }
0xba: {  	s31 =	sshll.u32 s1, $0xD;
	s1 =	sshrl.u32 s1, $0x2  }
0xbb: {  	s3 =	sand.u32 $0x4000, s31;
	s1 =	sadd.s32 s1, s30  }
0xbc: {  	s0 =	sor.u32 s3, s0;
	s1 =	sshll.u32 s1, $0x11  }
0xbd: {  	s0 =	sor.u32 s1, s0  }
0xbe: {  	s0 =	sadd.s32 $0x8F2B, s0  }
0xbf: {  	[sflag:s0] =	ssyncadd.remote.s32 $0x1  }
0xc0: {  	_ =	sfence.sel $0xFFFF  }
0xc1: {  	[dreg:$0x0] =	wrdreg $0xFFFFFFFF;
	(pc) =	sbr.abs _section_cstart, $3  }
0xc2: {  	[dreg:$0x1] =	wrdreg $0xFFFFFFFF  }
0xc3: {  	_ =	task.clear_ibuf [dreg:s8], $0x2FFFF;
	_ =	strace $0x9FFFFFFF  }
0xc4: {  	(tm) =	ssettm $0x7FFFFFFF  }
0xc5: {  	_ =	shalt  }
tec
execute0_lowered:
.L_overlay_start_1:
0x0: {  	(tag) =	ssettag $0x1  }
0x1: {  	s5 =	rddreg [dreg:$0x0]  }
0x2: {  	s1 =	srdreg.scid;
	s2 =	rddreg [dreg:$0x1]  }
0x3: {  	s0 =	stileid.u32;
	s7 =	rddreg [dreg:$0x2];
	s3 =	simm.s32 $0x0  }
0x4: {  	s11 =	simm.s32 $0x112A0;
	s12 =	simm.s32 $0x680;
	s13 =	simm.s32 $0x3400  }
0x5: {  	s14 =	simm.s32 $0x4100;
	s15 =	simm.s32 $0x1;
	s16 =	simm.s32 $0x3A80  }
0x6: {  	v0 =	vlaneseq.u32;
	s17 =	simm.s32 $0xA900;
	s18 =	simm.s32 $0x112B0;
	s19 =	simm.s32 $0x2  }
0x7: {  	s20 =	simm.s32 $0x113B0;
	s4 =	sand.u32 $0x1, s1;
	s1 =	rddreg [dreg:$0x3];
	v0 =	vmul.u32 $0x10, v0  }
0x8: {  	s21 =	simm.s32 $0x0;
	s31 =	sshll.u32 s0, $0x1;
	[smem:$0x7FF] =	sst s3  }
0x9: {  	s8 =	sor.u32 s4, s31;
	_ =	strace $0x80000047;
	s9 =	ssub.s32 $0x2, s4;
	v1 =	vor.u32 $0x1, v0;
	v2 =	vor.u32 $0x2, v0;
	v3 =	vor.u32 $0x3, v0  }
0xa: {  	s6 =	smul.u32 $0x680, s8;
	s10 =	sshrl.u32 s9, $0x1;
	s8 =	sshll.u32 s8, $0x6;
	v4 =	vor.u32 $0x4, v0;
	v5 =	vor.u32 $0x5, v0;
	v6 =	vor.u32 $0x6, v0  }
0xb: {  	s4 =	sadd.s32 $0x27ACC00, s5;
	v7 =	vor.u32 $0x7, v0;
	v8 =	vor.u32 $0x8, v0;
	v9 =	vor.u32 $0x9, v0;
	s9 =	ssub.s32 s9, s10;
	s7 =	sadd.s32 s7, s8  }
0xc: {  	v10 =	vor.u32 $0xA, v0;
	v11 =	vor.u32 $0xB, v0;
	v12 =	vor.u32 $0xC, v0;
	s10 =	simm.s32 $0x11100;
	s6 =	sadd.s32 s6, s5;
	s5 =	sadd.s32 $0xD800, s5  }
0xd: {  	v13 =	vor.u32 $0xD, v0;
	v14 =	vor.u32 $0xE, v0;
	v15 =	vor.u32 $0xF, v0;
	s8 =	smax.u32 s9, $0x1;
	s9 =	simm.s32 $0x3;
	s6 =	sadd.s32 $0x800, s6  }
.LBB2_1:
0xe: {  	[tilespmem:s3], [sflag:$0x3] =	stream.linear.gather [hbm4b:s6+s3], $0x3400, $0x38;
	[tilespmem:$0x115B0] =	vst v63  }
0xf: {  	_ =	swait.ge [sflag:s9], $0x3400  }
0x10: {  	[sflag:s9] =	ssyncset.done $0x0  }
0x11: {  	[sflag:s9] =	ssyncadd.s32 $0xFFFFCC00  }
0x12: {  	[tilespmem:s10], [sflag:$0x3] =	stream.linear.gather [hbm4b:s5+s3], $0x1A0, $0x38;
	[tilespmem:$0x115B0] =	vst v63  }
0x13: {  	_ =	swait.ge [sflag:s9], $0x1A0  }
0x14: {  	[sflag:s9] =	ssyncset.done $0x0  }
0x15: {  	[sflag:s9] =	ssyncadd.s32 $0xFFFFFE60  }
0x16: {  	[tilespmem:s11], [sflag:$0x3] =	stream.linear.gather [hbm4b:s2+s3], $0x10, $0x38;
	[tilespmem:$0x115B0] =	vst v63  }
0x17: {  	_ =	swait.ge [sflag:s9], $0x10  }
0x18: {  	[sflag:s9] =	ssyncset.done $0x0  }
0x19: {  	s23 =	simm.s32 $0x20;
	[sflag:s9] =	ssyncadd.s32 $0xFFFFFFF0  }
0x1a: {  	v17 =	vld [tilespmem:s23+$0xFFFFFFE0];
	_ =	sdelay $0x4  }
0x1b: {  	s22 =	simm.s32 $0x3420;
	v17 =	vadd.s32 s3, v17  }
0x1c: {  	v16 =	vld [tilespmem:$0x112A0];
	[tilespmem:s22+$0xFFFFFFE0] =	vst v17  }
0x1d: {  	v17 =	vld [tilespmem:s23+$0xFFFFFFF0];
	_ =	sdelay $0x4  }
0x1e: {  	v17 =	vadd.s32 s3, v17  }
0x1f: {  	[tilespmem:s22+$0xFFFFFFF0] =	vst v17  }
0x20: {  	v17 =	vld [tilespmem:s23+$0x0];
	_ =	sdelay $0x4  }
0x21: {  	v17 =	vadd.s32 s3, v17  }
0x22: {  	[tilespmem:s22+$0x0] =	vst v17  }
0x23: {  	v17 =	vld [tilespmem:s23+$0x10];
	_ =	sdelay $0x4  }
0x24: {  	v17 =	vadd.s32 s3, v17  }
0x25: {  	s23 =	simm.s32 $0x220;
	[tilespmem:s22+$0x10] =	vst v17  }
0x26: {  	s24 =	simm.s32 $0x186A0;
	s25 =	simm.s32 $0x30D40;
	v17 =	vld [tilespmem:s23+$0xFFFFFFE0]  }
.LBB2_2:
0x27: {  	p0 =	sne.s32 s25, $0x2625A0;
	_ =	sdelay $0x3  }
0x28: {  	s22 =	sadd.s32 $0x40, s22;
	v17 =	vadd.s32 s24, v17  }
0x29: {  	[tilespmem:s22+$0xFFFFFFE0] =	vst v17  }
0x2a: {  	v17 =	vld [tilespmem:s23+$0xFFFFFFF0];
	_ =	sdelay $0x4  }
0x2b: {  	v17 =	vadd.s32 s24, v17  }
0x2c: {  	[tilespmem:s22+$0xFFFFFFF0] =	vst v17  }
0x2d: {  	v17 =	vld [tilespmem:s23+$0x0];
	_ =	sdelay $0x4  }
0x2e: {  	v17 =	vadd.s32 s24, v17  }
0x2f: {  	[tilespmem:s22+$0x0] =	vst v17  }
0x30: {  	v17 =	vld [tilespmem:s23+$0x10];
	_ =	sdelay $0x2  }
.Ltmp0:
0x31: {  	(pc) =	sbr.rel @p0 .LBB2_2-.Ltmp0, $4  }
0x32: {  	_ = 	snop  }
0x33: {  	v17 =	vadd.s32 s24, v17;
	s24 =	smov.u32 s25  }
0x34: {  	s23 =	sadd.s32 $0x200, s23;
	[tilespmem:s22+$0x10] =	vst v17  }
0x35: {  	s25 =	sadd.s32 $0x186A0, s25;
	v17 =	vld [tilespmem:s23+$0xFFFFFFE0]  }
0x36: {  	_ =	sdelay $0x3  }
0x37: {  	s22 =	sadd.s32 $0x40, s22;
	v17 =	vadd.s32 s24, v17  }
0x38: {  	[tilespmem:s22+$0xFFFFFFE0] =	vst v17  }
0x39: {  	v17 =	vld [tilespmem:s23+$0xFFFFFFF0];
	_ =	sdelay $0x4  }
0x3a: {  	v17 =	vadd.s32 s24, v17  }
0x3b: {  	[tilespmem:s22+$0xFFFFFFF0] =	vst v17  }
0x3c: {  	v17 =	vld [tilespmem:s23+$0x0];
	_ =	sdelay $0x4  }
0x3d: {  	v17 =	vadd.s32 s24, v17  }
0x3e: {  	[tilespmem:s22+$0x0] =	vst v17  }
0x3f: {  	v17 =	vld [tilespmem:s23+$0x10];
	_ =	sdelay $0x4  }
0x40: {  	s25 =	simm.s32 $0x0;
	v17 =	vadd.s32 s24, v17  }
0x41: {  	s23 =	simm.s32 $0x70;
	s24 =	simm.s32 $0xB0;
	[tilespmem:s22+$0x10] =	vst v17;
	s22 =	simm.s32 $0x0  }
0x42: {  	[tilespmem:s14], [sflag:$0x1] =	stream.indirect.gather [hbm4b:s4+s12], $0x10, s13, s12, $0xb8;
	[tilespmem:$0x115B0] =	vst v63  }
.LBB2_4:
0x43: {  	_ =	swait.ge [sflag:s15], $0x6800  }
0x44: {  	[sflag:s15] =	ssyncset.done $0x0  }
0x45: {  	[sflag:s15] =	ssyncadd.s32 $0xFFFF9800  }
0x46: {  	v17 =	vld [tilespmem:s23+$0xFFFFFFD0];
	_ =	sdelay $0x4  }
0x47: {  	s28 =	simm.s32 $0x3AA0;
	v17 =	vadd.s32 s22, v17  }
0x48: {  	[tilespmem:s28+$0xFFFFFFE0] =	vst v17  }
0x49: {  	v17 =	vld [tilespmem:s23+$0xFFFFFFE0];
	_ =	sdelay $0x4  }
0x4a: {  	v17 =	vadd.s32 s22, v17  }
0x4b: {  	[tilespmem:s28+$0xFFFFFFF0] =	vst v17  }
0x4c: {  	v17 =	vld [tilespmem:s23+$0xFFFFFFF0];
	_ =	sdelay $0x4  }
0x4d: {  	v17 =	vadd.s32 s22, v17  }
0x4e: {  	[tilespmem:s28+$0x0] =	vst v17  }
0x4f: {  	v17 =	vld [tilespmem:s23+$0x0];
	_ =	sdelay $0x4  }
0x50: {  	v17 =	vadd.s32 s22, v17  }
0x51: {  	s26 =	sshll.u32 s25, $0x9;
	s29 =	sadd.s32 $0x200, s23;
	[tilespmem:s28+$0x10] =	vst v17  }
0x52: {  	s30 =	simm.s32 $0x186A0;
	s31 =	simm.s32 $0x30D40;
	s26 =	sor.u32 $0x100, s26;
	v17 =	vld [tilespmem:s29+$0xFFFFFFD0]  }
.LBB2_5:
0x53: {  	p0 =	sne.s32 s31, $0x2625A0;
	_ =	sdelay $0x3  }
0x54: {  	s28 =	sadd.s32 $0x40, s28;
	v17 =	vadd.s32 s30, v17  }
0x55: {  	[tilespmem:s28+$0xFFFFFFE0] =	vst v17  }
0x56: {  	v17 =	vld [tilespmem:s29+$0xFFFFFFE0];
	_ =	sdelay $0x4  }
0x57: {  	v17 =	vadd.s32 s30, v17  }
0x58: {  	[tilespmem:s28+$0xFFFFFFF0] =	vst v17  }
0x59: {  	v17 =	vld [tilespmem:s29+$0xFFFFFFF0];
	_ =	sdelay $0x4  }
0x5a: {  	v17 =	vadd.s32 s30, v17  }
0x5b: {  	[tilespmem:s28+$0x0] =	vst v17  }
0x5c: {  	v17 =	vld [tilespmem:s29+$0x0];
	_ =	sdelay $0x2  }
.Ltmp1:
0x5d: {  	(pc) =	sbr.rel @p0 .LBB2_5-.Ltmp1, $4  }
0x5e: {  	_ = 	snop  }
0x5f: {  	v17 =	vadd.s32 s30, v17;
	s30 =	smov.u32 s31  }
0x60: {  	s29 =	sadd.s32 $0x200, s29;
	[tilespmem:s28+$0x10] =	vst v17  }
0x61: {  	s31 =	sadd.s32 $0x186A0, s31;
	v17 =	vld [tilespmem:s29+$0xFFFFFFD0]  }
0x62: {  	_ =	sdelay $0x3  }
0x63: {  	s28 =	sadd.s32 $0x40, s28;
	v17 =	vadd.s32 s30, v17  }
0x64: {  	[tilespmem:s28+$0xFFFFFFE0] =	vst v17  }
0x65: {  	v17 =	vld [tilespmem:s29+$0xFFFFFFE0];
	_ =	sdelay $0x4  }
0x66: {  	v17 =	vadd.s32 s30, v17  }
0x67: {  	[tilespmem:s28+$0xFFFFFFF0] =	vst v17  }
0x68: {  	v17 =	vld [tilespmem:s29+$0xFFFFFFF0];
	_ =	sdelay $0x4  }
0x69: {  	v17 =	vadd.s32 s30, v17  }
0x6a: {  	[tilespmem:s28+$0x0] =	vst v17  }
0x6b: {  	v17 =	vld [tilespmem:s29+$0x0];
	_ =	sdelay $0x4  }
0x6c: {  	v17 =	vadd.s32 s30, v17  }
0x6d: {  	s29 =	simm.s32 $0x11110;
	[tilespmem:s28+$0x10] =	vst v17  }
0x6e: {  	[tilespmem:s17], [sflag:$0x2] =	stream.indirect.gather [hbm4b:s4+s12], $0x10, s16, s12, $0xb8;
	[tilespmem:$0x115B0] =	vst v63  }
0x6f: {  	s28 =	simm.s32 $0x4500;
	v17 =	vld [tilespmem:s29+$0x0]  }
0x70: {  	v19 =	vld [tilespmem:s28+$0x0]  }
0x71: {  	v20 =	vld [tilespmem:s28+$0x10]  }
0x72: {  	v21 =	vld [tilespmem:s28+$0x20]  }
0x73: {  	v22 =	vld [tilespmem:s28+$0x30]  }
0x74: {  	v23 =	vld [tilespmem:s28+$0x40]  }
0x75: {  	v24 =	vld [tilespmem:s28+$0x50]  }
0x76: {  	v25 =	vld [tilespmem:s28+$0x60]  }
0x77: {  	v26 =	vld [tilespmem:s28+$0x70]  }
0x78: {  	v27 =	vld [tilespmem:s28+$0x80]  }
0x79: {  	v28 =	vld [tilespmem:s28+$0x90]  }
0x7a: {  	v29 =	vld [tilespmem:s28+$0xA0]  }
0x7b: {  	v30 =	vld [tilespmem:s28+$0xB0]  }
0x7c: {  	v31 =	vld [tilespmem:s28+$0xC0]  }
0x7d: {  	v18 =	vld [tilespmem:s29+$0xFFFFFFF0]  }
0x7e: {  	v32 =	vld [tilespmem:s28+$0xFFFFFC00]  }
0x7f: {  	v42 =	vld [tilespmem:s28+$0xFFFFFC80];
	v33 =	vmul.f32 v19, v17  }
0x80: {  	v36 =	vmul.f32 v20, v17;
	v19 =	vld [tilespmem:s28+$0xFFFFFC10];
	v37 =	vmul.f32 v21, v17  }
0x81: {  	v39 =	vmul.f32 v22, v17;
	v21 =	vld [tilespmem:s28+$0xFFFFFC20];
	v40 =	vmul.f32 v23, v17  }
0x82: {  	v41 =	vmul.f32 v24, v17;
	v22 =	vld [tilespmem:s28+$0xFFFFFC30];
	v25 =	vmul.f32 v25, v17  }
0x83: {  	v26 =	vmul.f32 v26, v17;
	v38 =	vmul.f32 v27, v17;
	v24 =	vld [tilespmem:s28+$0xFFFFFC50]  }
0x84: {  	v35 =	vmul.f32 v28, v17;
	v34 =	vmul.f32 v29, v17;
	v27 =	vld [tilespmem:s28+$0xFFFFFC60]  }
0x85: {  	v23 =	vld [tilespmem:s28+$0xFFFFFC40];
	v28 =	vmul.f32 v30, v17;
	v20 =	vmul.f32 v31, v17  }
0x86: {  	v44 =	vld [tilespmem:s28+$0xFFFFFC90];
	v29 =	vmul.f32 v32, v18;
	v63 =	vmul.f32 v42, v18  }
0x87: {  	v31 =	vld [tilespmem:s28+$0xFFFFFC70];
	v30 =	vmul.f32 v19, v18;
	v19 =	vimm.f32 $0.0e+00;
	v21 =	vmul.f32 v21, v18  }
0x88: {  	v60 =	vld [tilespmem:s28+$0xD0];
	v22 =	vmul.f32 v22, v18;
	v46 =	vmul.f32 v24, v18;
	v29 =	vadd.f32 v29, v19  }
0x89: {  	v47 =	vld [tilespmem:s28+$0xFFFFFCA0];
	v27 =	vmul.f32 v27, v18;
	v48 =	vadd.f32 v63, v19;
	v30 =	vadd.f32 v30, v19  }
0x8a: {  	v61 =	vld [tilespmem:s28+$0xFFFFFCC0];
	v43 =	vmul.f32 v23, v18;
	v23 =	vadd.f32 v21, v19;
	v45 =	vadd.f32 v22, v19  }
0x8b: {  	v44 =	vmul.f32 v44, v18;
	v62 =	vadd.f32 v46, v19;
	v27 =	vadd.f32 v27, v19  }
0x8c: {  	v21 =	vadd.f32 v33, v29;
	v29 =	vld [tilespmem:s28+$0xFFFFFCB0];
	v22 =	vadd.f32 v36, v30;
	v30 =	vmul.f32 v31, v18  }
0x8d: {  	v23 =	vadd.f32 v37, v23;
	v24 =	vadd.f32 v39, v45;
	v37 =	vmul.f32 v60, v17  }
0x8e: {  	v31 =	vadd.f32 v43, v19;
	v39 =	vld [tilespmem:s28+$0xFFFFFCD0];
	v32 =	vadd.f32 v41, v62;
	v45 =	vmul.f32 v47, v18  }
0x8f: {  	v42 =	vld [tilespmem:s28+$0xFFFFFCE0];
	v33 =	vadd.f32 v25, v27;
	v47 =	vadd.f32 v44, v19;
	v44 =	vmul.f32 v61, v18  }
0x90: {  	v36 =	vimm.f32 $0.0e+00;
	v30 =	vadd.f32 v30, v19;
	v31 =	vadd.f32 v40, v31;
	v40 =	vld [tilespmem:s28+$0xFFFFFCF0]  }
0x91: {  	v41 =	vld [tilespmem:s28+$0xE0];
	v27 =	vimm.f32 $0.0e+00;
	v25 =	vimm.f32 $0.0e+00;
	v46 =	vmul.f32 v29, v18  }
0x92: {  	s30 =	simm.s32 $0x11130;
	s29 =	simm.s32 $0x0;
	v43 =	vld [tilespmem:s28+$0xF0];
	v26 =	vadd.f32 v26, v30;
	v29 =	vimm.f32 $0.0e+00;
	v30 =	vimm.f32 $0.0e+00  }
.LBB2_7:
0x93: {  	v49 =	vld [tilespmem:s30+$0x0];
	v19 =	vadd.f32 v45, v19;
	v36 =	vadd.f32 v46, v36;
	v39 =	vmul.f32 v39, v18;
	s28 =	sadd.s32 $0x800, s28  }
0x94: {  	v45 =	vld [tilespmem:s28+$0x0];
	v42 =	vmul.f32 v42, v18;
	v48 =	vadd.f32 v38, v48;
	v47 =	vadd.f32 v35, v47  }
0x95: {  	v35 =	vld [tilespmem:s28+$0x10];
	v18 =	vmul.f32 v40, v18;
	v19 =	vadd.f32 v34, v19;
	v36 =	vadd.f32 v28, v36  }
0x96: {  	v29 =	vadd.f32 v44, v29;
	v30 =	vadd.f32 v39, v30;
	v28 =	vld [tilespmem:s28+$0x20];
	v34 =	vmul.f32 v41, v17  }
0x97: {  	v27 =	vadd.f32 v42, v27;
	v38 =	vld [tilespmem:s28+$0x30];
	v18 =	vadd.f32 v18, v25;
	v25 =	vmul.f32 v43, v17  }
0x98: {  	v29 =	vadd.f32 v20, v29;
	v30 =	vadd.f32 v37, v30;
	v39 =	vld [tilespmem:s28+$0x40];
	v17 =	vmov v49  }
0x99: {  	v27 =	vadd.f32 v34, v27;
	v20 =	vld [tilespmem:s28+$0x50];
	v25 =	vadd.f32 v25, v18  }
0x9a: {  	v34 =	vld [tilespmem:s28+$0x60]  }
0x9b: {  	v37 =	vld [tilespmem:s28+$0x70]  }
0x9c: {  	v40 =	vld [tilespmem:s28+$0x80]  }
0x9d: {  	v41 =	vld [tilespmem:s28+$0x90]  }
0x9e: {  	v42 =	vld [tilespmem:s28+$0xA0]  }
0x9f: {  	v43 =	vld [tilespmem:s28+$0xB0]  }
0xa0: {  	v44 =	vld [tilespmem:s28+$0xC0]  }
0xa1: {  	v46 =	vld [tilespmem:s28+$0xD0]  }
0xa2: {  	v18 =	vld [tilespmem:s30+$0xFFFFFFF0]  }
0xa3: {  	v45 =	vmul.f32 v45, v17;
	v50 =	vmul.f32 v35, v17;
	v49 =	vld [tilespmem:s28+$0xFFFFFC00]  }
0xa4: {  	v52 =	vmul.f32 v28, v17;
	v53 =	vmul.f32 v38, v17;
	v51 =	vld [tilespmem:s28+$0xFFFFFC10]  }
0xa5: {  	v55 =	vmul.f32 v39, v17;
	v56 =	vmul.f32 v20, v17;
	v54 =	vld [tilespmem:s28+$0xFFFFFC20]  }
0xa6: {  	v57 =	vmul.f32 v34, v17;
	v58 =	vmul.f32 v37, v17;
	v39 =	vld [tilespmem:s28+$0xFFFFFC30]  }
0xa7: {  	v38 =	vmul.f32 v40, v17;
	v35 =	vmul.f32 v41, v17;
	v59 =	vld [tilespmem:s28+$0xFFFFFC40]  }
0xa8: {  	v34 =	vmul.f32 v42, v17;
	v28 =	vmul.f32 v43, v17;
	v40 =	vld [tilespmem:s28+$0xFFFFFC50]  }
0xa9: {  	v20 =	vmul.f32 v44, v17;
	v37 =	vmul.f32 v46, v17;
	v41 =	vld [tilespmem:s28+$0xFFFFFC60]  }
0xaa: {  	v42 =	vmul.f32 v49, v18;
	v43 =	vmul.f32 v51, v18;
	v44 =	vld [tilespmem:s28+$0xFFFFFC70]  }
0xab: {  	v46 =	vmul.f32 v54, v18;
	v39 =	vmul.f32 v39, v18;
	v49 =	vld [tilespmem:s28+$0xFFFFFC80]  }
0xac: {  	v21 =	vadd.f32 v42, v21;
	v22 =	vadd.f32 v43, v22;
	v42 =	vmul.f32 v59, v18;
	v43 =	vld [tilespmem:s28+$0xFFFFFC90]  }
0xad: {  	v23 =	vadd.f32 v46, v23;
	v24 =	vadd.f32 v39, v24;
	v39 =	vmul.f32 v40, v18;
	v40 =	vld [tilespmem:s28+$0xFFFFFCA0]  }
0xae: {  	s29 =	sadd.s32 $0x2, s29;
	v21 =	vadd.f32 v45, v21;
	v22 =	vadd.f32 v50, v22;
	v41 =	vmul.f32 v41, v18;
	v46 =	vld [tilespmem:s28+$0xFFFFFCB0]  }
0xaf: {  	p0 =	slt.u32 s29, $0x18;
	v23 =	vadd.f32 v52, v23;
	v44 =	vmul.f32 v44, v18;
	v50 =	vld [tilespmem:s28+$0xFFFFFCC0];
	v24 =	vadd.f32 v53, v24  }
.Ltmp2:
0xb0: {  	v31 =	vadd.f32 v42, v31;
	v32 =	vadd.f32 v39, v32;
	v49 =	vmul.f32 v49, v18;
	v39 =	vld [tilespmem:s28+$0xFFFFFCD0];
	(pc) =	sbr.rel @p0 .LBB2_7-.Ltmp2, $4  }
0xb1: {  	v33 =	vadd.f32 v41, v33;
	v26 =	vadd.f32 v44, v26;
	v43 =	vmul.f32 v43, v18;
	v42 =	vld [tilespmem:s28+$0xFFFFFCE0]  }
0xb2: {  	v31 =	vadd.f32 v55, v31;
	v32 =	vadd.f32 v56, v32;
	v45 =	vmul.f32 v40, v18;
	v40 =	vld [tilespmem:s28+$0xFFFFFCF0]  }
0xb3: {  	v33 =	vadd.f32 v57, v33;
	v46 =	vmul.f32 v46, v18;
	v26 =	vadd.f32 v58, v26;
	v41 =	vld [tilespmem:s28+$0xE0]  }
0xb4: {  	s30 =	sadd.s32 $0x20, s30;
	v48 =	vadd.f32 v49, v48;
	v47 =	vadd.f32 v43, v47;
	v44 =	vmul.f32 v50, v18;
	v43 =	vld [tilespmem:s28+$0xF0]  }
0xb5: {  	[tilespmem:$0x112B0] =	vst v21  }
0xb6: {  	[tilespmem:$0x112C0] =	vst v22  }
0xb7: {  	[tilespmem:$0x112D0] =	vst v23  }
0xb8: {  	[tilespmem:$0x112E0] =	vst v24  }
0xb9: {  	[tilespmem:$0x112F0] =	vst v31  }
0xba: {  	[tilespmem:$0x11300] =	vst v32  }
0xbb: {  	v19 =	vadd.f32 v45, v19;
	[tilespmem:$0x11310] =	vst v33;
	v21 =	vadd.f32 v38, v48  }
0xbc: {  	v22 =	vadd.f32 v46, v36;
	v23 =	vmul.f32 v39, v18;
	[tilespmem:$0x11320] =	vst v26;
	v24 =	vadd.f32 v35, v47  }
0xbd: {  	v26 =	vmul.f32 v42, v18;
	v29 =	vadd.f32 v44, v29;
	v19 =	vadd.f32 v34, v19;
	[tilespmem:$0x11330] =	vst v21  }
0xbe: {  	v18 =	vmul.f32 v40, v18;
	v21 =	vadd.f32 v28, v22;
	v22 =	vadd.f32 v23, v30;
	[tilespmem:$0x11340] =	vst v24  }
0xbf: {  	v23 =	vmul.f32 v41, v17;
	v24 =	vadd.f32 v26, v27;
	v20 =	vadd.f32 v20, v29;
	[tilespmem:$0x11350] =	vst v19  }
0xc0: {  	v18 =	vadd.f32 v18, v25;
	v17 =	vmul.f32 v43, v17;
	v19 =	vadd.f32 v37, v22;
	[tilespmem:$0x11360] =	vst v21  }
0xc1: {  	v21 =	vadd.f32 v23, v24;
	[tilespmem:$0x11370] =	vst v20  }
0xc2: {  	v17 =	vadd.f32 v17, v18;
	[tilespmem:$0x11380] =	vst v19  }
0xc3: {  	[tilespmem:$0x11390] =	vst v21  }
0xc4: {  	[tilespmem:$0x113A0] =	vst v17  }
0xc5: {  	v17 =	vld.idx.msk [tilespmem:v0+s18+$0x0], $0xffff  }
0xc6: {  	v18 =	vld.idx.msk [tilespmem:v1+s18+$0x0], $0xffff  }
0xc7: {  	v19 =	vld.idx.msk [tilespmem:v2+s18+$0x0], $0xffff  }
0xc8: {  	v20 =	vld.idx.msk [tilespmem:v3+s18+$0x0], $0xffff  }
0xc9: {  	v21 =	vld.idx.msk [tilespmem:v4+s18+$0x0], $0xffff  }
0xca: {  	v22 =	vld.idx.msk [tilespmem:v5+s18+$0x0], $0xffff  }
0xcb: {  	v23 =	vld.idx.msk [tilespmem:v6+s18+$0x0], $0xffff  }
0xcc: {  	v24 =	vld.idx.msk [tilespmem:v7+s18+$0x0], $0xffff  }
0xcd: {  	v25 =	vld.idx.msk [tilespmem:v8+s18+$0x0], $0xffff  }
0xce: {  	v26 =	vld.idx.msk [tilespmem:v9+s18+$0x0], $0xffff  }
0xcf: {  	v27 =	vld.idx.msk [tilespmem:v12+s18+$0x0], $0xffff  }
0xd0: {  	v28 =	vld.idx.msk [tilespmem:v13+s18+$0x0], $0xffff  }
0xd1: {  	v29 =	vld.idx.msk [tilespmem:v10+s18+$0x0], $0xffff  }
0xd2: {  	v30 =	vld.idx.msk [tilespmem:v14+s18+$0x0], $0xffff  }
0xd3: {  	v31 =	vld.idx.msk [tilespmem:v11+s18+$0x0], $0xffff  }
0xd4: {  	v17 =	vadd.f32 v18, v17;
	v18 =	vadd.f32 v22, v21;
	v21 =	vld.idx.msk [tilespmem:v15+s18+$0x0], $0xffff  }
0xd5: {  	v22 =	vadd.f32 v26, v25;
	v25 =	vadd.f32 v28, v27  }
0xd6: {  	v17 =	vadd.f32 v19, v17;
	v18 =	vadd.f32 v23, v18  }
0xd7: {  	v19 =	vadd.f32 v29, v22;
	v22 =	vadd.f32 v30, v25  }
0xd8: {  	v17 =	vadd.f32 v20, v17;
	v18 =	vadd.f32 v24, v18  }
0xd9: {  	v19 =	vadd.f32 v31, v19;
	v20 =	vadd.f32 v21, v22;
	_ =	sdelay $0x1  }
0xda: {  	v17 =	vadd.f32 v18, v17;
	v18 =	vadd.f32 v20, v19;
	_ =	sdelay $0x1  }
0xdb: {  	v17 =	vadd.f32 v18, v17;
	_ =	sdelay $0x1  }
0xdc: {  	v17 =	vadd.f32 v17, v16  }
0xdd: {  	s28 =	sshll.u32 s25, $0x7  }
0xde: {  	s30 =	simm.s32 $0x11110;
	[tilespmem:s28+$0x113B0] =	vst v17  }
0xdf: {  	s29 =	simm.s32 $0x4600;
	v17 =	vld [tilespmem:s30+$0x0]  }
0xe0: {  	v19 =	vld [tilespmem:s29+$0x0]  }
0xe1: {  	v20 =	vld [tilespmem:s29+$0x10]  }
0xe2: {  	v21 =	vld [tilespmem:s29+$0x20]  }
0xe3: {  	v22 =	vld [tilespmem:s29+$0x30]  }
0xe4: {  	v23 =	vld [tilespmem:s29+$0x40]  }
0xe5: {  	v24 =	vld [tilespmem:s29+$0x50]  }
0xe6: {  	v25 =	vld [tilespmem:s29+$0x60]  }
0xe7: {  	v26 =	vld [tilespmem:s29+$0x70]  }
0xe8: {  	v27 =	vld [tilespmem:s29+$0x80]  }
0xe9: {  	v28 =	vld [tilespmem:s29+$0x90]  }
0xea: {  	v29 =	vld [tilespmem:s29+$0xA0]  }
0xeb: {  	v30 =	vld [tilespmem:s29+$0xB0]  }
0xec: {  	v31 =	vld [tilespmem:s29+$0xC0]  }
0xed: {  	v18 =	vld [tilespmem:s30+$0xFFFFFFF0]  }
0xee: {  	v32 =	vld [tilespmem:s29+$0xFFFFFC00]  }
0xef: {  	v57 =	vld [tilespmem:s29+$0xFFFFFC90];
	v48 =	vmul.f32 v19, v17  }
0xf0: {  	v49 =	vmul.f32 v20, v17;
	v19 =	vld [tilespmem:s29+$0xFFFFFC10];
	v50 =	vmul.f32 v21, v17  }
0xf1: {  	v51 =	vmul.f32 v22, v17;
	v21 =	vld [tilespmem:s29+$0xFFFFFC20];
	v52 =	vmul.f32 v23, v17  }
0xf2: {  	v53 =	vmul.f32 v24, v17;
	v22 =	vld [tilespmem:s29+$0xFFFFFC30];
	v25 =	vmul.f32 v25, v17  }
0xf3: {  	v26 =	vmul.f32 v26, v17;
	v23 =	vld [tilespmem:s29+$0xFFFFFC40];
	v38 =	vmul.f32 v27, v17  }
0xf4: {  	v35 =	vmul.f32 v28, v17;
	v24 =	vld [tilespmem:s29+$0xFFFFFC50];
	v34 =	vmul.f32 v29, v17  }
0xf5: {  	v28 =	vmul.f32 v30, v17;
	v27 =	vld [tilespmem:s29+$0xFFFFFC60];
	v20 =	vmul.f32 v31, v17  }
0xf6: {  	v55 =	vld [tilespmem:s29+$0xFFFFFC80];
	v29 =	vmul.f32 v32, v18;
	v44 =	vmul.f32 v57, v18  }
0xf7: {  	v36 =	vimm.f32 $0.0e+00;
	v54 =	vld [tilespmem:s29+$0xD0];
	v30 =	vmul.f32 v19, v18;
	v21 =	vmul.f32 v21, v18  }
0xf8: {  	v60 =	vld [tilespmem:s29+$0xFFFFFCA0];
	v19 =	vimm.f32 $0.0e+00;
	v22 =	vmul.f32 v22, v18;
	v56 =	vmul.f32 v23, v18  }
0xf9: {  	v31 =	vld [tilespmem:s29+$0xFFFFFC70];
	v59 =	vmul.f32 v24, v18;
	v29 =	vadd.f32 v29, v19;
	v47 =	vadd.f32 v44, v19  }
0xfa: {  	v61 =	vld [tilespmem:s29+$0xFFFFFCC0];
	v27 =	vmul.f32 v27, v18;
	v30 =	vadd.f32 v30, v19;
	v23 =	vadd.f32 v21, v19  }
0xfb: {  	v63 =	vmul.f32 v55, v18;
	v58 =	vadd.f32 v22, v19;
	v62 =	vadd.f32 v59, v19  }
0xfc: {  	v37 =	vmul.f32 v54, v17;
	v27 =	vadd.f32 v27, v19;
	v21 =	vadd.f32 v48, v29;
	v29 =	vld [tilespmem:s29+$0xFFFFFCB0]  }
0xfd: {  	v45 =	vmul.f32 v60, v18;
	v48 =	vadd.f32 v63, v19;
	v22 =	vadd.f32 v49, v30  }
0xfe: {  	v39 =	vld [tilespmem:s29+$0xFFFFFCD0];
	v30 =	vmul.f32 v31, v18;
	v23 =	vadd.f32 v50, v23;
	v24 =	vadd.f32 v51, v58  }
0xff: {  	v42 =	vld [tilespmem:s29+$0xFFFFFCE0];
	v44 =	vmul.f32 v61, v18;
	v31 =	vadd.f32 v56, v19;
	v32 =	vadd.f32 v53, v62  }
0x100: {  	v40 =	vld [tilespmem:s29+$0xFFFFFCF0];
	v33 =	vadd.f32 v25, v27;
	v27 =	vimm.f32 $0.0e+00;
	v30 =	vadd.f32 v30, v19  }
0x101: {  	v41 =	vld [tilespmem:s29+$0xE0];
	v25 =	vimm.f32 $0.0e+00;
	v31 =	vadd.f32 v52, v31;
	v46 =	vmul.f32 v29, v18  }
0x102: {  	s31 =	simm.s32 $0x11130;
	s30 =	simm.s32 $0x0;
	v43 =	vld [tilespmem:s29+$0xF0];
	v26 =	vadd.f32 v26, v30;
	v29 =	vimm.f32 $0.0e+00;
	v30 =	vimm.f32 $0.0e+00  }
.LBB2_9:
0x103: {  	v49 =	vld [tilespmem:s31+$0x0];
	v19 =	vadd.f32 v45, v19;
	v36 =	vadd.f32 v46, v36;
	v39 =	vmul.f32 v39, v18;
	s29 =	sadd.s32 $0x800, s29  }
0x104: {  	v45 =	vld [tilespmem:s29+$0x0];
	v42 =	vmul.f32 v42, v18;
	v48 =	vadd.f32 v38, v48;
	v47 =	vadd.f32 v35, v47  }
0x105: {  	v35 =	vld [tilespmem:s29+$0x10];
	v18 =	vmul.f32 v40, v18;
	v19 =	vadd.f32 v34, v19;
	v36 =	vadd.f32 v28, v36  }
0x106: {  	v29 =	vadd.f32 v44, v29;
	v30 =	vadd.f32 v39, v30;
	v28 =	vld [tilespmem:s29+$0x20];
	v34 =	vmul.f32 v41, v17  }
0x107: {  	v27 =	vadd.f32 v42, v27;
	v38 =	vld [tilespmem:s29+$0x30];
	v18 =	vadd.f32 v18, v25;
	v25 =	vmul.f32 v43, v17  }
0x108: {  	v29 =	vadd.f32 v20, v29;
	v30 =	vadd.f32 v37, v30;
	v39 =	vld [tilespmem:s29+$0x40];
	v17 =	vmov v49  }
0x109: {  	v27 =	vadd.f32 v34, v27;
	v20 =	vld [tilespmem:s29+$0x50];
	v25 =	vadd.f32 v25, v18  }
0x10a: {  	v34 =	vld [tilespmem:s29+$0x60]  }
0x10b: {  	v37 =	vld [tilespmem:s29+$0x70]  }
0x10c: {  	v40 =	vld [tilespmem:s29+$0x80]  }
0x10d: {  	v41 =	vld [tilespmem:s29+$0x90]  }
0x10e: {  	v42 =	vld [tilespmem:s29+$0xA0]  }
0x10f: {  	v43 =	vld [tilespmem:s29+$0xB0]  }
0x110: {  	v44 =	vld [tilespmem:s29+$0xC0]  }
0x111: {  	v46 =	vld [tilespmem:s29+$0xD0]  }
0x112: {  	v18 =	vld [tilespmem:s31+$0xFFFFFFF0]  }
0x113: {  	v45 =	vmul.f32 v45, v17;
	v50 =	vmul.f32 v35, v17;
	v49 =	vld [tilespmem:s29+$0xFFFFFC00]  }
0x114: {  	v52 =	vmul.f32 v28, v17;
	v53 =	vmul.f32 v38, v17;
	v51 =	vld [tilespmem:s29+$0xFFFFFC10]  }
0x115: {  	v55 =	vmul.f32 v39, v17;
	v56 =	vmul.f32 v20, v17;
	v54 =	vld [tilespmem:s29+$0xFFFFFC20]  }
0x116: {  	v57 =	vmul.f32 v34, v17;
	v58 =	vmul.f32 v37, v17;
	v39 =	vld [tilespmem:s29+$0xFFFFFC30]  }
0x117: {  	v38 =	vmul.f32 v40, v17;
	v35 =	vmul.f32 v41, v17;
	v59 =	vld [tilespmem:s29+$0xFFFFFC40]  }
0x118: {  	v34 =	vmul.f32 v42, v17;
	v28 =	vmul.f32 v43, v17;
	v40 =	vld [tilespmem:s29+$0xFFFFFC50]  }
0x119: {  	v20 =	vmul.f32 v44, v17;
	v37 =	vmul.f32 v46, v17;
	v41 =	vld [tilespmem:s29+$0xFFFFFC60]  }
0x11a: {  	v42 =	vmul.f32 v49, v18;
	v43 =	vmul.f32 v51, v18;
	v44 =	vld [tilespmem:s29+$0xFFFFFC70]  }
0x11b: {  	v46 =	vmul.f32 v54, v18;
	v39 =	vmul.f32 v39, v18;
	v49 =	vld [tilespmem:s29+$0xFFFFFC80]  }
0x11c: {  	v21 =	vadd.f32 v42, v21;
	v22 =	vadd.f32 v43, v22;
	v42 =	vmul.f32 v59, v18;
	v43 =	vld [tilespmem:s29+$0xFFFFFC90]  }
0x11d: {  	v23 =	vadd.f32 v46, v23;
	v24 =	vadd.f32 v39, v24;
	v39 =	vmul.f32 v40, v18;
	v40 =	vld [tilespmem:s29+$0xFFFFFCA0]  }
0x11e: {  	s30 =	sadd.s32 $0x2, s30;
	v21 =	vadd.f32 v45, v21;
	v22 =	vadd.f32 v50, v22;
	v41 =	vmul.f32 v41, v18;
	v46 =	vld [tilespmem:s29+$0xFFFFFCB0]  }
0x11f: {  	p0 =	slt.u32 s30, $0x18;
	v23 =	vadd.f32 v52, v23;
	v44 =	vmul.f32 v44, v18;
	v50 =	vld [tilespmem:s29+$0xFFFFFCC0];
	v24 =	vadd.f32 v53, v24  }
.Ltmp3:
0x120: {  	v31 =	vadd.f32 v42, v31;
	v32 =	vadd.f32 v39, v32;
	v49 =	vmul.f32 v49, v18;
	v39 =	vld [tilespmem:s29+$0xFFFFFCD0];
	(pc) =	sbr.rel @p0 .LBB2_9-.Ltmp3, $4  }
0x121: {  	v33 =	vadd.f32 v41, v33;
	v26 =	vadd.f32 v44, v26;
	v43 =	vmul.f32 v43, v18;
	v42 =	vld [tilespmem:s29+$0xFFFFFCE0]  }
0x122: {  	v31 =	vadd.f32 v55, v31;
	v32 =	vadd.f32 v56, v32;
	v45 =	vmul.f32 v40, v18;
	v40 =	vld [tilespmem:s29+$0xFFFFFCF0]  }
0x123: {  	v33 =	vadd.f32 v57, v33;
	v46 =	vmul.f32 v46, v18;
	v26 =	vadd.f32 v58, v26;
	v41 =	vld [tilespmem:s29+$0xE0]  }
0x124: {  	s31 =	sadd.s32 $0x20, s31;
	v48 =	vadd.f32 v49, v48;
	v47 =	vadd.f32 v43, v47;
	v44 =	vmul.f32 v50, v18;
	v43 =	vld [tilespmem:s29+$0xF0]  }
0x125: {  	[tilespmem:$0x112B0] =	vst v21  }
0x126: {  	[tilespmem:$0x112C0] =	vst v22  }
0x127: {  	[tilespmem:$0x112D0] =	vst v23  }
0x128: {  	[tilespmem:$0x112E0] =	vst v24  }
0x129: {  	[tilespmem:$0x112F0] =	vst v31  }
0x12a: {  	[tilespmem:$0x11300] =	vst v32  }
0x12b: {  	v19 =	vadd.f32 v45, v19;
	[tilespmem:$0x11310] =	vst v33;
	v21 =	vadd.f32 v38, v48  }
0x12c: {  	v22 =	vadd.f32 v46, v36;
	v23 =	vmul.f32 v39, v18;
	[tilespmem:$0x11320] =	vst v26;
	v24 =	vadd.f32 v35, v47  }
0x12d: {  	v26 =	vmul.f32 v42, v18;
	v29 =	vadd.f32 v44, v29;
	v19 =	vadd.f32 v34, v19;
	[tilespmem:$0x11330] =	vst v21  }
0x12e: {  	v18 =	vmul.f32 v40, v18;
	v21 =	vadd.f32 v28, v22;
	v22 =	vadd.f32 v23, v30;
	[tilespmem:$0x11340] =	vst v24  }
0x12f: {  	v23 =	vmul.f32 v41, v17;
	v24 =	vadd.f32 v26, v27;
	v20 =	vadd.f32 v20, v29;
	[tilespmem:$0x11350] =	vst v19  }
0x130: {  	v18 =	vadd.f32 v18, v25;
	v17 =	vmul.f32 v43, v17;
	v19 =	vadd.f32 v37, v22;
	[tilespmem:$0x11360] =	vst v21  }
0x131: {  	v21 =	vadd.f32 v23, v24;
	[tilespmem:$0x11370] =	vst v20  }
0x132: {  	v17 =	vadd.f32 v17, v18;
	[tilespmem:$0x11380] =	vst v19  }
0x133: {  	[tilespmem:$0x11390] =	vst v21  }
0x134: {  	[tilespmem:$0x113A0] =	vst v17  }
0x135: {  	v17 =	vld.idx.msk [tilespmem:v0+s18+$0x0], $0xffff  }
0x136: {  	v18 =	vld.idx.msk [tilespmem:v1+s18+$0x0], $0xffff  }
0x137: {  	v19 =	vld.idx.msk [tilespmem:v2+s18+$0x0], $0xffff  }
0x138: {  	v20 =	vld.idx.msk [tilespmem:v3+s18+$0x0], $0xffff  }
0x139: {  	v21 =	vld.idx.msk [tilespmem:v4+s18+$0x0], $0xffff  }
0x13a: {  	v22 =	vld.idx.msk [tilespmem:v5+s18+$0x0], $0xffff  }
0x13b: {  	v23 =	vld.idx.msk [tilespmem:v6+s18+$0x0], $0xffff  }
0x13c: {  	v24 =	vld.idx.msk [tilespmem:v7+s18+$0x0], $0xffff  }
0x13d: {  	v25 =	vld.idx.msk [tilespmem:v8+s18+$0x0], $0xffff  }
0x13e: {  	v26 =	vld.idx.msk [tilespmem:v9+s18+$0x0], $0xffff  }
0x13f: {  	v27 =	vld.idx.msk [tilespmem:v12+s18+$0x0], $0xffff  }
0x140: {  	v28 =	vld.idx.msk [tilespmem:v13+s18+$0x0], $0xffff  }
0x141: {  	v29 =	vld.idx.msk [tilespmem:v10+s18+$0x0], $0xffff  }
0x142: {  	v30 =	vld.idx.msk [tilespmem:v14+s18+$0x0], $0xffff  }
0x143: {  	v31 =	vld.idx.msk [tilespmem:v11+s18+$0x0], $0xffff  }
0x144: {  	v17 =	vadd.f32 v18, v17;
	v18 =	vadd.f32 v22, v21;
	v21 =	vld.idx.msk [tilespmem:v15+s18+$0x0], $0xffff  }
0x145: {  	v22 =	vadd.f32 v26, v25;
	v25 =	vadd.f32 v28, v27  }
0x146: {  	v17 =	vadd.f32 v19, v17;
	v18 =	vadd.f32 v23, v18  }
0x147: {  	v19 =	vadd.f32 v29, v22;
	v22 =	vadd.f32 v30, v25  }
0x148: {  	v17 =	vadd.f32 v20, v17;
	v18 =	vadd.f32 v24, v18  }
0x149: {  	v19 =	vadd.f32 v31, v19;
	v20 =	vadd.f32 v21, v22;
	_ =	sdelay $0x1  }
0x14a: {  	v17 =	vadd.f32 v18, v17;
	v18 =	vadd.f32 v20, v19;
	_ =	sdelay $0x1  }
0x14b: {  	v17 =	vadd.f32 v18, v17;
	_ =	sdelay $0x1  }
0x14c: {  	v17 =	vadd.f32 v17, v16;
	_ =	sdelay $0x1  }
0x14d: {  	s30 =	simm.s32 $0x11110;
	[tilespmem:s28+$0x113C0] =	vst v17  }
0x14e: {  	s29 =	simm.s32 $0x4700;
	v17 =	vld [tilespmem:s30+$0x0]  }
0x14f: {  	v19 =	vld [tilespmem:s29+$0x0]  }
0x150: {  	v20 =	vld [tilespmem:s29+$0x10]  }
0x151: {  	v21 =	vld [tilespmem:s29+$0x20]  }
0x152: {  	v22 =	vld [tilespmem:s29+$0x30]  }
0x153: {  	v23 =	vld [tilespmem:s29+$0x40]  }
0x154: {  	v24 =	vld [tilespmem:s29+$0x50]  }
0x155: {  	v25 =	vld [tilespmem:s29+$0x60]  }
0x156: {  	v26 =	vld [tilespmem:s29+$0x70]  }
0x157: {  	v27 =	vld [tilespmem:s29+$0x80]  }
0x158: {  	v28 =	vld [tilespmem:s29+$0x90]  }
0x159: {  	v29 =	vld [tilespmem:s29+$0xA0]  }
0x15a: {  	v30 =	vld [tilespmem:s29+$0xB0]  }
0x15b: {  	v31 =	vld [tilespmem:s29+$0xC0]  }
0x15c: {  	v18 =	vld [tilespmem:s30+$0xFFFFFFF0]  }
0x15d: {  	v32 =	vld [tilespmem:s29+$0xFFFFFC00]  }
0x15e: {  	v57 =	vld [tilespmem:s29+$0xFFFFFC90];
	v48 =	vmul.f32 v19, v17  }
0x15f: {  	v49 =	vmul.f32 v20, v17;
	v19 =	vld [tilespmem:s29+$0xFFFFFC10];
	v50 =	vmul.f32 v21, v17  }
0x160: {  	v51 =	vmul.f32 v22, v17;
	v21 =	vld [tilespmem:s29+$0xFFFFFC20];
	v52 =	vmul.f32 v23, v17  }
0x161: {  	v53 =	vmul.f32 v24, v17;
	v22 =	vld [tilespmem:s29+$0xFFFFFC30];
	v25 =	vmul.f32 v25, v17  }
0x162: {  	v26 =	vmul.f32 v26, v17;
	v23 =	vld [tilespmem:s29+$0xFFFFFC40];
	v38 =	vmul.f32 v27, v17  }
0x163: {  	v35 =	vmul.f32 v28, v17;
	v24 =	vld [tilespmem:s29+$0xFFFFFC50];
	v34 =	vmul.f32 v29, v17  }
0x164: {  	v28 =	vmul.f32 v30, v17;
	v27 =	vld [tilespmem:s29+$0xFFFFFC60];
	v20 =	vmul.f32 v31, v17  }
0x165: {  	v55 =	vld [tilespmem:s29+$0xFFFFFC80];
	v29 =	vmul.f32 v32, v18;
	v44 =	vmul.f32 v57, v18  }
0x166: {  	v36 =	vimm.f32 $0.0e+00;
	v54 =	vld [tilespmem:s29+$0xD0];
	v30 =	vmul.f32 v19, v18;
	v21 =	vmul.f32 v21, v18  }
0x167: {  	v60 =	vld [tilespmem:s29+$0xFFFFFCA0];
	v19 =	vimm.f32 $0.0e+00;
	v22 =	vmul.f32 v22, v18;
	v56 =	vmul.f32 v23, v18  }
0x168: {  	v31 =	vld [tilespmem:s29+$0xFFFFFC70];
	v59 =	vmul.f32 v24, v18;
	v29 =	vadd.f32 v29, v19;
	v47 =	vadd.f32 v44, v19  }
0x169: {  	v61 =	vld [tilespmem:s29+$0xFFFFFCC0];
	v27 =	vmul.f32 v27, v18;
	v30 =	vadd.f32 v30, v19;
	v23 =	vadd.f32 v21, v19  }
0x16a: {  	v63 =	vmul.f32 v55, v18;
	v58 =	vadd.f32 v22, v19;
	v62 =	vadd.f32 v59, v19  }
0x16b: {  	v37 =	vmul.f32 v54, v17;
	v27 =	vadd.f32 v27, v19;
	v21 =	vadd.f32 v48, v29;
	v29 =	vld [tilespmem:s29+$0xFFFFFCB0]  }
0x16c: {  	v45 =	vmul.f32 v60, v18;
	v48 =	vadd.f32 v63, v19;
	v22 =	vadd.f32 v49, v30  }
0x16d: {  	v39 =	vld [tilespmem:s29+$0xFFFFFCD0];
	v30 =	vmul.f32 v31, v18;
	v23 =	vadd.f32 v50, v23;
	v24 =	vadd.f32 v51, v58  }
0x16e: {  	v42 =	vld [tilespmem:s29+$0xFFFFFCE0];
	v44 =	vmul.f32 v61, v18;
	v31 =	vadd.f32 v56, v19;
	v32 =	vadd.f32 v53, v62  }
0x16f: {  	v40 =	vld [tilespmem:s29+$0xFFFFFCF0];
	v33 =	vadd.f32 v25, v27;
	v27 =	vimm.f32 $0.0e+00;
	v30 =	vadd.f32 v30, v19  }
0x170: {  	v41 =	vld [tilespmem:s29+$0xE0];
	v25 =	vimm.f32 $0.0e+00;
	v31 =	vadd.f32 v52, v31;
	v46 =	vmul.f32 v29, v18  }
0x171: {  	s31 =	simm.s32 $0x11130;
	s30 =	simm.s32 $0x0;
	v43 =	vld [tilespmem:s29+$0xF0];
	v26 =	vadd.f32 v26, v30;
	v29 =	vimm.f32 $0.0e+00;
	v30 =	vimm.f32 $0.0e+00  }
.LBB2_11:
0x172: {  	v49 =	vld [tilespmem:s31+$0x0];
	v19 =	vadd.f32 v45, v19;
	v36 =	vadd.f32 v46, v36;
	v39 =	vmul.f32 v39, v18;
	s29 =	sadd.s32 $0x800, s29  }
0x173: {  	v45 =	vld [tilespmem:s29+$0x0];
	v42 =	vmul.f32 v42, v18;
	v48 =	vadd.f32 v38, v48;
	v47 =	vadd.f32 v35, v47  }
0x174: {  	v35 =	vld [tilespmem:s29+$0x10];
	v18 =	vmul.f32 v40, v18;
	v19 =	vadd.f32 v34, v19;
	v36 =	vadd.f32 v28, v36  }
0x175: {  	v29 =	vadd.f32 v44, v29;
	v30 =	vadd.f32 v39, v30;
	v28 =	vld [tilespmem:s29+$0x20];
	v34 =	vmul.f32 v41, v17  }
0x176: {  	v27 =	vadd.f32 v42, v27;
	v38 =	vld [tilespmem:s29+$0x30];
	v18 =	vadd.f32 v18, v25;
	v25 =	vmul.f32 v43, v17  }
0x177: {  	v29 =	vadd.f32 v20, v29;
	v30 =	vadd.f32 v37, v30;
	v39 =	vld [tilespmem:s29+$0x40];
	v17 =	vmov v49  }
0x178: {  	v27 =	vadd.f32 v34, v27;
	v20 =	vld [tilespmem:s29+$0x50];
	v25 =	vadd.f32 v25, v18  }
0x179: {  	v34 =	vld [tilespmem:s29+$0x60]  }
0x17a: {  	v37 =	vld [tilespmem:s29+$0x70]  }
0x17b: {  	v40 =	vld [tilespmem:s29+$0x80]  }
0x17c: {  	v41 =	vld [tilespmem:s29+$0x90]  }
0x17d: {  	v42 =	vld [tilespmem:s29+$0xA0]  }
0x17e: {  	v43 =	vld [tilespmem:s29+$0xB0]  }
0x17f: {  	v44 =	vld [tilespmem:s29+$0xC0]  }
0x180: {  	v46 =	vld [tilespmem:s29+$0xD0]  }
0x181: {  	v18 =	vld [tilespmem:s31+$0xFFFFFFF0]  }
0x182: {  	v45 =	vmul.f32 v45, v17;
	v50 =	vmul.f32 v35, v17;
	v49 =	vld [tilespmem:s29+$0xFFFFFC00]  }
0x183: {  	v52 =	vmul.f32 v28, v17;
	v53 =	vmul.f32 v38, v17;
	v51 =	vld [tilespmem:s29+$0xFFFFFC10]  }
0x184: {  	v55 =	vmul.f32 v39, v17;
	v56 =	vmul.f32 v20, v17;
	v54 =	vld [tilespmem:s29+$0xFFFFFC20]  }
0x185: {  	v57 =	vmul.f32 v34, v17;
	v58 =	vmul.f32 v37, v17;
	v39 =	vld [tilespmem:s29+$0xFFFFFC30]  }
0x186: {  	v38 =	vmul.f32 v40, v17;
	v35 =	vmul.f32 v41, v17;
	v59 =	vld [tilespmem:s29+$0xFFFFFC40]  }
0x187: {  	v34 =	vmul.f32 v42, v17;
	v28 =	vmul.f32 v43, v17;
	v40 =	vld [tilespmem:s29+$0xFFFFFC50]  }
0x188: {  	v20 =	vmul.f32 v44, v17;
	v37 =	vmul.f32 v46, v17;
	v41 =	vld [tilespmem:s29+$0xFFFFFC60]  }
0x189: {  	v42 =	vmul.f32 v49, v18;
	v43 =	vmul.f32 v51, v18;
	v44 =	vld [tilespmem:s29+$0xFFFFFC70]  }
0x18a: {  	v46 =	vmul.f32 v54, v18;
	v39 =	vmul.f32 v39, v18;
	v49 =	vld [tilespmem:s29+$0xFFFFFC80]  }
0x18b: {  	v21 =	vadd.f32 v42, v21;
	v22 =	vadd.f32 v43, v22;
	v42 =	vmul.f32 v59, v18;
	v43 =	vld [tilespmem:s29+$0xFFFFFC90]  }
0x18c: {  	v23 =	vadd.f32 v46, v23;
	v24 =	vadd.f32 v39, v24;
	v39 =	vmul.f32 v40, v18;
	v40 =	vld [tilespmem:s29+$0xFFFFFCA0]  }
0x18d: {  	s30 =	sadd.s32 $0x2, s30;
	v21 =	vadd.f32 v45, v21;
	v22 =	vadd.f32 v50, v22;
	v41 =	vmul.f32 v41, v18;
	v46 =	vld [tilespmem:s29+$0xFFFFFCB0]  }
0x18e: {  	p0 =	slt.u32 s30, $0x18;
	v23 =	vadd.f32 v52, v23;
	v44 =	vmul.f32 v44, v18;
	v50 =	vld [tilespmem:s29+$0xFFFFFCC0];
	v24 =	vadd.f32 v53, v24  }
.Ltmp4:
0x18f: {  	v31 =	vadd.f32 v42, v31;
	v32 =	vadd.f32 v39, v32;
	v49 =	vmul.f32 v49, v18;
	v39 =	vld [tilespmem:s29+$0xFFFFFCD0];
	(pc) =	sbr.rel @p0 .LBB2_11-.Ltmp4, $4  }
0x190: {  	v33 =	vadd.f32 v41, v33;
	v26 =	vadd.f32 v44, v26;
	v43 =	vmul.f32 v43, v18;
	v42 =	vld [tilespmem:s29+$0xFFFFFCE0]  }
0x191: {  	v31 =	vadd.f32 v55, v31;
	v32 =	vadd.f32 v56, v32;
	v45 =	vmul.f32 v40, v18;
	v40 =	vld [tilespmem:s29+$0xFFFFFCF0]  }
0x192: {  	v33 =	vadd.f32 v57, v33;
	v46 =	vmul.f32 v46, v18;
	v26 =	vadd.f32 v58, v26;
	v41 =	vld [tilespmem:s29+$0xE0]  }
0x193: {  	s31 =	sadd.s32 $0x20, s31;
	v48 =	vadd.f32 v49, v48;
	v47 =	vadd.f32 v43, v47;
	v44 =	vmul.f32 v50, v18;
	v43 =	vld [tilespmem:s29+$0xF0]  }
0x194: {  	[tilespmem:$0x112B0] =	vst v21  }
0x195: {  	[tilespmem:$0x112C0] =	vst v22  }
0x196: {  	[tilespmem:$0x112D0] =	vst v23  }
0x197: {  	[tilespmem:$0x112E0] =	vst v24  }
0x198: {  	[tilespmem:$0x112F0] =	vst v31  }
0x199: {  	[tilespmem:$0x11300] =	vst v32  }
0x19a: {  	v19 =	vadd.f32 v45, v19;
	[tilespmem:$0x11310] =	vst v33;
	v21 =	vadd.f32 v38, v48  }
0x19b: {  	v22 =	vadd.f32 v46, v36;
	v23 =	vmul.f32 v39, v18;
	[tilespmem:$0x11320] =	vst v26;
	v24 =	vadd.f32 v35, v47  }
0x19c: {  	v26 =	vmul.f32 v42, v18;
	v29 =	vadd.f32 v44, v29;
	v19 =	vadd.f32 v34, v19;
	[tilespmem:$0x11330] =	vst v21  }
0x19d: {  	v18 =	vmul.f32 v40, v18;
	v21 =	vadd.f32 v28, v22;
	v22 =	vadd.f32 v23, v30;
	[tilespmem:$0x11340] =	vst v24  }
0x19e: {  	v23 =	vmul.f32 v41, v17;
	v24 =	vadd.f32 v26, v27;
	v20 =	vadd.f32 v20, v29;
	[tilespmem:$0x11350] =	vst v19  }
0x19f: {  	v18 =	vadd.f32 v18, v25;
	v17 =	vmul.f32 v43, v17;
	v19 =	vadd.f32 v37, v22;
	[tilespmem:$0x11360] =	vst v21  }
0x1a0: {  	v21 =	vadd.f32 v23, v24;
	[tilespmem:$0x11370] =	vst v20  }
0x1a1: {  	v17 =	vadd.f32 v17, v18;
	[tilespmem:$0x11380] =	vst v19  }
0x1a2: {  	[tilespmem:$0x11390] =	vst v21  }
0x1a3: {  	[tilespmem:$0x113A0] =	vst v17  }
0x1a4: {  	v17 =	vld.idx.msk [tilespmem:v0+s18+$0x0], $0xffff  }
0x1a5: {  	v18 =	vld.idx.msk [tilespmem:v1+s18+$0x0], $0xffff  }
0x1a6: {  	v19 =	vld.idx.msk [tilespmem:v2+s18+$0x0], $0xffff  }
0x1a7: {  	v20 =	vld.idx.msk [tilespmem:v3+s18+$0x0], $0xffff  }
0x1a8: {  	v21 =	vld.idx.msk [tilespmem:v4+s18+$0x0], $0xffff  }
0x1a9: {  	v22 =	vld.idx.msk [tilespmem:v5+s18+$0x0], $0xffff  }
0x1aa: {  	v23 =	vld.idx.msk [tilespmem:v6+s18+$0x0], $0xffff  }
0x1ab: {  	v24 =	vld.idx.msk [tilespmem:v7+s18+$0x0], $0xffff  }
0x1ac: {  	v25 =	vld.idx.msk [tilespmem:v8+s18+$0x0], $0xffff  }
0x1ad: {  	v26 =	vld.idx.msk [tilespmem:v9+s18+$0x0], $0xffff  }
0x1ae: {  	v27 =	vld.idx.msk [tilespmem:v12+s18+$0x0], $0xffff  }
0x1af: {  	v28 =	vld.idx.msk [tilespmem:v13+s18+$0x0], $0xffff  }
0x1b0: {  	v29 =	vld.idx.msk [tilespmem:v10+s18+$0x0], $0xffff  }
0x1b1: {  	v30 =	vld.idx.msk [tilespmem:v14+s18+$0x0], $0xffff  }
0x1b2: {  	v31 =	vld.idx.msk [tilespmem:v11+s18+$0x0], $0xffff  }
0x1b3: {  	v17 =	vadd.f32 v18, v17;
	v18 =	vadd.f32 v22, v21;
	v21 =	vld.idx.msk [tilespmem:v15+s18+$0x0], $0xffff  }
0x1b4: {  	v22 =	vadd.f32 v26, v25;
	v25 =	vadd.f32 v28, v27  }
0x1b5: {  	v17 =	vadd.f32 v19, v17;
	v18 =	vadd.f32 v23, v18  }
0x1b6: {  	v19 =	vadd.f32 v29, v22;
	v22 =	vadd.f32 v30, v25  }
0x1b7: {  	v17 =	vadd.f32 v20, v17;
	v18 =	vadd.f32 v24, v18  }
0x1b8: {  	v19 =	vadd.f32 v31, v19;
	v20 =	vadd.f32 v21, v22;
	_ =	sdelay $0x1  }
0x1b9: {  	v17 =	vadd.f32 v18, v17;
	v18 =	vadd.f32 v20, v19;
	_ =	sdelay $0x1  }
0x1ba: {  	v17 =	vadd.f32 v18, v17;
	_ =	sdelay $0x1  }
0x1bb: {  	v17 =	vadd.f32 v17, v16;
	_ =	sdelay $0x1  }
0x1bc: {  	s30 =	simm.s32 $0x11110;
	[tilespmem:s28+$0x113D0] =	vst v17  }
0x1bd: {  	s29 =	simm.s32 $0x4800;
	v17 =	vld [tilespmem:s30+$0x0]  }
0x1be: {  	v19 =	vld [tilespmem:s29+$0x0]  }
0x1bf: {  	v20 =	vld [tilespmem:s29+$0x10]  }
0x1c0: {  	v21 =	vld [tilespmem:s29+$0x20]  }
0x1c1: {  	v22 =	vld [tilespmem:s29+$0x30]  }
0x1c2: {  	v23 =	vld [tilespmem:s29+$0x40]  }
0x1c3: {  	v24 =	vld [tilespmem:s29+$0x50]  }
0x1c4: {  	v25 =	vld [tilespmem:s29+$0x60]  }
0x1c5: {  	v26 =	vld [tilespmem:s29+$0x70]  }
0x1c6: {  	v27 =	vld [tilespmem:s29+$0x80]  }
0x1c7: {  	v28 =	vld [tilespmem:s29+$0x90]  }
0x1c8: {  	v29 =	vld [tilespmem:s29+$0xA0]  }
0x1c9: {  	v30 =	vld [tilespmem:s29+$0xB0]  }
0x1ca: {  	v31 =	vld [tilespmem:s29+$0xC0]  }
0x1cb: {  	v18 =	vld [tilespmem:s30+$0xFFFFFFF0]  }
0x1cc: {  	v32 =	vld [tilespmem:s29+$0xFFFFFC00]  }
0x1cd: {  	v57 =	vld [tilespmem:s29+$0xFFFFFC90];
	v48 =	vmul.f32 v19, v17  }
0x1ce: {  	v49 =	vmul.f32 v20, v17;
	v19 =	vld [tilespmem:s29+$0xFFFFFC10];
	v50 =	vmul.f32 v21, v17  }
0x1cf: {  	v51 =	vmul.f32 v22, v17;
	v21 =	vld [tilespmem:s29+$0xFFFFFC20];
	v52 =	vmul.f32 v23, v17  }
0x1d0: {  	v53 =	vmul.f32 v24, v17;
	v22 =	vld [tilespmem:s29+$0xFFFFFC30];
	v25 =	vmul.f32 v25, v17  }
0x1d1: {  	v26 =	vmul.f32 v26, v17;
	v23 =	vld [tilespmem:s29+$0xFFFFFC40];
	v38 =	vmul.f32 v27, v17  }
0x1d2: {  	v35 =	vmul.f32 v28, v17;
	v24 =	vld [tilespmem:s29+$0xFFFFFC50];
	v34 =	vmul.f32 v29, v17  }
0x1d3: {  	v28 =	vmul.f32 v30, v17;
	v27 =	vld [tilespmem:s29+$0xFFFFFC60];
	v20 =	vmul.f32 v31, v17  }
0x1d4: {  	v55 =	vld [tilespmem:s29+$0xFFFFFC80];
	v29 =	vmul.f32 v32, v18;
	v44 =	vmul.f32 v57, v18  }
0x1d5: {  	v36 =	vimm.f32 $0.0e+00;
	v54 =	vld [tilespmem:s29+$0xD0];
	v30 =	vmul.f32 v19, v18;
	v21 =	vmul.f32 v21, v18  }
0x1d6: {  	v60 =	vld [tilespmem:s29+$0xFFFFFCA0];
	v19 =	vimm.f32 $0.0e+00;
	v22 =	vmul.f32 v22, v18;
	v56 =	vmul.f32 v23, v18  }
0x1d7: {  	v31 =	vld [tilespmem:s29+$0xFFFFFC70];
	v59 =	vmul.f32 v24, v18;
	v29 =	vadd.f32 v29, v19;
	v47 =	vadd.f32 v44, v19  }
0x1d8: {  	v61 =	vld [tilespmem:s29+$0xFFFFFCC0];
	v27 =	vmul.f32 v27, v18;
	v30 =	vadd.f32 v30, v19;
	v23 =	vadd.f32 v21, v19  }
0x1d9: {  	v63 =	vmul.f32 v55, v18;
	v58 =	vadd.f32 v22, v19;
	v62 =	vadd.f32 v59, v19  }
0x1da: {  	v37 =	vmul.f32 v54, v17;
	v27 =	vadd.f32 v27, v19;
	v21 =	vadd.f32 v48, v29;
	v29 =	vld [tilespmem:s29+$0xFFFFFCB0]  }
0x1db: {  	v45 =	vmul.f32 v60, v18;
	v48 =	vadd.f32 v63, v19;
	v22 =	vadd.f32 v49, v30  }
0x1dc: {  	v39 =	vld [tilespmem:s29+$0xFFFFFCD0];
	v30 =	vmul.f32 v31, v18;
	v23 =	vadd.f32 v50, v23;
	v24 =	vadd.f32 v51, v58  }
0x1dd: {  	v42 =	vld [tilespmem:s29+$0xFFFFFCE0];
	v44 =	vmul.f32 v61, v18;
	v31 =	vadd.f32 v56, v19;
	v32 =	vadd.f32 v53, v62  }
0x1de: {  	v40 =	vld [tilespmem:s29+$0xFFFFFCF0];
	v33 =	vadd.f32 v25, v27;
	v27 =	vimm.f32 $0.0e+00;
	v30 =	vadd.f32 v30, v19  }
0x1df: {  	v41 =	vld [tilespmem:s29+$0xE0];
	v25 =	vimm.f32 $0.0e+00;
	v31 =	vadd.f32 v52, v31;
	v46 =	vmul.f32 v29, v18  }
0x1e0: {  	s31 =	simm.s32 $0x11130;
	s30 =	simm.s32 $0x0;
	v43 =	vld [tilespmem:s29+$0xF0];
	v26 =	vadd.f32 v26, v30;
	v29 =	vimm.f32 $0.0e+00;
	v30 =	vimm.f32 $0.0e+00  }
.LBB2_13:
0x1e1: {  	v49 =	vld [tilespmem:s31+$0x0];
	v19 =	vadd.f32 v45, v19;
	v36 =	vadd.f32 v46, v36;
	v39 =	vmul.f32 v39, v18;
	s29 =	sadd.s32 $0x800, s29  }
0x1e2: {  	v45 =	vld [tilespmem:s29+$0x0];
	v42 =	vmul.f32 v42, v18;
	v48 =	vadd.f32 v38, v48;
	v47 =	vadd.f32 v35, v47  }
0x1e3: {  	v35 =	vld [tilespmem:s29+$0x10];
	v18 =	vmul.f32 v40, v18;
	v19 =	vadd.f32 v34, v19;
	v36 =	vadd.f32 v28, v36  }
0x1e4: {  	v29 =	vadd.f32 v44, v29;
	v30 =	vadd.f32 v39, v30;
	v28 =	vld [tilespmem:s29+$0x20];
	v34 =	vmul.f32 v41, v17  }
0x1e5: {  	v27 =	vadd.f32 v42, v27;
	v38 =	vld [tilespmem:s29+$0x30];
	v18 =	vadd.f32 v18, v25;
	v25 =	vmul.f32 v43, v17  }
0x1e6: {  	v29 =	vadd.f32 v20, v29;
	v30 =	vadd.f32 v37, v30;
	v39 =	vld [tilespmem:s29+$0x40];
	v17 =	vmov v49  }
0x1e7: {  	v27 =	vadd.f32 v34, v27;
	v20 =	vld [tilespmem:s29+$0x50];
	v25 =	vadd.f32 v25, v18  }
0x1e8: {  	v34 =	vld [tilespmem:s29+$0x60]  }
0x1e9: {  	v37 =	vld [tilespmem:s29+$0x70]  }
0x1ea: {  	v40 =	vld [tilespmem:s29+$0x80]  }
0x1eb: {  	v41 =	vld [tilespmem:s29+$0x90]  }
0x1ec: {  	v42 =	vld [tilespmem:s29+$0xA0]  }
0x1ed: {  	v43 =	vld [tilespmem:s29+$0xB0]  }
0x1ee: {  	v44 =	vld [tilespmem:s29+$0xC0]  }
0x1ef: {  	v46 =	vld [tilespmem:s29+$0xD0]  }
0x1f0: {  	v18 =	vld [tilespmem:s31+$0xFFFFFFF0]  }
0x1f1: {  	v45 =	vmul.f32 v45, v17;
	v50 =	vmul.f32 v35, v17;
	v49 =	vld [tilespmem:s29+$0xFFFFFC00]  }
0x1f2: {  	v52 =	vmul.f32 v28, v17;
	v53 =	vmul.f32 v38, v17;
	v51 =	vld [tilespmem:s29+$0xFFFFFC10]  }
0x1f3: {  	v55 =	vmul.f32 v39, v17;
	v56 =	vmul.f32 v20, v17;
	v54 =	vld [tilespmem:s29+$0xFFFFFC20]  }
0x1f4: {  	v57 =	vmul.f32 v34, v17;
	v58 =	vmul.f32 v37, v17;
	v39 =	vld [tilespmem:s29+$0xFFFFFC30]  }
0x1f5: {  	v38 =	vmul.f32 v40, v17;
	v35 =	vmul.f32 v41, v17;
	v59 =	vld [tilespmem:s29+$0xFFFFFC40]  }
0x1f6: {  	v34 =	vmul.f32 v42, v17;
	v28 =	vmul.f32 v43, v17;
	v40 =	vld [tilespmem:s29+$0xFFFFFC50]  }
0x1f7: {  	v20 =	vmul.f32 v44, v17;
	v37 =	vmul.f32 v46, v17;
	v41 =	vld [tilespmem:s29+$0xFFFFFC60]  }
0x1f8: {  	v42 =	vmul.f32 v49, v18;
	v43 =	vmul.f32 v51, v18;
	v44 =	vld [tilespmem:s29+$0xFFFFFC70]  }
0x1f9: {  	v46 =	vmul.f32 v54, v18;
	v39 =	vmul.f32 v39, v18;
	v49 =	vld [tilespmem:s29+$0xFFFFFC80]  }
0x1fa: {  	v21 =	vadd.f32 v42, v21;
	v22 =	vadd.f32 v43, v22;
	v42 =	vmul.f32 v59, v18;
	v43 =	vld [tilespmem:s29+$0xFFFFFC90]  }
0x1fb: {  	v23 =	vadd.f32 v46, v23;
	v24 =	vadd.f32 v39, v24;
	v39 =	vmul.f32 v40, v18;
	v40 =	vld [tilespmem:s29+$0xFFFFFCA0]  }
0x1fc: {  	s30 =	sadd.s32 $0x2, s30;
	v21 =	vadd.f32 v45, v21;
	v22 =	vadd.f32 v50, v22;
	v41 =	vmul.f32 v41, v18;
	v46 =	vld [tilespmem:s29+$0xFFFFFCB0]  }
0x1fd: {  	p0 =	slt.u32 s30, $0x18;
	v23 =	vadd.f32 v52, v23;
	v44 =	vmul.f32 v44, v18;
	v50 =	vld [tilespmem:s29+$0xFFFFFCC0];
	v24 =	vadd.f32 v53, v24  }
.Ltmp5:
0x1fe: {  	v31 =	vadd.f32 v42, v31;
	v32 =	vadd.f32 v39, v32;
	v49 =	vmul.f32 v49, v18;
	v39 =	vld [tilespmem:s29+$0xFFFFFCD0];
	(pc) =	sbr.rel @p0 .LBB2_13-.Ltmp5, $4  }
0x1ff: {  	v33 =	vadd.f32 v41, v33;
	v26 =	vadd.f32 v44, v26;
	v43 =	vmul.f32 v43, v18;
	v42 =	vld [tilespmem:s29+$0xFFFFFCE0]  }
0x200: {  	v31 =	vadd.f32 v55, v31;
	v32 =	vadd.f32 v56, v32;
	v45 =	vmul.f32 v40, v18;
	v40 =	vld [tilespmem:s29+$0xFFFFFCF0]  }
0x201: {  	v33 =	vadd.f32 v57, v33;
	v46 =	vmul.f32 v46, v18;
	v26 =	vadd.f32 v58, v26;
	v41 =	vld [tilespmem:s29+$0xE0]  }
0x202: {  	s31 =	sadd.s32 $0x20, s31;
	v48 =	vadd.f32 v49, v48;
	v47 =	vadd.f32 v43, v47;
	v44 =	vmul.f32 v50, v18;
	v43 =	vld [tilespmem:s29+$0xF0]  }
0x203: {  	[tilespmem:$0x112B0] =	vst v21  }
0x204: {  	[tilespmem:$0x112C0] =	vst v22  }
0x205: {  	[tilespmem:$0x112D0] =	vst v23  }
0x206: {  	[tilespmem:$0x112E0] =	vst v24  }
0x207: {  	[tilespmem:$0x112F0] =	vst v31  }
0x208: {  	[tilespmem:$0x11300] =	vst v32  }
0x209: {  	v19 =	vadd.f32 v45, v19;
	[tilespmem:$0x11310] =	vst v33;
	v32 =	vadd.f32 v38, v48  }
0x20a: {  	v36 =	vadd.f32 v46, v36;
	[tilespmem:$0x11320] =	vst v26;
	v38 =	vmul.f32 v39, v18;
	v39 =	vadd.f32 v35, v47  }
0x20b: {  	v42 =	vmul.f32 v42, v18;
	v29 =	vadd.f32 v44, v29;
	v19 =	vadd.f32 v34, v19;
	[tilespmem:$0x11330] =	vst v32  }
0x20c: {  	v18 =	vmul.f32 v40, v18;
	v45 =	vadd.f32 v28, v36;
	v46 =	vadd.f32 v38, v30;
	[tilespmem:$0x11340] =	vst v39  }
0x20d: {  	v47 =	vmul.f32 v41, v17;
	v48 =	vadd.f32 v42, v27;
	v20 =	vadd.f32 v20, v29;
	[tilespmem:$0x11350] =	vst v19  }
0x20e: {  	v18 =	vadd.f32 v18, v25;
	v17 =	vmul.f32 v43, v17;
	[tilespmem:$0x11360] =	vst v45;
	v19 =	vadd.f32 v37, v46  }
0x20f: {  	v49 =	vadd.f32 v47, v48;
	[tilespmem:$0x11370] =	vst v20  }
0x210: {  	v17 =	vadd.f32 v17, v18;
	[tilespmem:$0x11380] =	vst v19  }
0x211: {  	[tilespmem:$0x11390] =	vst v49  }
0x212: {  	[tilespmem:$0x113A0] =	vst v17  }
0x213: {  	v17 =	vld.idx.msk [tilespmem:v0+s18+$0x0], $0xffff  }
0x214: {  	v18 =	vld.idx.msk [tilespmem:v1+s18+$0x0], $0xffff  }
0x215: {  	v19 =	vld.idx.msk [tilespmem:v2+s18+$0x0], $0xffff  }
0x216: {  	v20 =	vld.idx.msk [tilespmem:v3+s18+$0x0], $0xffff  }
0x217: {  	v21 =	vld.idx.msk [tilespmem:v4+s18+$0x0], $0xffff  }
0x218: {  	v50 =	vld.idx.msk [tilespmem:v5+s18+$0x0], $0xffff  }
0x219: {  	v51 =	vld.idx.msk [tilespmem:v6+s18+$0x0], $0xffff  }
0x21a: {  	v52 =	vld.idx.msk [tilespmem:v7+s18+$0x0], $0xffff  }
0x21b: {  	v53 =	vld.idx.msk [tilespmem:v8+s18+$0x0], $0xffff  }
0x21c: {  	v54 =	vld.idx.msk [tilespmem:v9+s18+$0x0], $0xffff  }
0x21d: {  	v55 =	vld.idx.msk [tilespmem:v12+s18+$0x0], $0xffff  }
0x21e: {  	v56 =	vld.idx.msk [tilespmem:v13+s18+$0x0], $0xffff  }
0x21f: {  	v57 =	vld.idx.msk [tilespmem:v10+s18+$0x0], $0xffff  }
0x220: {  	v58 =	vld.idx.msk [tilespmem:v14+s18+$0x0], $0xffff  }
0x221: {  	v31 =	vld.idx.msk [tilespmem:v11+s18+$0x0], $0xffff  }
0x222: {  	v59 =	vld.idx.msk [tilespmem:v15+s18+$0x0], $0xffff;
	v17 =	vadd.f32 v18, v17;
	v18 =	vadd.f32 v50, v21  }
0x223: {  	v60 =	vadd.f32 v54, v53;
	v61 =	vadd.f32 v56, v55  }
0x224: {  	v17 =	vadd.f32 v19, v17;
	v18 =	vadd.f32 v51, v18  }
0x225: {  	v19 =	vadd.f32 v57, v60;
	v62 =	vadd.f32 v58, v61  }
0x226: {  	v17 =	vadd.f32 v20, v17;
	v18 =	vadd.f32 v52, v18  }
0x227: {  	v19 =	vadd.f32 v31, v19;
	v63 =	vadd.f32 v59, v62;
	_ =	sdelay $0x1  }
0x228: {  	v17 =	vadd.f32 v18, v17;
	v18 =	vadd.f32 v63, v19;
	_ =	sdelay $0x1  }
0x229: {  	v17 =	vadd.f32 v18, v17;
	_ =	sdelay $0x1  }
0x22a: {  	p0 =	seq.s32 s25, $0x3;
	v17 =	vadd.f32 v17, v16  }
.Ltmp6:
0x22b: {  	_ = 	snop;
	(pc) =	sbr.rel @p0 .LBB2_18-.Ltmp6, $4  }
0x22c: {  	[tilespmem:s28+$0x113E0] =	vst v17  }
0x22d: {  	_ =	swait.ge [sflag:s19], $0x6800  }
0x22e: {  	[sflag:s19] =	ssyncset.done $0x0  }
0x22f: {  	[sflag:s19] =	ssyncadd.s32 $0xFFFF9800  }
0x230: {  	v17 =	vld [tilespmem:s24+$0xFFFFFFD0];
	_ =	sdelay $0x3  }
0x231: {  	s29 =	simm.s32 $0x0  }
0x232: {  	s28 =	simm.s32 $0x3420;
	v17 =	vadd.s32 s29, v17  }
0x233: {  	[tilespmem:s28+$0xFFFFFFE0] =	vst v17  }
0x234: {  	v17 =	vld [tilespmem:s24+$0xFFFFFFE0];
	_ =	sdelay $0x4  }
0x235: {  	v17 =	vadd.s32 s29, v17  }
0x236: {  	[tilespmem:s28+$0xFFFFFFF0] =	vst v17  }
0x237: {  	v17 =	vld [tilespmem:s24+$0xFFFFFFF0];
	_ =	sdelay $0x4  }
0x238: {  	v17 =	vadd.s32 s29, v17  }
0x239: {  	[tilespmem:s28+$0x0] =	vst v17  }
0x23a: {  	v17 =	vld [tilespmem:s24+$0x0];
	_ =	sdelay $0x4  }
0x23b: {  	v17 =	vadd.s32 s29, v17  }
0x23c: {  	s29 =	sadd.s32 $0x200, s24;
	[tilespmem:s28+$0x10] =	vst v17  }
0x23d: {  	s30 =	simm.s32 $0x186A0;
	s31 =	simm.s32 $0x30D40;
	v17 =	vld [tilespmem:s29+$0xFFFFFFD0]  }
.LBB2_16:
0x23e: {  	p0 =	sne.s32 s31, $0x2625A0;
	_ =	sdelay $0x3  }
0x23f: {  	s28 =	sadd.s32 $0x40, s28;
	v17 =	vadd.s32 s30, v17  }
0x240: {  	[tilespmem:s28+$0xFFFFFFE0] =	vst v17  }
0x241: {  	v17 =	vld [tilespmem:s29+$0xFFFFFFE0];
	_ =	sdelay $0x4  }
0x242: {  	v17 =	vadd.s32 s30, v17  }
0x243: {  	[tilespmem:s28+$0xFFFFFFF0] =	vst v17  }
0x244: {  	v17 =	vld [tilespmem:s29+$0xFFFFFFF0];
	_ =	sdelay $0x4  }
0x245: {  	v17 =	vadd.s32 s30, v17  }
0x246: {  	[tilespmem:s28+$0x0] =	vst v17  }
0x247: {  	v17 =	vld [tilespmem:s29+$0x0];
	_ =	sdelay $0x2  }
.Ltmp7:
0x248: {  	(pc) =	sbr.rel @p0 .LBB2_16-.Ltmp7, $4  }
0x249: {  	_ = 	snop  }
0x24a: {  	v17 =	vadd.s32 s30, v17;
	s30 =	smov.u32 s31  }
0x24b: {  	s29 =	sadd.s32 $0x200, s29;
	[tilespmem:s28+$0x10] =	vst v17  }
0x24c: {  	s31 =	sadd.s32 $0x186A0, s31;
	v17 =	vld [tilespmem:s29+$0xFFFFFFD0]  }
0x24d: {  	_ =	sdelay $0x3  }
0x24e: {  	s28 =	sadd.s32 $0x40, s28;
	v17 =	vadd.s32 s30, v17  }
0x24f: {  	[tilespmem:s28+$0xFFFFFFE0] =	vst v17  }
0x250: {  	v17 =	vld [tilespmem:s29+$0xFFFFFFE0];
	_ =	sdelay $0x4  }
0x251: {  	v17 =	vadd.s32 s30, v17  }
0x252: {  	[tilespmem:s28+$0xFFFFFFF0] =	vst v17  }
0x253: {  	v17 =	vld [tilespmem:s29+$0xFFFFFFF0];
	_ =	sdelay $0x4  }
0x254: {  	v17 =	vadd.s32 s30, v17  }
0x255: {  	[tilespmem:s28+$0x0] =	vst v17  }
0x256: {  	v17 =	vld [tilespmem:s29+$0x0];
	_ =	sdelay $0x4  }
0x257: {  	v17 =	vadd.s32 s30, v17  }
0x258: {  	[tilespmem:s28+$0x10] =	vst v17  }
0x259: {  	[tilespmem:s14], [sflag:$0x1] =	stream.indirect.gather [hbm4b:s4+s12], $0x10, s13, s12, $0xb8;
	[tilespmem:$0x115B0] =	vst v63  }
.LBB2_18:
0x25a: {  	s29 =	simm.s32 $0x11110  }
0x25b: {  	s28 =	simm.s32 $0xAD00;
	v17 =	vld [tilespmem:s29+$0x0]  }
0x25c: {  	v19 =	vld [tilespmem:s28+$0x0]  }
0x25d: {  	v20 =	vld [tilespmem:s28+$0x10]  }
0x25e: {  	v21 =	vld [tilespmem:s28+$0x20]  }
0x25f: {  	v22 =	vld [tilespmem:s28+$0x30]  }
0x260: {  	v23 =	vld [tilespmem:s28+$0x40]  }
0x261: {  	v24 =	vld [tilespmem:s28+$0x50]  }
0x262: {  	v25 =	vld [tilespmem:s28+$0x60]  }
0x263: {  	v26 =	vld [tilespmem:s28+$0x70]  }
0x264: {  	v27 =	vld [tilespmem:s28+$0x80]  }
0x265: {  	v28 =	vld [tilespmem:s28+$0x90]  }
0x266: {  	v29 =	vld [tilespmem:s28+$0xA0]  }
0x267: {  	v30 =	vld [tilespmem:s28+$0xB0]  }
0x268: {  	v31 =	vld [tilespmem:s28+$0xC0]  }
0x269: {  	v18 =	vld [tilespmem:s29+$0xFFFFFFF0]  }
0x26a: {  	v32 =	vld [tilespmem:s28+$0xFFFFFC00]  }
0x26b: {  	v42 =	vld [tilespmem:s28+$0xFFFFFC80];
	v33 =	vmul.f32 v19, v17  }
0x26c: {  	v36 =	vmul.f32 v20, v17;
	v19 =	vld [tilespmem:s28+$0xFFFFFC10];
	v37 =	vmul.f32 v21, v17  }
0x26d: {  	v39 =	vmul.f32 v22, v17;
	v21 =	vld [tilespmem:s28+$0xFFFFFC20];
	v40 =	vmul.f32 v23, v17  }
0x26e: {  	v41 =	vmul.f32 v24, v17;
	v22 =	vld [tilespmem:s28+$0xFFFFFC30];
	v25 =	vmul.f32 v25, v17  }
0x26f: {  	v26 =	vmul.f32 v26, v17;
	v38 =	vmul.f32 v27, v17;
	v24 =	vld [tilespmem:s28+$0xFFFFFC50]  }
0x270: {  	v35 =	vmul.f32 v28, v17;
	v34 =	vmul.f32 v29, v17;
	v27 =	vld [tilespmem:s28+$0xFFFFFC60]  }
0x271: {  	v23 =	vld [tilespmem:s28+$0xFFFFFC40];
	v28 =	vmul.f32 v30, v17;
	v20 =	vmul.f32 v31, v17  }
0x272: {  	v44 =	vld [tilespmem:s28+$0xFFFFFC90];
	v29 =	vmul.f32 v32, v18;
	v63 =	vmul.f32 v42, v18  }
0x273: {  	v31 =	vld [tilespmem:s28+$0xFFFFFC70];
	v30 =	vmul.f32 v19, v18;
	v19 =	vimm.f32 $0.0e+00;
	v21 =	vmul.f32 v21, v18  }
0x274: {  	v60 =	vld [tilespmem:s28+$0xD0];
	v22 =	vmul.f32 v22, v18;
	v46 =	vmul.f32 v24, v18;
	v29 =	vadd.f32 v29, v19  }
0x275: {  	v47 =	vld [tilespmem:s28+$0xFFFFFCA0];
	v27 =	vmul.f32 v27, v18;
	v48 =	vadd.f32 v63, v19;
	v30 =	vadd.f32 v30, v19  }
0x276: {  	v61 =	vld [tilespmem:s28+$0xFFFFFCC0];
	v43 =	vmul.f32 v23, v18;
	v23 =	vadd.f32 v21, v19;
	v45 =	vadd.f32 v22, v19  }
0x277: {  	v44 =	vmul.f32 v44, v18;
	v62 =	vadd.f32 v46, v19;
	v27 =	vadd.f32 v27, v19  }
0x278: {  	v21 =	vadd.f32 v33, v29;
	v29 =	vld [tilespmem:s28+$0xFFFFFCB0];
	v22 =	vadd.f32 v36, v30;
	v30 =	vmul.f32 v31, v18  }
0x279: {  	v23 =	vadd.f32 v37, v23;
	v24 =	vadd.f32 v39, v45;
	v37 =	vmul.f32 v60, v17  }
0x27a: {  	v31 =	vadd.f32 v43, v19;
	v39 =	vld [tilespmem:s28+$0xFFFFFCD0];
	v32 =	vadd.f32 v41, v62;
	v45 =	vmul.f32 v47, v18  }
0x27b: {  	v42 =	vld [tilespmem:s28+$0xFFFFFCE0];
	v33 =	vadd.f32 v25, v27;
	v47 =	vadd.f32 v44, v19;
	v44 =	vmul.f32 v61, v18  }
0x27c: {  	v36 =	vimm.f32 $0.0e+00;
	v30 =	vadd.f32 v30, v19;
	v31 =	vadd.f32 v40, v31;
	v40 =	vld [tilespmem:s28+$0xFFFFFCF0]  }
0x27d: {  	v41 =	vld [tilespmem:s28+$0xE0];
	v27 =	vimm.f32 $0.0e+00;
	v25 =	vimm.f32 $0.0e+00;
	v46 =	vmul.f32 v29, v18  }
0x27e: {  	s30 =	simm.s32 $0x11130;
	s29 =	simm.s32 $0x0;
	v43 =	vld [tilespmem:s28+$0xF0];
	v26 =	vadd.f32 v26, v30;
	v29 =	vimm.f32 $0.0e+00;
	v30 =	vimm.f32 $0.0e+00  }
.LBB2_19:
0x27f: {  	v49 =	vld [tilespmem:s30+$0x0];
	v19 =	vadd.f32 v45, v19;
	v36 =	vadd.f32 v46, v36;
	v39 =	vmul.f32 v39, v18;
	s28 =	sadd.s32 $0x800, s28  }
0x280: {  	v45 =	vld [tilespmem:s28+$0x0];
	v42 =	vmul.f32 v42, v18;
	v48 =	vadd.f32 v38, v48;
	v47 =	vadd.f32 v35, v47  }
0x281: {  	v35 =	vld [tilespmem:s28+$0x10];
	v18 =	vmul.f32 v40, v18;
	v19 =	vadd.f32 v34, v19;
	v36 =	vadd.f32 v28, v36  }
0x282: {  	v29 =	vadd.f32 v44, v29;
	v30 =	vadd.f32 v39, v30;
	v28 =	vld [tilespmem:s28+$0x20];
	v34 =	vmul.f32 v41, v17  }
0x283: {  	v27 =	vadd.f32 v42, v27;
	v38 =	vld [tilespmem:s28+$0x30];
	v18 =	vadd.f32 v18, v25;
	v25 =	vmul.f32 v43, v17  }
0x284: {  	v29 =	vadd.f32 v20, v29;
	v30 =	vadd.f32 v37, v30;
	v39 =	vld [tilespmem:s28+$0x40];
	v17 =	vmov v49  }
0x285: {  	v27 =	vadd.f32 v34, v27;
	v20 =	vld [tilespmem:s28+$0x50];
	v25 =	vadd.f32 v25, v18  }
0x286: {  	v34 =	vld [tilespmem:s28+$0x60]  }
0x287: {  	v37 =	vld [tilespmem:s28+$0x70]  }
0x288: {  	v40 =	vld [tilespmem:s28+$0x80]  }
0x289: {  	v41 =	vld [tilespmem:s28+$0x90]  }
0x28a: {  	v42 =	vld [tilespmem:s28+$0xA0]  }
0x28b: {  	v43 =	vld [tilespmem:s28+$0xB0]  }
0x28c: {  	v44 =	vld [tilespmem:s28+$0xC0]  }
0x28d: {  	v46 =	vld [tilespmem:s28+$0xD0]  }
0x28e: {  	v18 =	vld [tilespmem:s30+$0xFFFFFFF0]  }
0x28f: {  	v45 =	vmul.f32 v45, v17;
	v50 =	vmul.f32 v35, v17;
	v49 =	vld [tilespmem:s28+$0xFFFFFC00]  }
0x290: {  	v52 =	vmul.f32 v28, v17;
	v53 =	vmul.f32 v38, v17;
	v51 =	vld [tilespmem:s28+$0xFFFFFC10]  }
0x291: {  	v55 =	vmul.f32 v39, v17;
	v56 =	vmul.f32 v20, v17;
	v54 =	vld [tilespmem:s28+$0xFFFFFC20]  }
0x292: {  	v57 =	vmul.f32 v34, v17;
	v58 =	vmul.f32 v37, v17;
	v39 =	vld [tilespmem:s28+$0xFFFFFC30]  }
0x293: {  	v38 =	vmul.f32 v40, v17;
	v35 =	vmul.f32 v41, v17;
	v59 =	vld [tilespmem:s28+$0xFFFFFC40]  }
0x294: {  	v34 =	vmul.f32 v42, v17;
	v28 =	vmul.f32 v43, v17;
	v40 =	vld [tilespmem:s28+$0xFFFFFC50]  }
0x295: {  	v20 =	vmul.f32 v44, v17;
	v37 =	vmul.f32 v46, v17;
	v41 =	vld [tilespmem:s28+$0xFFFFFC60]  }
0x296: {  	v42 =	vmul.f32 v49, v18;
	v43 =	vmul.f32 v51, v18;
	v44 =	vld [tilespmem:s28+$0xFFFFFC70]  }
0x297: {  	v46 =	vmul.f32 v54, v18;
	v39 =	vmul.f32 v39, v18;
	v49 =	vld [tilespmem:s28+$0xFFFFFC80]  }
0x298: {  	v21 =	vadd.f32 v42, v21;
	v22 =	vadd.f32 v43, v22;
	v42 =	vmul.f32 v59, v18;
	v43 =	vld [tilespmem:s28+$0xFFFFFC90]  }
0x299: {  	v23 =	vadd.f32 v46, v23;
	v24 =	vadd.f32 v39, v24;
	v39 =	vmul.f32 v40, v18;
	v40 =	vld [tilespmem:s28+$0xFFFFFCA0]  }
0x29a: {  	s29 =	sadd.s32 $0x2, s29;
	v21 =	vadd.f32 v45, v21;
	v22 =	vadd.f32 v50, v22;
	v41 =	vmul.f32 v41, v18;
	v46 =	vld [tilespmem:s28+$0xFFFFFCB0]  }
0x29b: {  	p0 =	slt.u32 s29, $0x18;
	v23 =	vadd.f32 v52, v23;
	v44 =	vmul.f32 v44, v18;
	v50 =	vld [tilespmem:s28+$0xFFFFFCC0];
	v24 =	vadd.f32 v53, v24  }
.Ltmp8:
0x29c: {  	v31 =	vadd.f32 v42, v31;
	v32 =	vadd.f32 v39, v32;
	v49 =	vmul.f32 v49, v18;
	v39 =	vld [tilespmem:s28+$0xFFFFFCD0];
	(pc) =	sbr.rel @p0 .LBB2_19-.Ltmp8, $4  }
0x29d: {  	v33 =	vadd.f32 v41, v33;
	v26 =	vadd.f32 v44, v26;
	v43 =	vmul.f32 v43, v18;
	v42 =	vld [tilespmem:s28+$0xFFFFFCE0]  }
0x29e: {  	v31 =	vadd.f32 v55, v31;
	v32 =	vadd.f32 v56, v32;
	v45 =	vmul.f32 v40, v18;
	v40 =	vld [tilespmem:s28+$0xFFFFFCF0]  }
0x29f: {  	v33 =	vadd.f32 v57, v33;
	v46 =	vmul.f32 v46, v18;
	v26 =	vadd.f32 v58, v26;
	v41 =	vld [tilespmem:s28+$0xE0]  }
0x2a0: {  	s30 =	sadd.s32 $0x20, s30;
	v48 =	vadd.f32 v49, v48;
	v47 =	vadd.f32 v43, v47;
	v44 =	vmul.f32 v50, v18;
	v43 =	vld [tilespmem:s28+$0xF0]  }
0x2a1: {  	[tilespmem:$0x112B0] =	vst v21  }
0x2a2: {  	[tilespmem:$0x112C0] =	vst v22  }
0x2a3: {  	[tilespmem:$0x112D0] =	vst v23  }
0x2a4: {  	[tilespmem:$0x112E0] =	vst v24  }
0x2a5: {  	[tilespmem:$0x112F0] =	vst v31  }
0x2a6: {  	[tilespmem:$0x11300] =	vst v32  }
0x2a7: {  	v19 =	vadd.f32 v45, v19;
	[tilespmem:$0x11310] =	vst v33;
	v21 =	vadd.f32 v38, v48  }
0x2a8: {  	v22 =	vadd.f32 v46, v36;
	v23 =	vmul.f32 v39, v18;
	[tilespmem:$0x11320] =	vst v26;
	v24 =	vadd.f32 v35, v47  }
0x2a9: {  	v26 =	vmul.f32 v42, v18;
	v29 =	vadd.f32 v44, v29;
	v19 =	vadd.f32 v34, v19;
	[tilespmem:$0x11330] =	vst v21  }
0x2aa: {  	v18 =	vmul.f32 v40, v18;
	v21 =	vadd.f32 v28, v22;
	v22 =	vadd.f32 v23, v30;
	[tilespmem:$0x11340] =	vst v24  }
0x2ab: {  	v23 =	vmul.f32 v41, v17;
	v24 =	vadd.f32 v26, v27;
	v20 =	vadd.f32 v20, v29;
	[tilespmem:$0x11350] =	vst v19  }
0x2ac: {  	v18 =	vadd.f32 v18, v25;
	v17 =	vmul.f32 v43, v17;
	v19 =	vadd.f32 v37, v22;
	[tilespmem:$0x11360] =	vst v21  }
0x2ad: {  	v21 =	vadd.f32 v23, v24;
	[tilespmem:$0x11370] =	vst v20  }
0x2ae: {  	v17 =	vadd.f32 v17, v18;
	[tilespmem:$0x11380] =	vst v19  }
0x2af: {  	[tilespmem:$0x11390] =	vst v21  }
0x2b0: {  	[tilespmem:$0x113A0] =	vst v17  }
0x2b1: {  	v17 =	vld.idx.msk [tilespmem:v0+s18+$0x0], $0xffff  }
0x2b2: {  	v18 =	vld.idx.msk [tilespmem:v1+s18+$0x0], $0xffff  }
0x2b3: {  	v19 =	vld.idx.msk [tilespmem:v2+s18+$0x0], $0xffff  }
0x2b4: {  	v20 =	vld.idx.msk [tilespmem:v3+s18+$0x0], $0xffff  }
0x2b5: {  	v21 =	vld.idx.msk [tilespmem:v4+s18+$0x0], $0xffff  }
0x2b6: {  	v22 =	vld.idx.msk [tilespmem:v5+s18+$0x0], $0xffff  }
0x2b7: {  	v23 =	vld.idx.msk [tilespmem:v6+s18+$0x0], $0xffff  }
0x2b8: {  	v24 =	vld.idx.msk [tilespmem:v7+s18+$0x0], $0xffff  }
0x2b9: {  	v25 =	vld.idx.msk [tilespmem:v8+s18+$0x0], $0xffff  }
0x2ba: {  	v26 =	vld.idx.msk [tilespmem:v9+s18+$0x0], $0xffff  }
0x2bb: {  	v27 =	vld.idx.msk [tilespmem:v12+s18+$0x0], $0xffff  }
0x2bc: {  	v28 =	vld.idx.msk [tilespmem:v13+s18+$0x0], $0xffff  }
0x2bd: {  	v29 =	vld.idx.msk [tilespmem:v10+s18+$0x0], $0xffff  }
0x2be: {  	v30 =	vld.idx.msk [tilespmem:v14+s18+$0x0], $0xffff  }
0x2bf: {  	v31 =	vld.idx.msk [tilespmem:v11+s18+$0x0], $0xffff  }
0x2c0: {  	v17 =	vadd.f32 v18, v17;
	v18 =	vadd.f32 v22, v21;
	v21 =	vld.idx.msk [tilespmem:v15+s18+$0x0], $0xffff  }
0x2c1: {  	v22 =	vadd.f32 v26, v25;
	v25 =	vadd.f32 v28, v27  }
0x2c2: {  	v17 =	vadd.f32 v19, v17;
	v18 =	vadd.f32 v23, v18  }
0x2c3: {  	v19 =	vadd.f32 v29, v22;
	v22 =	vadd.f32 v30, v25  }
0x2c4: {  	v17 =	vadd.f32 v20, v17;
	v18 =	vadd.f32 v24, v18  }
0x2c5: {  	v19 =	vadd.f32 v31, v19;
	v20 =	vadd.f32 v21, v22;
	_ =	sdelay $0x1  }
0x2c6: {  	v17 =	vadd.f32 v18, v17;
	v18 =	vadd.f32 v20, v19;
	_ =	sdelay $0x1  }
0x2c7: {  	v17 =	vadd.f32 v18, v17;
	_ =	sdelay $0x1  }
0x2c8: {  	v17 =	vadd.f32 v17, v16  }
0x2c9: {  	s26 =	sshra.s32 s26, $0x2  }
0x2ca: {  	s29 =	simm.s32 $0x11110;
	[tilespmem:s26+$0x113B0] =	vst v17  }
0x2cb: {  	s28 =	simm.s32 $0xAE00;
	v17 =	vld [tilespmem:s29+$0x0]  }
0x2cc: {  	v19 =	vld [tilespmem:s28+$0x0]  }
0x2cd: {  	v20 =	vld [tilespmem:s28+$0x10]  }
0x2ce: {  	v21 =	vld [tilespmem:s28+$0x20]  }
0x2cf: {  	v22 =	vld [tilespmem:s28+$0x30]  }
0x2d0: {  	v23 =	vld [tilespmem:s28+$0x40]  }
0x2d1: {  	v24 =	vld [tilespmem:s28+$0x50]  }
0x2d2: {  	v25 =	vld [tilespmem:s28+$0x60]  }
0x2d3: {  	v26 =	vld [tilespmem:s28+$0x70]  }
0x2d4: {  	v27 =	vld [tilespmem:s28+$0x80]  }
0x2d5: {  	v28 =	vld [tilespmem:s28+$0x90]  }
0x2d6: {  	v29 =	vld [tilespmem:s28+$0xA0]  }
0x2d7: {  	v30 =	vld [tilespmem:s28+$0xB0]  }
0x2d8: {  	v31 =	vld [tilespmem:s28+$0xC0]  }
0x2d9: {  	v18 =	vld [tilespmem:s29+$0xFFFFFFF0]  }
0x2da: {  	v32 =	vld [tilespmem:s28+$0xFFFFFC00]  }
0x2db: {  	v57 =	vld [tilespmem:s28+$0xFFFFFC90];
	v48 =	vmul.f32 v19, v17  }
0x2dc: {  	v49 =	vmul.f32 v20, v17;
	v19 =	vld [tilespmem:s28+$0xFFFFFC10];
	v50 =	vmul.f32 v21, v17  }
0x2dd: {  	v51 =	vmul.f32 v22, v17;
	v21 =	vld [tilespmem:s28+$0xFFFFFC20];
	v52 =	vmul.f32 v23, v17  }
0x2de: {  	v53 =	vmul.f32 v24, v17;
	v22 =	vld [tilespmem:s28+$0xFFFFFC30];
	v25 =	vmul.f32 v25, v17  }
0x2df: {  	v26 =	vmul.f32 v26, v17;
	v23 =	vld [tilespmem:s28+$0xFFFFFC40];
	v38 =	vmul.f32 v27, v17  }
0x2e0: {  	v35 =	vmul.f32 v28, v17;
	v24 =	vld [tilespmem:s28+$0xFFFFFC50];
	v34 =	vmul.f32 v29, v17  }
0x2e1: {  	v28 =	vmul.f32 v30, v17;
	v27 =	vld [tilespmem:s28+$0xFFFFFC60];
	v20 =	vmul.f32 v31, v17  }
0x2e2: {  	v55 =	vld [tilespmem:s28+$0xFFFFFC80];
	v29 =	vmul.f32 v32, v18;
	v44 =	vmul.f32 v57, v18  }
0x2e3: {  	v36 =	vimm.f32 $0.0e+00;
	v54 =	vld [tilespmem:s28+$0xD0];
	v30 =	vmul.f32 v19, v18;
	v21 =	vmul.f32 v21, v18  }
0x2e4: {  	v60 =	vld [tilespmem:s28+$0xFFFFFCA0];
	v19 =	vimm.f32 $0.0e+00;
	v22 =	vmul.f32 v22, v18;
	v56 =	vmul.f32 v23, v18  }
0x2e5: {  	v31 =	vld [tilespmem:s28+$0xFFFFFC70];
	v59 =	vmul.f32 v24, v18;
	v29 =	vadd.f32 v29, v19;
	v47 =	vadd.f32 v44, v19  }
0x2e6: {  	v61 =	vld [tilespmem:s28+$0xFFFFFCC0];
	v27 =	vmul.f32 v27, v18;
	v30 =	vadd.f32 v30, v19;
	v23 =	vadd.f32 v21, v19  }
0x2e7: {  	v63 =	vmul.f32 v55, v18;
	v58 =	vadd.f32 v22, v19;
	v62 =	vadd.f32 v59, v19  }
0x2e8: {  	v37 =	vmul.f32 v54, v17;
	v27 =	vadd.f32 v27, v19;
	v21 =	vadd.f32 v48, v29;
	v29 =	vld [tilespmem:s28+$0xFFFFFCB0]  }
0x2e9: {  	v45 =	vmul.f32 v60, v18;
	v48 =	vadd.f32 v63, v19;
	v22 =	vadd.f32 v49, v30  }
0x2ea: {  	v39 =	vld [tilespmem:s28+$0xFFFFFCD0];
	v30 =	vmul.f32 v31, v18;
	v23 =	vadd.f32 v50, v23;
	v24 =	vadd.f32 v51, v58  }
0x2eb: {  	v42 =	vld [tilespmem:s28+$0xFFFFFCE0];
	v44 =	vmul.f32 v61, v18;
	v31 =	vadd.f32 v56, v19;
	v32 =	vadd.f32 v53, v62  }
0x2ec: {  	v40 =	vld [tilespmem:s28+$0xFFFFFCF0];
	v33 =	vadd.f32 v25, v27;
	v27 =	vimm.f32 $0.0e+00;
	v30 =	vadd.f32 v30, v19  }
0x2ed: {  	v41 =	vld [tilespmem:s28+$0xE0];
	v25 =	vimm.f32 $0.0e+00;
	v31 =	vadd.f32 v52, v31;
	v46 =	vmul.f32 v29, v18  }
0x2ee: {  	s30 =	simm.s32 $0x11130;
	s29 =	simm.s32 $0x0;
	v43 =	vld [tilespmem:s28+$0xF0];
	v26 =	vadd.f32 v26, v30;
	v29 =	vimm.f32 $0.0e+00;
	v30 =	vimm.f32 $0.0e+00  }
.LBB2_21:
0x2ef: {  	v49 =	vld [tilespmem:s30+$0x0];
	v19 =	vadd.f32 v45, v19;
	v36 =	vadd.f32 v46, v36;
	v39 =	vmul.f32 v39, v18;
	s28 =	sadd.s32 $0x800, s28  }
0x2f0: {  	v45 =	vld [tilespmem:s28+$0x0];
	v42 =	vmul.f32 v42, v18;
	v48 =	vadd.f32 v38, v48;
	v47 =	vadd.f32 v35, v47  }
0x2f1: {  	v35 =	vld [tilespmem:s28+$0x10];
	v18 =	vmul.f32 v40, v18;
	v19 =	vadd.f32 v34, v19;
	v36 =	vadd.f32 v28, v36  }
0x2f2: {  	v29 =	vadd.f32 v44, v29;
	v30 =	vadd.f32 v39, v30;
	v28 =	vld [tilespmem:s28+$0x20];
	v34 =	vmul.f32 v41, v17  }
0x2f3: {  	v27 =	vadd.f32 v42, v27;
	v38 =	vld [tilespmem:s28+$0x30];
	v18 =	vadd.f32 v18, v25;
	v25 =	vmul.f32 v43, v17  }
0x2f4: {  	v29 =	vadd.f32 v20, v29;
	v30 =	vadd.f32 v37, v30;
	v39 =	vld [tilespmem:s28+$0x40];
	v17 =	vmov v49  }
0x2f5: {  	v27 =	vadd.f32 v34, v27;
	v20 =	vld [tilespmem:s28+$0x50];
	v25 =	vadd.f32 v25, v18  }
0x2f6: {  	v34 =	vld [tilespmem:s28+$0x60]  }
0x2f7: {  	v37 =	vld [tilespmem:s28+$0x70]  }
0x2f8: {  	v40 =	vld [tilespmem:s28+$0x80]  }
0x2f9: {  	v41 =	vld [tilespmem:s28+$0x90]  }
0x2fa: {  	v42 =	vld [tilespmem:s28+$0xA0]  }
0x2fb: {  	v43 =	vld [tilespmem:s28+$0xB0]  }
0x2fc: {  	v44 =	vld [tilespmem:s28+$0xC0]  }
0x2fd: {  	v46 =	vld [tilespmem:s28+$0xD0]  }
0x2fe: {  	v18 =	vld [tilespmem:s30+$0xFFFFFFF0]  }
0x2ff: {  	v45 =	vmul.f32 v45, v17;
	v50 =	vmul.f32 v35, v17;
	v49 =	vld [tilespmem:s28+$0xFFFFFC00]  }
0x300: {  	v52 =	vmul.f32 v28, v17;
	v53 =	vmul.f32 v38, v17;
	v51 =	vld [tilespmem:s28+$0xFFFFFC10]  }
0x301: {  	v55 =	vmul.f32 v39, v17;
	v56 =	vmul.f32 v20, v17;
	v54 =	vld [tilespmem:s28+$0xFFFFFC20]  }
0x302: {  	v57 =	vmul.f32 v34, v17;
	v58 =	vmul.f32 v37, v17;
	v39 =	vld [tilespmem:s28+$0xFFFFFC30]  }
0x303: {  	v38 =	vmul.f32 v40, v17;
	v35 =	vmul.f32 v41, v17;
	v59 =	vld [tilespmem:s28+$0xFFFFFC40]  }
0x304: {  	v34 =	vmul.f32 v42, v17;
	v28 =	vmul.f32 v43, v17;
	v40 =	vld [tilespmem:s28+$0xFFFFFC50]  }
0x305: {  	v20 =	vmul.f32 v44, v17;
	v37 =	vmul.f32 v46, v17;
	v41 =	vld [tilespmem:s28+$0xFFFFFC60]  }
0x306: {  	v42 =	vmul.f32 v49, v18;
	v43 =	vmul.f32 v51, v18;
	v44 =	vld [tilespmem:s28+$0xFFFFFC70]  }
0x307: {  	v46 =	vmul.f32 v54, v18;
	v39 =	vmul.f32 v39, v18;
	v49 =	vld [tilespmem:s28+$0xFFFFFC80]  }
0x308: {  	v21 =	vadd.f32 v42, v21;
	v22 =	vadd.f32 v43, v22;
	v42 =	vmul.f32 v59, v18;
	v43 =	vld [tilespmem:s28+$0xFFFFFC90]  }
0x309: {  	v23 =	vadd.f32 v46, v23;
	v24 =	vadd.f32 v39, v24;
	v39 =	vmul.f32 v40, v18;
	v40 =	vld [tilespmem:s28+$0xFFFFFCA0]  }
0x30a: {  	s29 =	sadd.s32 $0x2, s29;
	v21 =	vadd.f32 v45, v21;
	v22 =	vadd.f32 v50, v22;
	v41 =	vmul.f32 v41, v18;
	v46 =	vld [tilespmem:s28+$0xFFFFFCB0]  }
0x30b: {  	p0 =	slt.u32 s29, $0x18;
	v23 =	vadd.f32 v52, v23;
	v44 =	vmul.f32 v44, v18;
	v50 =	vld [tilespmem:s28+$0xFFFFFCC0];
	v24 =	vadd.f32 v53, v24  }
.Ltmp9:
0x30c: {  	v31 =	vadd.f32 v42, v31;
	v32 =	vadd.f32 v39, v32;
	v49 =	vmul.f32 v49, v18;
	v39 =	vld [tilespmem:s28+$0xFFFFFCD0];
	(pc) =	sbr.rel @p0 .LBB2_21-.Ltmp9, $4  }
0x30d: {  	v33 =	vadd.f32 v41, v33;
	v26 =	vadd.f32 v44, v26;
	v43 =	vmul.f32 v43, v18;
	v42 =	vld [tilespmem:s28+$0xFFFFFCE0]  }
0x30e: {  	v31 =	vadd.f32 v55, v31;
	v32 =	vadd.f32 v56, v32;
	v45 =	vmul.f32 v40, v18;
	v40 =	vld [tilespmem:s28+$0xFFFFFCF0]  }
0x30f: {  	v33 =	vadd.f32 v57, v33;
	v46 =	vmul.f32 v46, v18;
	v26 =	vadd.f32 v58, v26;
	v41 =	vld [tilespmem:s28+$0xE0]  }
0x310: {  	s30 =	sadd.s32 $0x20, s30;
	v48 =	vadd.f32 v49, v48;
	v47 =	vadd.f32 v43, v47;
	v44 =	vmul.f32 v50, v18;
	v43 =	vld [tilespmem:s28+$0xF0]  }
0x311: {  	[tilespmem:$0x112B0] =	vst v21  }
0x312: {  	[tilespmem:$0x112C0] =	vst v22  }
0x313: {  	[tilespmem:$0x112D0] =	vst v23  }
0x314: {  	[tilespmem:$0x112E0] =	vst v24  }
0x315: {  	[tilespmem:$0x112F0] =	vst v31  }
0x316: {  	[tilespmem:$0x11300] =	vst v32  }
0x317: {  	v19 =	vadd.f32 v45, v19;
	[tilespmem:$0x11310] =	vst v33;
	v21 =	vadd.f32 v38, v48  }
0x318: {  	v22 =	vadd.f32 v46, v36;
	v23 =	vmul.f32 v39, v18;
	[tilespmem:$0x11320] =	vst v26;
	v24 =	vadd.f32 v35, v47  }
0x319: {  	v26 =	vmul.f32 v42, v18;
	v29 =	vadd.f32 v44, v29;
	v19 =	vadd.f32 v34, v19;
	[tilespmem:$0x11330] =	vst v21  }
0x31a: {  	v18 =	vmul.f32 v40, v18;
	v21 =	vadd.f32 v28, v22;
	v22 =	vadd.f32 v23, v30;
	[tilespmem:$0x11340] =	vst v24  }
0x31b: {  	v23 =	vmul.f32 v41, v17;
	v24 =	vadd.f32 v26, v27;
	v20 =	vadd.f32 v20, v29;
	[tilespmem:$0x11350] =	vst v19  }
0x31c: {  	v18 =	vadd.f32 v18, v25;
	v17 =	vmul.f32 v43, v17;
	v19 =	vadd.f32 v37, v22;
	[tilespmem:$0x11360] =	vst v21  }
0x31d: {  	v21 =	vadd.f32 v23, v24;
	[tilespmem:$0x11370] =	vst v20  }
0x31e: {  	v17 =	vadd.f32 v17, v18;
	[tilespmem:$0x11380] =	vst v19  }
0x31f: {  	[tilespmem:$0x11390] =	vst v21  }
0x320: {  	[tilespmem:$0x113A0] =	vst v17  }
0x321: {  	v17 =	vld.idx.msk [tilespmem:v0+s18+$0x0], $0xffff  }
0x322: {  	v18 =	vld.idx.msk [tilespmem:v1+s18+$0x0], $0xffff  }
0x323: {  	v19 =	vld.idx.msk [tilespmem:v2+s18+$0x0], $0xffff  }
0x324: {  	v20 =	vld.idx.msk [tilespmem:v3+s18+$0x0], $0xffff  }
0x325: {  	v21 =	vld.idx.msk [tilespmem:v4+s18+$0x0], $0xffff  }
0x326: {  	v22 =	vld.idx.msk [tilespmem:v5+s18+$0x0], $0xffff  }
0x327: {  	v23 =	vld.idx.msk [tilespmem:v6+s18+$0x0], $0xffff  }
0x328: {  	v24 =	vld.idx.msk [tilespmem:v7+s18+$0x0], $0xffff  }
0x329: {  	v25 =	vld.idx.msk [tilespmem:v8+s18+$0x0], $0xffff  }
0x32a: {  	v26 =	vld.idx.msk [tilespmem:v9+s18+$0x0], $0xffff  }
0x32b: {  	v27 =	vld.idx.msk [tilespmem:v12+s18+$0x0], $0xffff  }
0x32c: {  	v28 =	vld.idx.msk [tilespmem:v13+s18+$0x0], $0xffff  }
0x32d: {  	v29 =	vld.idx.msk [tilespmem:v10+s18+$0x0], $0xffff  }
0x32e: {  	v30 =	vld.idx.msk [tilespmem:v14+s18+$0x0], $0xffff  }
0x32f: {  	v31 =	vld.idx.msk [tilespmem:v11+s18+$0x0], $0xffff  }
0x330: {  	v17 =	vadd.f32 v18, v17;
	v18 =	vadd.f32 v22, v21;
	v21 =	vld.idx.msk [tilespmem:v15+s18+$0x0], $0xffff  }
0x331: {  	v22 =	vadd.f32 v26, v25;
	v25 =	vadd.f32 v28, v27  }
0x332: {  	v17 =	vadd.f32 v19, v17;
	v18 =	vadd.f32 v23, v18  }
0x333: {  	v19 =	vadd.f32 v29, v22;
	v22 =	vadd.f32 v30, v25  }
0x334: {  	v17 =	vadd.f32 v20, v17;
	v18 =	vadd.f32 v24, v18  }
0x335: {  	v19 =	vadd.f32 v31, v19;
	v20 =	vadd.f32 v21, v22;
	_ =	sdelay $0x1  }
0x336: {  	v17 =	vadd.f32 v18, v17;
	v18 =	vadd.f32 v20, v19;
	_ =	sdelay $0x1  }
0x337: {  	v17 =	vadd.f32 v18, v17;
	_ =	sdelay $0x1  }
0x338: {  	v17 =	vadd.f32 v17, v16;
	_ =	sdelay $0x1  }
0x339: {  	s29 =	simm.s32 $0x11110;
	[tilespmem:s26+$0x113C0] =	vst v17  }
0x33a: {  	s28 =	simm.s32 $0xAF00;
	v17 =	vld [tilespmem:s29+$0x0]  }
0x33b: {  	v19 =	vld [tilespmem:s28+$0x0]  }
0x33c: {  	v20 =	vld [tilespmem:s28+$0x10]  }
0x33d: {  	v21 =	vld [tilespmem:s28+$0x20]  }
0x33e: {  	v22 =	vld [tilespmem:s28+$0x30]  }
0x33f: {  	v23 =	vld [tilespmem:s28+$0x40]  }
0x340: {  	v24 =	vld [tilespmem:s28+$0x50]  }
0x341: {  	v25 =	vld [tilespmem:s28+$0x60]  }
0x342: {  	v26 =	vld [tilespmem:s28+$0x70]  }
0x343: {  	v27 =	vld [tilespmem:s28+$0x80]  }
0x344: {  	v28 =	vld [tilespmem:s28+$0x90]  }
0x345: {  	v29 =	vld [tilespmem:s28+$0xA0]  }
0x346: {  	v30 =	vld [tilespmem:s28+$0xB0]  }
0x347: {  	v31 =	vld [tilespmem:s28+$0xC0]  }
0x348: {  	v18 =	vld [tilespmem:s29+$0xFFFFFFF0]  }
0x349: {  	v32 =	vld [tilespmem:s28+$0xFFFFFC00]  }
0x34a: {  	v57 =	vld [tilespmem:s28+$0xFFFFFC90];
	v48 =	vmul.f32 v19, v17  }
0x34b: {  	v49 =	vmul.f32 v20, v17;
	v19 =	vld [tilespmem:s28+$0xFFFFFC10];
	v50 =	vmul.f32 v21, v17  }
0x34c: {  	v51 =	vmul.f32 v22, v17;
	v21 =	vld [tilespmem:s28+$0xFFFFFC20];
	v52 =	vmul.f32 v23, v17  }
0x34d: {  	v53 =	vmul.f32 v24, v17;
	v22 =	vld [tilespmem:s28+$0xFFFFFC30];
	v25 =	vmul.f32 v25, v17  }
0x34e: {  	v26 =	vmul.f32 v26, v17;
	v23 =	vld [tilespmem:s28+$0xFFFFFC40];
	v38 =	vmul.f32 v27, v17  }
0x34f: {  	v35 =	vmul.f32 v28, v17;
	v24 =	vld [tilespmem:s28+$0xFFFFFC50];
	v34 =	vmul.f32 v29, v17  }
0x350: {  	v28 =	vmul.f32 v30, v17;
	v27 =	vld [tilespmem:s28+$0xFFFFFC60];
	v20 =	vmul.f32 v31, v17  }
0x351: {  	v55 =	vld [tilespmem:s28+$0xFFFFFC80];
	v29 =	vmul.f32 v32, v18;
	v44 =	vmul.f32 v57, v18  }
0x352: {  	v36 =	vimm.f32 $0.0e+00;
	v54 =	vld [tilespmem:s28+$0xD0];
	v30 =	vmul.f32 v19, v18;
	v21 =	vmul.f32 v21, v18  }
0x353: {  	v60 =	vld [tilespmem:s28+$0xFFFFFCA0];
	v19 =	vimm.f32 $0.0e+00;
	v22 =	vmul.f32 v22, v18;
	v56 =	vmul.f32 v23, v18  }
0x354: {  	v31 =	vld [tilespmem:s28+$0xFFFFFC70];
	v59 =	vmul.f32 v24, v18;
	v29 =	vadd.f32 v29, v19;
	v47 =	vadd.f32 v44, v19  }
0x355: {  	v61 =	vld [tilespmem:s28+$0xFFFFFCC0];
	v27 =	vmul.f32 v27, v18;
	v30 =	vadd.f32 v30, v19;
	v23 =	vadd.f32 v21, v19  }
0x356: {  	v63 =	vmul.f32 v55, v18;
	v58 =	vadd.f32 v22, v19;
	v62 =	vadd.f32 v59, v19  }
0x357: {  	v37 =	vmul.f32 v54, v17;
	v27 =	vadd.f32 v27, v19;
	v21 =	vadd.f32 v48, v29;
	v29 =	vld [tilespmem:s28+$0xFFFFFCB0]  }
0x358: {  	v45 =	vmul.f32 v60, v18;
	v48 =	vadd.f32 v63, v19;
	v22 =	vadd.f32 v49, v30  }
0x359: {  	v39 =	vld [tilespmem:s28+$0xFFFFFCD0];
	v30 =	vmul.f32 v31, v18;
	v23 =	vadd.f32 v50, v23;
	v24 =	vadd.f32 v51, v58  }
0x35a: {  	v42 =	vld [tilespmem:s28+$0xFFFFFCE0];
	v44 =	vmul.f32 v61, v18;
	v31 =	vadd.f32 v56, v19;
	v32 =	vadd.f32 v53, v62  }
0x35b: {  	v40 =	vld [tilespmem:s28+$0xFFFFFCF0];
	v33 =	vadd.f32 v25, v27;
	v27 =	vimm.f32 $0.0e+00;
	v30 =	vadd.f32 v30, v19  }
0x35c: {  	v41 =	vld [tilespmem:s28+$0xE0];
	v25 =	vimm.f32 $0.0e+00;
	v31 =	vadd.f32 v52, v31;
	v46 =	vmul.f32 v29, v18  }
0x35d: {  	s30 =	simm.s32 $0x11130;
	s29 =	simm.s32 $0x0;
	v43 =	vld [tilespmem:s28+$0xF0];
	v26 =	vadd.f32 v26, v30;
	v29 =	vimm.f32 $0.0e+00;
	v30 =	vimm.f32 $0.0e+00  }
.LBB2_23:
0x35e: {  	v49 =	vld [tilespmem:s30+$0x0];
	v19 =	vadd.f32 v45, v19;
	v36 =	vadd.f32 v46, v36;
	v39 =	vmul.f32 v39, v18;
	s28 =	sadd.s32 $0x800, s28  }
0x35f: {  	v45 =	vld [tilespmem:s28+$0x0];
	v42 =	vmul.f32 v42, v18;
	v48 =	vadd.f32 v38, v48;
	v47 =	vadd.f32 v35, v47  }
0x360: {  	v35 =	vld [tilespmem:s28+$0x10];
	v18 =	vmul.f32 v40, v18;
	v19 =	vadd.f32 v34, v19;
	v36 =	vadd.f32 v28, v36  }
0x361: {  	v29 =	vadd.f32 v44, v29;
	v30 =	vadd.f32 v39, v30;
	v28 =	vld [tilespmem:s28+$0x20];
	v34 =	vmul.f32 v41, v17  }
0x362: {  	v27 =	vadd.f32 v42, v27;
	v38 =	vld [tilespmem:s28+$0x30];
	v18 =	vadd.f32 v18, v25;
	v25 =	vmul.f32 v43, v17  }
0x363: {  	v29 =	vadd.f32 v20, v29;
	v30 =	vadd.f32 v37, v30;
	v39 =	vld [tilespmem:s28+$0x40];
	v17 =	vmov v49  }
0x364: {  	v27 =	vadd.f32 v34, v27;
	v20 =	vld [tilespmem:s28+$0x50];
	v25 =	vadd.f32 v25, v18  }
0x365: {  	v34 =	vld [tilespmem:s28+$0x60]  }
0x366: {  	v37 =	vld [tilespmem:s28+$0x70]  }
0x367: {  	v40 =	vld [tilespmem:s28+$0x80]  }
0x368: {  	v41 =	vld [tilespmem:s28+$0x90]  }
0x369: {  	v42 =	vld [tilespmem:s28+$0xA0]  }
0x36a: {  	v43 =	vld [tilespmem:s28+$0xB0]  }
0x36b: {  	v44 =	vld [tilespmem:s28+$0xC0]  }
0x36c: {  	v46 =	vld [tilespmem:s28+$0xD0]  }
0x36d: {  	v18 =	vld [tilespmem:s30+$0xFFFFFFF0]  }
0x36e: {  	v45 =	vmul.f32 v45, v17;
	v50 =	vmul.f32 v35, v17;
	v49 =	vld [tilespmem:s28+$0xFFFFFC00]  }
0x36f: {  	v52 =	vmul.f32 v28, v17;
	v53 =	vmul.f32 v38, v17;
	v51 =	vld [tilespmem:s28+$0xFFFFFC10]  }
0x370: {  	v55 =	vmul.f32 v39, v17;
	v56 =	vmul.f32 v20, v17;
	v54 =	vld [tilespmem:s28+$0xFFFFFC20]  }
0x371: {  	v57 =	vmul.f32 v34, v17;
	v58 =	vmul.f32 v37, v17;
	v39 =	vld [tilespmem:s28+$0xFFFFFC30]  }
0x372: {  	v38 =	vmul.f32 v40, v17;
	v35 =	vmul.f32 v41, v17;
	v59 =	vld [tilespmem:s28+$0xFFFFFC40]  }
0x373: {  	v34 =	vmul.f32 v42, v17;
	v28 =	vmul.f32 v43, v17;
	v40 =	vld [tilespmem:s28+$0xFFFFFC50]  }
0x374: {  	v20 =	vmul.f32 v44, v17;
	v37 =	vmul.f32 v46, v17;
	v41 =	vld [tilespmem:s28+$0xFFFFFC60]  }
0x375: {  	v42 =	vmul.f32 v49, v18;
	v43 =	vmul.f32 v51, v18;
	v44 =	vld [tilespmem:s28+$0xFFFFFC70]  }
0x376: {  	v46 =	vmul.f32 v54, v18;
	v39 =	vmul.f32 v39, v18;
	v49 =	vld [tilespmem:s28+$0xFFFFFC80]  }
0x377: {  	v21 =	vadd.f32 v42, v21;
	v22 =	vadd.f32 v43, v22;
	v42 =	vmul.f32 v59, v18;
	v43 =	vld [tilespmem:s28+$0xFFFFFC90]  }
0x378: {  	v23 =	vadd.f32 v46, v23;
	v24 =	vadd.f32 v39, v24;
	v39 =	vmul.f32 v40, v18;
	v40 =	vld [tilespmem:s28+$0xFFFFFCA0]  }
0x379: {  	s29 =	sadd.s32 $0x2, s29;
	v21 =	vadd.f32 v45, v21;
	v22 =	vadd.f32 v50, v22;
	v41 =	vmul.f32 v41, v18;
	v46 =	vld [tilespmem:s28+$0xFFFFFCB0]  }
0x37a: {  	p0 =	slt.u32 s29, $0x18;
	v23 =	vadd.f32 v52, v23;
	v44 =	vmul.f32 v44, v18;
	v50 =	vld [tilespmem:s28+$0xFFFFFCC0];
	v24 =	vadd.f32 v53, v24  }
.Ltmp10:
0x37b: {  	v31 =	vadd.f32 v42, v31;
	v32 =	vadd.f32 v39, v32;
	v49 =	vmul.f32 v49, v18;
	v39 =	vld [tilespmem:s28+$0xFFFFFCD0];
	(pc) =	sbr.rel @p0 .LBB2_23-.Ltmp10, $4  }
0x37c: {  	v33 =	vadd.f32 v41, v33;
	v26 =	vadd.f32 v44, v26;
	v43 =	vmul.f32 v43, v18;
	v42 =	vld [tilespmem:s28+$0xFFFFFCE0]  }
0x37d: {  	v31 =	vadd.f32 v55, v31;
	v32 =	vadd.f32 v56, v32;
	v45 =	vmul.f32 v40, v18;
	v40 =	vld [tilespmem:s28+$0xFFFFFCF0]  }
0x37e: {  	v33 =	vadd.f32 v57, v33;
	v46 =	vmul.f32 v46, v18;
	v26 =	vadd.f32 v58, v26;
	v41 =	vld [tilespmem:s28+$0xE0]  }
0x37f: {  	s30 =	sadd.s32 $0x20, s30;
	v48 =	vadd.f32 v49, v48;
	v47 =	vadd.f32 v43, v47;
	v44 =	vmul.f32 v50, v18;
	v43 =	vld [tilespmem:s28+$0xF0]  }
0x380: {  	[tilespmem:$0x112B0] =	vst v21  }
0x381: {  	[tilespmem:$0x112C0] =	vst v22  }
0x382: {  	[tilespmem:$0x112D0] =	vst v23  }
0x383: {  	[tilespmem:$0x112E0] =	vst v24  }
0x384: {  	[tilespmem:$0x112F0] =	vst v31  }
0x385: {  	[tilespmem:$0x11300] =	vst v32  }
0x386: {  	v19 =	vadd.f32 v45, v19;
	[tilespmem:$0x11310] =	vst v33;
	v21 =	vadd.f32 v38, v48  }
0x387: {  	v22 =	vadd.f32 v46, v36;
	v23 =	vmul.f32 v39, v18;
	[tilespmem:$0x11320] =	vst v26;
	v24 =	vadd.f32 v35, v47  }
0x388: {  	v26 =	vmul.f32 v42, v18;
	v29 =	vadd.f32 v44, v29;
	v19 =	vadd.f32 v34, v19;
	[tilespmem:$0x11330] =	vst v21  }
0x389: {  	v18 =	vmul.f32 v40, v18;
	v21 =	vadd.f32 v28, v22;
	v22 =	vadd.f32 v23, v30;
	[tilespmem:$0x11340] =	vst v24  }
0x38a: {  	v23 =	vmul.f32 v41, v17;
	v24 =	vadd.f32 v26, v27;
	v20 =	vadd.f32 v20, v29;
	[tilespmem:$0x11350] =	vst v19  }
0x38b: {  	v18 =	vadd.f32 v18, v25;
	v17 =	vmul.f32 v43, v17;
	v19 =	vadd.f32 v37, v22;
	[tilespmem:$0x11360] =	vst v21  }
0x38c: {  	v21 =	vadd.f32 v23, v24;
	[tilespmem:$0x11370] =	vst v20  }
0x38d: {  	v17 =	vadd.f32 v17, v18;
	[tilespmem:$0x11380] =	vst v19  }
0x38e: {  	[tilespmem:$0x11390] =	vst v21  }
0x38f: {  	[tilespmem:$0x113A0] =	vst v17  }
0x390: {  	v17 =	vld.idx.msk [tilespmem:v0+s18+$0x0], $0xffff  }
0x391: {  	v18 =	vld.idx.msk [tilespmem:v1+s18+$0x0], $0xffff  }
0x392: {  	v19 =	vld.idx.msk [tilespmem:v2+s18+$0x0], $0xffff  }
0x393: {  	v20 =	vld.idx.msk [tilespmem:v3+s18+$0x0], $0xffff  }
0x394: {  	v21 =	vld.idx.msk [tilespmem:v4+s18+$0x0], $0xffff  }
0x395: {  	v22 =	vld.idx.msk [tilespmem:v5+s18+$0x0], $0xffff  }
0x396: {  	v23 =	vld.idx.msk [tilespmem:v6+s18+$0x0], $0xffff  }
0x397: {  	v24 =	vld.idx.msk [tilespmem:v7+s18+$0x0], $0xffff  }
0x398: {  	v25 =	vld.idx.msk [tilespmem:v8+s18+$0x0], $0xffff  }
0x399: {  	v26 =	vld.idx.msk [tilespmem:v9+s18+$0x0], $0xffff  }
0x39a: {  	v27 =	vld.idx.msk [tilespmem:v12+s18+$0x0], $0xffff  }
0x39b: {  	v28 =	vld.idx.msk [tilespmem:v13+s18+$0x0], $0xffff  }
0x39c: {  	v29 =	vld.idx.msk [tilespmem:v10+s18+$0x0], $0xffff  }
0x39d: {  	v30 =	vld.idx.msk [tilespmem:v14+s18+$0x0], $0xffff  }
0x39e: {  	v31 =	vld.idx.msk [tilespmem:v11+s18+$0x0], $0xffff  }
0x39f: {  	v17 =	vadd.f32 v18, v17;
	v18 =	vadd.f32 v22, v21;
	v21 =	vld.idx.msk [tilespmem:v15+s18+$0x0], $0xffff  }
0x3a0: {  	v22 =	vadd.f32 v26, v25;
	v25 =	vadd.f32 v28, v27  }
0x3a1: {  	v17 =	vadd.f32 v19, v17;
	v18 =	vadd.f32 v23, v18  }
0x3a2: {  	v19 =	vadd.f32 v29, v22;
	v22 =	vadd.f32 v30, v25  }
0x3a3: {  	v17 =	vadd.f32 v20, v17;
	v18 =	vadd.f32 v24, v18  }
0x3a4: {  	v19 =	vadd.f32 v31, v19;
	v20 =	vadd.f32 v21, v22;
	_ =	sdelay $0x1  }
0x3a5: {  	v17 =	vadd.f32 v18, v17;
	v18 =	vadd.f32 v20, v19;
	_ =	sdelay $0x1  }
0x3a6: {  	v17 =	vadd.f32 v18, v17;
	_ =	sdelay $0x1  }
0x3a7: {  	v17 =	vadd.f32 v17, v16;
	_ =	sdelay $0x1  }
0x3a8: {  	s29 =	simm.s32 $0x11110;
	[tilespmem:s26+$0x113D0] =	vst v17  }
0x3a9: {  	s28 =	simm.s32 $0xB000;
	v17 =	vld [tilespmem:s29+$0x0]  }
0x3aa: {  	v19 =	vld [tilespmem:s28+$0x0]  }
0x3ab: {  	v20 =	vld [tilespmem:s28+$0x10]  }
0x3ac: {  	v21 =	vld [tilespmem:s28+$0x20]  }
0x3ad: {  	v22 =	vld [tilespmem:s28+$0x30]  }
0x3ae: {  	v23 =	vld [tilespmem:s28+$0x40]  }
0x3af: {  	v24 =	vld [tilespmem:s28+$0x50]  }
0x3b0: {  	v25 =	vld [tilespmem:s28+$0x60]  }
0x3b1: {  	v26 =	vld [tilespmem:s28+$0x70]  }
0x3b2: {  	v27 =	vld [tilespmem:s28+$0x80]  }
0x3b3: {  	v28 =	vld [tilespmem:s28+$0x90]  }
0x3b4: {  	v29 =	vld [tilespmem:s28+$0xA0]  }
0x3b5: {  	v30 =	vld [tilespmem:s28+$0xB0]  }
0x3b6: {  	v31 =	vld [tilespmem:s28+$0xC0]  }
0x3b7: {  	v18 =	vld [tilespmem:s29+$0xFFFFFFF0]  }
0x3b8: {  	v32 =	vld [tilespmem:s28+$0xFFFFFC00]  }
0x3b9: {  	v57 =	vld [tilespmem:s28+$0xFFFFFC90];
	v48 =	vmul.f32 v19, v17  }
0x3ba: {  	v49 =	vmul.f32 v20, v17;
	v19 =	vld [tilespmem:s28+$0xFFFFFC10];
	v50 =	vmul.f32 v21, v17  }
0x3bb: {  	v51 =	vmul.f32 v22, v17;
	v21 =	vld [tilespmem:s28+$0xFFFFFC20];
	v52 =	vmul.f32 v23, v17  }
0x3bc: {  	v53 =	vmul.f32 v24, v17;
	v22 =	vld [tilespmem:s28+$0xFFFFFC30];
	v25 =	vmul.f32 v25, v17  }
0x3bd: {  	v26 =	vmul.f32 v26, v17;
	v23 =	vld [tilespmem:s28+$0xFFFFFC40];
	v38 =	vmul.f32 v27, v17  }
0x3be: {  	v35 =	vmul.f32 v28, v17;
	v24 =	vld [tilespmem:s28+$0xFFFFFC50];
	v34 =	vmul.f32 v29, v17  }
0x3bf: {  	v28 =	vmul.f32 v30, v17;
	v27 =	vld [tilespmem:s28+$0xFFFFFC60];
	v20 =	vmul.f32 v31, v17  }
0x3c0: {  	v55 =	vld [tilespmem:s28+$0xFFFFFC80];
	v29 =	vmul.f32 v32, v18;
	v44 =	vmul.f32 v57, v18  }
0x3c1: {  	v36 =	vimm.f32 $0.0e+00;
	v54 =	vld [tilespmem:s28+$0xD0];
	v30 =	vmul.f32 v19, v18;
	v21 =	vmul.f32 v21, v18  }
0x3c2: {  	v60 =	vld [tilespmem:s28+$0xFFFFFCA0];
	v19 =	vimm.f32 $0.0e+00;
	v22 =	vmul.f32 v22, v18;
	v56 =	vmul.f32 v23, v18  }
0x3c3: {  	v31 =	vld [tilespmem:s28+$0xFFFFFC70];
	v59 =	vmul.f32 v24, v18;
	v29 =	vadd.f32 v29, v19;
	v47 =	vadd.f32 v44, v19  }
0x3c4: {  	v61 =	vld [tilespmem:s28+$0xFFFFFCC0];
	v27 =	vmul.f32 v27, v18;
	v30 =	vadd.f32 v30, v19;
	v23 =	vadd.f32 v21, v19  }
0x3c5: {  	v63 =	vmul.f32 v55, v18;
	v58 =	vadd.f32 v22, v19;
	v62 =	vadd.f32 v59, v19  }
0x3c6: {  	v37 =	vmul.f32 v54, v17;
	v27 =	vadd.f32 v27, v19;
	v21 =	vadd.f32 v48, v29;
	v29 =	vld [tilespmem:s28+$0xFFFFFCB0]  }
0x3c7: {  	v45 =	vmul.f32 v60, v18;
	v48 =	vadd.f32 v63, v19;
	v22 =	vadd.f32 v49, v30  }
0x3c8: {  	v39 =	vld [tilespmem:s28+$0xFFFFFCD0];
	v30 =	vmul.f32 v31, v18;
	v23 =	vadd.f32 v50, v23;
	v24 =	vadd.f32 v51, v58  }
0x3c9: {  	v42 =	vld [tilespmem:s28+$0xFFFFFCE0];
	v44 =	vmul.f32 v61, v18;
	v31 =	vadd.f32 v56, v19;
	v32 =	vadd.f32 v53, v62  }
0x3ca: {  	v40 =	vld [tilespmem:s28+$0xFFFFFCF0];
	v33 =	vadd.f32 v25, v27;
	v27 =	vimm.f32 $0.0e+00;
	v30 =	vadd.f32 v30, v19  }
0x3cb: {  	v41 =	vld [tilespmem:s28+$0xE0];
	v25 =	vimm.f32 $0.0e+00;
	v31 =	vadd.f32 v52, v31;
	v46 =	vmul.f32 v29, v18  }
0x3cc: {  	s30 =	simm.s32 $0x11130;
	s29 =	simm.s32 $0x0;
	v43 =	vld [tilespmem:s28+$0xF0];
	v26 =	vadd.f32 v26, v30;
	v29 =	vimm.f32 $0.0e+00;
	v30 =	vimm.f32 $0.0e+00  }
.LBB2_25:
0x3cd: {  	v49 =	vld [tilespmem:s30+$0x0];
	v19 =	vadd.f32 v45, v19;
	v36 =	vadd.f32 v46, v36;
	v39 =	vmul.f32 v39, v18;
	s28 =	sadd.s32 $0x800, s28  }
0x3ce: {  	v45 =	vld [tilespmem:s28+$0x0];
	v42 =	vmul.f32 v42, v18;
	v48 =	vadd.f32 v38, v48;
	v47 =	vadd.f32 v35, v47  }
0x3cf: {  	v35 =	vld [tilespmem:s28+$0x10];
	v18 =	vmul.f32 v40, v18;
	v19 =	vadd.f32 v34, v19;
	v36 =	vadd.f32 v28, v36  }
0x3d0: {  	v29 =	vadd.f32 v44, v29;
	v30 =	vadd.f32 v39, v30;
	v28 =	vld [tilespmem:s28+$0x20];
	v34 =	vmul.f32 v41, v17  }
0x3d1: {  	v27 =	vadd.f32 v42, v27;
	v38 =	vld [tilespmem:s28+$0x30];
	v18 =	vadd.f32 v18, v25;
	v25 =	vmul.f32 v43, v17  }
0x3d2: {  	v29 =	vadd.f32 v20, v29;
	v30 =	vadd.f32 v37, v30;
	v39 =	vld [tilespmem:s28+$0x40];
	v17 =	vmov v49  }
0x3d3: {  	v27 =	vadd.f32 v34, v27;
	v20 =	vld [tilespmem:s28+$0x50];
	v25 =	vadd.f32 v25, v18  }
0x3d4: {  	v34 =	vld [tilespmem:s28+$0x60]  }
0x3d5: {  	v37 =	vld [tilespmem:s28+$0x70]  }
0x3d6: {  	v40 =	vld [tilespmem:s28+$0x80]  }
0x3d7: {  	v41 =	vld [tilespmem:s28+$0x90]  }
0x3d8: {  	v42 =	vld [tilespmem:s28+$0xA0]  }
0x3d9: {  	v43 =	vld [tilespmem:s28+$0xB0]  }
0x3da: {  	v44 =	vld [tilespmem:s28+$0xC0]  }
0x3db: {  	v46 =	vld [tilespmem:s28+$0xD0]  }
0x3dc: {  	v18 =	vld [tilespmem:s30+$0xFFFFFFF0]  }
0x3dd: {  	v45 =	vmul.f32 v45, v17;
	v50 =	vmul.f32 v35, v17;
	v49 =	vld [tilespmem:s28+$0xFFFFFC00]  }
0x3de: {  	v52 =	vmul.f32 v28, v17;
	v53 =	vmul.f32 v38, v17;
	v51 =	vld [tilespmem:s28+$0xFFFFFC10]  }
0x3df: {  	v55 =	vmul.f32 v39, v17;
	v56 =	vmul.f32 v20, v17;
	v54 =	vld [tilespmem:s28+$0xFFFFFC20]  }
0x3e0: {  	v57 =	vmul.f32 v34, v17;
	v58 =	vmul.f32 v37, v17;
	v39 =	vld [tilespmem:s28+$0xFFFFFC30]  }
0x3e1: {  	v38 =	vmul.f32 v40, v17;
	v35 =	vmul.f32 v41, v17;
	v59 =	vld [tilespmem:s28+$0xFFFFFC40]  }
0x3e2: {  	v34 =	vmul.f32 v42, v17;
	v28 =	vmul.f32 v43, v17;
	v40 =	vld [tilespmem:s28+$0xFFFFFC50]  }
0x3e3: {  	v20 =	vmul.f32 v44, v17;
	v37 =	vmul.f32 v46, v17;
	v41 =	vld [tilespmem:s28+$0xFFFFFC60]  }
0x3e4: {  	v42 =	vmul.f32 v49, v18;
	v43 =	vmul.f32 v51, v18;
	v44 =	vld [tilespmem:s28+$0xFFFFFC70]  }
0x3e5: {  	v46 =	vmul.f32 v54, v18;
	v39 =	vmul.f32 v39, v18;
	v49 =	vld [tilespmem:s28+$0xFFFFFC80]  }
0x3e6: {  	v21 =	vadd.f32 v42, v21;
	v22 =	vadd.f32 v43, v22;
	v42 =	vmul.f32 v59, v18;
	v43 =	vld [tilespmem:s28+$0xFFFFFC90]  }
0x3e7: {  	v23 =	vadd.f32 v46, v23;
	v24 =	vadd.f32 v39, v24;
	v39 =	vmul.f32 v40, v18;
	v40 =	vld [tilespmem:s28+$0xFFFFFCA0]  }
0x3e8: {  	s29 =	sadd.s32 $0x2, s29;
	v21 =	vadd.f32 v45, v21;
	v22 =	vadd.f32 v50, v22;
	v41 =	vmul.f32 v41, v18;
	v46 =	vld [tilespmem:s28+$0xFFFFFCB0]  }
0x3e9: {  	p0 =	slt.u32 s29, $0x18;
	v23 =	vadd.f32 v52, v23;
	v44 =	vmul.f32 v44, v18;
	v50 =	vld [tilespmem:s28+$0xFFFFFCC0];
	v24 =	vadd.f32 v53, v24  }
.Ltmp11:
0x3ea: {  	v31 =	vadd.f32 v42, v31;
	v32 =	vadd.f32 v39, v32;
	v49 =	vmul.f32 v49, v18;
	v39 =	vld [tilespmem:s28+$0xFFFFFCD0];
	(pc) =	sbr.rel @p0 .LBB2_25-.Ltmp11, $4  }
0x3eb: {  	v33 =	vadd.f32 v41, v33;
	v26 =	vadd.f32 v44, v26;
	v43 =	vmul.f32 v43, v18;
	v42 =	vld [tilespmem:s28+$0xFFFFFCE0]  }
0x3ec: {  	v31 =	vadd.f32 v55, v31;
	v32 =	vadd.f32 v56, v32;
	v45 =	vmul.f32 v40, v18;
	v40 =	vld [tilespmem:s28+$0xFFFFFCF0]  }
0x3ed: {  	v33 =	vadd.f32 v57, v33;
	v46 =	vmul.f32 v46, v18;
	v26 =	vadd.f32 v58, v26;
	v41 =	vld [tilespmem:s28+$0xE0]  }
0x3ee: {  	s30 =	sadd.s32 $0x20, s30;
	v48 =	vadd.f32 v49, v48;
	v47 =	vadd.f32 v43, v47;
	v44 =	vmul.f32 v50, v18;
	v43 =	vld [tilespmem:s28+$0xF0]  }
0x3ef: {  	[tilespmem:$0x112B0] =	vst v21  }
0x3f0: {  	[tilespmem:$0x112C0] =	vst v22  }
0x3f1: {  	[tilespmem:$0x112D0] =	vst v23  }
0x3f2: {  	[tilespmem:$0x112E0] =	vst v24  }
0x3f3: {  	[tilespmem:$0x112F0] =	vst v31  }
0x3f4: {  	[tilespmem:$0x11300] =	vst v32  }
0x3f5: {  	v19 =	vadd.f32 v45, v19;
	[tilespmem:$0x11310] =	vst v33;
	v32 =	vadd.f32 v38, v48  }
0x3f6: {  	v36 =	vadd.f32 v46, v36;
	[tilespmem:$0x11320] =	vst v26;
	v38 =	vmul.f32 v39, v18;
	v39 =	vadd.f32 v35, v47  }
0x3f7: {  	v42 =	vmul.f32 v42, v18;
	v29 =	vadd.f32 v44, v29;
	v19 =	vadd.f32 v34, v19;
	[tilespmem:$0x11330] =	vst v32  }
0x3f8: {  	v18 =	vmul.f32 v40, v18;
	v45 =	vadd.f32 v28, v36;
	v46 =	vadd.f32 v38, v30;
	[tilespmem:$0x11340] =	vst v39  }
0x3f9: {  	v47 =	vmul.f32 v41, v17;
	v48 =	vadd.f32 v42, v27;
	v20 =	vadd.f32 v20, v29;
	[tilespmem:$0x11350] =	vst v19  }
0x3fa: {  	v18 =	vadd.f32 v18, v25;
	v17 =	vmul.f32 v43, v17;
	[tilespmem:$0x11360] =	vst v45;
	v19 =	vadd.f32 v37, v46  }
0x3fb: {  	v49 =	vadd.f32 v47, v48;
	[tilespmem:$0x11370] =	vst v20  }
0x3fc: {  	v17 =	vadd.f32 v17, v18;
	[tilespmem:$0x11380] =	vst v19  }
0x3fd: {  	[tilespmem:$0x11390] =	vst v49  }
0x3fe: {  	[tilespmem:$0x113A0] =	vst v17  }
0x3ff: {  	v17 =	vld.idx.msk [tilespmem:v0+s18+$0x0], $0xffff  }
0x400: {  	v18 =	vld.idx.msk [tilespmem:v1+s18+$0x0], $0xffff  }
0x401: {  	v19 =	vld.idx.msk [tilespmem:v2+s18+$0x0], $0xffff  }
0x402: {  	v20 =	vld.idx.msk [tilespmem:v3+s18+$0x0], $0xffff  }
0x403: {  	v21 =	vld.idx.msk [tilespmem:v4+s18+$0x0], $0xffff  }
0x404: {  	v50 =	vld.idx.msk [tilespmem:v5+s18+$0x0], $0xffff  }
0x405: {  	v51 =	vld.idx.msk [tilespmem:v6+s18+$0x0], $0xffff  }
0x406: {  	v52 =	vld.idx.msk [tilespmem:v7+s18+$0x0], $0xffff  }
0x407: {  	v53 =	vld.idx.msk [tilespmem:v8+s18+$0x0], $0xffff  }
0x408: {  	v54 =	vld.idx.msk [tilespmem:v9+s18+$0x0], $0xffff  }
0x409: {  	v55 =	vld.idx.msk [tilespmem:v12+s18+$0x0], $0xffff  }
0x40a: {  	v56 =	vld.idx.msk [tilespmem:v13+s18+$0x0], $0xffff  }
0x40b: {  	v57 =	vld.idx.msk [tilespmem:v10+s18+$0x0], $0xffff  }
0x40c: {  	v58 =	vld.idx.msk [tilespmem:v14+s18+$0x0], $0xffff  }
0x40d: {  	v31 =	vld.idx.msk [tilespmem:v11+s18+$0x0], $0xffff  }
0x40e: {  	v59 =	vld.idx.msk [tilespmem:v15+s18+$0x0], $0xffff;
	v17 =	vadd.f32 v18, v17;
	v18 =	vadd.f32 v50, v21  }
0x40f: {  	v60 =	vadd.f32 v54, v53;
	v61 =	vadd.f32 v56, v55  }
0x410: {  	v17 =	vadd.f32 v19, v17;
	v18 =	vadd.f32 v51, v18  }
0x411: {  	v19 =	vadd.f32 v57, v60;
	v62 =	vadd.f32 v58, v61  }
0x412: {  	v17 =	vadd.f32 v20, v17;
	v18 =	vadd.f32 v52, v18  }
0x413: {  	v19 =	vadd.f32 v31, v19;
	v63 =	vadd.f32 v59, v62;
	_ =	sdelay $0x1  }
0x414: {  	s25 =	sadd.s32 $0x1, s25;
	v17 =	vadd.f32 v18, v17;
	v18 =	vadd.f32 v63, v19  }
0x415: {  	p0 =	sne.s32 s25, $0x4  }
.Ltmp12:
0x416: {  	v17 =	vadd.f32 v18, v17;
	(pc) =	sbr.rel @p0 .LBB2_4-.Ltmp12, $3  }
0x417: {  	_ = 	snop  }
0x418: {  	v17 =	vadd.f32 v17, v16;
	_ =	sdelay $0x1  }
0x419: {  	s23 =	sadd.s32 $0x80, s23;
	s24 =	sadd.s32 $0x80, s24;
	[tilespmem:s26+$0x113E0] =	vst v17  }
0x41a: {  	s21 =	sadd.s32 $0x1, s21  }
0x41b: {  	p0 =	sne.s32 s21, s8  }
.Ltmp13:
0x41c: {  	_ = 	snop;
	(pc) =	sbr.rel @p0 .LBB2_1-.Ltmp13, $4  }
0x41d: {  	[hbm4b:s7+s3] =	stream.linear.scatter [tilespmem:s20], [sflag:$0x3], $0x200, $0x38;
	[tilespmem:$0x115B0] =	vst v63  }
0x41e: {  	_ =	swait.ge [sflag:s9], $0x200  }
0x41f: {  	[sflag:s9] =	ssyncset.done $0x0  }
0x420: {  	[sflag:s9] =	ssyncadd.s32 $0xFFFFFE00  }
0x421: {  	_ =	sfence.sel $0x180000  }
0x422: {  	[bflag:$0x0] =	sbarrier.arrive $0xFFFF  }
0x423: {  	p0 =	sne.s32 s0, $0x0;
	_ =	strace $0x90000047  }
0x424: {  	s0 =	sadd.s32 @!p0 $0x100000, s1;
	[bflag:$0x2] =	sbarrier.arrive $0xFFFF  }
0x425: {  	[sflag:s0] =	ssyncadd.tile.s32 @!p0 $0x1;
	_ =	shalt  }
.Lfunc_end2:
_tile_overlayer_lowered:
.L_overlay_start_2:
0x426: {  	(tag) =	ssettag $0x2  }
0x427: {  	s0 =	rddreg [dreg:$0x0];
	s2 =	stileid.u32  }
0x428: {  	s1 =	rddreg [dreg:$0x1];
	p0 =	sne.s32 s2, $0x0  }
0x429: {  	s3 =	rddreg [dreg:$0x2];
	[bflag:$0x3] =	sbarrier.arrive $0xFFFF;
	s2 =	simm.s32 @!p0 $0x1C03  }
0x42a: {  	[timem:s3], [sflag:s2] =	dma.local @!p0 [hbm:s0], s1  }
0x42b: {  	s0 =	simm.s32 @!p0 $0x3  }
0x42c: {  	_ =	swait.ge @!p0 [sflag:s0], s1  }
0x42d: {  	s1 =	ssub.s32 @!p0 $0x0, s1;
	[sflag:s0] =	ssyncset.done @!p0 $0x0  }
0x42e: {  	[sflag:s0] =	ssyncadd.s32 @!p0 s1  }
0x42f: {  	[bflag:$0x3] =	sbarrier.arrive $0xFFFF  }
0x430: {  	_ =	shalt  }

</sc_bundles>
